<compile_context>
chip_gen: v7x
topology: tpu7x:2x2x1
jax: 0.10.2.dev20260603
libtpu: 0.0.44.dev20260713+nightly
codegen_flags: <defaults>
</compile_context>

<pallas_src>
import functools

import jax
import jax.numpy as jnp
from jax import lax
from jax.experimental import pallas as pl
from jax.experimental.pallas import tpu as pltpu
from jax.experimental.pallas import tpu_sc as plsc

NC = 2
NS = 16
NW = NC * NS
CH = 80


def _make_gather(N, H, e_off, e_len):
    per_w = e_len // NW
    n_ch = per_w // CH
    mesh = plsc.VectorSubcoreMesh(core_axis_name="c", subcore_axis_name="s")

    @functools.partial(
        pl.kernel,
        out_type=(
            jax.ShapeDtypeStruct((e_len, H), jnp.float32),
            jax.ShapeDtypeStruct((e_len, H), jnp.float32),
            jax.ShapeDtypeStruct((e_len, H), jnp.float32),
        ),
        mesh=mesh,
        scratch_types=[
            [pltpu.VMEM((CH,), jnp.int32)] * 2,
            [pltpu.VMEM((CH,), jnp.int32)] * 2,
            [pltpu.VMEM((CH, H), jnp.float32)] * 2,
            [pltpu.VMEM((CH, H), jnp.float32)] * 2,
            [pltpu.VMEM((CH, H), jnp.float32)] * 2,
            [pltpu.VMEM((CH, H), jnp.float32)] * 2,
            [pltpu.SemaphoreType.DMA] * 2,
            [pltpu.SemaphoreType.DMA] * 2,
            [pltpu.SemaphoreType.DMA] * 2,
        ],
    )
    def gather_k(h_hbm, c128_hbm, src_hbm, dst_hbm,
                 hs_out, hd_out, d_out,
                 sidx, didx, hs_b, hd_b, cs_b, cd_b,
                 sem_l, sem_g, sem_w):
        wid = lax.axis_index("s") * NC + lax.axis_index("c")
        base0 = wid * per_w

        def fire_l(b, j):
            base = e_off + base0 + j * CH
            pltpu.async_copy(src_hbm.at[pl.ds(base, CH)], sidx[b], sem_l[b])
            pltpu.async_copy(dst_hbm.at[pl.ds(base, CH)], didx[b], sem_l[b])

        def wait_l(b):
            pltpu.make_async_copy(src_hbm.at[pl.ds(0, CH)], sidx[b],
                                  sem_l[b]).wait()
            pltpu.make_async_copy(dst_hbm.at[pl.ds(0, CH)], didx[b],
                                  sem_l[b]).wait()

        def fire_g(b):
            pltpu.async_copy(h_hbm.at[sidx[b]], hs_b[b], sem_g[b])
            pltpu.async_copy(h_hbm.at[didx[b]], hd_b[b], sem_g[b])
            pltpu.async_copy(c128_hbm.at[sidx[b]], cs_b[b], sem_g[b])
            pltpu.async_copy(c128_hbm.at[didx[b]], cd_b[b], sem_g[b])

        def wait_g(b):
            pltpu.make_async_copy(h_hbm.at[sidx[b]], hs_b[b], sem_g[b]).wait()
            pltpu.make_async_copy(h_hbm.at[didx[b]], hd_b[b], sem_g[b]).wait()
            pltpu.make_async_copy(c128_hbm.at[sidx[b]], cs_b[b],
                                  sem_g[b]).wait()
            pltpu.make_async_copy(c128_hbm.at[didx[b]], cd_b[b],
                                  sem_g[b]).wait()

        def diffs(b):
            def sub_row(i, c):
                cs_b[b][i, pl.ds(0, 16)] = (cs_b[b][i, pl.ds(0, 16)]
                                            - cd_b[b][i, pl.ds(0, 16)])
                return c
            lax.fori_loop(0, CH, sub_row, 0)

        def fire_w(b, j):
            base = base0 + j * CH
            pltpu.async_copy(hs_b[b], hs_out.at[pl.ds(base, CH)], sem_w[b])
            pltpu.async_copy(hd_b[b], hd_out.at[pl.ds(base, CH)], sem_w[b])
            pltpu.async_copy(cs_b[b], d_out.at[pl.ds(base, CH)], sem_w[b])

        def wait_w(b):
            z = pl.ds(0, CH)
            pltpu.make_async_copy(hs_b[b], hs_out.at[z], sem_w[b]).wait()
            pltpu.make_async_copy(hd_b[b], hd_out.at[z], sem_w[b]).wait()
            pltpu.make_async_copy(cs_b[b], d_out.at[z], sem_w[b]).wait()

        fire_l(0, 0)
        wait_l(0); fire_g(0)
        fire_l(1, 1)
        wait_g(0); fire_l(0, 2); diffs(0); fire_w(0, 0)
        wait_l(1); fire_g(1)
        wait_g(1); fire_l(1, 3); diffs(1); fire_w(1, 1)

        n_pairs = (n_ch - 2) // 2
        last = n_ch - 1

        def body(k, carry):
            for b in (0, 1):
                j = 2 * k + b
                wait_l(b)
                wait_w(b)
                fire_g(b)
                wait_g(b)
                jn = jnp.minimum(j + 2, last)
                fire_l(b, jn)
                diffs(b)
                fire_w(b, j)
            return carry

        lax.fori_loop(1, 1 + n_pairs, body, 0)

        if n_ch % 2:
            wait_l(0)
            wait_w(0)
            fire_g(0)
            wait_g(0)
            diffs(0)
            fire_w(0, last)
            wait_l(1)
            wait_w(1)
            wait_w(0)
        else:
            wait_l(0); wait_l(1)
            wait_w(0); wait_w(1)

    return gather_k


def _make_scatter(N, H, e_off, e_len):
    per_t = e_len // NS
    n_ch = per_t // CH
    rpt = (N // NS) // 8 * 8
    rem = N - NS * rpt
    mesh = plsc.VectorSubcoreMesh(core_axis_name="c", subcore_axis_name="s")

    @functools.partial(
        pl.kernel,
        out_type=(
            jax.ShapeDtypeStruct((N, H), jnp.float32),
            jax.ShapeDtypeStruct((N, H), jnp.float32),
        ),
        mesh=mesh,
        scratch_types=[
            [pltpu.VMEM((CH,), jnp.int32)] * 2,
            [pltpu.VMEM((CH, H), jnp.float32)] * 2,
            pltpu.VMEM_SHARED((N, H), jnp.float32),
            [pltpu.SemaphoreType.DMA] * 2,
            [pltpu.SemaphoreType.DMA] * 2,
        ],
    )
    def scatter_k(msgh_hbm, msgx_hbm, dst_hbm, zh_hbm,
                  hagg_out, xagg_out,
                  didx, m_b, acc, sem_l, sem_a):
        cid = lax.axis_index("c")
        sid = lax.axis_index("s")
        r0 = sid * rpt
        pltpu.sync_copy(zh_hbm.at[pl.ds(r0, rpt)], acc.at[pl.ds(r0, rpt)])
        if rem:
            @pl.when(sid == NS - 1)
            def _():
                pltpu.sync_copy(zh_hbm.at[pl.ds(NS * rpt, rem)],
                                acc.at[pl.ds(NS * rpt, rem)])
        plsc.subcore_barrier()

        def run_pipeline(src_ref):
            base0 = sid * per_t

            def fire_l(b, j):
                base = base0 + j * CH
                pltpu.async_copy(dst_hbm.at[pl.ds(e_off + base, CH)],
                                 didx[b], sem_l[b])
                pltpu.async_copy(src_ref.at[pl.ds(base, CH)], m_b[b],
                                 sem_l[b])

            def wait_l(b):
                pltpu.make_async_copy(dst_hbm.at[pl.ds(0, CH)], didx[b],
                                      sem_l[b]).wait()
                pltpu.make_async_copy(src_ref.at[pl.ds(0, CH)], m_b[b],
                                      sem_l[b]).wait()

            def fire_a(b):
                pltpu.async_copy(m_b[b], acc.at[didx[b]], sem_a[b], add=True)

            def wait_a(b):
                pltpu.make_async_copy(m_b[b], acc.at[didx[b]],
                                      sem_a[b]).wait()

            fire_l(0, 0)
            fire_l(1, 1)
            last = n_ch - 1

            def body(k, carry):
                for b in (0, 1):
                    j = 2 * k + b
                    wait_l(b)
                    fire_a(b)
                    wait_a(b)
                    jn = jnp.minimum(j + 2, last)
                    fire_l(b, jn)
                return carry

            lax.fori_loop(0, n_ch // 2, body, 0)
            wait_l(0)
            wait_l(1)

        @pl.when(cid == 0)
        def _():
            run_pipeline(msgh_hbm)

        @pl.when(cid == 1)
        def _():
            run_pipeline(msgx_hbm)

        plsc.subcore_barrier()

        @pl.when(cid == 0)
        def _():
            pltpu.sync_copy(acc.at[pl.ds(r0, rpt)],
                            hagg_out.at[pl.ds(r0, rpt)])
            if rem:
                @pl.when(sid == NS - 1)
                def _():
                    pltpu.sync_copy(acc.at[pl.ds(NS * rpt, rem)],
                                    hagg_out.at[pl.ds(NS * rpt, rem)])

        @pl.when(cid == 1)
        def _():
            pltpu.sync_copy(acc.at[pl.ds(r0, rpt)],
                            xagg_out.at[pl.ds(r0, rpt)])
            if rem:
                @pl.when(sid == NS - 1)
                def _():
                    pltpu.sync_copy(acc.at[pl.ds(NS * rpt, rem)],
                                    xagg_out.at[pl.ds(NS * rpt, rem)])

    return scatter_k


def _silu2(xh):
    return xh * (jnp.tanh(xh) + 1.0)


def _edge_block_kernel(hs, hd, d_ref, a_ref,
                       w1s, w1d, w1a, w1r, b1,
                       we1t, be1, watt, batt,
                       wc1t, bc1, wc2,
                       msgh_out, msgx_out):
    H = hs.shape[1]
    bf16 = jnp.bfloat16
    f32 = jnp.float32
    hs_ = hs[...].astype(bf16)
    hd_ = hd[...].astype(bf16)
    d = d_ref[...]
    r2 = jnp.sum(d * d, axis=1, keepdims=True)
    r = jnp.sqrt(r2)
    pre = (jnp.dot(hs_, w1s[...], preferred_element_type=f32)
           + jnp.dot(hd_, w1d[...], preferred_element_type=f32)
           + jnp.dot(a_ref[...], w1a[...], preferred_element_type=f32)
           + r * w1r[...] + b1[...])
    m_e = _silu2(pre[:, :H]).astype(bf16)
    mh = _silu2(jnp.dot(m_e, we1t[...],
                        preferred_element_type=f32) + be1[...])
    att_t = jnp.tanh(
        jnp.sum(mh * watt[...], axis=1, keepdims=True) + batt[0, 0]) + 1.0
    msgh_out[...] = att_t * mh
    m1 = _silu2(pre[:, H:]).astype(bf16)
    m2 = _silu2(jnp.dot(m1, wc1t[...],
                        preferred_element_type=f32) + bc1[...])
    s = jnp.sum(m2 * wc2[...], axis=1, keepdims=True)
    msgx_out[...] = s * d / (r + 1.0)


def _node_block_kernel(h, c128, hagg_a, hagg_b, xagg_a, xagg_b,
                       wn0h, wn0a, bn0, wn1t, bn1,
                       hout, cout):
    h_ = h[...]
    hagg = hagg_a[...] + hagg_b[...]
    t = _silu2(jnp.dot(h_, wn0h[...], preferred_element_type=jnp.float32)
               + jnp.dot(hagg, wn0a[...],
                         preferred_element_type=jnp.float32)
               + bn0[...])
    hout[...] = h_ + jnp.dot(t, wn1t[...],
                             preferred_element_type=jnp.float32) + bn1[...]
    cout[...] = c128[...] + xagg_a[...] + xagg_b[...]


def kernel(h, coords, a, edge_index, W_e0, b_e0, W_e1, b_e1, W_att, b_att,
           W_n0, b_n0, W_n1, b_n1, W_c0, b_c0, W_c1, b_c1, W_c2):
    N, H = h.shape
    E = a.shape[0]
    DE = a.shape[1]
    f32 = jnp.float32

    bf16 = jnp.bfloat16
    src = edge_index[0]
    dst = edge_index[1]
    c128 = jnp.pad(coords, ((0, 0), (0, H - coords.shape[1])))

    GRAN = 12800
    EA = (E // 2) // GRAN * GRAN
    EB = E - EA

    w1s = (0.5 * jnp.concatenate([W_e0[:, :H], W_c0[:, :H]],
                                 axis=0).T).astype(bf16)
    w1d = (0.5 * jnp.concatenate([W_e0[:, H:2 * H], W_c0[:, H:2 * H]],
                                 axis=0).T).astype(bf16)
    w1a = (0.5 * jnp.concatenate([W_e0[:, 2 * H + 1:], W_c0[:, 2 * H + 1:]],
                                 axis=0).T).astype(bf16)
    w1r = 0.5 * jnp.concatenate([W_e0[:, 2 * H],
                                 W_c0[:, 2 * H]])[None, :]
    b1 = 0.5 * jnp.concatenate([b_e0, b_c0])[None, :]
    we1t = (0.5 * W_e1.T).astype(bf16)
    be1 = 0.5 * b_e1[None, :]
    watt = 0.5 * W_att
    batt = 0.5 * b_att[None, :]
    wc1t = (0.5 * W_c1.T).astype(bf16)
    bc1 = 0.5 * b_c1[None, :]
    wc2 = W_c2
    a_bf = a.astype(bf16)

    BE = 3200
    full = lambda shape: pl.BlockSpec(shape, lambda i: (0,) * len(shape))
    eb = lambda w: pl.BlockSpec((BE, w), lambda i: (i, 0))

    def edge_call(hs, hd, d, a_half, e_len):
        return pl.pallas_call(
            _edge_block_kernel,
            grid=(e_len // BE,),
            in_specs=[
                eb(H), eb(H), eb(H), eb(DE),
                full((H, 2 * H)), full((H, 2 * H)), full((DE, 2 * H)),
                full((1, 2 * H)), full((1, 2 * H)),
                full((H, H)), full((1, H)), full((1, H)), full((1, 1)),
                full((H, H)), full((1, H)), full((1, H)),
            ],
            out_specs=[eb(H), eb(H)],
            out_shape=[
                jax.ShapeDtypeStruct((e_len, H), f32),
                jax.ShapeDtypeStruct((e_len, H), f32),
            ],
        )(hs, hd, d, a_half, w1s, w1d, w1a, w1r, b1,
          we1t, be1, watt, batt, wc1t, bc1, wc2)

    hsA, hdA, dA = _make_gather(N, H, 0, EA)(h, c128, src, dst)
    hsB, hdB, dB = _make_gather(N, H, EA, EB)(h, c128, src, dst)
    msghA, msgxA = edge_call(hsA, hdA, dA, a_bf[:EA], EA)
    msghB, msgxB = edge_call(hsB, hdB, dB, a_bf[EA:], EB)

    zh = jnp.zeros((N, H), f32)
    haggA, xaggA = _make_scatter(N, H, 0, EA)(msghA, msgxA, dst, zh)
    haggB, xaggB = _make_scatter(N, H, EA, EB)(msghB, msgxB, dst, zh)

    wn0h = 0.5 * W_n0[:, :H].T
    wn0a = 0.25 * W_n0[:, H:].T
    bn0 = 0.5 * b_n0[None, :]
    wn1t = W_n1.T
    bn1 = b_n1[None, :]
    BN = 2000
    n_nb = N // BN
    nb = lambda w: pl.BlockSpec((BN, w), lambda i: (i, 0))
    hout, cout128 = pl.pallas_call(
        _node_block_kernel,
        grid=(n_nb,),
        in_specs=[
            nb(H), nb(H), nb(H), nb(H), nb(H), nb(H),
            full((H, H)), full((H, H)), full((1, H)),
            full((H, H)), full((1, H)),
        ],
        out_specs=[nb(H), nb(H)],
        out_shape=[
            jax.ShapeDtypeStruct((N, H), f32),
            jax.ShapeDtypeStruct((N, H), f32),
        ],
    )(h, c128, haggA, haggB, xaggA, xaggB, wn0h, wn0a, bn0, wn1t, bn1)

    return hout, cout128[:, :coords.shape[1]]

# --- scband reference (transcript-rebuilt; emitter-appended) ---
"""Pipeline reference for scband-equivariant-block-61701500174840 (READ-ONLY COPY).

The authoritative reference and input builder live on the scoring server;
editing this copy changes nothing except your own understanding.
"""

import jax, jax.numpy as jnp
import numpy as np

N = 10000
E = 320000
H = 128
DIM = 3
DE = 16
MF = 2 * H + DE + 1  # 2*hidden + edge_feat + dist_l2(1) = 273

def _glorot(k, fan_out, fan_in, gain=1.0):
    limit = gain * (6.0 / (fan_in + fan_out)) ** 0.5
    return jax.random.uniform(k, (fan_out, fan_in), jnp.float32, -limit, limit)

def setup_inputs(seed: int = 0):
    key = jax.random.key(seed)
    ks = jax.random.split(key, 16)
    inp = {}
    inp['h'] = jax.random.normal(ks[0], (N, H), jnp.float32)
    inp['coords'] = jax.random.normal(ks[1], (N, DIM), jnp.float32)
    inp['a'] = jax.random.normal(ks[2], (E, DE), jnp.float32)
    inp['edge_index'] = jax.random.randint(ks[3], (2, E), 0, N, dtype=jnp.int32)
    inp['W_e0'] = _glorot(ks[4], H, MF); inp['b_e0'] = jnp.zeros((H,), jnp.float32)
    inp['W_e1'] = _glorot(ks[5], H, H); inp['b_e1'] = jnp.zeros((H,), jnp.float32)
    inp['W_att'] = _glorot(ks[6], 1, H); inp['b_att'] = jnp.zeros((1,), jnp.float32)
    inp['W_n0'] = _glorot(ks[7], H, 2 * H); inp['b_n0'] = jnp.zeros((H,), jnp.float32)
    inp['W_n1'] = _glorot(ks[8], H, H); inp['b_n1'] = jnp.zeros((H,), jnp.float32)
    inp['W_c0'] = _glorot(ks[9], H, MF); inp['b_c0'] = jnp.zeros((H,), jnp.float32)
    inp['W_c1'] = _glorot(ks[10], H, H); inp['b_c1'] = jnp.zeros((H,), jnp.float32)
    inp['W_c2'] = _glorot(ks[11], 1, H, gain=0.001)
    return inp

def reference(h, coords, a, edge_index, W_e0, b_e0, W_e1, b_e1, W_att, b_att, W_n0, b_n0, W_n1, b_n1, W_c0, b_c0, W_c1, b_c1, W_c2):
    src = edge_index[0]
    dst = edge_index[1]
    xs = jnp.take(coords, src, axis=0)
    xd = jnp.take(coords, dst, axis=0)
    diffs = xs - xd
    radials = jnp.linalg.norm(diffs, ord=2, axis=-1, keepdims=True)
    D = radials  # distance_fns = ['dist_l2']
    f = jnp.concatenate([jnp.take(h, src, axis=0), jnp.take(h, dst, axis=0), D, a], axis=-1)
    # coord_mlp
    m = jax.nn.silu(f @ W_c0.T + b_c0)
    m = jax.nn.silu(m @ W_c1.T + b_c1)
    s = m @ W_c2.T
    msg_x = s * diffs / (radials + 1.0)
    x_agg = jax.ops.segment_sum(msg_x, dst, num_segments=N)
    coords_out = coords + x_agg
    # edge_mlp + attention gate
    mh = jax.nn.silu(f @ W_e0.T + b_e0)
    mh = jax.nn.silu(mh @ W_e1.T + b_e1)
    att = jax.nn.sigmoid(mh @ W_att.T + b_att)
    msg_h = att * mh
    h_agg = jax.ops.segment_sum(msg_h, dst, num_segments=N)
    hc = jnp.concatenate([h, h_agg], axis=-1)
    h_out = h + (jax.nn.silu(hc @ W_n0.T + b_n0) @ W_n1.T + b_n1)
    return (h_out, coords_out)

if __name__ == "__main__":
    import jax
    _d = setup_inputs()
    print(jax.jit(kernel)(*tuple(_d.values())))

</pallas_src>

<mosaic_0001>
#map = affine_map<(d0, d1) -> (0, 0)>
#map1 = affine_map<(d0, d1) -> (0)>
module attributes {stable_mosaic.version = 14 : i64} {
  func.func @gather_k(%arg0: i32, %arg1: i32, %arg2: memref<10000x128xf32, #tpu.memory_space<hbm>>, %arg3: memref<10000x128xf32, #tpu.memory_space<hbm>>, %arg4: memref<320000xi32, #tpu.memory_space<hbm>>, %arg5: memref<320000xi32, #tpu.memory_space<hbm>>, %arg6: memref<153600x128xf32, #tpu.memory_space<hbm>>, %arg7: memref<153600x128xf32, #tpu.memory_space<hbm>>, %arg8: memref<153600x128xf32, #tpu.memory_space<hbm>>, %arg9: memref<80xi32, #tpu.memory_space<vmem>>, %arg10: memref<80xi32, #tpu.memory_space<vmem>>, %arg11: memref<80xi32, #tpu.memory_space<vmem>>, %arg12: memref<80xi32, #tpu.memory_space<vmem>>, %arg13: memref<80x128xf32, #tpu.memory_space<vmem>>, %arg14: memref<80x128xf32, #tpu.memory_space<vmem>>, %arg15: memref<80x128xf32, #tpu.memory_space<vmem>>, %arg16: memref<80x128xf32, #tpu.memory_space<vmem>>, %arg17: memref<80x128xf32, #tpu.memory_space<vmem>>, %arg18: memref<80x128xf32, #tpu.memory_space<vmem>>, %arg19: memref<80x128xf32, #tpu.memory_space<vmem>>, %arg20: memref<80x128xf32, #tpu.memory_space<vmem>>, %arg21: memref<!tpu.dma_semaphore, #tpu.memory_space<semaphore_mem>>, %arg22: memref<!tpu.dma_semaphore, #tpu.memory_space<semaphore_mem>>, %arg23: memref<!tpu.dma_semaphore, #tpu.memory_space<semaphore_mem>>, %arg24: memref<!tpu.dma_semaphore, #tpu.memory_space<semaphore_mem>>, %arg25: memref<!tpu.dma_semaphore, #tpu.memory_space<semaphore_mem>>, %arg26: memref<!tpu.dma_semaphore, #tpu.memory_space<semaphore_mem>>) attributes {dimension_semantics = [#tpu.dimension_semantics<core_parallel>, #tpu.dimension_semantics<subcore_parallel>], iteration_bounds = array<i64: 2, 16>, scalar_prefetch = 0 : i64, scratch_operands = 18 : i64, tpu.core_type = #tpu.core_type<sc_vector_subcore>, window_params = [{transform_indices = #map}, {transform_indices = #map}, {transform_indices = #map1}, {transform_indices = #map1}, {transform_indices = #map}, {transform_indices = #map}, {transform_indices = #map}]} {
    %mul3A = arith.constant 2 : i32
    %mul3A_0 = arith.muli %arg1, %mul3A : i32
    %add3A = arith.addi %mul3A_0, %arg0 : i32
    %mul3A_1 = arith.constant 4800 : i32
    %mul3A_2 = arith.muli %add3A, %mul3A_1 : i32
    %add3A_3 = arith.constant 0 : i32
    %add3A_4 = arith.addi %add3A_3, %mul3A_2 : i32
    %add3A_5 = arith.constant 0 : i32
    %add3A_6 = arith.addi %add3A_4, %add3A_5 : i32
    %dma_start3A = tpu.memref_slice %arg4[%add3A_6] : memref<320000xi32, #tpu.memory_space<hbm>> -> memref<80xi32, #tpu.memory_space<hbm>>
    %dma_start3A_7 = tpu.memref_slice %arg4[%add3A_6] : memref<320000xi32, #tpu.memory_space<hbm>> -> memref<80xi32, #tpu.memory_space<hbm>>
    tpu.enqueue_dma source(%dma_start3A_7 : memref<80xi32, #tpu.memory_space<hbm>>) target(%arg9 : memref<80xi32, #tpu.memory_space<vmem>>) target_semaphore(%arg21 : memref<!tpu.dma_semaphore, #tpu.memory_space<semaphore_mem>>)
    %dma_start3A_8 = tpu.memref_slice %arg5[%add3A_6] : memref<320000xi32, #tpu.memory_space<hbm>> -> memref<80xi32, #tpu.memory_space<hbm>>
    %dma_start3A_9 = tpu.memref_slice %arg5[%add3A_6] : memref<320000xi32, #tpu.memory_space<hbm>> -> memref<80xi32, #tpu.memory_space<hbm>>
    tpu.enqueue_dma source(%dma_start3A_9 : memref<80xi32, #tpu.memory_space<hbm>>) target(%arg11 : memref<80xi32, #tpu.memory_space<vmem>>) target_semaphore(%arg21 : memref<!tpu.dma_semaphore, #tpu.memory_space<semaphore_mem>>)
    %dma_wait3A = arith.constant 0 : i32
    %dma_wait3A_10 = tpu.memref_slice %arg4[%dma_wait3A] : memref<320000xi32, #tpu.memory_space<hbm>> -> memref<80xi32, #tpu.memory_space<hbm>>
    %dma_wait3A_11 = arith.constant 0 : i32
    %dma_wait3A_12 = tpu.memref_slice %arg4[%dma_wait3A_11] : memref<320000xi32, #tpu.memory_space<hbm>> -> memref<80xi32, #tpu.memory_space<hbm>>
    tpu.wait_dma2 semaphore(%arg21 : memref<!tpu.dma_semaphore, #tpu.memory_space<semaphore_mem>>) src(%dma_wait3A_12 : memref<80xi32, #tpu.memory_space<hbm>>) dst(%arg9 : memref<80xi32, #tpu.memory_space<vmem>>)
    %dma_wait3A_13 = arith.constant 0 : i32
    %dma_wait3A_14 = tpu.memref_slice %arg5[%dma_wait3A_13] : memref<320000xi32, #tpu.memory_space<hbm>> -> memref<80xi32, #tpu.memory_space<hbm>>
    %dma_wait3A_15 = arith.constant 0 : i32
    %dma_wait3A_16 = tpu.memref_slice %arg5[%dma_wait3A_15] : memref<320000xi32, #tpu.memory_space<hbm>> -> memref<80xi32, #tpu.memory_space<hbm>>
    tpu.wait_dma2 semaphore(%arg21 : memref<!tpu.dma_semaphore, #tpu.memory_space<semaphore_mem>>) src(%dma_wait3A_16 : memref<80xi32, #tpu.memory_space<hbm>>) dst(%arg11 : memref<80xi32, #tpu.memory_space<vmem>>)
    %dma_start3A_17 = arith.constant 0 : i32
    %dma_start3A_18 = arith.constant 0 : i32
    %dma_start3A_19 = tpu.memref_slice %arg2[%dma_start3A_17, %dma_start3A_18] : memref<10000x128xf32, #tpu.memory_space<hbm>> -> memref<10000x128xf32, #tpu.memory_space<hbm>>
    tpu.enqueue_indirect_dma source(%dma_start3A_19 : memref<10000x128xf32, #tpu.memory_space<hbm>>) target(%arg13 : memref<80x128xf32, #tpu.memory_space<vmem>>) offsets(%arg9 : memref<80xi32, #tpu.memory_space<vmem>>) semaphore(%arg23 : memref<!tpu.dma_semaphore, #tpu.memory_space<semaphore_mem>>)
    %dma_start3A_20 = arith.constant 0 : i32
    %dma_start3A_21 = arith.constant 0 : i32
    %dma_start3A_22 = tpu.memref_slice %arg2[%dma_start3A_20, %dma_start3A_21] : memref<10000x128xf32, #tpu.memory_space<hbm>> -> memref<10000x128xf32, #tpu.memory_space<hbm>>
    tpu.enqueue_indirect_dma source(%dma_start3A_22 : memref<10000x128xf32, #tpu.memory_space<hbm>>) target(%arg15 : memref<80x128xf32, #tpu.memory_space<vmem>>) offsets(%arg11 : memref<80xi32, #tpu.memory_space<vmem>>) semaphore(%arg23 : memref<!tpu.dma_semaphore, #tpu.memory_space<semaphore_mem>>)
    %dma_start3A_23 = arith.constant 0 : i32
    %dma_start3A_24 = arith.constant 0 : i32
    %dma_start3A_25 = tpu.memref_slice %arg3[%dma_start3A_23, %dma_start3A_24] : memref<10000x128xf32, #tpu.memory_space<hbm>> -> memref<10000x128xf32, #tpu.memory_space<hbm>>
    tpu.enqueue_indirect_dma source(%dma_start3A_25 : memref<10000x128xf32, #tpu.memory_space<hbm>>) target(%arg17 : memref<80x128xf32, #tpu.memory_space<vmem>>) offsets(%arg9 : memref<80xi32, #tpu.memory_space<vmem>>) semaphore(%arg23 : memref<!tpu.dma_semaphore, #tpu.memory_space<semaphore_mem>>)
    %dma_start3A_26 = arith.constant 0 : i32
    %dma_start3A_27 = arith.constant 0 : i32
    %dma_start3A_28 = tpu.memref_slice %arg3[%dma_start3A_26, %dma_start3A_27] : memref<10000x128xf32, #tpu.memory_space<hbm>> -> memref<10000x128xf32, #tpu.memory_space<hbm>>
    tpu.enqueue_indirect_dma source(%dma_start3A_28 : memref<10000x128xf32, #tpu.memory_space<hbm>>) target(%arg19 : memref<80x128xf32, #tpu.memory_space<vmem>>) offsets(%arg11 : memref<80xi32, #tpu.memory_space<vmem>>) semaphore(%arg23 : memref<!tpu.dma_semaphore, #tpu.memory_space<semaphore_mem>>)
    %add3A_29 = arith.constant 0 : i32
    %add3A_30 = arith.addi %add3A_29, %mul3A_2 : i32
    %add3A_31 = arith.constant 80 : i32
    %add3A_32 = arith.addi %add3A_30, %add3A_31 : i32
    %dma_start3A_33 = tpu.memref_slice %arg4[%add3A_32] : memref<320000xi32, #tpu.memory_space<hbm>> -> memref<80xi32, #tpu.memory_space<hbm>>
    %dma_start3A_34 = tpu.memref_slice %arg4[%add3A_32] : memref<320000xi32, #tpu.memory_space<hbm>> -> memref<80xi32, #tpu.memory_space<hbm>>
    tpu.enqueue_dma source(%dma_start3A_34 : memref<80xi32, #tpu.memory_space<hbm>>) target(%arg10 : memref<80xi32, #tpu.memory_space<vmem>>) target_semaphore(%arg22 : memref<!tpu.dma_semaphore, #tpu.memory_space<semaphore_mem>>)
    %dma_start3A_35 = tpu.memref_slice %arg5[%add3A_32] : memref<320000xi32, #tpu.memory_space<hbm>> -> memref<80xi32, #tpu.memory_space<hbm>>
    %dma_start3A_36 = tpu.memref_slice %arg5[%add3A_32] : memref<320000xi32, #tpu.memory_space<hbm>> -> memref<80xi32, #tpu.memory_space<hbm>>
    tpu.enqueue_dma source(%dma_start3A_36 : memref<80xi32, #tpu.memory_space<hbm>>) target(%arg12 : memref<80xi32, #tpu.memory_space<vmem>>) target_semaphore(%arg22 : memref<!tpu.dma_semaphore, #tpu.memory_space<semaphore_mem>>)
    %dma_wait3A_37 = arith.constant 0 : i32
    %dma_wait3A_38 = arith.constant 0 : i32
    %dma_wait3A_39 = tpu.memref_slice %arg2[%dma_wait3A_37, %dma_wait3A_38] : memref<10000x128xf32, #tpu.memory_space<hbm>> -> memref<10000x128xf32, #tpu.memory_space<hbm>>
    tpu.wait_indirect_dma semaphore(%arg23 : memref<!tpu.dma_semaphore, #tpu.memory_space<semaphore_mem>>) src(%dma_wait3A_39 : memref<10000x128xf32, #tpu.memory_space<hbm>>) dst(%arg13 : memref<80x128xf32, #tpu.memory_space<vmem>>)
    %dma_wait3A_40 = arith.constant 0 : i32
    %dma_wait3A_41 = arith.constant 0 : i32
    %dma_wait3A_42 = tpu.memref_slice %arg2[%dma_wait3A_40, %dma_wait3A_41] : memref<10000x128xf32, #tpu.memory_space<hbm>> -> memref<10000x128xf32, #tpu.memory_space<hbm>>
    tpu.wait_indirect_dma semaphore(%arg23 : memref<!tpu.dma_semaphore, #tpu.memory_space<semaphore_mem>>) src(%dma_wait3A_42 : memref<10000x128xf32, #tpu.memory_space<hbm>>) dst(%arg15 : memref<80x128xf32, #tpu.memory_space<vmem>>)
    %dma_wait3A_43 = arith.constant 0 : i32
    %dma_wait3A_44 = arith.constant 0 : i32
    %dma_wait3A_45 = tpu.memref_slice %arg3[%dma_wait3A_43, %dma_wait3A_44] : memref<10000x128xf32, #tpu.memory_space<hbm>> -> memref<10000x128xf32, #tpu.memory_space<hbm>>
    tpu.wait_indirect_dma semaphore(%arg23 : memref<!tpu.dma_semaphore, #tpu.memory_space<semaphore_mem>>) src(%dma_wait3A_45 : memref<10000x128xf32, #tpu.memory_space<hbm>>) dst(%arg17 : memref<80x128xf32, #tpu.memory_space<vmem>>)
    %dma_wait3A_46 = arith.constant 0 : i32
    %dma_wait3A_47 = arith.constant 0 : i32
    %dma_wait3A_48 = tpu.memref_slice %arg3[%dma_wait3A_46, %dma_wait3A_47] : memref<10000x128xf32, #tpu.memory_space<hbm>> -> memref<10000x128xf32, #tpu.memory_space<hbm>>
    tpu.wait_indirect_dma semaphore(%arg23 : memref<!tpu.dma_semaphore, #tpu.memory_space<semaphore_mem>>) src(%dma_wait3A_48 : memref<10000x128xf32, #tpu.memory_space<hbm>>) dst(%arg19 : memref<80x128xf32, #tpu.memory_space<vmem>>)
    %add3A_49 = arith.constant 0 : i32
    %add3A_50 = arith.addi %add3A_49, %mul3A_2 : i32
    %add3A_51 = arith.constant 160 : i32
    %add3A_52 = arith.addi %add3A_50, %add3A_51 : i32
    %dma_start3A_53 = tpu.memref_slice %arg4[%add3A_52] : memref<320000xi32, #tpu.memory_space<hbm>> -> memref<80xi32, #tpu.memory_space<hbm>>
    %dma_start3A_54 = tpu.memref_slice %arg4[%add3A_52] : memref<320000xi32, #tpu.memory_space<hbm>> -> memref<80xi32, #tpu.memory_space<hbm>>
    tpu.enqueue_dma source(%dma_start3A_54 : memref<80xi32, #tpu.memory_space<hbm>>) target(%arg9 : memref<80xi32, #tpu.memory_space<vmem>>) target_semaphore(%arg21 : memref<!tpu.dma_semaphore, #tpu.memory_space<semaphore_mem>>)
    %dma_start3A_55 = tpu.memref_slice %arg5[%add3A_52] : memref<320000xi32, #tpu.memory_space<hbm>> -> memref<80xi32, #tpu.memory_space<hbm>>
    %dma_start3A_56 = tpu.memref_slice %arg5[%add3A_52] : memref<320000xi32, #tpu.memory_space<hbm>> -> memref<80xi32, #tpu.memory_space<hbm>>
    tpu.enqueue_dma source(%dma_start3A_56 : memref<80xi32, #tpu.memory_space<hbm>>) target(%arg11 : memref<80xi32, #tpu.memory_space<vmem>>) target_semaphore(%arg21 : memref<!tpu.dma_semaphore, #tpu.memory_space<semaphore_mem>>)
    %scan3A = arith.constant 0 : i32
    %scan3A_57 = arith.constant 0 : i32
    %scan3A_58 = arith.constant 80 : i32
    %scan3A_59 = arith.addi %scan3A_57, %scan3A_58 : i32
    %scan3A_60 = arith.constant 1 : i32
    scf.for %scan3A_194 = %scan3A_57 to %scan3A_59 step %scan3A_60  : i32 {
      %get3A = arith.index_cast %scan3A_194 : i32 to index
      %get3A_195 = arith.constant 0 : index
      %get3A_196 = tpu.vector_load %arg17[%get3A, %get3A_195] {strides = array<i32>} : memref<80x128xf32, #tpu.memory_space<vmem>>, vector<1x16xf32>,
      %get3A_197 = vector.shape_cast %get3A_196 : vector<1x16xf32> to vector<16xf32>
      %get3A_198 = arith.index_cast %scan3A_194 : i32 to index
      %get3A_199 = arith.constant 0 : index
      %get3A_200 = tpu.vector_load %arg19[%get3A_198, %get3A_199] {strides = array<i32>} : memref<80x128xf32, #tpu.memory_space<vmem>>, vector<1x16xf32>,
      %get3A_201 = vector.shape_cast %get3A_200 : vector<1x16xf32> to vector<16xf32>
      %sub3A = arith.subf %get3A_197, %get3A_201 : vector<16xf32>
      %swap3A = arith.index_cast %scan3A_194 : i32 to index
      %swap3A_202 = arith.constant 0 : index
      %swap3A_203 = tpu.vector_load %arg17[%swap3A, %swap3A_202] {strides = array<i32>} : memref<80x128xf32, #tpu.memory_space<vmem>>, vector<1x16xf32>,
      %swap3A_204 = vector.shape_cast %swap3A_203 : vector<1x16xf32> to vector<16xf32>
      %swap3A_205 = vector.shape_cast %sub3A : vector<16xf32> to vector<1x16xf32>
      tpu.vector_store %arg17[%swap3A, %swap3A_202], %swap3A_205 {strides = array<i32>} : memref<80x128xf32, #tpu.memory_space<vmem>>, vector<1x16xf32>,
    }
    %scan3A_61 = arith.constant 80 : i32
    %add3A_62 = arith.constant 0 : i32
    %add3A_63 = arith.addi %mul3A_2, %add3A_62 : i32
    %dma_start3A_64 = arith.constant 0 : i32
    %dma_start3A_65 = tpu.memref_slice %arg6[%add3A_63, %dma_start3A_64] : memref<153600x128xf32, #tpu.memory_space<hbm>> -> memref<80x128xf32, #tpu.memory_space<hbm>>
    %dma_start3A_66 = arith.constant 0 : i32
    %dma_start3A_67 = tpu.memref_slice %arg6[%add3A_63, %dma_start3A_66] : memref<153600x128xf32, #tpu.memory_space<hbm>> -> memref<80x128xf32, #tpu.memory_space<hbm>>
    tpu.enqueue_dma source(%arg13 : memref<80x128xf32, #tpu.memory_space<vmem>>) target(%dma_start3A_67 : memref<80x128xf32, #tpu.memory_space<hbm>>) target_semaphore(%arg25 : memref<!tpu.dma_semaphore, #tpu.memory_space<semaphore_mem>>)
    %dma_start3A_68 = arith.constant 0 : i32
    %dma_start3A_69 = tpu.memref_slice %arg7[%add3A_63, %dma_start3A_68] : memref<153600x128xf32, #tpu.memory_space<hbm>> -> memref<80x128xf32, #tpu.memory_space<hbm>>
    %dma_start3A_70 = arith.constant 0 : i32
    %dma_start3A_71 = tpu.memref_slice %arg7[%add3A_63, %dma_start3A_70] : memref<153600x128xf32, #tpu.memory_space<hbm>> -> memref<80x128xf32, #tpu.memory_space<hbm>>
    tpu.enqueue_dma source(%arg15 : memref<80x128xf32, #tpu.memory_space<vmem>>) target(%dma_start3A_71 : memref<80x128xf32, #tpu.memory_space<hbm>>) target_semaphore(%arg25 : memref<!tpu.dma_semaphore, #tpu.memory_space<semaphore_mem>>)
    %dma_start3A_72 = arith.constant 0 : i32
    %dma_start3A_73 = tpu.memref_slice %arg8[%add3A_63, %dma_start3A_72] : memref<153600x128xf32, #tpu.memory_space<hbm>> -> memref<80x128xf32, #tpu.memory_space<hbm>>
    %dma_start3A_74 = arith.constant 0 : i32
    %dma_start3A_75 = tpu.memref_slice %arg8[%add3A_63, %dma_start3A_74] : memref<153600x128xf32, #tpu.memory_space<hbm>> -> memref<80x128xf32, #tpu.memory_space<hbm>>
    tpu.enqueue_dma source(%arg17 : memref<80x128xf32, #tpu.memory_space<vmem>>) target(%dma_start3A_75 : memref<80x128xf32, #tpu.memory_space<hbm>>) target_semaphore(%arg25 : memref<!tpu.dma_semaphore, #tpu.memory_space<semaphore_mem>>)
    %dma_wait3A_76 = arith.constant 0 : i32
    %dma_wait3A_77 = tpu.memref_slice %arg4[%dma_wait3A_76] : memref<320000xi32, #tpu.memory_space<hbm>> -> memref<80xi32, #tpu.memory_space<hbm>>
    %dma_wait3A_78 = arith.constant 0 : i32
    %dma_wait3A_79 = tpu.memref_slice %arg4[%dma_wait3A_78] : memref<320000xi32, #tpu.memory_space<hbm>> -> memref<80xi32, #tpu.memory_space<hbm>>
    tpu.wait_dma2 semaphore(%arg22 : memref<!tpu.dma_semaphore, #tpu.memory_space<semaphore_mem>>) src(%dma_wait3A_79 : memref<80xi32, #tpu.memory_space<hbm>>) dst(%arg10 : memref<80xi32, #tpu.memory_space<vmem>>)
    %dma_wait3A_80 = arith.constant 0 : i32
    %dma_wait3A_81 = tpu.memref_slice %arg5[%dma_wait3A_80] : memref<320000xi32, #tpu.memory_space<hbm>> -> memref<80xi32, #tpu.memory_space<hbm>>
    %dma_wait3A_82 = arith.constant 0 : i32
    %dma_wait3A_83 = tpu.memref_slice %arg5[%dma_wait3A_82] : memref<320000xi32, #tpu.memory_space<hbm>> -> memref<80xi32, #tpu.memory_space<hbm>>
    tpu.wait_dma2 semaphore(%arg22 : memref<!tpu.dma_semaphore, #tpu.memory_space<semaphore_mem>>) src(%dma_wait3A_83 : memref<80xi32, #tpu.memory_space<hbm>>) dst(%arg12 : memref<80xi32, #tpu.memory_space<vmem>>)
    %dma_start3A_84 = arith.constant 0 : i32
    %dma_start3A_85 = arith.constant 0 : i32
    %dma_start3A_86 = tpu.memref_slice %arg2[%dma_start3A_84, %dma_start3A_85] : memref<10000x128xf32, #tpu.memory_space<hbm>> -> memref<10000x128xf32, #tpu.memory_space<hbm>>
    tpu.enqueue_indirect_dma source(%dma_start3A_86 : memref<10000x128xf32, #tpu.memory_space<hbm>>) target(%arg14 : memref<80x128xf32, #tpu.memory_space<vmem>>) offsets(%arg10 : memref<80xi32, #tpu.memory_space<vmem>>) semaphore(%arg24 : memref<!tpu.dma_semaphore, #tpu.memory_space<semaphore_mem>>)
    %dma_start3A_87 = arith.constant 0 : i32
    %dma_start3A_88 = arith.constant 0 : i32
    %dma_start3A_89 = tpu.memref_slice %arg2[%dma_start3A_87, %dma_start3A_88] : memref<10000x128xf32, #tpu.memory_space<hbm>> -> memref<10000x128xf32, #tpu.memory_space<hbm>>
    tpu.enqueue_indirect_dma source(%dma_start3A_89 : memref<10000x128xf32, #tpu.memory_space<hbm>>) target(%arg16 : memref<80x128xf32, #tpu.memory_space<vmem>>) offsets(%arg12 : memref<80xi32, #tpu.memory_space<vmem>>) semaphore(%arg24 : memref<!tpu.dma_semaphore, #tpu.memory_space<semaphore_mem>>)
    %dma_start3A_90 = arith.constant 0 : i32
    %dma_start3A_91 = arith.constant 0 : i32
    %dma_start3A_92 = tpu.memref_slice %arg3[%dma_start3A_90, %dma_start3A_91] : memref<10000x128xf32, #tpu.memory_space<hbm>> -> memref<10000x128xf32, #tpu.memory_space<hbm>>
    tpu.enqueue_indirect_dma source(%dma_start3A_92 : memref<10000x128xf32, #tpu.memory_space<hbm>>) target(%arg18 : memref<80x128xf32, #tpu.memory_space<vmem>>) offsets(%arg10 : memref<80xi32, #tpu.memory_space<vmem>>) semaphore(%arg24 : memref<!tpu.dma_semaphore, #tpu.memory_space<semaphore_mem>>)
    %dma_start3A_93 = arith.constant 0 : i32
    %dma_start3A_94 = arith.constant 0 : i32
    %dma_start3A_95 = tpu.memref_slice %arg3[%dma_start3A_93, %dma_start3A_94] : memref<10000x128xf32, #tpu.memory_space<hbm>> -> memref<10000x128xf32, #tpu.memory_space<hbm>>
    tpu.enqueue_indirect_dma source(%dma_start3A_95 : memref<10000x128xf32, #tpu.memory_space<hbm>>) target(%arg20 : memref<80x128xf32, #tpu.memory_space<vmem>>) offsets(%arg12 : memref<80xi32, #tpu.memory_space<vmem>>) semaphore(%arg24 : memref<!tpu.dma_semaphore, #tpu.memory_space<semaphore_mem>>)
    %dma_wait3A_96 = arith.constant 0 : i32
    %dma_wait3A_97 = arith.constant 0 : i32
    %dma_wait3A_98 = tpu.memref_slice %arg2[%dma_wait3A_96, %dma_wait3A_97] : memref<10000x128xf32, #tpu.memory_space<hbm>> -> memref<10000x128xf32, #tpu.memory_space<hbm>>
    tpu.wait_indirect_dma semaphore(%arg24 : memref<!tpu.dma_semaphore, #tpu.memory_space<semaphore_mem>>) src(%dma_wait3A_98 : memref<10000x128xf32, #tpu.memory_space<hbm>>) dst(%arg14 : memref<80x128xf32, #tpu.memory_space<vmem>>)
    %dma_wait3A_99 = arith.constant 0 : i32
    %dma_wait3A_100 = arith.constant 0 : i32
    %dma_wait3A_101 = tpu.memref_slice %arg2[%dma_wait3A_99, %dma_wait3A_100] : memref<10000x128xf32, #tpu.memory_space<hbm>> -> memref<10000x128xf32, #tpu.memory_space<hbm>>
    tpu.wait_indirect_dma semaphore(%arg24 : memref<!tpu.dma_semaphore, #tpu.memory_space<semaphore_mem>>) src(%dma_wait3A_101 : memref<10000x128xf32, #tpu.memory_space<hbm>>) dst(%arg16 : memref<80x128xf32, #tpu.memory_space<vmem>>)
    %dma_wait3A_102 = arith.constant 0 : i32
    %dma_wait3A_103 = arith.constant 0 : i32
    %dma_wait3A_104 = tpu.memref_slice %arg3[%dma_wait3A_102, %dma_wait3A_103] : memref<10000x128xf32, #tpu.memory_space<hbm>> -> memref<10000x128xf32, #tpu.memory_space<hbm>>
    tpu.wait_indirect_dma semaphore(%arg24 : memref<!tpu.dma_semaphore, #tpu.memory_space<semaphore_mem>>) src(%dma_wait3A_104 : memref<10000x128xf32, #tpu.memory_space<hbm>>) dst(%arg18 : memref<80x128xf32, #tpu.memory_space<vmem>>)
    %dma_wait3A_105 = arith.constant 0 : i32
    %dma_wait3A_106 = arith.constant 0 : i32
    %dma_wait3A_107 = tpu.memref_slice %arg3[%dma_wait3A_105, %dma_wait3A_106] : memref<10000x128xf32, #tpu.memory_space<hbm>> -> memref<10000x128xf32, #tpu.memory_space<hbm>>
    tpu.wait_indirect_dma semaphore(%arg24 : memref<!tpu.dma_semaphore, #tpu.memory_space<semaphore_mem>>) src(%dma_wait3A_107 : memref<10000x128xf32, #tpu.memory_space<hbm>>) dst(%arg20 : memref<80x128xf32, #tpu.memory_space<vmem>>)
    %add3A_108 = arith.constant 0 : i32
    %add3A_109 = arith.addi %add3A_108, %mul3A_2 : i32
    %add3A_110 = arith.constant 240 : i32
    %add3A_111 = arith.addi %add3A_109, %add3A_110 : i32
    %dma_start3A_112 = tpu.memref_slice %arg4[%add3A_111] : memref<320000xi32, #tpu.memory_space<hbm>> -> memref<80xi32, #tpu.memory_space<hbm>>
    %dma_start3A_113 = tpu.memref_slice %arg4[%add3A_111] : memref<320000xi32, #tpu.memory_space<hbm>> -> memref<80xi32, #tpu.memory_space<hbm>>
    tpu.enqueue_dma source(%dma_start3A_113 : memref<80xi32, #tpu.memory_space<hbm>>) target(%arg10 : memref<80xi32, #tpu.memory_space<vmem>>) target_semaphore(%arg22 : memref<!tpu.dma_semaphore, #tpu.memory_space<semaphore_mem>>)
    %dma_start3A_114 = tpu.memref_slice %arg5[%add3A_111] : memref<320000xi32, #tpu.memory_space<hbm>> -> memref<80xi32, #tpu.memory_space<hbm>>
    %dma_start3A_115 = tpu.memref_slice %arg5[%add3A_111] : memref<320000xi32, #tpu.memory_space<hbm>> -> memref<80xi32, #tpu.memory_space<hbm>>
    tpu.enqueue_dma source(%dma_start3A_115 : memref<80xi32, #tpu.memory_space<hbm>>) target(%arg12 : memref<80xi32, #tpu.memory_space<vmem>>) target_semaphore(%arg22 : memref<!tpu.dma_semaphore, #tpu.memory_space<semaphore_mem>>)
    %scan3A_116 = arith.constant 0 : i32
    %scan3A_117 = arith.constant 0 : i32
    %scan3A_118 = arith.constant 80 : i32
    %scan3A_119 = arith.addi %scan3A_117, %scan3A_118 : i32
    %scan3A_120 = arith.constant 1 : i32
    scf.for %scan3A_194 = %scan3A_117 to %scan3A_119 step %scan3A_120  : i32 {
      %get3A = arith.index_cast %scan3A_194 : i32 to index
      %get3A_195 = arith.constant 0 : index
      %get3A_196 = tpu.vector_load %arg18[%get3A, %get3A_195] {strides = array<i32>} : memref<80x128xf32, #tpu.memory_space<vmem>>, vector<1x16xf32>,
      %get3A_197 = vector.shape_cast %get3A_196 : vector<1x16xf32> to vector<16xf32>
      %get3A_198 = arith.index_cast %scan3A_194 : i32 to index
      %get3A_199 = arith.constant 0 : index
      %get3A_200 = tpu.vector_load %arg20[%get3A_198, %get3A_199] {strides = array<i32>} : memref<80x128xf32, #tpu.memory_space<vmem>>, vector<1x16xf32>,
      %get3A_201 = vector.shape_cast %get3A_200 : vector<1x16xf32> to vector<16xf32>
      %sub3A = arith.subf %get3A_197, %get3A_201 : vector<16xf32>
      %swap3A = arith.index_cast %scan3A_194 : i32 to index
      %swap3A_202 = arith.constant 0 : index
      %swap3A_203 = tpu.vector_load %arg18[%swap3A, %swap3A_202] {strides = array<i32>} : memref<80x128xf32, #tpu.memory_space<vmem>>, vector<1x16xf32>,
      %swap3A_204 = vector.shape_cast %swap3A_203 : vector<1x16xf32> to vector<16xf32>
      %swap3A_205 = vector.shape_cast %sub3A : vector<16xf32> to vector<1x16xf32>
      tpu.vector_store %arg18[%swap3A, %swap3A_202], %swap3A_205 {strides = array<i32>} : memref<80x128xf32, #tpu.memory_space<vmem>>, vector<1x16xf32>,
    }
    %scan3A_121 = arith.constant 80 : i32
    %add3A_122 = arith.constant 80 : i32
    %add3A_123 = arith.addi %mul3A_2, %add3A_122 : i32
    %dma_start3A_124 = arith.constant 0 : i32
    %dma_start3A_125 = tpu.memref_slice %arg6[%add3A_123, %dma_start3A_124] : memref<153600x128xf32, #tpu.memory_space<hbm>> -> memref<80x128xf32, #tpu.memory_space<hbm>>
    %dma_start3A_126 = arith.constant 0 : i32
    %dma_start3A_127 = tpu.memref_slice %arg6[%add3A_123, %dma_start3A_126] : memref<153600x128xf32, #tpu.memory_space<hbm>> -> memref<80x128xf32, #tpu.memory_space<hbm>>
    tpu.enqueue_dma source(%arg14 : memref<80x128xf32, #tpu.memory_space<vmem>>) target(%dma_start3A_127 : memref<80x128xf32, #tpu.memory_space<hbm>>) target_semaphore(%arg26 : memref<!tpu.dma_semaphore, #tpu.memory_space<semaphore_mem>>)
    %dma_start3A_128 = arith.constant 0 : i32
    %dma_start3A_129 = tpu.memref_slice %arg7[%add3A_123, %dma_start3A_128] : memref<153600x128xf32, #tpu.memory_space<hbm>> -> memref<80x128xf32, #tpu.memory_space<hbm>>
    %dma_start3A_130 = arith.constant 0 : i32
    %dma_start3A_131 = tpu.memref_slice %arg7[%add3A_123, %dma_start3A_130] : memref<153600x128xf32, #tpu.memory_space<hbm>> -> memref<80x128xf32, #tpu.memory_space<hbm>>
    tpu.enqueue_dma source(%arg16 : memref<80x128xf32, #tpu.memory_space<vmem>>) target(%dma_start3A_131 : memref<80x128xf32, #tpu.memory_space<hbm>>) target_semaphore(%arg26 : memref<!tpu.dma_semaphore, #tpu.memory_space<semaphore_mem>>)
    %dma_start3A_132 = arith.constant 0 : i32
    %dma_start3A_133 = tpu.memref_slice %arg8[%add3A_123, %dma_start3A_132] : memref<153600x128xf32, #tpu.memory_space<hbm>> -> memref<80x128xf32, #tpu.memory_space<hbm>>
    %dma_start3A_134 = arith.constant 0 : i32
    %dma_start3A_135 = tpu.memref_slice %arg8[%add3A_123, %dma_start3A_134] : memref<153600x128xf32, #tpu.memory_space<hbm>> -> memref<80x128xf32, #tpu.memory_space<hbm>>
    tpu.enqueue_dma source(%arg18 : memref<80x128xf32, #tpu.memory_space<vmem>>) target(%dma_start3A_135 : memref<80x128xf32, #tpu.memory_space<hbm>>) target_semaphore(%arg26 : memref<!tpu.dma_semaphore, #tpu.memory_space<semaphore_mem>>)
    %scan3A_136 = arith.constant 0 : i32
    %scan3A_137 = arith.constant 1 : i32
    %scan3A_138 = arith.constant 29 : i32
    %scan3A_139 = arith.addi %scan3A_137, %scan3A_138 : i32
    %scan3A_140 = arith.constant 1 : i32
    scf.for %scan3A_194 = %scan3A_137 to %scan3A_139 step %scan3A_140  : i32 {
      %mul3A_195 = arith.constant 2 : i32
      %mul3A_196 = arith.muli %mul3A_195, %scan3A_194 : i32
      %add3A_197 = arith.constant 0 : i32
      %add3A_198 = arith.addi %mul3A_196, %add3A_197 : i32
      %dma_wait3A_199 = arith.constant 0 : i32
      %dma_wait3A_200 = tpu.memref_slice %arg4[%dma_wait3A_199] : memref<320000xi32, #tpu.memory_space<hbm>> -> memref<80xi32, #tpu.memory_space<hbm>>
      %dma_wait3A_201 = arith.constant 0 : i32
      %dma_wait3A_202 = tpu.memref_slice %arg4[%dma_wait3A_201] : memref<320000xi32, #tpu.memory_space<hbm>> -> memref<80xi32, #tpu.memory_space<hbm>>
      tpu.wait_dma2 semaphore(%arg21 : memref<!tpu.dma_semaphore, #tpu.memory_space<semaphore_mem>>) src(%dma_wait3A_202 : memref<80xi32, #tpu.memory_space<hbm>>) dst(%arg9 : memref<80xi32, #tpu.memory_space<vmem>>)
      %dma_wait3A_203 = arith.constant 0 : i32
      %dma_wait3A_204 = tpu.memref_slice %arg5[%dma_wait3A_203] : memref<320000xi32, #tpu.memory_space<hbm>> -> memref<80xi32, #tpu.memory_space<hbm>>
      %dma_wait3A_205 = arith.constant 0 : i32
      %dma_wait3A_206 = tpu.memref_slice %arg5[%dma_wait3A_205] : memref<320000xi32, #tpu.memory_space<hbm>> -> memref<80xi32, #tpu.memory_space<hbm>>
      tpu.wait_dma2 semaphore(%arg21 : memref<!tpu.dma_semaphore, #tpu.memory_space<semaphore_mem>>) src(%dma_wait3A_206 : memref<80xi32, #tpu.memory_space<hbm>>) dst(%arg11 : memref<80xi32, #tpu.memory_space<vmem>>)
      %dma_wait3A_207 = arith.constant 0 : i32
      %dma_wait3A_208 = arith.constant 0 : i32
      %dma_wait3A_209 = tpu.memref_slice %arg6[%dma_wait3A_207, %dma_wait3A_208] : memref<153600x128xf32, #tpu.memory_space<hbm>> -> memref<80x128xf32, #tpu.memory_space<hbm>>
      %dma_wait3A_210 = arith.constant 0 : i32
      %dma_wait3A_211 = arith.constant 0 : i32
      %dma_wait3A_212 = tpu.memref_slice %arg6[%dma_wait3A_210, %dma_wait3A_211] : memref<153600x128xf32, #tpu.memory_space<hbm>> -> memref<80x128xf32, #tpu.memory_space<hbm>>
      tpu.wait_dma2 semaphore(%arg25 : memref<!tpu.dma_semaphore, #tpu.memory_space<semaphore_mem>>) src(%arg13 : memref<80x128xf32, #tpu.memory_space<vmem>>) dst(%dma_wait3A_212 : memref<80x128xf32, #tpu.memory_space<hbm>>)
      %dma_wait3A_213 = arith.constant 0 : i32
      %dma_wait3A_214 = arith.constant 0 : i32
      %dma_wait3A_215 = tpu.memref_slice %arg7[%dma_wait3A_213, %dma_wait3A_214] : memref<153600x128xf32, #tpu.memory_space<hbm>> -> memref<80x128xf32, #tpu.memory_space<hbm>>
      %dma_wait3A_216 = arith.constant 0 : i32
      %dma_wait3A_217 = arith.constant 0 : i32
      %dma_wait3A_218 = tpu.memref_slice %arg7[%dma_wait3A_216, %dma_wait3A_217] : memref<153600x128xf32, #tpu.memory_space<hbm>> -> memref<80x128xf32, #tpu.memory_space<hbm>>
      tpu.wait_dma2 semaphore(%arg25 : memref<!tpu.dma_semaphore, #tpu.memory_space<semaphore_mem>>) src(%arg15 : memref<80x128xf32, #tpu.memory_space<vmem>>) dst(%dma_wait3A_218 : memref<80x128xf32, #tpu.memory_space<hbm>>)
      %dma_wait3A_219 = arith.constant 0 : i32
      %dma_wait3A_220 = arith.constant 0 : i32
      %dma_wait3A_221 = tpu.memref_slice %arg8[%dma_wait3A_219, %dma_wait3A_220] : memref<153600x128xf32, #tpu.memory_space<hbm>> -> memref<80x128xf32, #tpu.memory_space<hbm>>
      %dma_wait3A_222 = arith.constant 0 : i32
      %dma_wait3A_223 = arith.constant 0 : i32
      %dma_wait3A_224 = tpu.memref_slice %arg8[%dma_wait3A_222, %dma_wait3A_223] : memref<153600x128xf32, #tpu.memory_space<hbm>> -> memref<80x128xf32, #tpu.memory_space<hbm>>
      tpu.wait_dma2 semaphore(%arg25 : memref<!tpu.dma_semaphore, #tpu.memory_space<semaphore_mem>>) src(%arg17 : memref<80x128xf32, #tpu.memory_space<vmem>>) dst(%dma_wait3A_224 : memref<80x128xf32, #tpu.memory_space<hbm>>)
      %dma_start3A_225 = arith.constant 0 : i32
      %dma_start3A_226 = arith.constant 0 : i32
      %dma_start3A_227 = tpu.memref_slice %arg2[%dma_start3A_225, %dma_start3A_226] : memref<10000x128xf32, #tpu.memory_space<hbm>> -> memref<10000x128xf32, #tpu.memory_space<hbm>>
      tpu.enqueue_indirect_dma source(%dma_start3A_227 : memref<10000x128xf32, #tpu.memory_space<hbm>>) target(%arg13 : memref<80x128xf32, #tpu.memory_space<vmem>>) offsets(%arg9 : memref<80xi32, #tpu.memory_space<vmem>>) semaphore(%arg23 : memref<!tpu.dma_semaphore, #tpu.memory_space<semaphore_mem>>)
      %dma_start3A_228 = arith.constant 0 : i32
      %dma_start3A_229 = arith.constant 0 : i32
      %dma_start3A_230 = tpu.memref_slice %arg2[%dma_start3A_228, %dma_start3A_229] : memref<10000x128xf32, #tpu.memory_space<hbm>> -> memref<10000x128xf32, #tpu.memory_space<hbm>>
      tpu.enqueue_indirect_dma source(%dma_start3A_230 : memref<10000x128xf32, #tpu.memory_space<hbm>>) target(%arg15 : memref<80x128xf32, #tpu.memory_space<vmem>>) offsets(%arg11 : memref<80xi32, #tpu.memory_space<vmem>>) semaphore(%arg23 : memref<!tpu.dma_semaphore, #tpu.memory_space<semaphore_mem>>)
      %dma_start3A_231 = arith.constant 0 : i32
      %dma_start3A_232 = arith.constant 0 : i32
      %dma_start3A_233 = tpu.memref_slice %arg3[%dma_start3A_231, %dma_start3A_232] : memref<10000x128xf32, #tpu.memory_space<hbm>> -> memref<10000x128xf32, #tpu.memory_space<hbm>>
      tpu.enqueue_indirect_dma source(%dma_start3A_233 : memref<10000x128xf32, #tpu.memory_space<hbm>>) target(%arg17 : memref<80x128xf32, #tpu.memory_space<vmem>>) offsets(%arg9 : memref<80xi32, #tpu.memory_space<vmem>>) semaphore(%arg23 : memref<!tpu.dma_semaphore, #tpu.memory_space<semaphore_mem>>)
      %dma_start3A_234 = arith.constant 0 : i32
      %dma_start3A_235 = arith.constant 0 : i32
      %dma_start3A_236 = tpu.memref_slice %arg3[%dma_start3A_234, %dma_start3A_235] : memref<10000x128xf32, #tpu.memory_space<hbm>> -> memref<10000x128xf32, #tpu.memory_space<hbm>>
      tpu.enqueue_indirect_dma source(%dma_start3A_236 : memref<10000x128xf32, #tpu.memory_space<hbm>>) target(%arg19 : memref<80x128xf32, #tpu.memory_space<vmem>>) offsets(%arg11 : memref<80xi32, #tpu.memory_space<vmem>>) semaphore(%arg23 : memref<!tpu.dma_semaphore, #tpu.memory_space<semaphore_mem>>)
      %dma_wait3A_237 = arith.constant 0 : i32
      %dma_wait3A_238 = arith.constant 0 : i32
      %dma_wait3A_239 = tpu.memref_slice %arg2[%dma_wait3A_237, %dma_wait3A_238] : memref<10000x128xf32, #tpu.memory_space<hbm>> -> memref<10000x128xf32, #tpu.memory_space<hbm>>
      tpu.wait_indirect_dma semaphore(%arg23 : memref<!tpu.dma_semaphore, #tpu.memory_space<semaphore_mem>>) src(%dma_wait3A_239 : memref<10000x128xf32, #tpu.memory_space<hbm>>) dst(%arg13 : memref<80x128xf32, #tpu.memory_space<vmem>>)
      %dma_wait3A_240 = arith.constant 0 : i32
      %dma_wait3A_241 = arith.constant 0 : i32
      %dma_wait3A_242 = tpu.memref_slice %arg2[%dma_wait3A_240, %dma_wait3A_241] : memref<10000x128xf32, #tpu.memory_space<hbm>> -> memref<10000x128xf32, #tpu.memory_space<hbm>>
      tpu.wait_indirect_dma semaphore(%arg23 : memref<!tpu.dma_semaphore, #tpu.memory_space<semaphore_mem>>) src(%dma_wait3A_242 : memref<10000x128xf32, #tpu.memory_space<hbm>>) dst(%arg15 : memref<80x128xf32, #tpu.memory_space<vmem>>)
      %dma_wait3A_243 = arith.constant 0 : i32
      %dma_wait3A_244 = arith.constant 0 : i32
      %dma_wait3A_245 = tpu.memref_slice %arg3[%dma_wait3A_243, %dma_wait3A_244] : memref<10000x128xf32, #tpu.memory_space<hbm>> -> memref<10000x128xf32, #tpu.memory_space<hbm>>
      tpu.wait_indirect_dma semaphore(%arg23 : memref<!tpu.dma_semaphore, #tpu.memory_space<semaphore_mem>>) src(%dma_wait3A_245 : memref<10000x128xf32, #tpu.memory_space<hbm>>) dst(%arg17 : memref<80x128xf32, #tpu.memory_space<vmem>>)
      %dma_wait3A_246 = arith.constant 0 : i32
      %dma_wait3A_247 = arith.constant 0 : i32
      %dma_wait3A_248 = tpu.memref_slice %arg3[%dma_wait3A_246, %dma_wait3A_247] : memref<10000x128xf32, #tpu.memory_space<hbm>> -> memref<10000x128xf32, #tpu.memory_space<hbm>>
      tpu.wait_indirect_dma semaphore(%arg23 : memref<!tpu.dma_semaphore, #tpu.memory_space<semaphore_mem>>) src(%dma_wait3A_248 : memref<10000x128xf32, #tpu.memory_space<hbm>>) dst(%arg19 : memref<80x128xf32, #tpu.memory_space<vmem>>)
      %add3A_249 = arith.constant 2 : i32
      %add3A_250 = arith.addi %add3A_198, %add3A_249 : i32
      %min3A = arith.constant 59 : i32
      %min3A_251 = arith.minsi %add3A_250, %min3A : i32
      %add3A_252 = arith.constant 0 : i32
      %add3A_253 = arith.addi %add3A_252, %mul3A_2 : i32
      %mul3A_254 = arith.constant 80 : i32
      %mul3A_255 = arith.muli %min3A_251, %mul3A_254 : i32
      %add3A_256 = arith.addi %add3A_253, %mul3A_255 : i32
      %dma_start3A_257 = tpu.memref_slice %arg4[%add3A_256] : memref<320000xi32, #tpu.memory_space<hbm>> -> memref<80xi32, #tpu.memory_space<hbm>>
      %dma_start3A_258 = tpu.memref_slice %arg4[%add3A_256] : memref<320000xi32, #tpu.memory_space<hbm>> -> memref<80xi32, #tpu.memory_space<hbm>>
      tpu.enqueue_dma source(%dma_start3A_258 : memref<80xi32, #tpu.memory_space<hbm>>) target(%arg9 : memref<80xi32, #tpu.memory_space<vmem>>) target_semaphore(%arg21 : memref<!tpu.dma_semaphore, #tpu.memory_space<semaphore_mem>>)
      %dma_start3A_259 = tpu.memref_slice %arg5[%add3A_256] : memref<320000xi32, #tpu.memory_space<hbm>> -> memref<80xi32, #tpu.memory_space<hbm>>
      %dma_start3A_260 = tpu.memref_slice %arg5[%add3A_256] : memref<320000xi32, #tpu.memory_space<hbm>> -> memref<80xi32, #tpu.memory_space<hbm>>
      tpu.enqueue_dma source(%dma_start3A_260 : memref<80xi32, #tpu.memory_space<hbm>>) target(%arg11 : memref<80xi32, #tpu.memory_space<vmem>>) target_semaphore(%arg21 : memref<!tpu.dma_semaphore, #tpu.memory_space<semaphore_mem>>)
      %scan3A_261 = arith.constant 0 : i32
      %scan3A_262 = arith.constant 0 : i32
      %scan3A_263 = arith.constant 80 : i32
      %scan3A_264 = arith.addi %scan3A_262, %scan3A_263 : i32
      %scan3A_265 = arith.constant 1 : i32
      scf.for %scan3A_370 = %scan3A_262 to %scan3A_264 step %scan3A_265  : i32 {
        %get3A = arith.index_cast %scan3A_370 : i32 to index
        %get3A_371 = arith.constant 0 : index
        %get3A_372 = tpu.vector_load %arg17[%get3A, %get3A_371] {strides = array<i32>} : memref<80x128xf32, #tpu.memory_space<vmem>>, vector<1x16xf32>,
        %get3A_373 = vector.shape_cast %get3A_372 : vector<1x16xf32> to vector<16xf32>
        %get3A_374 = arith.index_cast %scan3A_370 : i32 to index
        %get3A_375 = arith.constant 0 : index
        %get3A_376 = tpu.vector_load %arg19[%get3A_374, %get3A_375] {strides = array<i32>} : memref<80x128xf32, #tpu.memory_space<vmem>>, vector<1x16xf32>,
        %get3A_377 = vector.shape_cast %get3A_376 : vector<1x16xf32> to vector<16xf32>
        %sub3A = arith.subf %get3A_373, %get3A_377 : vector<16xf32>
        %swap3A = arith.index_cast %scan3A_370 : i32 to index
        %swap3A_378 = arith.constant 0 : index
        %swap3A_379 = tpu.vector_load %arg17[%swap3A, %swap3A_378] {strides = array<i32>} : memref<80x128xf32, #tpu.memory_space<vmem>>, vector<1x16xf32>,
        %swap3A_380 = vector.shape_cast %swap3A_379 : vector<1x16xf32> to vector<16xf32>
        %swap3A_381 = vector.shape_cast %sub3A : vector<16xf32> to vector<1x16xf32>
        tpu.vector_store %arg17[%swap3A, %swap3A_378], %swap3A_381 {strides = array<i32>} : memref<80x128xf32, #tpu.memory_space<vmem>>, vector<1x16xf32>,
      }
      %scan3A_266 = arith.constant 80 : i32
      %mul3A_267 = arith.constant 80 : i32
      %mul3A_268 = arith.muli %add3A_198, %mul3A_267 : i32
      %add3A_269 = arith.addi %mul3A_2, %mul3A_268 : i32
      %dma_start3A_270 = arith.constant 0 : i32
      %dma_start3A_271 = tpu.memref_slice %arg6[%add3A_269, %dma_start3A_270] : memref<153600x128xf32, #tpu.memory_space<hbm>> -> memref<80x128xf32, #tpu.memory_space<hbm>>
      %dma_start3A_272 = arith.constant 0 : i32
      %dma_start3A_273 = tpu.memref_slice %arg6[%add3A_269, %dma_start3A_272] : memref<153600x128xf32, #tpu.memory_space<hbm>> -> memref<80x128xf32, #tpu.memory_space<hbm>>
      tpu.enqueue_dma source(%arg13 : memref<80x128xf32, #tpu.memory_space<vmem>>) target(%dma_start3A_273 : memref<80x128xf32, #tpu.memory_space<hbm>>) target_semaphore(%arg25 : memref<!tpu.dma_semaphore, #tpu.memory_space<semaphore_mem>>)
      %dma_start3A_274 = arith.constant 0 : i32
      %dma_start3A_275 = tpu.memref_slice %arg7[%add3A_269, %dma_start3A_274] : memref<153600x128xf32, #tpu.memory_space<hbm>> -> memref<80x128xf32, #tpu.memory_space<hbm>>
      %dma_start3A_276 = arith.constant 0 : i32
      %dma_start3A_277 = tpu.memref_slice %arg7[%add3A_269, %dma_start3A_276] : memref<153600x128xf32, #tpu.memory_space<hbm>> -> memref<80x128xf32, #tpu.memory_space<hbm>>
      tpu.enqueue_dma source(%arg15 : memref<80x128xf32, #tpu.memory_space<vmem>>) target(%dma_start3A_277 : memref<80x128xf32, #tpu.memory_space<hbm>>) target_semaphore(%arg25 : memref<!tpu.dma_semaphore, #tpu.memory_space<semaphore_mem>>)
      %dma_start3A_278 = arith.constant 0 : i32
      %dma_start3A_279 = tpu.memref_slice %arg8[%add3A_269, %dma_start3A_278] : memref<153600x128xf32, #tpu.memory_space<hbm>> -> memref<80x128xf32, #tpu.memory_space<hbm>>
      %dma_start3A_280 = arith.constant 0 : i32
      %dma_start3A_281 = tpu.memref_slice %arg8[%add3A_269, %dma_start3A_280] : memref<153600x128xf32, #tpu.memory_space<hbm>> -> memref<80x128xf32, #tpu.memory_space<hbm>>
      tpu.enqueue_dma source(%arg17 : memref<80x128xf32, #tpu.memory_space<vmem>>) target(%dma_start3A_281 : memref<80x128xf32, #tpu.memory_space<hbm>>) target_semaphore(%arg25 : memref<!tpu.dma_semaphore, #tpu.memory_space<semaphore_mem>>)
      %mul3A_282 = arith.constant 2 : i32
      %mul3A_283 = arith.muli %mul3A_282, %scan3A_194 : i32
      %add3A_284 = arith.constant 1 : i32
      %add3A_285 = arith.addi %mul3A_283, %add3A_284 : i32
      %dma_wait3A_286 = arith.constant 0 : i32
      %dma_wait3A_287 = tpu.memref_slice %arg4[%dma_wait3A_286] : memref<320000xi32, #tpu.memory_space<hbm>> -> memref<80xi32, #tpu.memory_space<hbm>>
      %dma_wait3A_288 = arith.constant 0 : i32
      %dma_wait3A_289 = tpu.memref_slice %arg4[%dma_wait3A_288] : memref<320000xi32, #tpu.memory_space<hbm>> -> memref<80xi32, #tpu.memory_space<hbm>>
      tpu.wait_dma2 semaphore(%arg22 : memref<!tpu.dma_semaphore, #tpu.memory_space<semaphore_mem>>) src(%dma_wait3A_289 : memref<80xi32, #tpu.memory_space<hbm>>) dst(%arg10 : memref<80xi32, #tpu.memory_space<vmem>>)
      %dma_wait3A_290 = arith.constant 0 : i32
      %dma_wait3A_291 = tpu.memref_slice %arg5[%dma_wait3A_290] : memref<320000xi32, #tpu.memory_space<hbm>> -> memref<80xi32, #tpu.memory_space<hbm>>
      %dma_wait3A_292 = arith.constant 0 : i32
      %dma_wait3A_293 = tpu.memref_slice %arg5[%dma_wait3A_292] : memref<320000xi32, #tpu.memory_space<hbm>> -> memref<80xi32, #tpu.memory_space<hbm>>
      tpu.wait_dma2 semaphore(%arg22 : memref<!tpu.dma_semaphore, #tpu.memory_space<semaphore_mem>>) src(%dma_wait3A_293 : memref<80xi32, #tpu.memory_space<hbm>>) dst(%arg12 : memref<80xi32, #tpu.memory_space<vmem>>)
      %dma_wait3A_294 = arith.constant 0 : i32
      %dma_wait3A_295 = arith.constant 0 : i32
      %dma_wait3A_296 = tpu.memref_slice %arg6[%dma_wait3A_294, %dma_wait3A_295] : memref<153600x128xf32, #tpu.memory_space<hbm>> -> memref<80x128xf32, #tpu.memory_space<hbm>>
      %dma_wait3A_297 = arith.constant 0 : i32
      %dma_wait3A_298 = arith.constant 0 : i32
      %dma_wait3A_299 = tpu.memref_slice %arg6[%dma_wait3A_297, %dma_wait3A_298] : memref<153600x128xf32, #tpu.memory_space<hbm>> -> memref<80x128xf32, #tpu.memory_space<hbm>>
      tpu.wait_dma2 semaphore(%arg26 : memref<!tpu.dma_semaphore, #tpu.memory_space<semaphore_mem>>) src(%arg14 : memref<80x128xf32, #tpu.memory_space<vmem>>) dst(%dma_wait3A_299 : memref<80x128xf32, #tpu.memory_space<hbm>>)
      %dma_wait3A_300 = arith.constant 0 : i32
      %dma_wait3A_301 = arith.constant 0 : i32
      %dma_wait3A_302 = tpu.memref_slice %arg7[%dma_wait3A_300, %dma_wait3A_301] : memref<153600x128xf32, #tpu.memory_space<hbm>> -> memref<80x128xf32, #tpu.memory_space<hbm>>
      %dma_wait3A_303 = arith.constant 0 : i32
      %dma_wait3A_304 = arith.constant 0 : i32
      %dma_wait3A_305 = tpu.memref_slice %arg7[%dma_wait3A_303, %dma_wait3A_304] : memref<153600x128xf32, #tpu.memory_space<hbm>> -> memref<80x128xf32, #tpu.memory_space<hbm>>
      tpu.wait_dma2 semaphore(%arg26 : memref<!tpu.dma_semaphore, #tpu.memory_space<semaphore_mem>>) src(%arg16 : memref<80x128xf32, #tpu.memory_space<vmem>>) dst(%dma_wait3A_305 : memref<80x128xf32, #tpu.memory_space<hbm>>)
      %dma_wait3A_306 = arith.constant 0 : i32
      %dma_wait3A_307 = arith.constant 0 : i32
      %dma_wait3A_308 = tpu.memref_slice %arg8[%dma_wait3A_306, %dma_wait3A_307] : memref<153600x128xf32, #tpu.memory_space<hbm>> -> memref<80x128xf32, #tpu.memory_space<hbm>>
      %dma_wait3A_309 = arith.constant 0 : i32
      %dma_wait3A_310 = arith.constant 0 : i32
      %dma_wait3A_311 = tpu.memref_slice %arg8[%dma_wait3A_309, %dma_wait3A_310] : memref<153600x128xf32, #tpu.memory_space<hbm>> -> memref<80x128xf32, #tpu.memory_space<hbm>>
      tpu.wait_dma2 semaphore(%arg26 : memref<!tpu.dma_semaphore, #tpu.memory_space<semaphore_mem>>) src(%arg18 : memref<80x128xf32, #tpu.memory_space<vmem>>) dst(%dma_wait3A_311 : memref<80x128xf32, #tpu.memory_space<hbm>>)
      %dma_start3A_312 = arith.constant 0 : i32
      %dma_start3A_313 = arith.constant 0 : i32
      %dma_start3A_314 = tpu.memref_slice %arg2[%dma_start3A_312, %dma_start3A_313] : memref<10000x128xf32, #tpu.memory_space<hbm>> -> memref<10000x128xf32, #tpu.memory_space<hbm>>
      tpu.enqueue_indirect_dma source(%dma_start3A_314 : memref<10000x128xf32, #tpu.memory_space<hbm>>) target(%arg14 : memref<80x128xf32, #tpu.memory_space<vmem>>) offsets(%arg10 : memref<80xi32, #tpu.memory_space<vmem>>) semaphore(%arg24 : memref<!tpu.dma_semaphore, #tpu.memory_space<semaphore_mem>>)
      %dma_start3A_315 = arith.constant 0 : i32
      %dma_start3A_316 = arith.constant 0 : i32
      %dma_start3A_317 = tpu.memref_slice %arg2[%dma_start3A_315, %dma_start3A_316] : memref<10000x128xf32, #tpu.memory_space<hbm>> -> memref<10000x128xf32, #tpu.memory_space<hbm>>
      tpu.enqueue_indirect_dma source(%dma_start3A_317 : memref<10000x128xf32, #tpu.memory_space<hbm>>) target(%arg16 : memref<80x128xf32, #tpu.memory_space<vmem>>) offsets(%arg12 : memref<80xi32, #tpu.memory_space<vmem>>) semaphore(%arg24 : memref<!tpu.dma_semaphore, #tpu.memory_space<semaphore_mem>>)
      %dma_start3A_318 = arith.constant 0 : i32
      %dma_start3A_319 = arith.constant 0 : i32
      %dma_start3A_320 = tpu.memref_slice %arg3[%dma_start3A_318, %dma_start3A_319] : memref<10000x128xf32, #tpu.memory_space<hbm>> -> memref<10000x128xf32, #tpu.memory_space<hbm>>
      tpu.enqueue_indirect_dma source(%dma_start3A_320 : memref<10000x128xf32, #tpu.memory_space<hbm>>) target(%arg18 : memref<80x128xf32, #tpu.memory_space<vmem>>) offsets(%arg10 : memref<80xi32, #tpu.memory_space<vmem>>) semaphore(%arg24 : memref<!tpu.dma_semaphore, #tpu.memory_space<semaphore_mem>>)
      %dma_start3A_321 = arith.constant 0 : i32
      %dma_start3A_322 = arith.constant 0 : i32
      %dma_start3A_323 = tpu.memref_slice %arg3[%dma_start3A_321, %dma_start3A_322] : memref<10000x128xf32, #tpu.memory_space<hbm>> -> memref<10000x128xf32, #tpu.memory_space<hbm>>
      tpu.enqueue_indirect_dma source(%dma_start3A_323 : memref<10000x128xf32, #tpu.memory_space<hbm>>) target(%arg20 : memref<80x128xf32, #tpu.memory_space<vmem>>) offsets(%arg12 : memref<80xi32, #tpu.memory_space<vmem>>) semaphore(%arg24 : memref<!tpu.dma_semaphore, #tpu.memory_space<semaphore_mem>>)
      %dma_wait3A_324 = arith.constant 0 : i32
      %dma_wait3A_325 = arith.constant 0 : i32
      %dma_wait3A_326 = tpu.memref_slice %arg2[%dma_wait3A_324, %dma_wait3A_325] : memref<10000x128xf32, #tpu.memory_space<hbm>> -> memref<10000x128xf32, #tpu.memory_space<hbm>>
      tpu.wait_indirect_dma semaphore(%arg24 : memref<!tpu.dma_semaphore, #tpu.memory_space<semaphore_mem>>) src(%dma_wait3A_326 : memref<10000x128xf32, #tpu.memory_space<hbm>>) dst(%arg14 : memref<80x128xf32, #tpu.memory_space<vmem>>)
      %dma_wait3A_327 = arith.constant 0 : i32
      %dma_wait3A_328 = arith.constant 0 : i32
      %dma_wait3A_329 = tpu.memref_slice %arg2[%dma_wait3A_327, %dma_wait3A_328] : memref<10000x128xf32, #tpu.memory_space<hbm>> -> memref<10000x128xf32, #tpu.memory_space<hbm>>
      tpu.wait_indirect_dma semaphore(%arg24 : memref<!tpu.dma_semaphore, #tpu.memory_space<semaphore_mem>>) src(%dma_wait3A_329 : memref<10000x128xf32, #tpu.memory_space<hbm>>) dst(%arg16 : memref<80x128xf32, #tpu.memory_space<vmem>>)
      %dma_wait3A_330 = arith.constant 0 : i32
      %dma_wait3A_331 = arith.constant 0 : i32
      %dma_wait3A_332 = tpu.memref_slice %arg3[%dma_wait3A_330, %dma_wait3A_331] : memref<10000x128xf32, #tpu.memory_space<hbm>> -> memref<10000x128xf32, #tpu.memory_space<hbm>>
      tpu.wait_indirect_dma semaphore(%arg24 : memref<!tpu.dma_semaphore, #tpu.memory_space<semaphore_mem>>) src(%dma_wait3A_332 : memref<10000x128xf32, #tpu.memory_space<hbm>>) dst(%arg18 : memref<80x128xf32, #tpu.memory_space<vmem>>)
      %dma_wait3A_333 = arith.constant 0 : i32
      %dma_wait3A_334 = arith.constant 0 : i32
      %dma_wait3A_335 = tpu.memref_slice %arg3[%dma_wait3A_333, %dma_wait3A_334] : memref<10000x128xf32, #tpu.memory_space<hbm>> -> memref<10000x128xf32, #tpu.memory_space<hbm>>
      tpu.wait_indirect_dma semaphore(%arg24 : memref<!tpu.dma_semaphore, #tpu.memory_space<semaphore_mem>>) src(%dma_wait3A_335 : memref<10000x128xf32, #tpu.memory_space<hbm>>) dst(%arg20 : memref<80x128xf32, #tpu.memory_space<vmem>>)
      %add3A_336 = arith.constant 2 : i32
      %add3A_337 = arith.addi %add3A_285, %add3A_336 : i32
      %min3A_338 = arith.constant 59 : i32
      %min3A_339 = arith.minsi %add3A_337, %min3A_338 : i32
      %add3A_340 = arith.constant 0 : i32
      %add3A_341 = arith.addi %add3A_340, %mul3A_2 : i32
      %mul3A_342 = arith.constant 80 : i32
      %mul3A_343 = arith.muli %min3A_339, %mul3A_342 : i32
      %add3A_344 = arith.addi %add3A_341, %mul3A_343 : i32
      %dma_start3A_345 = tpu.memref_slice %arg4[%add3A_344] : memref<320000xi32, #tpu.memory_space<hbm>> -> memref<80xi32, #tpu.memory_space<hbm>>
      %dma_start3A_346 = tpu.memref_slice %arg4[%add3A_344] : memref<320000xi32, #tpu.memory_space<hbm>> -> memref<80xi32, #tpu.memory_space<hbm>>
      tpu.enqueue_dma source(%dma_start3A_346 : memref<80xi32, #tpu.memory_space<hbm>>) target(%arg10 : memref<80xi32, #tpu.memory_space<vmem>>) target_semaphore(%arg22 : memref<!tpu.dma_semaphore, #tpu.memory_space<semaphore_mem>>)
      %dma_start3A_347 = tpu.memref_slice %arg5[%add3A_344] : memref<320000xi32, #tpu.memory_space<hbm>> -> memref<80xi32, #tpu.memory_space<hbm>>
      %dma_start3A_348 = tpu.memref_slice %arg5[%add3A_344] : memref<320000xi32, #tpu.memory_space<hbm>> -> memref<80xi32, #tpu.memory_space<hbm>>
      tpu.enqueue_dma source(%dma_start3A_348 : memref<80xi32, #tpu.memory_space<hbm>>) target(%arg12 : memref<80xi32, #tpu.memory_space<vmem>>) target_semaphore(%arg22 : memref<!tpu.dma_semaphore, #tpu.memory_space<semaphore_mem>>)
      %scan3A_349 = arith.constant 0 : i32
      %scan3A_350 = arith.constant 0 : i32
      %scan3A_351 = arith.constant 80 : i32
      %scan3A_352 = arith.addi %scan3A_350, %scan3A_351 : i32
      %scan3A_353 = arith.constant 1 : i32
      scf.for %scan3A_370 = %scan3A_350 to %scan3A_352 step %scan3A_353  : i32 {
        %get3A = arith.index_cast %scan3A_370 : i32 to index
        %get3A_371 = arith.constant 0 : index
        %get3A_372 = tpu.vector_load %arg18[%get3A, %get3A_371] {strides = array<i32>} : memref<80x128xf32, #tpu.memory_space<vmem>>, vector<1x16xf32>,
        %get3A_373 = vector.shape_cast %get3A_372 : vector<1x16xf32> to vector<16xf32>
        %get3A_374 = arith.index_cast %scan3A_370 : i32 to index
        %get3A_375 = arith.constant 0 : index
        %get3A_376 = tpu.vector_load %arg20[%get3A_374, %get3A_375] {strides = array<i32>} : memref<80x128xf32, #tpu.memory_space<vmem>>, vector<1x16xf32>,
        %get3A_377 = vector.shape_cast %get3A_376 : vector<1x16xf32> to vector<16xf32>
        %sub3A = arith.subf %get3A_373, %get3A_377 : vector<16xf32>
        %swap3A = arith.index_cast %scan3A_370 : i32 to index
        %swap3A_378 = arith.constant 0 : index
        %swap3A_379 = tpu.vector_load %arg18[%swap3A, %swap3A_378] {strides = array<i32>} : memref<80x128xf32, #tpu.memory_space<vmem>>, vector<1x16xf32>,
        %swap3A_380 = vector.shape_cast %swap3A_379 : vector<1x16xf32> to vector<16xf32>
        %swap3A_381 = vector.shape_cast %sub3A : vector<16xf32> to vector<1x16xf32>
        tpu.vector_store %arg18[%swap3A, %swap3A_378], %swap3A_381 {strides = array<i32>} : memref<80x128xf32, #tpu.memory_space<vmem>>, vector<1x16xf32>,
      }
      %scan3A_354 = arith.constant 80 : i32
      %mul3A_355 = arith.constant 80 : i32
      %mul3A_356 = arith.muli %add3A_285, %mul3A_355 : i32
      %add3A_357 = arith.addi %mul3A_2, %mul3A_356 : i32
      %dma_start3A_358 = arith.constant 0 : i32
      %dma_start3A_359 = tpu.memref_slice %arg6[%add3A_357, %dma_start3A_358] : memref<153600x128xf32, #tpu.memory_space<hbm>> -> memref<80x128xf32, #tpu.memory_space<hbm>>
      %dma_start3A_360 = arith.constant 0 : i32
      %dma_start3A_361 = tpu.memref_slice %arg6[%add3A_357, %dma_start3A_360] : memref<153600x128xf32, #tpu.memory_space<hbm>> -> memref<80x128xf32, #tpu.memory_space<hbm>>
      tpu.enqueue_dma source(%arg14 : memref<80x128xf32, #tpu.memory_space<vmem>>) target(%dma_start3A_361 : memref<80x128xf32, #tpu.memory_space<hbm>>) target_semaphore(%arg26 : memref<!tpu.dma_semaphore, #tpu.memory_space<semaphore_mem>>)
      %dma_start3A_362 = arith.constant 0 : i32
      %dma_start3A_363 = tpu.memref_slice %arg7[%add3A_357, %dma_start3A_362] : memref<153600x128xf32, #tpu.memory_space<hbm>> -> memref<80x128xf32, #tpu.memory_space<hbm>>
      %dma_start3A_364 = arith.constant 0 : i32
      %dma_start3A_365 = tpu.memref_slice %arg7[%add3A_357, %dma_start3A_364] : memref<153600x128xf32, #tpu.memory_space<hbm>> -> memref<80x128xf32, #tpu.memory_space<hbm>>
      tpu.enqueue_dma source(%arg16 : memref<80x128xf32, #tpu.memory_space<vmem>>) target(%dma_start3A_365 : memref<80x128xf32, #tpu.memory_space<hbm>>) target_semaphore(%arg26 : memref<!tpu.dma_semaphore, #tpu.memory_space<semaphore_mem>>)
      %dma_start3A_366 = arith.constant 0 : i32
      %dma_start3A_367 = tpu.memref_slice %arg8[%add3A_357, %dma_start3A_366] : memref<153600x128xf32, #tpu.memory_space<hbm>> -> memref<80x128xf32, #tpu.memory_space<hbm>>
      %dma_start3A_368 = arith.constant 0 : i32
      %dma_start3A_369 = tpu.memref_slice %arg8[%add3A_357, %dma_start3A_368] : memref<153600x128xf32, #tpu.memory_space<hbm>> -> memref<80x128xf32, #tpu.memory_space<hbm>>
      tpu.enqueue_dma source(%arg18 : memref<80x128xf32, #tpu.memory_space<vmem>>) target(%dma_start3A_369 : memref<80x128xf32, #tpu.memory_space<hbm>>) target_semaphore(%arg26 : memref<!tpu.dma_semaphore, #tpu.memory_space<semaphore_mem>>)
    }
    %scan3A_141 = arith.constant 29 : i32
    %dma_wait3A_142 = arith.constant 0 : i32
    %dma_wait3A_143 = tpu.memref_slice %arg4[%dma_wait3A_142] : memref<320000xi32, #tpu.memory_space<hbm>> -> memref<80xi32, #tpu.memory_space<hbm>>
    %dma_wait3A_144 = arith.constant 0 : i32
    %dma_wait3A_145 = tpu.memref_slice %arg4[%dma_wait3A_144] : memref<320000xi32, #tpu.memory_space<hbm>> -> memref<80xi32, #tpu.memory_space<hbm>>
    tpu.wait_dma2 semaphore(%arg21 : memref<!tpu.dma_semaphore, #tpu.memory_space<semaphore_mem>>) src(%dma_wait3A_145 : memref<80xi32, #tpu.memory_space<hbm>>) dst(%arg9 : memref<80xi32, #tpu.memory_space<vmem>>)
    %dma_wait3A_146 = arith.constant 0 : i32
    %dma_wait3A_147 = tpu.memref_slice %arg5[%dma_wait3A_146] : memref<320000xi32, #tpu.memory_space<hbm>> -> memref<80xi32, #tpu.memory_space<hbm>>
    %dma_wait3A_148 = arith.constant 0 : i32
    %dma_wait3A_149 = tpu.memref_slice %arg5[%dma_wait3A_148] : memref<320000xi32, #tpu.memory_space<hbm>> -> memref<80xi32, #tpu.memory_space<hbm>>
    tpu.wait_dma2 semaphore(%arg21 : memref<!tpu.dma_semaphore, #tpu.memory_space<semaphore_mem>>) src(%dma_wait3A_149 : memref<80xi32, #tpu.memory_space<hbm>>) dst(%arg11 : memref<80xi32, #tpu.memory_space<vmem>>)
    %dma_wait3A_150 = arith.constant 0 : i32
    %dma_wait3A_151 = tpu.memref_slice %arg4[%dma_wait3A_150] : memref<320000xi32, #tpu.memory_space<hbm>> -> memref<80xi32, #tpu.memory_space<hbm>>
    %dma_wait3A_152 = arith.constant 0 : i32
    %dma_wait3A_153 = tpu.memref_slice %arg4[%dma_wait3A_152] : memref<320000xi32, #tpu.memory_space<hbm>> -> memref<80xi32, #tpu.memory_space<hbm>>
    tpu.wait_dma2 semaphore(%arg22 : memref<!tpu.dma_semaphore, #tpu.memory_space<semaphore_mem>>) src(%dma_wait3A_153 : memref<80xi32, #tpu.memory_space<hbm>>) dst(%arg10 : memref<80xi32, #tpu.memory_space<vmem>>)
    %dma_wait3A_154 = arith.constant 0 : i32
    %dma_wait3A_155 = tpu.memref_slice %arg5[%dma_wait3A_154] : memref<320000xi32, #tpu.memory_space<hbm>> -> memref<80xi32, #tpu.memory_space<hbm>>
    %dma_wait3A_156 = arith.constant 0 : i32
    %dma_wait3A_157 = tpu.memref_slice %arg5[%dma_wait3A_156] : memref<320000xi32, #tpu.memory_space<hbm>> -> memref<80xi32, #tpu.memory_space<hbm>>
    tpu.wait_dma2 semaphore(%arg22 : memref<!tpu.dma_semaphore, #tpu.memory_space<semaphore_mem>>) src(%dma_wait3A_157 : memref<80xi32, #tpu.memory_space<hbm>>) dst(%arg12 : memref<80xi32, #tpu.memory_space<vmem>>)
    %dma_wait3A_158 = arith.constant 0 : i32
    %dma_wait3A_159 = arith.constant 0 : i32
    %dma_wait3A_160 = tpu.memref_slice %arg6[%dma_wait3A_158, %dma_wait3A_159] : memref<153600x128xf32, #tpu.memory_space<hbm>> -> memref<80x128xf32, #tpu.memory_space<hbm>>
    %dma_wait3A_161 = arith.constant 0 : i32
    %dma_wait3A_162 = arith.constant 0 : i32
    %dma_wait3A_163 = tpu.memref_slice %arg6[%dma_wait3A_161, %dma_wait3A_162] : memref<153600x128xf32, #tpu.memory_space<hbm>> -> memref<80x128xf32, #tpu.memory_space<hbm>>
    tpu.wait_dma2 semaphore(%arg25 : memref<!tpu.dma_semaphore, #tpu.memory_space<semaphore_mem>>) src(%arg13 : memref<80x128xf32, #tpu.memory_space<vmem>>) dst(%dma_wait3A_163 : memref<80x128xf32, #tpu.memory_space<hbm>>)
    %dma_wait3A_164 = arith.constant 0 : i32
    %dma_wait3A_165 = arith.constant 0 : i32
    %dma_wait3A_166 = tpu.memref_slice %arg7[%dma_wait3A_164, %dma_wait3A_165] : memref<153600x128xf32, #tpu.memory_space<hbm>> -> memref<80x128xf32, #tpu.memory_space<hbm>>
    %dma_wait3A_167 = arith.constant 0 : i32
    %dma_wait3A_168 = arith.constant 0 : i32
    %dma_wait3A_169 = tpu.memref_slice %arg7[%dma_wait3A_167, %dma_wait3A_168] : memref<153600x128xf32, #tpu.memory_space<hbm>> -> memref<80x128xf32, #tpu.memory_space<hbm>>
    tpu.wait_dma2 semaphore(%arg25 : memref<!tpu.dma_semaphore, #tpu.memory_space<semaphore_mem>>) src(%arg15 : memref<80x128xf32, #tpu.memory_space<vmem>>) dst(%dma_wait3A_169 : memref<80x128xf32, #tpu.memory_space<hbm>>)
    %dma_wait3A_170 = arith.constant 0 : i32
    %dma_wait3A_171 = arith.constant 0 : i32
    %dma_wait3A_172 = tpu.memref_slice %arg8[%dma_wait3A_170, %dma_wait3A_171] : memref<153600x128xf32, #tpu.memory_space<hbm>> -> memref<80x128xf32, #tpu.memory_space<hbm>>
    %dma_wait3A_173 = arith.constant 0 : i32
    %dma_wait3A_174 = arith.constant 0 : i32
    %dma_wait3A_175 = tpu.memref_slice %arg8[%dma_wait3A_173, %dma_wait3A_174] : memref<153600x128xf32, #tpu.memory_space<hbm>> -> memref<80x128xf32, #tpu.memory_space<hbm>>
    tpu.wait_dma2 semaphore(%arg25 : memref<!tpu.dma_semaphore, #tpu.memory_space<semaphore_mem>>) src(%arg17 : memref<80x128xf32, #tpu.memory_space<vmem>>) dst(%dma_wait3A_175 : memref<80x128xf32, #tpu.memory_space<hbm>>)
    %dma_wait3A_176 = arith.constant 0 : i32
    %dma_wait3A_177 = arith.constant 0 : i32
    %dma_wait3A_178 = tpu.memref_slice %arg6[%dma_wait3A_176, %dma_wait3A_177] : memref<153600x128xf32, #tpu.memory_space<hbm>> -> memref<80x128xf32, #tpu.memory_space<hbm>>
    %dma_wait3A_179 = arith.constant 0 : i32
    %dma_wait3A_180 = arith.constant 0 : i32
    %dma_wait3A_181 = tpu.memref_slice %arg6[%dma_wait3A_179, %dma_wait3A_180] : memref<153600x128xf32, #tpu.memory_space<hbm>> -> memref<80x128xf32, #tpu.memory_space<hbm>>
    tpu.wait_dma2 semaphore(%arg26 : memref<!tpu.dma_semaphore, #tpu.memory_space<semaphore_mem>>) src(%arg14 : memref<80x128xf32, #tpu.memory_space<vmem>>) dst(%dma_wait3A_181 : memref<80x128xf32, #tpu.memory_space<hbm>>)
    %dma_wait3A_182 = arith.constant 0 : i32
    %dma_wait3A_183 = arith.constant 0 : i32
    %dma_wait3A_184 = tpu.memref_slice %arg7[%dma_wait3A_182, %dma_wait3A_183] : memref<153600x128xf32, #tpu.memory_space<hbm>> -> memref<80x128xf32, #tpu.memory_space<hbm>>
    %dma_wait3A_185 = arith.constant 0 : i32
    %dma_wait3A_186 = arith.constant 0 : i32
    %dma_wait3A_187 = tpu.memref_slice %arg7[%dma_wait3A_185, %dma_wait3A_186] : memref<153600x128xf32, #tpu.memory_space<hbm>> -> memref<80x128xf32, #tpu.memory_space<hbm>>
    tpu.wait_dma2 semaphore(%arg26 : memref<!tpu.dma_semaphore, #tpu.memory_space<semaphore_mem>>) src(%arg16 : memref<80x128xf32, #tpu.memory_space<vmem>>) dst(%dma_wait3A_187 : memref<80x128xf32, #tpu.memory_space<hbm>>)
    %dma_wait3A_188 = arith.constant 0 : i32
    %dma_wait3A_189 = arith.constant 0 : i32
    %dma_wait3A_190 = tpu.memref_slice %arg8[%dma_wait3A_188, %dma_wait3A_189] : memref<153600x128xf32, #tpu.memory_space<hbm>> -> memref<80x128xf32, #tpu.memory_space<hbm>>
    %dma_wait3A_191 = arith.constant 0 : i32
    %dma_wait3A_192 = arith.constant 0 : i32
    %dma_wait3A_193 = tpu.memref_slice %arg8[%dma_wait3A_191, %dma_wait3A_192] : memref<153600x128xf32, #tpu.memory_space<hbm>> -> memref<80x128xf32, #tpu.memory_space<hbm>>
    tpu.wait_dma2 semaphore(%arg26 : memref<!tpu.dma_semaphore, #tpu.memory_space<semaphore_mem>>) src(%arg18 : memref<80x128xf32, #tpu.memory_space<vmem>>) dst(%dma_wait3A_193 : memref<80x128xf32, #tpu.memory_space<hbm>>)
    return
  }
}

#map = affine_map<(d0, d1) -> (0, 0)>
#map1 = affine_map<(d0, d1) -> (0)>
module attributes {stable_mosaic.version = 14 : i64} {
  func.func @gather_k(%arg0: i32, %arg1: i32, %arg2: memref<10000x128xf32, #tpu.memory_space<hbm>>, %arg3: memref<10000x128xf32, #tpu.memory_space<hbm>>, %arg4: memref<320000xi32, #tpu.memory_space<hbm>>, %arg5: memref<320000xi32, #tpu.memory_space<hbm>>, %arg6: memref<166400x128xf32, #tpu.memory_space<hbm>>, %arg7: memref<166400x128xf32, #tpu.memory_space<hbm>>, %arg8: memref<166400x128xf32, #tpu.memory_space<hbm>>, %arg9: memref<80xi32, #tpu.memory_space<vmem>>, %arg10: memref<80xi32, #tpu.memory_space<vmem>>, %arg11: memref<80xi32, #tpu.memory_space<vmem>>, %arg12: memref<80xi32, #tpu.memory_space<vmem>>, %arg13: memref<80x128xf32, #tpu.memory_space<vmem>>, %arg14: memref<80x128xf32, #tpu.memory_space<vmem>>, %arg15: memref<80x128xf32, #tpu.memory_space<vmem>>, %arg16: memref<80x128xf32, #tpu.memory_space<vmem>>, %arg17: memref<80x128xf32, #tpu.memory_space<vmem>>, %arg18: memref<80x128xf32, #tpu.memory_space<vmem>>, %arg19: memref<80x128xf32, #tpu.memory_space<vmem>>, %arg20: memref<80x128xf32, #tpu.memory_space<vmem>>, %arg21: memref<!tpu.dma_semaphore, #tpu.memory_space<semaphore_mem>>, %arg22: memref<!tpu.dma_semaphore, #tpu.memory_space<semaphore_mem>>, %arg23: memref<!tpu.dma_semaphore, #tpu.memory_space<semaphore_mem>>, %arg24: memref<!tpu.dma_semaphore, #tpu.memory_space<semaphore_mem>>, %arg25: memref<!tpu.dma_semaphore, #tpu.memory_space<semaphore_mem>>, %arg26: memref<!tpu.dma_semaphore, #tpu.memory_space<semaphore_mem>>) attributes {dimension_semantics = [#tpu.dimension_semantics<core_parallel>, #tpu.dimension_semantics<subcore_parallel>], iteration_bounds = array<i64: 2, 16>, scalar_prefetch = 0 : i64, scratch_operands = 18 : i64, tpu.core_type = #tpu.core_type<sc_vector_subcore>, window_params = [{transform_indices = #map}, {transform_indices = #map}, {transform_indices = #map1}, {transform_indices = #map1}, {transform_indices = #map}, {transform_indices = #map}, {transform_indices = #map}]} {
    %mul3A = arith.constant 2 : i32
    %mul3A_0 = arith.muli %arg1, %mul3A : i32
    %add3A = arith.addi %mul3A_0, %arg0 : i32
    %mul3A_1 = arith.constant 5200 : i32
    %mul3A_2 = arith.muli %add3A, %mul3A_1 : i32
    %add3A_3 = arith.constant 153600 : i32
    %add3A_4 = arith.addi %add3A_3, %mul3A_2 : i32
    %add3A_5 = arith.constant 0 : i32
    %add3A_6 = arith.addi %add3A_4, %add3A_5 : i32
    %dma_start3A = tpu.memref_slice %arg4[%add3A_6] : memref<320000xi32, #tpu.memory_space<hbm>> -> memref<80xi32, #tpu.memory_space<hbm>>
    %dma_start3A_7 = tpu.memref_slice %arg4[%add3A_6] : memref<320000xi32, #tpu.memory_space<hbm>> -> memref<80xi32, #tpu.memory_space<hbm>>
    tpu.enqueue_dma source(%dma_start3A_7 : memref<80xi32, #tpu.memory_space<hbm>>) target(%arg9 : memref<80xi32, #tpu.memory_space<vmem>>) target_semaphore(%arg21 : memref<!tpu.dma_semaphore, #tpu.memory_space<semaphore_mem>>)
    %dma_start3A_8 = tpu.memref_slice %arg5[%add3A_6] : memref<320000xi32, #tpu.memory_space<hbm>> -> memref<80xi32, #tpu.memory_space<hbm>>
    %dma_start3A_9 = tpu.memref_slice %arg5[%add3A_6] : memref<320000xi32, #tpu.memory_space<hbm>> -> memref<80xi32, #tpu.memory_space<hbm>>
    tpu.enqueue_dma source(%dma_start3A_9 : memref<80xi32, #tpu.memory_space<hbm>>) target(%arg11 : memref<80xi32, #tpu.memory_space<vmem>>) target_semaphore(%arg21 : memref<!tpu.dma_semaphore, #tpu.memory_space<semaphore_mem>>)
    %dma_wait3A = arith.constant 0 : i32
    %dma_wait3A_10 = tpu.memref_slice %arg4[%dma_wait3A] : memref<320000xi32, #tpu.memory_space<hbm>> -> memref<80xi32, #tpu.memory_space<hbm>>
    %dma_wait3A_11 = arith.constant 0 : i32
    %dma_wait3A_12 = tpu.memref_slice %arg4[%dma_wait3A_11] : memref<320000xi32, #tpu.memory_space<hbm>> -> memref<80xi32, #tpu.memory_space<hbm>>
    tpu.wait_dma2 semaphore(%arg21 : memref<!tpu.dma_semaphore, #tpu.memory_space<semaphore_mem>>) src(%dma_wait3A_12 : memref<80xi32, #tpu.memory_space<hbm>>) dst(%arg9 : memref<80xi32, #tpu.memory_space<vmem>>)
    %dma_wait3A_13 = arith.constant 0 : i32
    %dma_wait3A_14 = tpu.memref_slice %arg5[%dma_wait3A_13] : memref<320000xi32, #tpu.memory_space<hbm>> -> memref<80xi32, #tpu.memory_space<hbm>>
    %dma_wait3A_15 = arith.constant 0 : i32
    %dma_wait3A_16 = tpu.memref_slice %arg5[%dma_wait3A_15] : memref<320000xi32, #tpu.memory_space<hbm>> -> memref<80xi32, #tpu.memory_space<hbm>>
    tpu.wait_dma2 semaphore(%arg21 : memref<!tpu.dma_semaphore, #tpu.memory_space<semaphore_mem>>) src(%dma_wait3A_16 : memref<80xi32, #tpu.memory_space<hbm>>) dst(%arg11 : memref<80xi32, #tpu.memory_space<vmem>>)
    %dma_start3A_17 = arith.constant 0 : i32
    %dma_start3A_18 = arith.constant 0 : i32
    %dma_start3A_19 = tpu.memref_slice %arg2[%dma_start3A_17, %dma_start3A_18] : memref<10000x128xf32, #tpu.memory_space<hbm>> -> memref<10000x128xf32, #tpu.memory_space<hbm>>
    tpu.enqueue_indirect_dma source(%dma_start3A_19 : memref<10000x128xf32, #tpu.memory_space<hbm>>) target(%arg13 : memref<80x128xf32, #tpu.memory_space<vmem>>) offsets(%arg9 : memref<80xi32, #tpu.memory_space<vmem>>) semaphore(%arg23 : memref<!tpu.dma_semaphore, #tpu.memory_space<semaphore_mem>>)
    %dma_start3A_20 = arith.constant 0 : i32
    %dma_start3A_21 = arith.constant 0 : i32
    %dma_start3A_22 = tpu.memref_slice %arg2[%dma_start3A_20, %dma_start3A_21] : memref<10000x128xf32, #tpu.memory_space<hbm>> -> memref<10000x128xf32, #tpu.memory_space<hbm>>
    tpu.enqueue_indirect_dma source(%dma_start3A_22 : memref<10000x128xf32, #tpu.memory_space<hbm>>) target(%arg15 : memref<80x128xf32, #tpu.memory_space<vmem>>) offsets(%arg11 : memref<80xi32, #tpu.memory_space<vmem>>) semaphore(%arg23 : memref<!tpu.dma_semaphore, #tpu.memory_space<semaphore_mem>>)
    %dma_start3A_23 = arith.constant 0 : i32
    %dma_start3A_24 = arith.constant 0 : i32
    %dma_start3A_25 = tpu.memref_slice %arg3[%dma_start3A_23, %dma_start3A_24] : memref<10000x128xf32, #tpu.memory_space<hbm>> -> memref<10000x128xf32, #tpu.memory_space<hbm>>
    tpu.enqueue_indirect_dma source(%dma_start3A_25 : memref<10000x128xf32, #tpu.memory_space<hbm>>) target(%arg17 : memref<80x128xf32, #tpu.memory_space<vmem>>) offsets(%arg9 : memref<80xi32, #tpu.memory_space<vmem>>) semaphore(%arg23 : memref<!tpu.dma_semaphore, #tpu.memory_space<semaphore_mem>>)
    %dma_start3A_26 = arith.constant 0 : i32
    %dma_start3A_27 = arith.constant 0 : i32
    %dma_start3A_28 = tpu.memref_slice %arg3[%dma_start3A_26, %dma_start3A_27] : memref<10000x128xf32, #tpu.memory_space<hbm>> -> memref<10000x128xf32, #tpu.memory_space<hbm>>
    tpu.enqueue_indirect_dma source(%dma_start3A_28 : memref<10000x128xf32, #tpu.memory_space<hbm>>) target(%arg19 : memref<80x128xf32, #tpu.memory_space<vmem>>) offsets(%arg11 : memref<80xi32, #tpu.memory_space<vmem>>) semaphore(%arg23 : memref<!tpu.dma_semaphore, #tpu.memory_space<semaphore_mem>>)
    %add3A_29 = arith.constant 153600 : i32
    %add3A_30 = arith.addi %add3A_29, %mul3A_2 : i32
    %add3A_31 = arith.constant 80 : i32
    %add3A_32 = arith.addi %add3A_30, %add3A_31 : i32
    %dma_start3A_33 = tpu.memref_slice %arg4[%add3A_32] : memref<320000xi32, #tpu.memory_space<hbm>> -> memref<80xi32, #tpu.memory_space<hbm>>
    %dma_start3A_34 = tpu.memref_slice %arg4[%add3A_32] : memref<320000xi32, #tpu.memory_space<hbm>> -> memref<80xi32, #tpu.memory_space<hbm>>
    tpu.enqueue_dma source(%dma_start3A_34 : memref<80xi32, #tpu.memory_space<hbm>>) target(%arg10 : memref<80xi32, #tpu.memory_space<vmem>>) target_semaphore(%arg22 : memref<!tpu.dma_semaphore, #tpu.memory_space<semaphore_mem>>)
    %dma_start3A_35 = tpu.memref_slice %arg5[%add3A_32] : memref<320000xi32, #tpu.memory_space<hbm>> -> memref<80xi32, #tpu.memory_space<hbm>>
    %dma_start3A_36 = tpu.memref_slice %arg5[%add3A_32] : memref<320000xi32, #tpu.memory_space<hbm>> -> memref<80xi32, #tpu.memory_space<hbm>>
    tpu.enqueue_dma source(%dma_start3A_36 : memref<80xi32, #tpu.memory_space<hbm>>) target(%arg12 : memref<80xi32, #tpu.memory_space<vmem>>) target_semaphore(%arg22 : memref<!tpu.dma_semaphore, #tpu.memory_space<semaphore_mem>>)
    %dma_wait3A_37 = arith.constant 0 : i32
    %dma_wait3A_38 = arith.constant 0 : i32
    %dma_wait3A_39 = tpu.memref_slice %arg2[%dma_wait3A_37, %dma_wait3A_38] : memref<10000x128xf32, #tpu.memory_space<hbm>> -> memref<10000x128xf32, #tpu.memory_space<hbm>>
    tpu.wait_indirect_dma semaphore(%arg23 : memref<!tpu.dma_semaphore, #tpu.memory_space<semaphore_mem>>) src(%dma_wait3A_39 : memref<10000x128xf32, #tpu.memory_space<hbm>>) dst(%arg13 : memref<80x128xf32, #tpu.memory_space<vmem>>)
    %dma_wait3A_40 = arith.constant 0 : i32
    %dma_wait3A_41 = arith.constant 0 : i32
    %dma_wait3A_42 = tpu.memref_slice %arg2[%dma_wait3A_40, %dma_wait3A_41] : memref<10000x128xf32, #tpu.memory_space<hbm>> -> memref<10000x128xf32, #tpu.memory_space<hbm>>
    tpu.wait_indirect_dma semaphore(%arg23 : memref<!tpu.dma_semaphore, #tpu.memory_space<semaphore_mem>>) src(%dma_wait3A_42 : memref<10000x128xf32, #tpu.memory_space<hbm>>) dst(%arg15 : memref<80x128xf32, #tpu.memory_space<vmem>>)
    %dma_wait3A_43 = arith.constant 0 : i32
    %dma_wait3A_44 = arith.constant 0 : i32
    %dma_wait3A_45 = tpu.memref_slice %arg3[%dma_wait3A_43, %dma_wait3A_44] : memref<10000x128xf32, #tpu.memory_space<hbm>> -> memref<10000x128xf32, #tpu.memory_space<hbm>>
    tpu.wait_indirect_dma semaphore(%arg23 : memref<!tpu.dma_semaphore, #tpu.memory_space<semaphore_mem>>) src(%dma_wait3A_45 : memref<10000x128xf32, #tpu.memory_space<hbm>>) dst(%arg17 : memref<80x128xf32, #tpu.memory_space<vmem>>)
    %dma_wait3A_46 = arith.constant 0 : i32
    %dma_wait3A_47 = arith.constant 0 : i32
    %dma_wait3A_48 = tpu.memref_slice %arg3[%dma_wait3A_46, %dma_wait3A_47] : memref<10000x128xf32, #tpu.memory_space<hbm>> -> memref<10000x128xf32, #tpu.memory_space<hbm>>
    tpu.wait_indirect_dma semaphore(%arg23 : memref<!tpu.dma_semaphore, #tpu.memory_space<semaphore_mem>>) src(%dma_wait3A_48 : memref<10000x128xf32, #tpu.memory_space<hbm>>) dst(%arg19 : memref<80x128xf32, #tpu.memory_space<vmem>>)
    %add3A_49 = arith.constant 153600 : i32
    %add3A_50 = arith.addi %add3A_49, %mul3A_2 : i32
    %add3A_51 = arith.constant 160 : i32
    %add3A_52 = arith.addi %add3A_50, %add3A_51 : i32
    %dma_start3A_53 = tpu.memref_slice %arg4[%add3A_52] : memref<320000xi32, #tpu.memory_space<hbm>> -> memref<80xi32, #tpu.memory_space<hbm>>
    %dma_start3A_54 = tpu.memref_slice %arg4[%add3A_52] : memref<320000xi32, #tpu.memory_space<hbm>> -> memref<80xi32, #tpu.memory_space<hbm>>
    tpu.enqueue_dma source(%dma_start3A_54 : memref<80xi32, #tpu.memory_space<hbm>>) target(%arg9 : memref<80xi32, #tpu.memory_space<vmem>>) target_semaphore(%arg21 : memref<!tpu.dma_semaphore, #tpu.memory_space<semaphore_mem>>)
    %dma_start3A_55 = tpu.memref_slice %arg5[%add3A_52] : memref<320000xi32, #tpu.memory_space<hbm>> -> memref<80xi32, #tpu.memory_space<hbm>>
    %dma_start3A_56 = tpu.memref_slice %arg5[%add3A_52] : memref<320000xi32, #tpu.memory_space<hbm>> -> memref<80xi32, #tpu.memory_space<hbm>>
    tpu.enqueue_dma source(%dma_start3A_56 : memref<80xi32, #tpu.memory_space<hbm>>) target(%arg11 : memref<80xi32, #tpu.memory_space<vmem>>) target_semaphore(%arg21 : memref<!tpu.dma_semaphore, #tpu.memory_space<semaphore_mem>>)
    %scan3A = arith.constant 0 : i32
    %scan3A_57 = arith.constant 0 : i32
    %scan3A_58 = arith.constant 80 : i32
    %scan3A_59 = arith.addi %scan3A_57, %scan3A_58 : i32
    %scan3A_60 = arith.constant 1 : i32
    scf.for %scan3A_256 = %scan3A_57 to %scan3A_59 step %scan3A_60  : i32 {
      %get3A = arith.index_cast %scan3A_256 : i32 to index
      %get3A_257 = arith.constant 0 : index
      %get3A_258 = tpu.vector_load %arg17[%get3A, %get3A_257] {strides = array<i32>} : memref<80x128xf32, #tpu.memory_space<vmem>>, vector<1x16xf32>,
      %get3A_259 = vector.shape_cast %get3A_258 : vector<1x16xf32> to vector<16xf32>
      %get3A_260 = arith.index_cast %scan3A_256 : i32 to index
      %get3A_261 = arith.constant 0 : index
      %get3A_262 = tpu.vector_load %arg19[%get3A_260, %get3A_261] {strides = array<i32>} : memref<80x128xf32, #tpu.memory_space<vmem>>, vector<1x16xf32>,
      %get3A_263 = vector.shape_cast %get3A_262 : vector<1x16xf32> to vector<16xf32>
      %sub3A = arith.subf %get3A_259, %get3A_263 : vector<16xf32>
      %swap3A = arith.index_cast %scan3A_256 : i32 to index
      %swap3A_264 = arith.constant 0 : index
      %swap3A_265 = tpu.vector_load %arg17[%swap3A, %swap3A_264] {strides = array<i32>} : memref<80x128xf32, #tpu.memory_space<vmem>>, vector<1x16xf32>,
      %swap3A_266 = vector.shape_cast %swap3A_265 : vector<1x16xf32> to vector<16xf32>
      %swap3A_267 = vector.shape_cast %sub3A : vector<16xf32> to vector<1x16xf32>
      tpu.vector_store %arg17[%swap3A, %swap3A_264], %swap3A_267 {strides = array<i32>} : memref<80x128xf32, #tpu.memory_space<vmem>>, vector<1x16xf32>,
    }
    %scan3A_61 = arith.constant 80 : i32
    %add3A_62 = arith.constant 0 : i32
    %add3A_63 = arith.addi %mul3A_2, %add3A_62 : i32
    %dma_start3A_64 = arith.constant 0 : i32
    %dma_start3A_65 = tpu.memref_slice %arg6[%add3A_63, %dma_start3A_64] : memref<166400x128xf32, #tpu.memory_space<hbm>> -> memref<80x128xf32, #tpu.memory_space<hbm>>
    %dma_start3A_66 = arith.constant 0 : i32
    %dma_start3A_67 = tpu.memref_slice %arg6[%add3A_63, %dma_start3A_66] : memref<166400x128xf32, #tpu.memory_space<hbm>> -> memref<80x128xf32, #tpu.memory_space<hbm>>
    tpu.enqueue_dma source(%arg13 : memref<80x128xf32, #tpu.memory_space<vmem>>) target(%dma_start3A_67 : memref<80x128xf32, #tpu.memory_space<hbm>>) target_semaphore(%arg25 : memref<!tpu.dma_semaphore, #tpu.memory_space<semaphore_mem>>)
    %dma_start3A_68 = arith.constant 0 : i32
    %dma_start3A_69 = tpu.memref_slice %arg7[%add3A_63, %dma_start3A_68] : memref<166400x128xf32, #tpu.memory_space<hbm>> -> memref<80x128xf32, #tpu.memory_space<hbm>>
    %dma_start3A_70 = arith.constant 0 : i32
    %dma_start3A_71 = tpu.memref_slice %arg7[%add3A_63, %dma_start3A_70] : memref<166400x128xf32, #tpu.memory_space<hbm>> -> memref<80x128xf32, #tpu.memory_space<hbm>>
    tpu.enqueue_dma source(%arg15 : memref<80x128xf32, #tpu.memory_space<vmem>>) target(%dma_start3A_71 : memref<80x128xf32, #tpu.memory_space<hbm>>) target_semaphore(%arg25 : memref<!tpu.dma_semaphore, #tpu.memory_space<semaphore_mem>>)
    %dma_start3A_72 = arith.constant 0 : i32
    %dma_start3A_73 = tpu.memref_slice %arg8[%add3A_63, %dma_start3A_72] : memref<166400x128xf32, #tpu.memory_space<hbm>> -> memref<80x128xf32, #tpu.memory_space<hbm>>
    %dma_start3A_74 = arith.constant 0 : i32
    %dma_start3A_75 = tpu.memref_slice %arg8[%add3A_63, %dma_start3A_74] : memref<166400x128xf32, #tpu.memory_space<hbm>> -> memref<80x128xf32, #tpu.memory_space<hbm>>
    tpu.enqueue_dma source(%arg17 : memref<80x128xf32, #tpu.memory_space<vmem>>) target(%dma_start3A_75 : memref<80x128xf32, #tpu.memory_space<hbm>>) target_semaphore(%arg25 : memref<!tpu.dma_semaphore, #tpu.memory_space<semaphore_mem>>)
    %dma_wait3A_76 = arith.constant 0 : i32
    %dma_wait3A_77 = tpu.memref_slice %arg4[%dma_wait3A_76] : memref<320000xi32, #tpu.memory_space<hbm>> -> memref<80xi32, #tpu.memory_space<hbm>>
    %dma_wait3A_78 = arith.constant 0 : i32
    %dma_wait3A_79 = tpu.memref_slice %arg4[%dma_wait3A_78] : memref<320000xi32, #tpu.memory_space<hbm>> -> memref<80xi32, #tpu.memory_space<hbm>>
    tpu.wait_dma2 semaphore(%arg22 : memref<!tpu.dma_semaphore, #tpu.memory_space<semaphore_mem>>) src(%dma_wait3A_79 : memref<80xi32, #tpu.memory_space<hbm>>) dst(%arg10 : memref<80xi32, #tpu.memory_space<vmem>>)
    %dma_wait3A_80 = arith.constant 0 : i32
    %dma_wait3A_81 = tpu.memref_slice %arg5[%dma_wait3A_80] : memref<320000xi32, #tpu.memory_space<hbm>> -> memref<80xi32, #tpu.memory_space<hbm>>
    %dma_wait3A_82 = arith.constant 0 : i32
    %dma_wait3A_83 = tpu.memref_slice %arg5[%dma_wait3A_82] : memref<320000xi32, #tpu.memory_space<hbm>> -> memref<80xi32, #tpu.memory_space<hbm>>
    tpu.wait_dma2 semaphore(%arg22 : memref<!tpu.dma_semaphore, #tpu.memory_space<semaphore_mem>>) src(%dma_wait3A_83 : memref<80xi32, #tpu.memory_space<hbm>>) dst(%arg12 : memref<80xi32, #tpu.memory_space<vmem>>)
    %dma_start3A_84 = arith.constant 0 : i32
    %dma_start3A_85 = arith.constant 0 : i32
    %dma_start3A_86 = tpu.memref_slice %arg2[%dma_start3A_84, %dma_start3A_85] : memref<10000x128xf32, #tpu.memory_space<hbm>> -> memref<10000x128xf32, #tpu.memory_space<hbm>>
    tpu.enqueue_indirect_dma source(%dma_start3A_86 : memref<10000x128xf32, #tpu.memory_space<hbm>>) target(%arg14 : memref<80x128xf32, #tpu.memory_space<vmem>>) offsets(%arg10 : memref<80xi32, #tpu.memory_space<vmem>>) semaphore(%arg24 : memref<!tpu.dma_semaphore, #tpu.memory_space<semaphore_mem>>)
    %dma_start3A_87 = arith.constant 0 : i32
    %dma_start3A_88 = arith.constant 0 : i32
    %dma_start3A_89 = tpu.memref_slice %arg2[%dma_start3A_87, %dma_start3A_88] : memref<10000x128xf32, #tpu.memory_space<hbm>> -> memref<10000x128xf32, #tpu.memory_space<hbm>>
    tpu.enqueue_indirect_dma source(%dma_start3A_89 : memref<10000x128xf32, #tpu.memory_space<hbm>>) target(%arg16 : memref<80x128xf32, #tpu.memory_space<vmem>>) offsets(%arg12 : memref<80xi32, #tpu.memory_space<vmem>>) semaphore(%arg24 : memref<!tpu.dma_semaphore, #tpu.memory_space<semaphore_mem>>)
    %dma_start3A_90 = arith.constant 0 : i32
    %dma_start3A_91 = arith.constant 0 : i32
    %dma_start3A_92 = tpu.memref_slice %arg3[%dma_start3A_90, %dma_start3A_91] : memref<10000x128xf32, #tpu.memory_space<hbm>> -> memref<10000x128xf32, #tpu.memory_space<hbm>>
    tpu.enqueue_indirect_dma source(%dma_start3A_92 : memref<10000x128xf32, #tpu.memory_space<hbm>>) target(%arg18 : memref<80x128xf32, #tpu.memory_space<vmem>>) offsets(%arg10 : memref<80xi32, #tpu.memory_space<vmem>>) semaphore(%arg24 : memref<!tpu.dma_semaphore, #tpu.memory_space<semaphore_mem>>)
    %dma_start3A_93 = arith.constant 0 : i32
    %dma_start3A_94 = arith.constant 0 : i32
    %dma_start3A_95 = tpu.memref_slice %arg3[%dma_start3A_93, %dma_start3A_94] : memref<10000x128xf32, #tpu.memory_space<hbm>> -> memref<10000x128xf32, #tpu.memory_space<hbm>>
    tpu.enqueue_indirect_dma source(%dma_start3A_95 : memref<10000x128xf32, #tpu.memory_space<hbm>>) target(%arg20 : memref<80x128xf32, #tpu.memory_space<vmem>>) offsets(%arg12 : memref<80xi32, #tpu.memory_space<vmem>>) semaphore(%arg24 : memref<!tpu.dma_semaphore, #tpu.memory_space<semaphore_mem>>)
    %dma_wait3A_96 = arith.constant 0 : i32
    %dma_wait3A_97 = arith.constant 0 : i32
    %dma_wait3A_98 = tpu.memref_slice %arg2[%dma_wait3A_96, %dma_wait3A_97] : memref<10000x128xf32, #tpu.memory_space<hbm>> -> memref<10000x128xf32, #tpu.memory_space<hbm>>
    tpu.wait_indirect_dma semaphore(%arg24 : memref<!tpu.dma_semaphore, #tpu.memory_space<semaphore_mem>>) src(%dma_wait3A_98 : memref<10000x128xf32, #tpu.memory_space<hbm>>) dst(%arg14 : memref<80x128xf32, #tpu.memory_space<vmem>>)
    %dma_wait3A_99 = arith.constant 0 : i32
    %dma_wait3A_100 = arith.constant 0 : i32
    %dma_wait3A_101 = tpu.memref_slice %arg2[%dma_wait3A_99, %dma_wait3A_100] : memref<10000x128xf32, #tpu.memory_space<hbm>> -> memref<10000x128xf32, #tpu.memory_space<hbm>>
    tpu.wait_indirect_dma semaphore(%arg24 : memref<!tpu.dma_semaphore, #tpu.memory_space<semaphore_mem>>) src(%dma_wait3A_101 : memref<10000x128xf32, #tpu.memory_space<hbm>>) dst(%arg16 : memref<80x128xf32, #tpu.memory_space<vmem>>)
    %dma_wait3A_102 = arith.constant 0 : i32
    %dma_wait3A_103 = arith.constant 0 : i32
    %dma_wait3A_104 = tpu.memref_slice %arg3[%dma_wait3A_102, %dma_wait3A_103] : memref<10000x128xf32, #tpu.memory_space<hbm>> -> memref<10000x128xf32, #tpu.memory_space<hbm>>
    tpu.wait_indirect_dma semaphore(%arg24 : memref<!tpu.dma_semaphore, #tpu.memory_space<semaphore_mem>>) src(%dma_wait3A_104 : memref<10000x128xf32, #tpu.memory_space<hbm>>) dst(%arg18 : memref<80x128xf32, #tpu.memory_space<vmem>>)
    %dma_wait3A_105 = arith.constant 0 : i32
    %dma_wait3A_106 = arith.constant 0 : i32
    %dma_wait3A_107 = tpu.memref_slice %arg3[%dma_wait3A_105, %dma_wait3A_106] : memref<10000x128xf32, #tpu.memory_space<hbm>> -> memref<10000x128xf32, #tpu.memory_space<hbm>>
    tpu.wait_indirect_dma semaphore(%arg24 : memref<!tpu.dma_semaphore, #tpu.memory_space<semaphore_mem>>) src(%dma_wait3A_107 : memref<10000x128xf32, #tpu.memory_space<hbm>>) dst(%arg20 : memref<80x128xf32, #tpu.memory_space<vmem>>)
    %add3A_108 = arith.constant 153600 : i32
    %add3A_109 = arith.addi %add3A_108, %mul3A_2 : i32
    %add3A_110 = arith.constant 240 : i32
    %add3A_111 = arith.addi %add3A_109, %add3A_110 : i32
    %dma_start3A_112 = tpu.memref_slice %arg4[%add3A_111] : memref<320000xi32, #tpu.memory_space<hbm>> -> memref<80xi32, #tpu.memory_space<hbm>>
    %dma_start3A_113 = tpu.memref_slice %arg4[%add3A_111] : memref<320000xi32, #tpu.memory_space<hbm>> -> memref<80xi32, #tpu.memory_space<hbm>>
    tpu.enqueue_dma source(%dma_start3A_113 : memref<80xi32, #tpu.memory_space<hbm>>) target(%arg10 : memref<80xi32, #tpu.memory_space<vmem>>) target_semaphore(%arg22 : memref<!tpu.dma_semaphore, #tpu.memory_space<semaphore_mem>>)
    %dma_start3A_114 = tpu.memref_slice %arg5[%add3A_111] : memref<320000xi32, #tpu.memory_space<hbm>> -> memref<80xi32, #tpu.memory_space<hbm>>
    %dma_start3A_115 = tpu.memref_slice %arg5[%add3A_111] : memref<320000xi32, #tpu.memory_space<hbm>> -> memref<80xi32, #tpu.memory_space<hbm>>
    tpu.enqueue_dma source(%dma_start3A_115 : memref<80xi32, #tpu.memory_space<hbm>>) target(%arg12 : memref<80xi32, #tpu.memory_space<vmem>>) target_semaphore(%arg22 : memref<!tpu.dma_semaphore, #tpu.memory_space<semaphore_mem>>)
    %scan3A_116 = arith.constant 0 : i32
    %scan3A_117 = arith.constant 0 : i32
    %scan3A_118 = arith.constant 80 : i32
    %scan3A_119 = arith.addi %scan3A_117, %scan3A_118 : i32
    %scan3A_120 = arith.constant 1 : i32
    scf.for %scan3A_256 = %scan3A_117 to %scan3A_119 step %scan3A_120  : i32 {
      %get3A = arith.index_cast %scan3A_256 : i32 to index
      %get3A_257 = arith.constant 0 : index
      %get3A_258 = tpu.vector_load %arg18[%get3A, %get3A_257] {strides = array<i32>} : memref<80x128xf32, #tpu.memory_space<vmem>>, vector<1x16xf32>,
      %get3A_259 = vector.shape_cast %get3A_258 : vector<1x16xf32> to vector<16xf32>
      %get3A_260 = arith.index_cast %scan3A_256 : i32 to index
      %get3A_261 = arith.constant 0 : index
      %get3A_262 = tpu.vector_load %arg20[%get3A_260, %get3A_261] {strides = array<i32>} : memref<80x128xf32, #tpu.memory_space<vmem>>, vector<1x16xf32>,
      %get3A_263 = vector.shape_cast %get3A_262 : vector<1x16xf32> to vector<16xf32>
      %sub3A = arith.subf %get3A_259, %get3A_263 : vector<16xf32>
      %swap3A = arith.index_cast %scan3A_256 : i32 to index
      %swap3A_264 = arith.constant 0 : index
      %swap3A_265 = tpu.vector_load %arg18[%swap3A, %swap3A_264] {strides = array<i32>} : memref<80x128xf32, #tpu.memory_space<vmem>>, vector<1x16xf32>,
      %swap3A_266 = vector.shape_cast %swap3A_265 : vector<1x16xf32> to vector<16xf32>
      %swap3A_267 = vector.shape_cast %sub3A : vector<16xf32> to vector<1x16xf32>
      tpu.vector_store %arg18[%swap3A, %swap3A_264], %swap3A_267 {strides = array<i32>} : memref<80x128xf32, #tpu.memory_space<vmem>>, vector<1x16xf32>,
    }
    %scan3A_121 = arith.constant 80 : i32
    %add3A_122 = arith.constant 80 : i32
    %add3A_123 = arith.addi %mul3A_2, %add3A_122 : i32
    %dma_start3A_124 = arith.constant 0 : i32
    %dma_start3A_125 = tpu.memref_slice %arg6[%add3A_123, %dma_start3A_124] : memref<166400x128xf32, #tpu.memory_space<hbm>> -> memref<80x128xf32, #tpu.memory_space<hbm>>
    %dma_start3A_126 = arith.constant 0 : i32
    %dma_start3A_127 = tpu.memref_slice %arg6[%add3A_123, %dma_start3A_126] : memref<166400x128xf32, #tpu.memory_space<hbm>> -> memref<80x128xf32, #tpu.memory_space<hbm>>
    tpu.enqueue_dma source(%arg14 : memref<80x128xf32, #tpu.memory_space<vmem>>) target(%dma_start3A_127 : memref<80x128xf32, #tpu.memory_space<hbm>>) target_semaphore(%arg26 : memref<!tpu.dma_semaphore, #tpu.memory_space<semaphore_mem>>)
    %dma_start3A_128 = arith.constant 0 : i32
    %dma_start3A_129 = tpu.memref_slice %arg7[%add3A_123, %dma_start3A_128] : memref<166400x128xf32, #tpu.memory_space<hbm>> -> memref<80x128xf32, #tpu.memory_space<hbm>>
    %dma_start3A_130 = arith.constant 0 : i32
    %dma_start3A_131 = tpu.memref_slice %arg7[%add3A_123, %dma_start3A_130] : memref<166400x128xf32, #tpu.memory_space<hbm>> -> memref<80x128xf32, #tpu.memory_space<hbm>>
    tpu.enqueue_dma source(%arg16 : memref<80x128xf32, #tpu.memory_space<vmem>>) target(%dma_start3A_131 : memref<80x128xf32, #tpu.memory_space<hbm>>) target_semaphore(%arg26 : memref<!tpu.dma_semaphore, #tpu.memory_space<semaphore_mem>>)
    %dma_start3A_132 = arith.constant 0 : i32
    %dma_start3A_133 = tpu.memref_slice %arg8[%add3A_123, %dma_start3A_132] : memref<166400x128xf32, #tpu.memory_space<hbm>> -> memref<80x128xf32, #tpu.memory_space<hbm>>
    %dma_start3A_134 = arith.constant 0 : i32
    %dma_start3A_135 = tpu.memref_slice %arg8[%add3A_123, %dma_start3A_134] : memref<166400x128xf32, #tpu.memory_space<hbm>> -> memref<80x128xf32, #tpu.memory_space<hbm>>
    tpu.enqueue_dma source(%arg18 : memref<80x128xf32, #tpu.memory_space<vmem>>) target(%dma_start3A_135 : memref<80x128xf32, #tpu.memory_space<hbm>>) target_semaphore(%arg26 : memref<!tpu.dma_semaphore, #tpu.memory_space<semaphore_mem>>)
    %scan3A_136 = arith.constant 0 : i32
    %scan3A_137 = arith.constant 1 : i32
    %scan3A_138 = arith.constant 31 : i32
    %scan3A_139 = arith.addi %scan3A_137, %scan3A_138 : i32
    %scan3A_140 = arith.constant 1 : i32
    scf.for %scan3A_256 = %scan3A_137 to %scan3A_139 step %scan3A_140  : i32 {
      %mul3A_257 = arith.constant 2 : i32
      %mul3A_258 = arith.muli %mul3A_257, %scan3A_256 : i32
      %add3A_259 = arith.constant 0 : i32
      %add3A_260 = arith.addi %mul3A_258, %add3A_259 : i32
      %dma_wait3A_261 = arith.constant 0 : i32
      %dma_wait3A_262 = tpu.memref_slice %arg4[%dma_wait3A_261] : memref<320000xi32, #tpu.memory_space<hbm>> -> memref<80xi32, #tpu.memory_space<hbm>>
      %dma_wait3A_263 = arith.constant 0 : i32
      %dma_wait3A_264 = tpu.memref_slice %arg4[%dma_wait3A_263] : memref<320000xi32, #tpu.memory_space<hbm>> -> memref<80xi32, #tpu.memory_space<hbm>>
      tpu.wait_dma2 semaphore(%arg21 : memref<!tpu.dma_semaphore, #tpu.memory_space<semaphore_mem>>) src(%dma_wait3A_264 : memref<80xi32, #tpu.memory_space<hbm>>) dst(%arg9 : memref<80xi32, #tpu.memory_space<vmem>>)
      %dma_wait3A_265 = arith.constant 0 : i32
      %dma_wait3A_266 = tpu.memref_slice %arg5[%dma_wait3A_265] : memref<320000xi32, #tpu.memory_space<hbm>> -> memref<80xi32, #tpu.memory_space<hbm>>
      %dma_wait3A_267 = arith.constant 0 : i32
      %dma_wait3A_268 = tpu.memref_slice %arg5[%dma_wait3A_267] : memref<320000xi32, #tpu.memory_space<hbm>> -> memref<80xi32, #tpu.memory_space<hbm>>
      tpu.wait_dma2 semaphore(%arg21 : memref<!tpu.dma_semaphore, #tpu.memory_space<semaphore_mem>>) src(%dma_wait3A_268 : memref<80xi32, #tpu.memory_space<hbm>>) dst(%arg11 : memref<80xi32, #tpu.memory_space<vmem>>)
      %dma_wait3A_269 = arith.constant 0 : i32
      %dma_wait3A_270 = arith.constant 0 : i32
      %dma_wait3A_271 = tpu.memref_slice %arg6[%dma_wait3A_269, %dma_wait3A_270] : memref<166400x128xf32, #tpu.memory_space<hbm>> -> memref<80x128xf32, #tpu.memory_space<hbm>>
      %dma_wait3A_272 = arith.constant 0 : i32
      %dma_wait3A_273 = arith.constant 0 : i32
      %dma_wait3A_274 = tpu.memref_slice %arg6[%dma_wait3A_272, %dma_wait3A_273] : memref<166400x128xf32, #tpu.memory_space<hbm>> -> memref<80x128xf32, #tpu.memory_space<hbm>>
      tpu.wait_dma2 semaphore(%arg25 : memref<!tpu.dma_semaphore, #tpu.memory_space<semaphore_mem>>) src(%arg13 : memref<80x128xf32, #tpu.memory_space<vmem>>) dst(%dma_wait3A_274 : memref<80x128xf32, #tpu.memory_space<hbm>>)
      %dma_wait3A_275 = arith.constant 0 : i32
      %dma_wait3A_276 = arith.constant 0 : i32
      %dma_wait3A_277 = tpu.memref_slice %arg7[%dma_wait3A_275, %dma_wait3A_276] : memref<166400x128xf32, #tpu.memory_space<hbm>> -> memref<80x128xf32, #tpu.memory_space<hbm>>
      %dma_wait3A_278 = arith.constant 0 : i32
      %dma_wait3A_279 = arith.constant 0 : i32
      %dma_wait3A_280 = tpu.memref_slice %arg7[%dma_wait3A_278, %dma_wait3A_279] : memref<166400x128xf32, #tpu.memory_space<hbm>> -> memref<80x128xf32, #tpu.memory_space<hbm>>
      tpu.wait_dma2 semaphore(%arg25 : memref<!tpu.dma_semaphore, #tpu.memory_space<semaphore_mem>>) src(%arg15 : memref<80x128xf32, #tpu.memory_space<vmem>>) dst(%dma_wait3A_280 : memref<80x128xf32, #tpu.memory_space<hbm>>)
      %dma_wait3A_281 = arith.constant 0 : i32
      %dma_wait3A_282 = arith.constant 0 : i32
      %dma_wait3A_283 = tpu.memref_slice %arg8[%dma_wait3A_281, %dma_wait3A_282] : memref<166400x128xf32, #tpu.memory_space<hbm>> -> memref<80x128xf32, #tpu.memory_space<hbm>>
      %dma_wait3A_284 = arith.constant 0 : i32
      %dma_wait3A_285 = arith.constant 0 : i32
      %dma_wait3A_286 = tpu.memref_slice %arg8[%dma_wait3A_284, %dma_wait3A_285] : memref<166400x128xf32, #tpu.memory_space<hbm>> -> memref<80x128xf32, #tpu.memory_space<hbm>>
      tpu.wait_dma2 semaphore(%arg25 : memref<!tpu.dma_semaphore, #tpu.memory_space<semaphore_mem>>) src(%arg17 : memref<80x128xf32, #tpu.memory_space<vmem>>) dst(%dma_wait3A_286 : memref<80x128xf32, #tpu.memory_space<hbm>>)
      %dma_start3A_287 = arith.constant 0 : i32
      %dma_start3A_288 = arith.constant 0 : i32
      %dma_start3A_289 = tpu.memref_slice %arg2[%dma_start3A_287, %dma_start3A_288] : memref<10000x128xf32, #tpu.memory_space<hbm>> -> memref<10000x128xf32, #tpu.memory_space<hbm>>
      tpu.enqueue_indirect_dma source(%dma_start3A_289 : memref<10000x128xf32, #tpu.memory_space<hbm>>) target(%arg13 : memref<80x128xf32, #tpu.memory_space<vmem>>) offsets(%arg9 : memref<80xi32, #tpu.memory_space<vmem>>) semaphore(%arg23 : memref<!tpu.dma_semaphore, #tpu.memory_space<semaphore_mem>>)
      %dma_start3A_290 = arith.constant 0 : i32
      %dma_start3A_291 = arith.constant 0 : i32
      %dma_start3A_292 = tpu.memref_slice %arg2[%dma_start3A_290, %dma_start3A_291] : memref<10000x128xf32, #tpu.memory_space<hbm>> -> memref<10000x128xf32, #tpu.memory_space<hbm>>
      tpu.enqueue_indirect_dma source(%dma_start3A_292 : memref<10000x128xf32, #tpu.memory_space<hbm>>) target(%arg15 : memref<80x128xf32, #tpu.memory_space<vmem>>) offsets(%arg11 : memref<80xi32, #tpu.memory_space<vmem>>) semaphore(%arg23 : memref<!tpu.dma_semaphore, #tpu.memory_space<semaphore_mem>>)
      %dma_start3A_293 = arith.constant 0 : i32
      %dma_start3A_294 = arith.constant 0 : i32
      %dma_start3A_295 = tpu.memref_slice %arg3[%dma_start3A_293, %dma_start3A_294] : memref<10000x128xf32, #tpu.memory_space<hbm>> -> memref<10000x128xf32, #tpu.memory_space<hbm>>
      tpu.enqueue_indirect_dma source(%dma_start3A_295 : memref<10000x128xf32, #tpu.memory_space<hbm>>) target(%arg17 : memref<80x128xf32, #tpu.memory_space<vmem>>) offsets(%arg9 : memref<80xi32, #tpu.memory_space<vmem>>) semaphore(%arg23 : memref<!tpu.dma_semaphore, #tpu.memory_space<semaphore_mem>>)
      %dma_start3A_296 = arith.constant 0 : i32
      %dma_start3A_297 = arith.constant 0 : i32
      %dma_start3A_298 = tpu.memref_slice %arg3[%dma_start3A_296, %dma_start3A_297] : memref<10000x128xf32, #tpu.memory_space<hbm>> -> memref<10000x128xf32, #tpu.memory_space<hbm>>
      tpu.enqueue_indirect_dma source(%dma_start3A_298 : memref<10000x128xf32, #tpu.memory_space<hbm>>) target(%arg19 : memref<80x128xf32, #tpu.memory_space<vmem>>) offsets(%arg11 : memref<80xi32, #tpu.memory_space<vmem>>) semaphore(%arg23 : memref<!tpu.dma_semaphore, #tpu.memory_space<semaphore_mem>>)
      %dma_wait3A_299 = arith.constant 0 : i32
      %dma_wait3A_300 = arith.constant 0 : i32
      %dma_wait3A_301 = tpu.memref_slice %arg2[%dma_wait3A_299, %dma_wait3A_300] : memref<10000x128xf32, #tpu.memory_space<hbm>> -> memref<10000x128xf32, #tpu.memory_space<hbm>>
      tpu.wait_indirect_dma semaphore(%arg23 : memref<!tpu.dma_semaphore, #tpu.memory_space<semaphore_mem>>) src(%dma_wait3A_301 : memref<10000x128xf32, #tpu.memory_space<hbm>>) dst(%arg13 : memref<80x128xf32, #tpu.memory_space<vmem>>)
      %dma_wait3A_302 = arith.constant 0 : i32
      %dma_wait3A_303 = arith.constant 0 : i32
      %dma_wait3A_304 = tpu.memref_slice %arg2[%dma_wait3A_302, %dma_wait3A_303] : memref<10000x128xf32, #tpu.memory_space<hbm>> -> memref<10000x128xf32, #tpu.memory_space<hbm>>
      tpu.wait_indirect_dma semaphore(%arg23 : memref<!tpu.dma_semaphore, #tpu.memory_space<semaphore_mem>>) src(%dma_wait3A_304 : memref<10000x128xf32, #tpu.memory_space<hbm>>) dst(%arg15 : memref<80x128xf32, #tpu.memory_space<vmem>>)
      %dma_wait3A_305 = arith.constant 0 : i32
      %dma_wait3A_306 = arith.constant 0 : i32
      %dma_wait3A_307 = tpu.memref_slice %arg3[%dma_wait3A_305, %dma_wait3A_306] : memref<10000x128xf32, #tpu.memory_space<hbm>> -> memref<10000x128xf32, #tpu.memory_space<hbm>>
      tpu.wait_indirect_dma semaphore(%arg23 : memref<!tpu.dma_semaphore, #tpu.memory_space<semaphore_mem>>) src(%dma_wait3A_307 : memref<10000x128xf32, #tpu.memory_space<hbm>>) dst(%arg17 : memref<80x128xf32, #tpu.memory_space<vmem>>)
      %dma_wait3A_308 = arith.constant 0 : i32
      %dma_wait3A_309 = arith.constant 0 : i32
      %dma_wait3A_310 = tpu.memref_slice %arg3[%dma_wait3A_308, %dma_wait3A_309] : memref<10000x128xf32, #tpu.memory_space<hbm>> -> memref<10000x128xf32, #tpu.memory_space<hbm>>
      tpu.wait_indirect_dma semaphore(%arg23 : memref<!tpu.dma_semaphore, #tpu.memory_space<semaphore_mem>>) src(%dma_wait3A_310 : memref<10000x128xf32, #tpu.memory_space<hbm>>) dst(%arg19 : memref<80x128xf32, #tpu.memory_space<vmem>>)
      %add3A_311 = arith.constant 2 : i32
      %add3A_312 = arith.addi %add3A_260, %add3A_311 : i32
      %min3A = arith.constant 64 : i32
      %min3A_313 = arith.minsi %add3A_312, %min3A : i32
      %add3A_314 = arith.constant 153600 : i32
      %add3A_315 = arith.addi %add3A_314, %mul3A_2 : i32
      %mul3A_316 = arith.constant 80 : i32
      %mul3A_317 = arith.muli %min3A_313, %mul3A_316 : i32
      %add3A_318 = arith.addi %add3A_315, %mul3A_317 : i32
      %dma_start3A_319 = tpu.memref_slice %arg4[%add3A_318] : memref<320000xi32, #tpu.memory_space<hbm>> -> memref<80xi32, #tpu.memory_space<hbm>>
      %dma_start3A_320 = tpu.memref_slice %arg4[%add3A_318] : memref<320000xi32, #tpu.memory_space<hbm>> -> memref<80xi32, #tpu.memory_space<hbm>>
      tpu.enqueue_dma source(%dma_start3A_320 : memref<80xi32, #tpu.memory_space<hbm>>) target(%arg9 : memref<80xi32, #tpu.memory_space<vmem>>) target_semaphore(%arg21 : memref<!tpu.dma_semaphore, #tpu.memory_space<semaphore_mem>>)
      %dma_start3A_321 = tpu.memref_slice %arg5[%add3A_318] : memref<320000xi32, #tpu.memory_space<hbm>> -> memref<80xi32, #tpu.memory_space<hbm>>
      %dma_start3A_322 = tpu.memref_slice %arg5[%add3A_318] : memref<320000xi32, #tpu.memory_space<hbm>> -> memref<80xi32, #tpu.memory_space<hbm>>
      tpu.enqueue_dma source(%dma_start3A_322 : memref<80xi32, #tpu.memory_space<hbm>>) target(%arg11 : memref<80xi32, #tpu.memory_space<vmem>>) target_semaphore(%arg21 : memref<!tpu.dma_semaphore, #tpu.memory_space<semaphore_mem>>)
      %scan3A_323 = arith.constant 0 : i32
      %scan3A_324 = arith.constant 0 : i32
      %scan3A_325 = arith.constant 80 : i32
      %scan3A_326 = arith.addi %scan3A_324, %scan3A_325 : i32
      %scan3A_327 = arith.constant 1 : i32
      scf.for %scan3A_432 = %scan3A_324 to %scan3A_326 step %scan3A_327  : i32 {
        %get3A = arith.index_cast %scan3A_432 : i32 to index
        %get3A_433 = arith.constant 0 : index
        %get3A_434 = tpu.vector_load %arg17[%get3A, %get3A_433] {strides = array<i32>} : memref<80x128xf32, #tpu.memory_space<vmem>>, vector<1x16xf32>,
        %get3A_435 = vector.shape_cast %get3A_434 : vector<1x16xf32> to vector<16xf32>
        %get3A_436 = arith.index_cast %scan3A_432 : i32 to index
        %get3A_437 = arith.constant 0 : index
        %get3A_438 = tpu.vector_load %arg19[%get3A_436, %get3A_437] {strides = array<i32>} : memref<80x128xf32, #tpu.memory_space<vmem>>, vector<1x16xf32>,
        %get3A_439 = vector.shape_cast %get3A_438 : vector<1x16xf32> to vector<16xf32>
        %sub3A = arith.subf %get3A_435, %get3A_439 : vector<16xf32>
        %swap3A = arith.index_cast %scan3A_432 : i32 to index
        %swap3A_440 = arith.constant 0 : index
        %swap3A_441 = tpu.vector_load %arg17[%swap3A, %swap3A_440] {strides = array<i32>} : memref<80x128xf32, #tpu.memory_space<vmem>>, vector<1x16xf32>,
        %swap3A_442 = vector.shape_cast %swap3A_441 : vector<1x16xf32> to vector<16xf32>
        %swap3A_443 = vector.shape_cast %sub3A : vector<16xf32> to vector<1x16xf32>
        tpu.vector_store %arg17[%swap3A, %swap3A_440], %swap3A_443 {strides = array<i32>} : memref<80x128xf32, #tpu.memory_space<vmem>>, vector<1x16xf32>,
      }
      %scan3A_328 = arith.constant 80 : i32
      %mul3A_329 = arith.constant 80 : i32
      %mul3A_330 = arith.muli %add3A_260, %mul3A_329 : i32
      %add3A_331 = arith.addi %mul3A_2, %mul3A_330 : i32
      %dma_start3A_332 = arith.constant 0 : i32
      %dma_start3A_333 = tpu.memref_slice %arg6[%add3A_331, %dma_start3A_332] : memref<166400x128xf32, #tpu.memory_space<hbm>> -> memref<80x128xf32, #tpu.memory_space<hbm>>
      %dma_start3A_334 = arith.constant 0 : i32
      %dma_start3A_335 = tpu.memref_slice %arg6[%add3A_331, %dma_start3A_334] : memref<166400x128xf32, #tpu.memory_space<hbm>> -> memref<80x128xf32, #tpu.memory_space<hbm>>
      tpu.enqueue_dma source(%arg13 : memref<80x128xf32, #tpu.memory_space<vmem>>) target(%dma_start3A_335 : memref<80x128xf32, #tpu.memory_space<hbm>>) target_semaphore(%arg25 : memref<!tpu.dma_semaphore, #tpu.memory_space<semaphore_mem>>)
      %dma_start3A_336 = arith.constant 0 : i32
      %dma_start3A_337 = tpu.memref_slice %arg7[%add3A_331, %dma_start3A_336] : memref<166400x128xf32, #tpu.memory_space<hbm>> -> memref<80x128xf32, #tpu.memory_space<hbm>>
      %dma_start3A_338 = arith.constant 0 : i32
      %dma_start3A_339 = tpu.memref_slice %arg7[%add3A_331, %dma_start3A_338] : memref<166400x128xf32, #tpu.memory_space<hbm>> -> memref<80x128xf32, #tpu.memory_space<hbm>>
      tpu.enqueue_dma source(%arg15 : memref<80x128xf32, #tpu.memory_space<vmem>>) target(%dma_start3A_339 : memref<80x128xf32, #tpu.memory_space<hbm>>) target_semaphore(%arg25 : memref<!tpu.dma_semaphore, #tpu.memory_space<semaphore_mem>>)
      %dma_start3A_340 = arith.constant 0 : i32
      %dma_start3A_341 = tpu.memref_slice %arg8[%add3A_331, %dma_start3A_340] : memref<166400x128xf32, #tpu.memory_space<hbm>> -> memref<80x128xf32, #tpu.memory_space<hbm>>
      %dma_start3A_342 = arith.constant 0 : i32
      %dma_start3A_343 = tpu.memref_slice %arg8[%add3A_331, %dma_start3A_342] : memref<166400x128xf32, #tpu.memory_space<hbm>> -> memref<80x128xf32, #tpu.memory_space<hbm>>
      tpu.enqueue_dma source(%arg17 : memref<80x128xf32, #tpu.memory_space<vmem>>) target(%dma_start3A_343 : memref<80x128xf32, #tpu.memory_space<hbm>>) target_semaphore(%arg25 : memref<!tpu.dma_semaphore, #tpu.memory_space<semaphore_mem>>)
      %mul3A_344 = arith.constant 2 : i32
      %mul3A_345 = arith.muli %mul3A_344, %scan3A_256 : i32
      %add3A_346 = arith.constant 1 : i32
      %add3A_347 = arith.addi %mul3A_345, %add3A_346 : i32
      %dma_wait3A_348 = arith.constant 0 : i32
      %dma_wait3A_349 = tpu.memref_slice %arg4[%dma_wait3A_348] : memref<320000xi32, #tpu.memory_space<hbm>> -> memref<80xi32, #tpu.memory_space<hbm>>
      %dma_wait3A_350 = arith.constant 0 : i32
      %dma_wait3A_351 = tpu.memref_slice %arg4[%dma_wait3A_350] : memref<320000xi32, #tpu.memory_space<hbm>> -> memref<80xi32, #tpu.memory_space<hbm>>
      tpu.wait_dma2 semaphore(%arg22 : memref<!tpu.dma_semaphore, #tpu.memory_space<semaphore_mem>>) src(%dma_wait3A_351 : memref<80xi32, #tpu.memory_space<hbm>>) dst(%arg10 : memref<80xi32, #tpu.memory_space<vmem>>)
      %dma_wait3A_352 = arith.constant 0 : i32
      %dma_wait3A_353 = tpu.memref_slice %arg5[%dma_wait3A_352] : memref<320000xi32, #tpu.memory_space<hbm>> -> memref<80xi32, #tpu.memory_space<hbm>>
      %dma_wait3A_354 = arith.constant 0 : i32
      %dma_wait3A_355 = tpu.memref_slice %arg5[%dma_wait3A_354] : memref<320000xi32, #tpu.memory_space<hbm>> -> memref<80xi32, #tpu.memory_space<hbm>>
      tpu.wait_dma2 semaphore(%arg22 : memref<!tpu.dma_semaphore, #tpu.memory_space<semaphore_mem>>) src(%dma_wait3A_355 : memref<80xi32, #tpu.memory_space<hbm>>) dst(%arg12 : memref<80xi32, #tpu.memory_space<vmem>>)
      %dma_wait3A_356 = arith.constant 0 : i32
      %dma_wait3A_357 = arith.constant 0 : i32
      %dma_wait3A_358 = tpu.memref_slice %arg6[%dma_wait3A_356, %dma_wait3A_357] : memref<166400x128xf32, #tpu.memory_space<hbm>> -> memref<80x128xf32, #tpu.memory_space<hbm>>
      %dma_wait3A_359 = arith.constant 0 : i32
      %dma_wait3A_360 = arith.constant 0 : i32
      %dma_wait3A_361 = tpu.memref_slice %arg6[%dma_wait3A_359, %dma_wait3A_360] : memref<166400x128xf32, #tpu.memory_space<hbm>> -> memref<80x128xf32, #tpu.memory_space<hbm>>
      tpu.wait_dma2 semaphore(%arg26 : memref<!tpu.dma_semaphore, #tpu.memory_space<semaphore_mem>>) src(%arg14 : memref<80x128xf32, #tpu.memory_space<vmem>>) dst(%dma_wait3A_361 : memref<80x128xf32, #tpu.memory_space<hbm>>)
      %dma_wait3A_362 = arith.constant 0 : i32
      %dma_wait3A_363 = arith.constant 0 : i32
      %dma_wait3A_364 = tpu.memref_slice %arg7[%dma_wait3A_362, %dma_wait3A_363] : memref<166400x128xf32, #tpu.memory_space<hbm>> -> memref<80x128xf32, #tpu.memory_space<hbm>>
      %dma_wait3A_365 = arith.constant 0 : i32
      %dma_wait3A_366 = arith.constant 0 : i32
      %dma_wait3A_367 = tpu.memref_slice %arg7[%dma_wait3A_365, %dma_wait3A_366] : memref<166400x128xf32, #tpu.memory_space<hbm>> -> memref<80x128xf32, #tpu.memory_space<hbm>>
      tpu.wait_dma2 semaphore(%arg26 : memref<!tpu.dma_semaphore, #tpu.memory_space<semaphore_mem>>) src(%arg16 : memref<80x128xf32, #tpu.memory_space<vmem>>) dst(%dma_wait3A_367 : memref<80x128xf32, #tpu.memory_space<hbm>>)
      %dma_wait3A_368 = arith.constant 0 : i32
      %dma_wait3A_369 = arith.constant 0 : i32
      %dma_wait3A_370 = tpu.memref_slice %arg8[%dma_wait3A_368, %dma_wait3A_369] : memref<166400x128xf32, #tpu.memory_space<hbm>> -> memref<80x128xf32, #tpu.memory_space<hbm>>
      %dma_wait3A_371 = arith.constant 0 : i32
      %dma_wait3A_372 = arith.constant 0 : i32
      %dma_wait3A_373 = tpu.memref_slice %arg8[%dma_wait3A_371, %dma_wait3A_372] : memref<166400x128xf32, #tpu.memory_space<hbm>> -> memref<80x128xf32, #tpu.memory_space<hbm>>
      tpu.wait_dma2 semaphore(%arg26 : memref<!tpu.dma_semaphore, #tpu.memory_space<semaphore_mem>>) src(%arg18 : memref<80x128xf32, #tpu.memory_space<vmem>>) dst(%dma_wait3A_373 : memref<80x128xf32, #tpu.memory_space<hbm>>)
      %dma_start3A_374 = arith.constant 0 : i32
      %dma_start3A_375 = arith.constant 0 : i32
      %dma_start3A_376 = tpu.memref_slice %arg2[%dma_start3A_374, %dma_start3A_375] : memref<10000x128xf32, #tpu.memory_space<hbm>> -> memref<10000x128xf32, #tpu.memory_space<hbm>>
      tpu.enqueue_indirect_dma source(%dma_start3A_376 : memref<10000x128xf32, #tpu.memory_space<hbm>>) target(%arg14 : memref<80x128xf32, #tpu.memory_space<vmem>>) offsets(%arg10 : memref<80xi32, #tpu.memory_space<vmem>>) semaphore(%arg24 : memref<!tpu.dma_semaphore, #tpu.memory_space<semaphore_mem>>)
      %dma_start3A_377 = arith.constant 0 : i32
      %dma_start3A_378 = arith.constant 0 : i32
      %dma_start3A_379 = tpu.memref_slice %arg2[%dma_start3A_377, %dma_start3A_378] : memref<10000x128xf32, #tpu.memory_space<hbm>> -> memref<10000x128xf32, #tpu.memory_space<hbm>>
      tpu.enqueue_indirect_dma source(%dma_start3A_379 : memref<10000x128xf32, #tpu.memory_space<hbm>>) target(%arg16 : memref<80x128xf32, #tpu.memory_space<vmem>>) offsets(%arg12 : memref<80xi32, #tpu.memory_space<vmem>>) semaphore(%arg24 : memref<!tpu.dma_semaphore, #tpu.memory_space<semaphore_mem>>)
      %dma_start3A_380 = arith.constant 0 : i32
      %dma_start3A_381 = arith.constant 0 : i32
      %dma_start3A_382 = tpu.memref_slice %arg3[%dma_start3A_380, %dma_start3A_381] : memref<10000x128xf32, #tpu.memory_space<hbm>> -> memref<10000x128xf32, #tpu.memory_space<hbm>>
      tpu.enqueue_indirect_dma source(%dma_start3A_382 : memref<10000x128xf32, #tpu.memory_space<hbm>>) target(%arg18 : memref<80x128xf32, #tpu.memory_space<vmem>>) offsets(%arg10 : memref<80xi32, #tpu.memory_space<vmem>>) semaphore(%arg24 : memref<!tpu.dma_semaphore, #tpu.memory_space<semaphore_mem>>)
      %dma_start3A_383 = arith.constant 0 : i32
      %dma_start3A_384 = arith.constant 0 : i32
      %dma_start3A_385 = tpu.memref_slice %arg3[%dma_start3A_383, %dma_start3A_384] : memref<10000x128xf32, #tpu.memory_space<hbm>> -> memref<10000x128xf32, #tpu.memory_space<hbm>>
      tpu.enqueue_indirect_dma source(%dma_start3A_385 : memref<10000x128xf32, #tpu.memory_space<hbm>>) target(%arg20 : memref<80x128xf32, #tpu.memory_space<vmem>>) offsets(%arg12 : memref<80xi32, #tpu.memory_space<vmem>>) semaphore(%arg24 : memref<!tpu.dma_semaphore, #tpu.memory_space<semaphore_mem>>)
      %dma_wait3A_386 = arith.constant 0 : i32
      %dma_wait3A_387 = arith.constant 0 : i32
      %dma_wait3A_388 = tpu.memref_slice %arg2[%dma_wait3A_386, %dma_wait3A_387] : memref<10000x128xf32, #tpu.memory_space<hbm>> -> memref<10000x128xf32, #tpu.memory_space<hbm>>
      tpu.wait_indirect_dma semaphore(%arg24 : memref<!tpu.dma_semaphore, #tpu.memory_space<semaphore_mem>>) src(%dma_wait3A_388 : memref<10000x128xf32, #tpu.memory_space<hbm>>) dst(%arg14 : memref<80x128xf32, #tpu.memory_space<vmem>>)
      %dma_wait3A_389 = arith.constant 0 : i32
      %dma_wait3A_390 = arith.constant 0 : i32
      %dma_wait3A_391 = tpu.memref_slice %arg2[%dma_wait3A_389, %dma_wait3A_390] : memref<10000x128xf32, #tpu.memory_space<hbm>> -> memref<10000x128xf32, #tpu.memory_space<hbm>>
      tpu.wait_indirect_dma semaphore(%arg24 : memref<!tpu.dma_semaphore, #tpu.memory_space<semaphore_mem>>) src(%dma_wait3A_391 : memref<10000x128xf32, #tpu.memory_space<hbm>>) dst(%arg16 : memref<80x128xf32, #tpu.memory_space<vmem>>)
      %dma_wait3A_392 = arith.constant 0 : i32
      %dma_wait3A_393 = arith.constant 0 : i32
      %dma_wait3A_394 = tpu.memref_slice %arg3[%dma_wait3A_392, %dma_wait3A_393] : memref<10000x128xf32, #tpu.memory_space<hbm>> -> memref<10000x128xf32, #tpu.memory_space<hbm>>
      tpu.wait_indirect_dma semaphore(%arg24 : memref<!tpu.dma_semaphore, #tpu.memory_space<semaphore_mem>>) src(%dma_wait3A_394 : memref<10000x128xf32, #tpu.memory_space<hbm>>) dst(%arg18 : memref<80x128xf32, #tpu.memory_space<vmem>>)
      %dma_wait3A_395 = arith.constant 0 : i32
      %dma_wait3A_396 = arith.constant 0 : i32
      %dma_wait3A_397 = tpu.memref_slice %arg3[%dma_wait3A_395, %dma_wait3A_396] : memref<10000x128xf32, #tpu.memory_space<hbm>> -> memref<10000x128xf32, #tpu.memory_space<hbm>>
      tpu.wait_indirect_dma semaphore(%arg24 : memref<!tpu.dma_semaphore, #tpu.memory_space<semaphore_mem>>) src(%dma_wait3A_397 : memref<10000x128xf32, #tpu.memory_space<hbm>>) dst(%arg20 : memref<80x128xf32, #tpu.memory_space<vmem>>)
      %add3A_398 = arith.constant 2 : i32
      %add3A_399 = arith.addi %add3A_347, %add3A_398 : i32
      %min3A_400 = arith.constant 64 : i32
      %min3A_401 = arith.minsi %add3A_399, %min3A_400 : i32
      %add3A_402 = arith.constant 153600 : i32
      %add3A_403 = arith.addi %add3A_402, %mul3A_2 : i32
      %mul3A_404 = arith.constant 80 : i32
      %mul3A_405 = arith.muli %min3A_401, %mul3A_404 : i32
      %add3A_406 = arith.addi %add3A_403, %mul3A_405 : i32
      %dma_start3A_407 = tpu.memref_slice %arg4[%add3A_406] : memref<320000xi32, #tpu.memory_space<hbm>> -> memref<80xi32, #tpu.memory_space<hbm>>
      %dma_start3A_408 = tpu.memref_slice %arg4[%add3A_406] : memref<320000xi32, #tpu.memory_space<hbm>> -> memref<80xi32, #tpu.memory_space<hbm>>
      tpu.enqueue_dma source(%dma_start3A_408 : memref<80xi32, #tpu.memory_space<hbm>>) target(%arg10 : memref<80xi32, #tpu.memory_space<vmem>>) target_semaphore(%arg22 : memref<!tpu.dma_semaphore, #tpu.memory_space<semaphore_mem>>)
      %dma_start3A_409 = tpu.memref_slice %arg5[%add3A_406] : memref<320000xi32, #tpu.memory_space<hbm>> -> memref<80xi32, #tpu.memory_space<hbm>>
      %dma_start3A_410 = tpu.memref_slice %arg5[%add3A_406] : memref<320000xi32, #tpu.memory_space<hbm>> -> memref<80xi32, #tpu.memory_space<hbm>>
      tpu.enqueue_dma source(%dma_start3A_410 : memref<80xi32, #tpu.memory_space<hbm>>) target(%arg12 : memref<80xi32, #tpu.memory_space<vmem>>) target_semaphore(%arg22 : memref<!tpu.dma_semaphore, #tpu.memory_space<semaphore_mem>>)
      %scan3A_411 = arith.constant 0 : i32
      %scan3A_412 = arith.constant 0 : i32
      %scan3A_413 = arith.constant 80 : i32
      %scan3A_414 = arith.addi %scan3A_412, %scan3A_413 : i32
      %scan3A_415 = arith.constant 1 : i32
      scf.for %scan3A_432 = %scan3A_412 to %scan3A_414 step %scan3A_415  : i32 {
        %get3A = arith.index_cast %scan3A_432 : i32 to index
        %get3A_433 = arith.constant 0 : index
        %get3A_434 = tpu.vector_load %arg18[%get3A, %get3A_433] {strides = array<i32>} : memref<80x128xf32, #tpu.memory_space<vmem>>, vector<1x16xf32>,
        %get3A_435 = vector.shape_cast %get3A_434 : vector<1x16xf32> to vector<16xf32>
        %get3A_436 = arith.index_cast %scan3A_432 : i32 to index
        %get3A_437 = arith.constant 0 : index
        %get3A_438 = tpu.vector_load %arg20[%get3A_436, %get3A_437] {strides = array<i32>} : memref<80x128xf32, #tpu.memory_space<vmem>>, vector<1x16xf32>,
        %get3A_439 = vector.shape_cast %get3A_438 : vector<1x16xf32> to vector<16xf32>
        %sub3A = arith.subf %get3A_435, %get3A_439 : vector<16xf32>
        %swap3A = arith.index_cast %scan3A_432 : i32 to index
        %swap3A_440 = arith.constant 0 : index
        %swap3A_441 = tpu.vector_load %arg18[%swap3A, %swap3A_440] {strides = array<i32>} : memref<80x128xf32, #tpu.memory_space<vmem>>, vector<1x16xf32>,
        %swap3A_442 = vector.shape_cast %swap3A_441 : vector<1x16xf32> to vector<16xf32>
        %swap3A_443 = vector.shape_cast %sub3A : vector<16xf32> to vector<1x16xf32>
        tpu.vector_store %arg18[%swap3A, %swap3A_440], %swap3A_443 {strides = array<i32>} : memref<80x128xf32, #tpu.memory_space<vmem>>, vector<1x16xf32>,
      }
      %scan3A_416 = arith.constant 80 : i32
      %mul3A_417 = arith.constant 80 : i32
      %mul3A_418 = arith.muli %add3A_347, %mul3A_417 : i32
      %add3A_419 = arith.addi %mul3A_2, %mul3A_418 : i32
      %dma_start3A_420 = arith.constant 0 : i32
      %dma_start3A_421 = tpu.memref_slice %arg6[%add3A_419, %dma_start3A_420] : memref<166400x128xf32, #tpu.memory_space<hbm>> -> memref<80x128xf32, #tpu.memory_space<hbm>>
      %dma_start3A_422 = arith.constant 0 : i32
      %dma_start3A_423 = tpu.memref_slice %arg6[%add3A_419, %dma_start3A_422] : memref<166400x128xf32, #tpu.memory_space<hbm>> -> memref<80x128xf32, #tpu.memory_space<hbm>>
      tpu.enqueue_dma source(%arg14 : memref<80x128xf32, #tpu.memory_space<vmem>>) target(%dma_start3A_423 : memref<80x128xf32, #tpu.memory_space<hbm>>) target_semaphore(%arg26 : memref<!tpu.dma_semaphore, #tpu.memory_space<semaphore_mem>>)
      %dma_start3A_424 = arith.constant 0 : i32
      %dma_start3A_425 = tpu.memref_slice %arg7[%add3A_419, %dma_start3A_424] : memref<166400x128xf32, #tpu.memory_space<hbm>> -> memref<80x128xf32, #tpu.memory_space<hbm>>
      %dma_start3A_426 = arith.constant 0 : i32
      %dma_start3A_427 = tpu.memref_slice %arg7[%add3A_419, %dma_start3A_426] : memref<166400x128xf32, #tpu.memory_space<hbm>> -> memref<80x128xf32, #tpu.memory_space<hbm>>
      tpu.enqueue_dma source(%arg16 : memref<80x128xf32, #tpu.memory_space<vmem>>) target(%dma_start3A_427 : memref<80x128xf32, #tpu.memory_space<hbm>>) target_semaphore(%arg26 : memref<!tpu.dma_semaphore, #tpu.memory_space<semaphore_mem>>)
      %dma_start3A_428 = arith.constant 0 : i32
      %dma_start3A_429 = tpu.memref_slice %arg8[%add3A_419, %dma_start3A_428] : memref<166400x128xf32, #tpu.memory_space<hbm>> -> memref<80x128xf32, #tpu.memory_space<hbm>>
      %dma_start3A_430 = arith.constant 0 : i32
      %dma_start3A_431 = tpu.memref_slice %arg8[%add3A_419, %dma_start3A_430] : memref<166400x128xf32, #tpu.memory_space<hbm>> -> memref<80x128xf32, #tpu.memory_space<hbm>>
      tpu.enqueue_dma source(%arg18 : memref<80x128xf32, #tpu.memory_space<vmem>>) target(%dma_start3A_431 : memref<80x128xf32, #tpu.memory_space<hbm>>) target_semaphore(%arg26 : memref<!tpu.dma_semaphore, #tpu.memory_space<semaphore_mem>>)
    }
    %scan3A_141 = arith.constant 31 : i32
    %dma_wait3A_142 = arith.constant 0 : i32
    %dma_wait3A_143 = tpu.memref_slice %arg4[%dma_wait3A_142] : memref<320000xi32, #tpu.memory_space<hbm>> -> memref<80xi32, #tpu.memory_space<hbm>>
    %dma_wait3A_144 = arith.constant 0 : i32
    %dma_wait3A_145 = tpu.memref_slice %arg4[%dma_wait3A_144] : memref<320000xi32, #tpu.memory_space<hbm>> -> memref<80xi32, #tpu.memory_space<hbm>>
    tpu.wait_dma2 semaphore(%arg21 : memref<!tpu.dma_semaphore, #tpu.memory_space<semaphore_mem>>) src(%dma_wait3A_145 : memref<80xi32, #tpu.memory_space<hbm>>) dst(%arg9 : memref<80xi32, #tpu.memory_space<vmem>>)
    %dma_wait3A_146 = arith.constant 0 : i32
    %dma_wait3A_147 = tpu.memref_slice %arg5[%dma_wait3A_146] : memref<320000xi32, #tpu.memory_space<hbm>> -> memref<80xi32, #tpu.memory_space<hbm>>
    %dma_wait3A_148 = arith.constant 0 : i32
    %dma_wait3A_149 = tpu.memref_slice %arg5[%dma_wait3A_148] : memref<320000xi32, #tpu.memory_space<hbm>> -> memref<80xi32, #tpu.memory_space<hbm>>
    tpu.wait_dma2 semaphore(%arg21 : memref<!tpu.dma_semaphore, #tpu.memory_space<semaphore_mem>>) src(%dma_wait3A_149 : memref<80xi32, #tpu.memory_space<hbm>>) dst(%arg11 : memref<80xi32, #tpu.memory_space<vmem>>)
    %dma_wait3A_150 = arith.constant 0 : i32
    %dma_wait3A_151 = arith.constant 0 : i32
    %dma_wait3A_152 = tpu.memref_slice %arg6[%dma_wait3A_150, %dma_wait3A_151] : memref<166400x128xf32, #tpu.memory_space<hbm>> -> memref<80x128xf32, #tpu.memory_space<hbm>>
    %dma_wait3A_153 = arith.constant 0 : i32
    %dma_wait3A_154 = arith.constant 0 : i32
    %dma_wait3A_155 = tpu.memref_slice %arg6[%dma_wait3A_153, %dma_wait3A_154] : memref<166400x128xf32, #tpu.memory_space<hbm>> -> memref<80x128xf32, #tpu.memory_space<hbm>>
    tpu.wait_dma2 semaphore(%arg25 : memref<!tpu.dma_semaphore, #tpu.memory_space<semaphore_mem>>) src(%arg13 : memref<80x128xf32, #tpu.memory_space<vmem>>) dst(%dma_wait3A_155 : memref<80x128xf32, #tpu.memory_space<hbm>>)
    %dma_wait3A_156 = arith.constant 0 : i32
    %dma_wait3A_157 = arith.constant 0 : i32
    %dma_wait3A_158 = tpu.memref_slice %arg7[%dma_wait3A_156, %dma_wait3A_157] : memref<166400x128xf32, #tpu.memory_space<hbm>> -> memref<80x128xf32, #tpu.memory_space<hbm>>
    %dma_wait3A_159 = arith.constant 0 : i32
    %dma_wait3A_160 = arith.constant 0 : i32
    %dma_wait3A_161 = tpu.memref_slice %arg7[%dma_wait3A_159, %dma_wait3A_160] : memref<166400x128xf32, #tpu.memory_space<hbm>> -> memref<80x128xf32, #tpu.memory_space<hbm>>
    tpu.wait_dma2 semaphore(%arg25 : memref<!tpu.dma_semaphore, #tpu.memory_space<semaphore_mem>>) src(%arg15 : memref<80x128xf32, #tpu.memory_space<vmem>>) dst(%dma_wait3A_161 : memref<80x128xf32, #tpu.memory_space<hbm>>)
    %dma_wait3A_162 = arith.constant 0 : i32
    %dma_wait3A_163 = arith.constant 0 : i32
    %dma_wait3A_164 = tpu.memref_slice %arg8[%dma_wait3A_162, %dma_wait3A_163] : memref<166400x128xf32, #tpu.memory_space<hbm>> -> memref<80x128xf32, #tpu.memory_space<hbm>>
    %dma_wait3A_165 = arith.constant 0 : i32
    %dma_wait3A_166 = arith.constant 0 : i32
    %dma_wait3A_167 = tpu.memref_slice %arg8[%dma_wait3A_165, %dma_wait3A_166] : memref<166400x128xf32, #tpu.memory_space<hbm>> -> memref<80x128xf32, #tpu.memory_space<hbm>>
    tpu.wait_dma2 semaphore(%arg25 : memref<!tpu.dma_semaphore, #tpu.memory_space<semaphore_mem>>) src(%arg17 : memref<80x128xf32, #tpu.memory_space<vmem>>) dst(%dma_wait3A_167 : memref<80x128xf32, #tpu.memory_space<hbm>>)
    %dma_start3A_168 = arith.constant 0 : i32
    %dma_start3A_169 = arith.constant 0 : i32
    %dma_start3A_170 = tpu.memref_slice %arg2[%dma_start3A_168, %dma_start3A_169] : memref<10000x128xf32, #tpu.memory_space<hbm>> -> memref<10000x128xf32, #tpu.memory_space<hbm>>
    tpu.enqueue_indirect_dma source(%dma_start3A_170 : memref<10000x128xf32, #tpu.memory_space<hbm>>) target(%arg13 : memref<80x128xf32, #tpu.memory_space<vmem>>) offsets(%arg9 : memref<80xi32, #tpu.memory_space<vmem>>) semaphore(%arg23 : memref<!tpu.dma_semaphore, #tpu.memory_space<semaphore_mem>>)
    %dma_start3A_171 = arith.constant 0 : i32
    %dma_start3A_172 = arith.constant 0 : i32
    %dma_start3A_173 = tpu.memref_slice %arg2[%dma_start3A_171, %dma_start3A_172] : memref<10000x128xf32, #tpu.memory_space<hbm>> -> memref<10000x128xf32, #tpu.memory_space<hbm>>
    tpu.enqueue_indirect_dma source(%dma_start3A_173 : memref<10000x128xf32, #tpu.memory_space<hbm>>) target(%arg15 : memref<80x128xf32, #tpu.memory_space<vmem>>) offsets(%arg11 : memref<80xi32, #tpu.memory_space<vmem>>) semaphore(%arg23 : memref<!tpu.dma_semaphore, #tpu.memory_space<semaphore_mem>>)
    %dma_start3A_174 = arith.constant 0 : i32
    %dma_start3A_175 = arith.constant 0 : i32
    %dma_start3A_176 = tpu.memref_slice %arg3[%dma_start3A_174, %dma_start3A_175] : memref<10000x128xf32, #tpu.memory_space<hbm>> -> memref<10000x128xf32, #tpu.memory_space<hbm>>
    tpu.enqueue_indirect_dma source(%dma_start3A_176 : memref<10000x128xf32, #tpu.memory_space<hbm>>) target(%arg17 : memref<80x128xf32, #tpu.memory_space<vmem>>) offsets(%arg9 : memref<80xi32, #tpu.memory_space<vmem>>) semaphore(%arg23 : memref<!tpu.dma_semaphore, #tpu.memory_space<semaphore_mem>>)
    %dma_start3A_177 = arith.constant 0 : i32
    %dma_start3A_178 = arith.constant 0 : i32
    %dma_start3A_179 = tpu.memref_slice %arg3[%dma_start3A_177, %dma_start3A_178] : memref<10000x128xf32, #tpu.memory_space<hbm>> -> memref<10000x128xf32, #tpu.memory_space<hbm>>
    tpu.enqueue_indirect_dma source(%dma_start3A_179 : memref<10000x128xf32, #tpu.memory_space<hbm>>) target(%arg19 : memref<80x128xf32, #tpu.memory_space<vmem>>) offsets(%arg11 : memref<80xi32, #tpu.memory_space<vmem>>) semaphore(%arg23 : memref<!tpu.dma_semaphore, #tpu.memory_space<semaphore_mem>>)
    %dma_wait3A_180 = arith.constant 0 : i32
    %dma_wait3A_181 = arith.constant 0 : i32
    %dma_wait3A_182 = tpu.memref_slice %arg2[%dma_wait3A_180, %dma_wait3A_181] : memref<10000x128xf32, #tpu.memory_space<hbm>> -> memref<10000x128xf32, #tpu.memory_space<hbm>>
    tpu.wait_indirect_dma semaphore(%arg23 : memref<!tpu.dma_semaphore, #tpu.memory_space<semaphore_mem>>) src(%dma_wait3A_182 : memref<10000x128xf32, #tpu.memory_space<hbm>>) dst(%arg13 : memref<80x128xf32, #tpu.memory_space<vmem>>)
    %dma_wait3A_183 = arith.constant 0 : i32
    %dma_wait3A_184 = arith.constant 0 : i32
    %dma_wait3A_185 = tpu.memref_slice %arg2[%dma_wait3A_183, %dma_wait3A_184] : memref<10000x128xf32, #tpu.memory_space<hbm>> -> memref<10000x128xf32, #tpu.memory_space<hbm>>
    tpu.wait_indirect_dma semaphore(%arg23 : memref<!tpu.dma_semaphore, #tpu.memory_space<semaphore_mem>>) src(%dma_wait3A_185 : memref<10000x128xf32, #tpu.memory_space<hbm>>) dst(%arg15 : memref<80x128xf32, #tpu.memory_space<vmem>>)
    %dma_wait3A_186 = arith.constant 0 : i32
    %dma_wait3A_187 = arith.constant 0 : i32
    %dma_wait3A_188 = tpu.memref_slice %arg3[%dma_wait3A_186, %dma_wait3A_187] : memref<10000x128xf32, #tpu.memory_space<hbm>> -> memref<10000x128xf32, #tpu.memory_space<hbm>>
    tpu.wait_indirect_dma semaphore(%arg23 : memref<!tpu.dma_semaphore, #tpu.memory_space<semaphore_mem>>) src(%dma_wait3A_188 : memref<10000x128xf32, #tpu.memory_space<hbm>>) dst(%arg17 : memref<80x128xf32, #tpu.memory_space<vmem>>)
    %dma_wait3A_189 = arith.constant 0 : i32
    %dma_wait3A_190 = arith.constant 0 : i32
    %dma_wait3A_191 = tpu.memref_slice %arg3[%dma_wait3A_189, %dma_wait3A_190] : memref<10000x128xf32, #tpu.memory_space<hbm>> -> memref<10000x128xf32, #tpu.memory_space<hbm>>
    tpu.wait_indirect_dma semaphore(%arg23 : memref<!tpu.dma_semaphore, #tpu.memory_space<semaphore_mem>>) src(%dma_wait3A_191 : memref<10000x128xf32, #tpu.memory_space<hbm>>) dst(%arg19 : memref<80x128xf32, #tpu.memory_space<vmem>>)
    %scan3A_192 = arith.constant 0 : i32
    %scan3A_193 = arith.constant 0 : i32
    %scan3A_194 = arith.constant 80 : i32
    %scan3A_195 = arith.addi %scan3A_193, %scan3A_194 : i32
    %scan3A_196 = arith.constant 1 : i32
    scf.for %scan3A_256 = %scan3A_193 to %scan3A_195 step %scan3A_196  : i32 {
      %get3A = arith.index_cast %scan3A_256 : i32 to index
      %get3A_257 = arith.constant 0 : index
      %get3A_258 = tpu.vector_load %arg17[%get3A, %get3A_257] {strides = array<i32>} : memref<80x128xf32, #tpu.memory_space<vmem>>, vector<1x16xf32>,
      %get3A_259 = vector.shape_cast %get3A_258 : vector<1x16xf32> to vector<16xf32>
      %get3A_260 = arith.index_cast %scan3A_256 : i32 to index
      %get3A_261 = arith.constant 0 : index
      %get3A_262 = tpu.vector_load %arg19[%get3A_260, %get3A_261] {strides = array<i32>} : memref<80x128xf32, #tpu.memory_space<vmem>>, vector<1x16xf32>,
      %get3A_263 = vector.shape_cast %get3A_262 : vector<1x16xf32> to vector<16xf32>
      %sub3A = arith.subf %get3A_259, %get3A_263 : vector<16xf32>
      %swap3A = arith.index_cast %scan3A_256 : i32 to index
      %swap3A_264 = arith.constant 0 : index
      %swap3A_265 = tpu.vector_load %arg17[%swap3A, %swap3A_264] {strides = array<i32>} : memref<80x128xf32, #tpu.memory_space<vmem>>, vector<1x16xf32>,
      %swap3A_266 = vector.shape_cast %swap3A_265 : vector<1x16xf32> to vector<16xf32>
      %swap3A_267 = vector.shape_cast %sub3A : vector<16xf32> to vector<1x16xf32>
      tpu.vector_store %arg17[%swap3A, %swap3A_264], %swap3A_267 {strides = array<i32>} : memref<80x128xf32, #tpu.memory_space<vmem>>, vector<1x16xf32>,
    }
    %scan3A_197 = arith.constant 80 : i32
    %add3A_198 = arith.constant 5120 : i32
    %add3A_199 = arith.addi %mul3A_2, %add3A_198 : i32
    %dma_start3A_200 = arith.constant 0 : i32
    %dma_start3A_201 = tpu.memref_slice %arg6[%add3A_199, %dma_start3A_200] : memref<166400x128xf32, #tpu.memory_space<hbm>> -> memref<80x128xf32, #tpu.memory_space<hbm>>
    %dma_start3A_202 = arith.constant 0 : i32
    %dma_start3A_203 = tpu.memref_slice %arg6[%add3A_199, %dma_start3A_202] : memref<166400x128xf32, #tpu.memory_space<hbm>> -> memref<80x128xf32, #tpu.memory_space<hbm>>
    tpu.enqueue_dma source(%arg13 : memref<80x128xf32, #tpu.memory_space<vmem>>) target(%dma_start3A_203 : memref<80x128xf32, #tpu.memory_space<hbm>>) target_semaphore(%arg25 : memref<!tpu.dma_semaphore, #tpu.memory_space<semaphore_mem>>)
    %dma_start3A_204 = arith.constant 0 : i32
    %dma_start3A_205 = tpu.memref_slice %arg7[%add3A_199, %dma_start3A_204] : memref<166400x128xf32, #tpu.memory_space<hbm>> -> memref<80x128xf32, #tpu.memory_space<hbm>>
    %dma_start3A_206 = arith.constant 0 : i32
    %dma_start3A_207 = tpu.memref_slice %arg7[%add3A_199, %dma_start3A_206] : memref<166400x128xf32, #tpu.memory_space<hbm>> -> memref<80x128xf32, #tpu.memory_space<hbm>>
    tpu.enqueue_dma source(%arg15 : memref<80x128xf32, #tpu.memory_space<vmem>>) target(%dma_start3A_207 : memref<80x128xf32, #tpu.memory_space<hbm>>) target_semaphore(%arg25 : memref<!tpu.dma_semaphore, #tpu.memory_space<semaphore_mem>>)
    %dma_start3A_208 = arith.constant 0 : i32
    %dma_start3A_209 = tpu.memref_slice %arg8[%add3A_199, %dma_start3A_208] : memref<166400x128xf32, #tpu.memory_space<hbm>> -> memref<80x128xf32, #tpu.memory_space<hbm>>
    %dma_start3A_210 = arith.constant 0 : i32
    %dma_start3A_211 = tpu.memref_slice %arg8[%add3A_199, %dma_start3A_210] : memref<166400x128xf32, #tpu.memory_space<hbm>> -> memref<80x128xf32, #tpu.memory_space<hbm>>
    tpu.enqueue_dma source(%arg17 : memref<80x128xf32, #tpu.memory_space<vmem>>) target(%dma_start3A_211 : memref<80x128xf32, #tpu.memory_space<hbm>>) target_semaphore(%arg25 : memref<!tpu.dma_semaphore, #tpu.memory_space<semaphore_mem>>)
    %dma_wait3A_212 = arith.constant 0 : i32
    %dma_wait3A_213 = tpu.memref_slice %arg4[%dma_wait3A_212] : memref<320000xi32, #tpu.memory_space<hbm>> -> memref<80xi32, #tpu.memory_space<hbm>>
    %dma_wait3A_214 = arith.constant 0 : i32
    %dma_wait3A_215 = tpu.memref_slice %arg4[%dma_wait3A_214] : memref<320000xi32, #tpu.memory_space<hbm>> -> memref<80xi32, #tpu.memory_space<hbm>>
    tpu.wait_dma2 semaphore(%arg22 : memref<!tpu.dma_semaphore, #tpu.memory_space<semaphore_mem>>) src(%dma_wait3A_215 : memref<80xi32, #tpu.memory_space<hbm>>) dst(%arg10 : memref<80xi32, #tpu.memory_space<vmem>>)
    %dma_wait3A_216 = arith.constant 0 : i32
    %dma_wait3A_217 = tpu.memref_slice %arg5[%dma_wait3A_216] : memref<320000xi32, #tpu.memory_space<hbm>> -> memref<80xi32, #tpu.memory_space<hbm>>
    %dma_wait3A_218 = arith.constant 0 : i32
    %dma_wait3A_219 = tpu.memref_slice %arg5[%dma_wait3A_218] : memref<320000xi32, #tpu.memory_space<hbm>> -> memref<80xi32, #tpu.memory_space<hbm>>
    tpu.wait_dma2 semaphore(%arg22 : memref<!tpu.dma_semaphore, #tpu.memory_space<semaphore_mem>>) src(%dma_wait3A_219 : memref<80xi32, #tpu.memory_space<hbm>>) dst(%arg12 : memref<80xi32, #tpu.memory_space<vmem>>)
    %dma_wait3A_220 = arith.constant 0 : i32
    %dma_wait3A_221 = arith.constant 0 : i32
    %dma_wait3A_222 = tpu.memref_slice %arg6[%dma_wait3A_220, %dma_wait3A_221] : memref<166400x128xf32, #tpu.memory_space<hbm>> -> memref<80x128xf32, #tpu.memory_space<hbm>>
    %dma_wait3A_223 = arith.constant 0 : i32
    %dma_wait3A_224 = arith.constant 0 : i32
    %dma_wait3A_225 = tpu.memref_slice %arg6[%dma_wait3A_223, %dma_wait3A_224] : memref<166400x128xf32, #tpu.memory_space<hbm>> -> memref<80x128xf32, #tpu.memory_space<hbm>>
    tpu.wait_dma2 semaphore(%arg26 : memref<!tpu.dma_semaphore, #tpu.memory_space<semaphore_mem>>) src(%arg14 : memref<80x128xf32, #tpu.memory_space<vmem>>) dst(%dma_wait3A_225 : memref<80x128xf32, #tpu.memory_space<hbm>>)
    %dma_wait3A_226 = arith.constant 0 : i32
    %dma_wait3A_227 = arith.constant 0 : i32
    %dma_wait3A_228 = tpu.memref_slice %arg7[%dma_wait3A_226, %dma_wait3A_227] : memref<166400x128xf32, #tpu.memory_space<hbm>> -> memref<80x128xf32, #tpu.memory_space<hbm>>
    %dma_wait3A_229 = arith.constant 0 : i32
    %dma_wait3A_230 = arith.constant 0 : i32
    %dma_wait3A_231 = tpu.memref_slice %arg7[%dma_wait3A_229, %dma_wait3A_230] : memref<166400x128xf32, #tpu.memory_space<hbm>> -> memref<80x128xf32, #tpu.memory_space<hbm>>
    tpu.wait_dma2 semaphore(%arg26 : memref<!tpu.dma_semaphore, #tpu.memory_space<semaphore_mem>>) src(%arg16 : memref<80x128xf32, #tpu.memory_space<vmem>>) dst(%dma_wait3A_231 : memref<80x128xf32, #tpu.memory_space<hbm>>)
    %dma_wait3A_232 = arith.constant 0 : i32
    %dma_wait3A_233 = arith.constant 0 : i32
    %dma_wait3A_234 = tpu.memref_slice %arg8[%dma_wait3A_232, %dma_wait3A_233] : memref<166400x128xf32, #tpu.memory_space<hbm>> -> memref<80x128xf32, #tpu.memory_space<hbm>>
    %dma_wait3A_235 = arith.constant 0 : i32
    %dma_wait3A_236 = arith.constant 0 : i32
    %dma_wait3A_237 = tpu.memref_slice %arg8[%dma_wait3A_235, %dma_wait3A_236] : memref<166400x128xf32, #tpu.memory_space<hbm>> -> memref<80x128xf32, #tpu.memory_space<hbm>>
    tpu.wait_dma2 semaphore(%arg26 : memref<!tpu.dma_semaphore, #tpu.memory_space<semaphore_mem>>) src(%arg18 : memref<80x128xf32, #tpu.memory_space<vmem>>) dst(%dma_wait3A_237 : memref<80x128xf32, #tpu.memory_space<hbm>>)
    %dma_wait3A_238 = arith.constant 0 : i32
    %dma_wait3A_239 = arith.constant 0 : i32
    %dma_wait3A_240 = tpu.memref_slice %arg6[%dma_wait3A_238, %dma_wait3A_239] : memref<166400x128xf32, #tpu.memory_space<hbm>> -> memref<80x128xf32, #tpu.memory_space<hbm>>
    %dma_wait3A_241 = arith.constant 0 : i32
    %dma_wait3A_242 = arith.constant 0 : i32
    %dma_wait3A_243 = tpu.memref_slice %arg6[%dma_wait3A_241, %dma_wait3A_242] : memref<166400x128xf32, #tpu.memory_space<hbm>> -> memref<80x128xf32, #tpu.memory_space<hbm>>
    tpu.wait_dma2 semaphore(%arg25 : memref<!tpu.dma_semaphore, #tpu.memory_space<semaphore_mem>>) src(%arg13 : memref<80x128xf32, #tpu.memory_space<vmem>>) dst(%dma_wait3A_243 : memref<80x128xf32, #tpu.memory_space<hbm>>)
    %dma_wait3A_244 = arith.constant 0 : i32
    %dma_wait3A_245 = arith.constant 0 : i32
    %dma_wait3A_246 = tpu.memref_slice %arg7[%dma_wait3A_244, %dma_wait3A_245] : memref<166400x128xf32, #tpu.memory_space<hbm>> -> memref<80x128xf32, #tpu.memory_space<hbm>>
    %dma_wait3A_247 = arith.constant 0 : i32
    %dma_wait3A_248 = arith.constant 0 : i32
    %dma_wait3A_249 = tpu.memref_slice %arg7[%dma_wait3A_247, %dma_wait3A_248] : memref<166400x128xf32, #tpu.memory_space<hbm>> -> memref<80x128xf32, #tpu.memory_space<hbm>>
    tpu.wait_dma2 semaphore(%arg25 : memref<!tpu.dma_semaphore, #tpu.memory_space<semaphore_mem>>) src(%arg15 : memref<80x128xf32, #tpu.memory_space<vmem>>) dst(%dma_wait3A_249 : memref<80x128xf32, #tpu.memory_space<hbm>>)
    %dma_wait3A_250 = arith.constant 0 : i32
    %dma_wait3A_251 = arith.constant 0 : i32
    %dma_wait3A_252 = tpu.memref_slice %arg8[%dma_wait3A_250, %dma_wait3A_251] : memref<166400x128xf32, #tpu.memory_space<hbm>> -> memref<80x128xf32, #tpu.memory_space<hbm>>
    %dma_wait3A_253 = arith.constant 0 : i32
    %dma_wait3A_254 = arith.constant 0 : i32
    %dma_wait3A_255 = tpu.memref_slice %arg8[%dma_wait3A_253, %dma_wait3A_254] : memref<166400x128xf32, #tpu.memory_space<hbm>> -> memref<80x128xf32, #tpu.memory_space<hbm>>
    tpu.wait_dma2 semaphore(%arg25 : memref<!tpu.dma_semaphore, #tpu.memory_space<semaphore_mem>>) src(%arg17 : memref<80x128xf32, #tpu.memory_space<vmem>>) dst(%dma_wait3A_255 : memref<80x128xf32, #tpu.memory_space<hbm>>)
    return
  }
}

#map = affine_map<(d0, d1) -> (0, 0)>
#map1 = affine_map<(d0, d1) -> (0)>
module attributes {stable_mosaic.version = 14 : i64} {
  func.func @scatter_k(%arg0: i32, %arg1: i32, %arg2: memref<153600x128xf32, #tpu.memory_space<hbm>>, %arg3: memref<153600x128xf32, #tpu.memory_space<hbm>>, %arg4: memref<320000xi32, #tpu.memory_space<hbm>>, %arg5: memref<10000x128xf32, #tpu.memory_space<hbm>>, %arg6: memref<10000x128xf32, #tpu.memory_space<hbm>>, %arg7: memref<10000x128xf32, #tpu.memory_space<hbm>>, %arg8: memref<80xi32, #tpu.memory_space<vmem>>, %arg9: memref<80xi32, #tpu.memory_space<vmem>>, %arg10: memref<80x128xf32, #tpu.memory_space<vmem>>, %arg11: memref<80x128xf32, #tpu.memory_space<vmem>>, %arg12: memref<10000x128xf32, #tpu.memory_space<vmem_shared>>, %arg13: memref<!tpu.dma_semaphore, #tpu.memory_space<semaphore_mem>>, %arg14: memref<!tpu.dma_semaphore, #tpu.memory_space<semaphore_mem>>, %arg15: memref<!tpu.dma_semaphore, #tpu.memory_space<semaphore_mem>>, %arg16: memref<!tpu.dma_semaphore, #tpu.memory_space<semaphore_mem>>) attributes {dimension_semantics = [#tpu.dimension_semantics<core_parallel>, #tpu.dimension_semantics<subcore_parallel>], iteration_bounds = array<i64: 2, 16>, scalar_prefetch = 0 : i64, scratch_operands = 9 : i64, tpu.core_type = #tpu.core_type<sc_vector_subcore>, window_params = [{transform_indices = #map}, {transform_indices = #map}, {transform_indices = #map1}, {transform_indices = #map}, {transform_indices = #map}, {transform_indices = #map}]} {
    %mul3A = arith.constant 624 : i32
    %mul3A_0 = arith.muli %arg1, %mul3A : i32
    "tpu.region"() ({
      %run_scoped3A = tpu.sem_alloc : memref<!tpu.dma_semaphore, #tpu.memory_space<semaphore_mem>>
      %dma_start3A = arith.constant 0 : i32
      %dma_start3A_24 = tpu.memref_slice %arg12[%mul3A_0, %dma_start3A] : memref<10000x128xf32, #tpu.memory_space<vmem_shared>> -> memref<624x128xf32, #tpu.memory_space<vmem_shared>>
      %dma_start3A_25 = arith.constant 0 : i32
      %dma_start3A_26 = tpu.memref_slice %arg5[%mul3A_0, %dma_start3A_25] : memref<10000x128xf32, #tpu.memory_space<hbm>> -> memref<624x128xf32, #tpu.memory_space<hbm>>
      tpu.enqueue_dma source(%dma_start3A_26 : memref<624x128xf32, #tpu.memory_space<hbm>>) target(%dma_start3A_24 : memref<624x128xf32, #tpu.memory_space<vmem_shared>>) target_semaphore(%run_scoped3A : memref<!tpu.dma_semaphore, #tpu.memory_space<semaphore_mem>>)
      %dma_wait3A = arith.constant 0 : i32
      %dma_wait3A_27 = tpu.memref_slice %arg12[%mul3A_0, %dma_wait3A] : memref<10000x128xf32, #tpu.memory_space<vmem_shared>> -> memref<624x128xf32, #tpu.memory_space<vmem_shared>>
      %dma_wait3A_28 = arith.constant 0 : i32
      %dma_wait3A_29 = tpu.memref_slice %arg5[%mul3A_0, %dma_wait3A_28] : memref<10000x128xf32, #tpu.memory_space<hbm>> -> memref<624x128xf32, #tpu.memory_space<hbm>>
      tpu.wait_dma2 semaphore(%run_scoped3A : memref<!tpu.dma_semaphore, #tpu.memory_space<semaphore_mem>>) src(%dma_wait3A_29 : memref<624x128xf32, #tpu.memory_space<hbm>>) dst(%dma_wait3A_27 : memref<624x128xf32, #tpu.memory_space<vmem_shared>>)
      tpu.yield
    }) : () -> ()
    %eq3A = arith.constant 15 : i32
    %eq3A_1 = arith.cmpi eq, %arg1, %eq3A : i32
    %convert_element_type3A = arith.extui %eq3A_1 : i1 to i32
    %cond3A = arith.constant 0 : i32
    %cond3A_2 = arith.cmpi ne, %convert_element_type3A, %cond3A : i32
    scf.if %cond3A_2 {
      "tpu.region"() ({
        %run_scoped3A = tpu.sem_alloc : memref<!tpu.dma_semaphore, #tpu.memory_space<semaphore_mem>>
        %dma_start3A = arith.constant 9984 : i32
        %dma_start3A_24 = arith.constant 0 : i32
        %dma_start3A_25 = tpu.memref_slice %arg12[%dma_start3A, %dma_start3A_24] : memref<10000x128xf32, #tpu.memory_space<vmem_shared>> -> memref<16x128xf32, #tpu.memory_space<vmem_shared>>
        %dma_start3A_26 = arith.constant 9984 : i32
        %dma_start3A_27 = arith.constant 0 : i32
        %dma_start3A_28 = tpu.memref_slice %arg5[%dma_start3A_26, %dma_start3A_27] : memref<10000x128xf32, #tpu.memory_space<hbm>> -> memref<16x128xf32, #tpu.memory_space<hbm>>
        tpu.enqueue_dma source(%dma_start3A_28 : memref<16x128xf32, #tpu.memory_space<hbm>>) target(%dma_start3A_25 : memref<16x128xf32, #tpu.memory_space<vmem_shared>>) target_semaphore(%run_scoped3A : memref<!tpu.dma_semaphore, #tpu.memory_space<semaphore_mem>>)
        %dma_wait3A = arith.constant 9984 : i32
        %dma_wait3A_29 = arith.constant 0 : i32
        %dma_wait3A_30 = tpu.memref_slice %arg12[%dma_wait3A, %dma_wait3A_29] : memref<10000x128xf32, #tpu.memory_space<vmem_shared>> -> memref<16x128xf32, #tpu.memory_space<vmem_shared>>
        %dma_wait3A_31 = arith.constant 9984 : i32
        %dma_wait3A_32 = arith.constant 0 : i32
        %dma_wait3A_33 = tpu.memref_slice %arg5[%dma_wait3A_31, %dma_wait3A_32] : memref<10000x128xf32, #tpu.memory_space<hbm>> -> memref<16x128xf32, #tpu.memory_space<hbm>>
        tpu.wait_dma2 semaphore(%run_scoped3A : memref<!tpu.dma_semaphore, #tpu.memory_space<semaphore_mem>>) src(%dma_wait3A_33 : memref<16x128xf32, #tpu.memory_space<hbm>>) dst(%dma_wait3A_30 : memref<16x128xf32, #tpu.memory_space<vmem_shared>>)
        tpu.yield
      }) : () -> ()
    } else {
    }
    %barrier3A = arith.constant 0 : index
    tpu.barrier barrier_id(%barrier3A)
    %eq3A_3 = arith.constant 0 : i32
    %eq3A_4 = arith.cmpi eq, %arg0, %eq3A_3 : i32
    %convert_element_type3A_5 = arith.extui %eq3A_4 : i1 to i32
    %cond3A_6 = arith.constant 0 : i32
    %cond3A_7 = arith.cmpi ne, %convert_element_type3A_5, %cond3A_6 : i32
    scf.if %cond3A_7 {
      %mul3A_24 = arith.constant 9600 : i32
      %mul3A_25 = arith.muli %arg1, %mul3A_24 : i32
      %add3A = arith.constant 0 : i32
      %add3A_26 = arith.addi %mul3A_25, %add3A : i32
      %add3A_27 = arith.constant 0 : i32
      %add3A_28 = arith.addi %add3A_27, %add3A_26 : i32
      %dma_start3A = tpu.memref_slice %arg4[%add3A_28] : memref<320000xi32, #tpu.memory_space<hbm>> -> memref<80xi32, #tpu.memory_space<hbm>>
      %dma_start3A_29 = tpu.memref_slice %arg4[%add3A_28] : memref<320000xi32, #tpu.memory_space<hbm>> -> memref<80xi32, #tpu.memory_space<hbm>>
      tpu.enqueue_dma source(%dma_start3A_29 : memref<80xi32, #tpu.memory_space<hbm>>) target(%arg8 : memref<80xi32, #tpu.memory_space<vmem>>) target_semaphore(%arg13 : memref<!tpu.dma_semaphore, #tpu.memory_space<semaphore_mem>>)
      %dma_start3A_30 = arith.constant 0 : i32
      %dma_start3A_31 = tpu.memref_slice %arg2[%add3A_26, %dma_start3A_30] : memref<153600x128xf32, #tpu.memory_space<hbm>> -> memref<80x128xf32, #tpu.memory_space<hbm>>
      %dma_start3A_32 = arith.constant 0 : i32
      %dma_start3A_33 = tpu.memref_slice %arg2[%add3A_26, %dma_start3A_32] : memref<153600x128xf32, #tpu.memory_space<hbm>> -> memref<80x128xf32, #tpu.memory_space<hbm>>
      tpu.enqueue_dma source(%dma_start3A_33 : memref<80x128xf32, #tpu.memory_space<hbm>>) target(%arg10 : memref<80x128xf32, #tpu.memory_space<vmem>>) target_semaphore(%arg13 : memref<!tpu.dma_semaphore, #tpu.memory_space<semaphore_mem>>)
      %add3A_34 = arith.constant 80 : i32
      %add3A_35 = arith.addi %mul3A_25, %add3A_34 : i32
      %add3A_36 = arith.constant 0 : i32
      %add3A_37 = arith.addi %add3A_36, %add3A_35 : i32
      %dma_start3A_38 = tpu.memref_slice %arg4[%add3A_37] : memref<320000xi32, #tpu.memory_space<hbm>> -> memref<80xi32, #tpu.memory_space<hbm>>
      %dma_start3A_39 = tpu.memref_slice %arg4[%add3A_37] : memref<320000xi32, #tpu.memory_space<hbm>> -> memref<80xi32, #tpu.memory_space<hbm>>
      tpu.enqueue_dma source(%dma_start3A_39 : memref<80xi32, #tpu.memory_space<hbm>>) target(%arg9 : memref<80xi32, #tpu.memory_space<vmem>>) target_semaphore(%arg14 : memref<!tpu.dma_semaphore, #tpu.memory_space<semaphore_mem>>)
      %dma_start3A_40 = arith.constant 0 : i32
      %dma_start3A_41 = tpu.memref_slice %arg2[%add3A_35, %dma_start3A_40] : memref<153600x128xf32, #tpu.memory_space<hbm>> -> memref<80x128xf32, #tpu.memory_space<hbm>>
      %dma_start3A_42 = arith.constant 0 : i32
      %dma_start3A_43 = tpu.memref_slice %arg2[%add3A_35, %dma_start3A_42] : memref<153600x128xf32, #tpu.memory_space<hbm>> -> memref<80x128xf32, #tpu.memory_space<hbm>>
      tpu.enqueue_dma source(%dma_start3A_43 : memref<80x128xf32, #tpu.memory_space<hbm>>) target(%arg11 : memref<80x128xf32, #tpu.memory_space<vmem>>) target_semaphore(%arg14 : memref<!tpu.dma_semaphore, #tpu.memory_space<semaphore_mem>>)
      %scan3A = arith.constant 0 : i32
      %scan3A_44 = arith.constant 0 : i32
      %scan3A_45 = arith.constant 60 : i32
      %scan3A_46 = arith.addi %scan3A_44, %scan3A_45 : i32
      %scan3A_47 = arith.constant 1 : i32
      scf.for %scan3A_68 = %scan3A_44 to %scan3A_46 step %scan3A_47  : i32 {
        %mul3A_69 = arith.constant 2 : i32
        %mul3A_70 = arith.muli %mul3A_69, %scan3A_68 : i32
        %add3A_71 = arith.constant 0 : i32
        %add3A_72 = arith.addi %mul3A_70, %add3A_71 : i32
        %dma_wait3A_73 = arith.constant 0 : i32
        %dma_wait3A_74 = tpu.memref_slice %arg4[%dma_wait3A_73] : memref<320000xi32, #tpu.memory_space<hbm>> -> memref<80xi32, #tpu.memory_space<hbm>>
        %dma_wait3A_75 = arith.constant 0 : i32
        %dma_wait3A_76 = tpu.memref_slice %arg4[%dma_wait3A_75] : memref<320000xi32, #tpu.memory_space<hbm>> -> memref<80xi32, #tpu.memory_space<hbm>>
        tpu.wait_dma2 semaphore(%arg13 : memref<!tpu.dma_semaphore, #tpu.memory_space<semaphore_mem>>) src(%dma_wait3A_76 : memref<80xi32, #tpu.memory_space<hbm>>) dst(%arg8 : memref<80xi32, #tpu.memory_space<vmem>>)
        %dma_wait3A_77 = arith.constant 0 : i32
        %dma_wait3A_78 = arith.constant 0 : i32
        %dma_wait3A_79 = tpu.memref_slice %arg2[%dma_wait3A_77, %dma_wait3A_78] : memref<153600x128xf32, #tpu.memory_space<hbm>> -> memref<80x128xf32, #tpu.memory_space<hbm>>
        %dma_wait3A_80 = arith.constant 0 : i32
        %dma_wait3A_81 = arith.constant 0 : i32
        %dma_wait3A_82 = tpu.memref_slice %arg2[%dma_wait3A_80, %dma_wait3A_81] : memref<153600x128xf32, #tpu.memory_space<hbm>> -> memref<80x128xf32, #tpu.memory_space<hbm>>
        tpu.wait_dma2 semaphore(%arg13 : memref<!tpu.dma_semaphore, #tpu.memory_space<semaphore_mem>>) src(%dma_wait3A_82 : memref<80x128xf32, #tpu.memory_space<hbm>>) dst(%arg10 : memref<80x128xf32, #tpu.memory_space<vmem>>)
        %dma_start3A_83 = arith.constant 0 : i32
        %dma_start3A_84 = arith.constant 0 : i32
        %dma_start3A_85 = tpu.memref_slice %arg12[%dma_start3A_83, %dma_start3A_84] : memref<10000x128xf32, #tpu.memory_space<vmem_shared>> -> memref<10000x128xf32, #tpu.memory_space<vmem_shared>>
        tpu.enqueue_indirect_dma source(%arg10 : memref<80x128xf32, #tpu.memory_space<vmem>>) target(%dma_start3A_85 : memref<10000x128xf32, #tpu.memory_space<vmem_shared>>) offsets(%arg8 : memref<80xi32, #tpu.memory_space<vmem>>) semaphore(%arg15 : memref<!tpu.dma_semaphore, #tpu.memory_space<semaphore_mem>>) {add = true}
        %dma_wait3A_86 = arith.constant 0 : i32
        %dma_wait3A_87 = arith.constant 0 : i32
        %dma_wait3A_88 = tpu.memref_slice %arg12[%dma_wait3A_86, %dma_wait3A_87] : memref<10000x128xf32, #tpu.memory_space<vmem_shared>> -> memref<10000x128xf32, #tpu.memory_space<vmem_shared>>
        tpu.wait_indirect_dma semaphore(%arg15 : memref<!tpu.dma_semaphore, #tpu.memory_space<semaphore_mem>>) src(%arg10 : memref<80x128xf32, #tpu.memory_space<vmem>>) dst(%dma_wait3A_88 : memref<10000x128xf32, #tpu.memory_space<vmem_shared>>)
        %add3A_89 = arith.constant 2 : i32
        %add3A_90 = arith.addi %add3A_72, %add3A_89 : i32
        %min3A = arith.constant 119 : i32
        %min3A_91 = arith.minsi %add3A_90, %min3A : i32
        %mul3A_92 = arith.constant 80 : i32
        %mul3A_93 = arith.muli %min3A_91, %mul3A_92 : i32
        %add3A_94 = arith.addi %mul3A_25, %mul3A_93 : i32
        %add3A_95 = arith.constant 0 : i32
        %add3A_96 = arith.addi %add3A_95, %add3A_94 : i32
        %dma_start3A_97 = tpu.memref_slice %arg4[%add3A_96] : memref<320000xi32, #tpu.memory_space<hbm>> -> memref<80xi32, #tpu.memory_space<hbm>>
        %dma_start3A_98 = tpu.memref_slice %arg4[%add3A_96] : memref<320000xi32, #tpu.memory_space<hbm>> -> memref<80xi32, #tpu.memory_space<hbm>>
        tpu.enqueue_dma source(%dma_start3A_98 : memref<80xi32, #tpu.memory_space<hbm>>) target(%arg8 : memref<80xi32, #tpu.memory_space<vmem>>) target_semaphore(%arg13 : memref<!tpu.dma_semaphore, #tpu.memory_space<semaphore_mem>>)
        %dma_start3A_99 = arith.constant 0 : i32
        %dma_start3A_100 = tpu.memref_slice %arg2[%add3A_94, %dma_start3A_99] : memref<153600x128xf32, #tpu.memory_space<hbm>> -> memref<80x128xf32, #tpu.memory_space<hbm>>
        %dma_start3A_101 = arith.constant 0 : i32
        %dma_start3A_102 = tpu.memref_slice %arg2[%add3A_94, %dma_start3A_101] : memref<153600x128xf32, #tpu.memory_space<hbm>> -> memref<80x128xf32, #tpu.memory_space<hbm>>
        tpu.enqueue_dma source(%dma_start3A_102 : memref<80x128xf32, #tpu.memory_space<hbm>>) target(%arg10 : memref<80x128xf32, #tpu.memory_space<vmem>>) target_semaphore(%arg13 : memref<!tpu.dma_semaphore, #tpu.memory_space<semaphore_mem>>)
        %mul3A_103 = arith.constant 2 : i32
        %mul3A_104 = arith.muli %mul3A_103, %scan3A_68 : i32
        %add3A_105 = arith.constant 1 : i32
        %add3A_106 = arith.addi %mul3A_104, %add3A_105 : i32
        %dma_wait3A_107 = arith.constant 0 : i32
        %dma_wait3A_108 = tpu.memref_slice %arg4[%dma_wait3A_107] : memref<320000xi32, #tpu.memory_space<hbm>> -> memref<80xi32, #tpu.memory_space<hbm>>
        %dma_wait3A_109 = arith.constant 0 : i32
        %dma_wait3A_110 = tpu.memref_slice %arg4[%dma_wait3A_109] : memref<320000xi32, #tpu.memory_space<hbm>> -> memref<80xi32, #tpu.memory_space<hbm>>
        tpu.wait_dma2 semaphore(%arg14 : memref<!tpu.dma_semaphore, #tpu.memory_space<semaphore_mem>>) src(%dma_wait3A_110 : memref<80xi32, #tpu.memory_space<hbm>>) dst(%arg9 : memref<80xi32, #tpu.memory_space<vmem>>)
        %dma_wait3A_111 = arith.constant 0 : i32
        %dma_wait3A_112 = arith.constant 0 : i32
        %dma_wait3A_113 = tpu.memref_slice %arg2[%dma_wait3A_111, %dma_wait3A_112] : memref<153600x128xf32, #tpu.memory_space<hbm>> -> memref<80x128xf32, #tpu.memory_space<hbm>>
        %dma_wait3A_114 = arith.constant 0 : i32
        %dma_wait3A_115 = arith.constant 0 : i32
        %dma_wait3A_116 = tpu.memref_slice %arg2[%dma_wait3A_114, %dma_wait3A_115] : memref<153600x128xf32, #tpu.memory_space<hbm>> -> memref<80x128xf32, #tpu.memory_space<hbm>>
        tpu.wait_dma2 semaphore(%arg14 : memref<!tpu.dma_semaphore, #tpu.memory_space<semaphore_mem>>) src(%dma_wait3A_116 : memref<80x128xf32, #tpu.memory_space<hbm>>) dst(%arg11 : memref<80x128xf32, #tpu.memory_space<vmem>>)
        %dma_start3A_117 = arith.constant 0 : i32
        %dma_start3A_118 = arith.constant 0 : i32
        %dma_start3A_119 = tpu.memref_slice %arg12[%dma_start3A_117, %dma_start3A_118] : memref<10000x128xf32, #tpu.memory_space<vmem_shared>> -> memref<10000x128xf32, #tpu.memory_space<vmem_shared>>
        tpu.enqueue_indirect_dma source(%arg11 : memref<80x128xf32, #tpu.memory_space<vmem>>) target(%dma_start3A_119 : memref<10000x128xf32, #tpu.memory_space<vmem_shared>>) offsets(%arg9 : memref<80xi32, #tpu.memory_space<vmem>>) semaphore(%arg16 : memref<!tpu.dma_semaphore, #tpu.memory_space<semaphore_mem>>) {add = true}
        %dma_wait3A_120 = arith.constant 0 : i32
        %dma_wait3A_121 = arith.constant 0 : i32
        %dma_wait3A_122 = tpu.memref_slice %arg12[%dma_wait3A_120, %dma_wait3A_121] : memref<10000x128xf32, #tpu.memory_space<vmem_shared>> -> memref<10000x128xf32, #tpu.memory_space<vmem_shared>>
        tpu.wait_indirect_dma semaphore(%arg16 : memref<!tpu.dma_semaphore, #tpu.memory_space<semaphore_mem>>) src(%arg11 : memref<80x128xf32, #tpu.memory_space<vmem>>) dst(%dma_wait3A_122 : memref<10000x128xf32, #tpu.memory_space<vmem_shared>>)
        %add3A_123 = arith.constant 2 : i32
        %add3A_124 = arith.addi %add3A_106, %add3A_123 : i32
        %min3A_125 = arith.constant 119 : i32
        %min3A_126 = arith.minsi %add3A_124, %min3A_125 : i32
        %mul3A_127 = arith.constant 80 : i32
        %mul3A_128 = arith.muli %min3A_126, %mul3A_127 : i32
        %add3A_129 = arith.addi %mul3A_25, %mul3A_128 : i32
        %add3A_130 = arith.constant 0 : i32
        %add3A_131 = arith.addi %add3A_130, %add3A_129 : i32
        %dma_start3A_132 = tpu.memref_slice %arg4[%add3A_131] : memref<320000xi32, #tpu.memory_space<hbm>> -> memref<80xi32, #tpu.memory_space<hbm>>
        %dma_start3A_133 = tpu.memref_slice %arg4[%add3A_131] : memref<320000xi32, #tpu.memory_space<hbm>> -> memref<80xi32, #tpu.memory_space<hbm>>
        tpu.enqueue_dma source(%dma_start3A_133 : memref<80xi32, #tpu.memory_space<hbm>>) target(%arg9 : memref<80xi32, #tpu.memory_space<vmem>>) target_semaphore(%arg14 : memref<!tpu.dma_semaphore, #tpu.memory_space<semaphore_mem>>)
        %dma_start3A_134 = arith.constant 0 : i32
        %dma_start3A_135 = tpu.memref_slice %arg2[%add3A_129, %dma_start3A_134] : memref<153600x128xf32, #tpu.memory_space<hbm>> -> memref<80x128xf32, #tpu.memory_space<hbm>>
        %dma_start3A_136 = arith.constant 0 : i32
        %dma_start3A_137 = tpu.memref_slice %arg2[%add3A_129, %dma_start3A_136] : memref<153600x128xf32, #tpu.memory_space<hbm>> -> memref<80x128xf32, #tpu.memory_space<hbm>>
        tpu.enqueue_dma source(%dma_start3A_137 : memref<80x128xf32, #tpu.memory_space<hbm>>) target(%arg11 : memref<80x128xf32, #tpu.memory_space<vmem>>) target_semaphore(%arg14 : memref<!tpu.dma_semaphore, #tpu.memory_space<semaphore_mem>>)
      }
      %scan3A_48 = arith.constant 60 : i32
      %dma_wait3A = arith.constant 0 : i32
      %dma_wait3A_49 = tpu.memref_slice %arg4[%dma_wait3A] : memref<320000xi32, #tpu.memory_space<hbm>> -> memref<80xi32, #tpu.memory_space<hbm>>
      %dma_wait3A_50 = arith.constant 0 : i32
      %dma_wait3A_51 = tpu.memref_slice %arg4[%dma_wait3A_50] : memref<320000xi32, #tpu.memory_space<hbm>> -> memref<80xi32, #tpu.memory_space<hbm>>
      tpu.wait_dma2 semaphore(%arg13 : memref<!tpu.dma_semaphore, #tpu.memory_space<semaphore_mem>>) src(%dma_wait3A_51 : memref<80xi32, #tpu.memory_space<hbm>>) dst(%arg8 : memref<80xi32, #tpu.memory_space<vmem>>)
      %dma_wait3A_52 = arith.constant 0 : i32
      %dma_wait3A_53 = arith.constant 0 : i32
      %dma_wait3A_54 = tpu.memref_slice %arg2[%dma_wait3A_52, %dma_wait3A_53] : memref<153600x128xf32, #tpu.memory_space<hbm>> -> memref<80x128xf32, #tpu.memory_space<hbm>>
      %dma_wait3A_55 = arith.constant 0 : i32
      %dma_wait3A_56 = arith.constant 0 : i32
      %dma_wait3A_57 = tpu.memref_slice %arg2[%dma_wait3A_55, %dma_wait3A_56] : memref<153600x128xf32, #tpu.memory_space<hbm>> -> memref<80x128xf32, #tpu.memory_space<hbm>>
      tpu.wait_dma2 semaphore(%arg13 : memref<!tpu.dma_semaphore, #tpu.memory_space<semaphore_mem>>) src(%dma_wait3A_57 : memref<80x128xf32, #tpu.memory_space<hbm>>) dst(%arg10 : memref<80x128xf32, #tpu.memory_space<vmem>>)
      %dma_wait3A_58 = arith.constant 0 : i32
      %dma_wait3A_59 = tpu.memref_slice %arg4[%dma_wait3A_58] : memref<320000xi32, #tpu.memory_space<hbm>> -> memref<80xi32, #tpu.memory_space<hbm>>
      %dma_wait3A_60 = arith.constant 0 : i32
      %dma_wait3A_61 = tpu.memref_slice %arg4[%dma_wait3A_60] : memref<320000xi32, #tpu.memory_space<hbm>> -> memref<80xi32, #tpu.memory_space<hbm>>
      tpu.wait_dma2 semaphore(%arg14 : memref<!tpu.dma_semaphore, #tpu.memory_space<semaphore_mem>>) src(%dma_wait3A_61 : memref<80xi32, #tpu.memory_space<hbm>>) dst(%arg9 : memref<80xi32, #tpu.memory_space<vmem>>)
      %dma_wait3A_62 = arith.constant 0 : i32
      %dma_wait3A_63 = arith.constant 0 : i32
      %dma_wait3A_64 = tpu.memref_slice %arg2[%dma_wait3A_62, %dma_wait3A_63] : memref<153600x128xf32, #tpu.memory_space<hbm>> -> memref<80x128xf32, #tpu.memory_space<hbm>>
      %dma_wait3A_65 = arith.constant 0 : i32
      %dma_wait3A_66 = arith.constant 0 : i32
      %dma_wait3A_67 = tpu.memref_slice %arg2[%dma_wait3A_65, %dma_wait3A_66] : memref<153600x128xf32, #tpu.memory_space<hbm>> -> memref<80x128xf32, #tpu.memory_space<hbm>>
      tpu.wait_dma2 semaphore(%arg14 : memref<!tpu.dma_semaphore, #tpu.memory_space<semaphore_mem>>) src(%dma_wait3A_67 : memref<80x128xf32, #tpu.memory_space<hbm>>) dst(%arg11 : memref<80x128xf32, #tpu.memory_space<vmem>>)
    } else {
    }
    %eq3A_8 = arith.constant 1 : i32
    %eq3A_9 = arith.cmpi eq, %arg0, %eq3A_8 : i32
    %convert_element_type3A_10 = arith.extui %eq3A_9 : i1 to i32
    %cond3A_11 = arith.constant 0 : i32
    %cond3A_12 = arith.cmpi ne, %convert_element_type3A_10, %cond3A_11 : i32
    scf.if %cond3A_12 {
      %mul3A_24 = arith.constant 9600 : i32
      %mul3A_25 = arith.muli %arg1, %mul3A_24 : i32
      %add3A = arith.constant 0 : i32
      %add3A_26 = arith.addi %mul3A_25, %add3A : i32
      %add3A_27 = arith.constant 0 : i32
      %add3A_28 = arith.addi %add3A_27, %add3A_26 : i32
      %dma_start3A = tpu.memref_slice %arg4[%add3A_28] : memref<320000xi32, #tpu.memory_space<hbm>> -> memref<80xi32, #tpu.memory_space<hbm>>
      %dma_start3A_29 = tpu.memref_slice %arg4[%add3A_28] : memref<320000xi32, #tpu.memory_space<hbm>> -> memref<80xi32, #tpu.memory_space<hbm>>
      tpu.enqueue_dma source(%dma_start3A_29 : memref<80xi32, #tpu.memory_space<hbm>>) target(%arg8 : memref<80xi32, #tpu.memory_space<vmem>>) target_semaphore(%arg13 : memref<!tpu.dma_semaphore, #tpu.memory_space<semaphore_mem>>)
      %dma_start3A_30 = arith.constant 0 : i32
      %dma_start3A_31 = tpu.memref_slice %arg3[%add3A_26, %dma_start3A_30] : memref<153600x128xf32, #tpu.memory_space<hbm>> -> memref<80x128xf32, #tpu.memory_space<hbm>>
      %dma_start3A_32 = arith.constant 0 : i32
      %dma_start3A_33 = tpu.memref_slice %arg3[%add3A_26, %dma_start3A_32] : memref<153600x128xf32, #tpu.memory_space<hbm>> -> memref<80x128xf32, #tpu.memory_space<hbm>>
      tpu.enqueue_dma source(%dma_start3A_33 : memref<80x128xf32, #tpu.memory_space<hbm>>) target(%arg10 : memref<80x128xf32, #tpu.memory_space<vmem>>) target_semaphore(%arg13 : memref<!tpu.dma_semaphore, #tpu.memory_space<semaphore_mem>>)
      %add3A_34 = arith.constant 80 : i32
      %add3A_35 = arith.addi %mul3A_25, %add3A_34 : i32
      %add3A_36 = arith.constant 0 : i32
      %add3A_37 = arith.addi %add3A_36, %add3A_35 : i32
      %dma_start3A_38 = tpu.memref_slice %arg4[%add3A_37] : memref<320000xi32, #tpu.memory_space<hbm>> -> memref<80xi32, #tpu.memory_space<hbm>>
      %dma_start3A_39 = tpu.memref_slice %arg4[%add3A_37] : memref<320000xi32, #tpu.memory_space<hbm>> -> memref<80xi32, #tpu.memory_space<hbm>>
      tpu.enqueue_dma source(%dma_start3A_39 : memref<80xi32, #tpu.memory_space<hbm>>) target(%arg9 : memref<80xi32, #tpu.memory_space<vmem>>) target_semaphore(%arg14 : memref<!tpu.dma_semaphore, #tpu.memory_space<semaphore_mem>>)
      %dma_start3A_40 = arith.constant 0 : i32
      %dma_start3A_41 = tpu.memref_slice %arg3[%add3A_35, %dma_start3A_40] : memref<153600x128xf32, #tpu.memory_space<hbm>> -> memref<80x128xf32, #tpu.memory_space<hbm>>
      %dma_start3A_42 = arith.constant 0 : i32
      %dma_start3A_43 = tpu.memref_slice %arg3[%add3A_35, %dma_start3A_42] : memref<153600x128xf32, #tpu.memory_space<hbm>> -> memref<80x128xf32, #tpu.memory_space<hbm>>
      tpu.enqueue_dma source(%dma_start3A_43 : memref<80x128xf32, #tpu.memory_space<hbm>>) target(%arg11 : memref<80x128xf32, #tpu.memory_space<vmem>>) target_semaphore(%arg14 : memref<!tpu.dma_semaphore, #tpu.memory_space<semaphore_mem>>)
      %scan3A = arith.constant 0 : i32
      %scan3A_44 = arith.constant 0 : i32
      %scan3A_45 = arith.constant 60 : i32
      %scan3A_46 = arith.addi %scan3A_44, %scan3A_45 : i32
      %scan3A_47 = arith.constant 1 : i32
      scf.for %scan3A_68 = %scan3A_44 to %scan3A_46 step %scan3A_47  : i32 {
        %mul3A_69 = arith.constant 2 : i32
        %mul3A_70 = arith.muli %mul3A_69, %scan3A_68 : i32
        %add3A_71 = arith.constant 0 : i32
        %add3A_72 = arith.addi %mul3A_70, %add3A_71 : i32
        %dma_wait3A_73 = arith.constant 0 : i32
        %dma_wait3A_74 = tpu.memref_slice %arg4[%dma_wait3A_73] : memref<320000xi32, #tpu.memory_space<hbm>> -> memref<80xi32, #tpu.memory_space<hbm>>
        %dma_wait3A_75 = arith.constant 0 : i32
        %dma_wait3A_76 = tpu.memref_slice %arg4[%dma_wait3A_75] : memref<320000xi32, #tpu.memory_space<hbm>> -> memref<80xi32, #tpu.memory_space<hbm>>
        tpu.wait_dma2 semaphore(%arg13 : memref<!tpu.dma_semaphore, #tpu.memory_space<semaphore_mem>>) src(%dma_wait3A_76 : memref<80xi32, #tpu.memory_space<hbm>>) dst(%arg8 : memref<80xi32, #tpu.memory_space<vmem>>)
        %dma_wait3A_77 = arith.constant 0 : i32
        %dma_wait3A_78 = arith.constant 0 : i32
        %dma_wait3A_79 = tpu.memref_slice %arg3[%dma_wait3A_77, %dma_wait3A_78] : memref<153600x128xf32, #tpu.memory_space<hbm>> -> memref<80x128xf32, #tpu.memory_space<hbm>>
        %dma_wait3A_80 = arith.constant 0 : i32
        %dma_wait3A_81 = arith.constant 0 : i32
        %dma_wait3A_82 = tpu.memref_slice %arg3[%dma_wait3A_80, %dma_wait3A_81] : memref<153600x128xf32, #tpu.memory_space<hbm>> -> memref<80x128xf32, #tpu.memory_space<hbm>>
        tpu.wait_dma2 semaphore(%arg13 : memref<!tpu.dma_semaphore, #tpu.memory_space<semaphore_mem>>) src(%dma_wait3A_82 : memref<80x128xf32, #tpu.memory_space<hbm>>) dst(%arg10 : memref<80x128xf32, #tpu.memory_space<vmem>>)
        %dma_start3A_83 = arith.constant 0 : i32
        %dma_start3A_84 = arith.constant 0 : i32
        %dma_start3A_85 = tpu.memref_slice %arg12[%dma_start3A_83, %dma_start3A_84] : memref<10000x128xf32, #tpu.memory_space<vmem_shared>> -> memref<10000x128xf32, #tpu.memory_space<vmem_shared>>
        tpu.enqueue_indirect_dma source(%arg10 : memref<80x128xf32, #tpu.memory_space<vmem>>) target(%dma_start3A_85 : memref<10000x128xf32, #tpu.memory_space<vmem_shared>>) offsets(%arg8 : memref<80xi32, #tpu.memory_space<vmem>>) semaphore(%arg15 : memref<!tpu.dma_semaphore, #tpu.memory_space<semaphore_mem>>) {add = true}
        %dma_wait3A_86 = arith.constant 0 : i32
        %dma_wait3A_87 = arith.constant 0 : i32
        %dma_wait3A_88 = tpu.memref_slice %arg12[%dma_wait3A_86, %dma_wait3A_87] : memref<10000x128xf32, #tpu.memory_space<vmem_shared>> -> memref<10000x128xf32, #tpu.memory_space<vmem_shared>>
        tpu.wait_indirect_dma semaphore(%arg15 : memref<!tpu.dma_semaphore, #tpu.memory_space<semaphore_mem>>) src(%arg10 : memref<80x128xf32, #tpu.memory_space<vmem>>) dst(%dma_wait3A_88 : memref<10000x128xf32, #tpu.memory_space<vmem_shared>>)
        %add3A_89 = arith.constant 2 : i32
        %add3A_90 = arith.addi %add3A_72, %add3A_89 : i32
        %min3A = arith.constant 119 : i32
        %min3A_91 = arith.minsi %add3A_90, %min3A : i32
        %mul3A_92 = arith.constant 80 : i32
        %mul3A_93 = arith.muli %min3A_91, %mul3A_92 : i32
        %add3A_94 = arith.addi %mul3A_25, %mul3A_93 : i32
        %add3A_95 = arith.constant 0 : i32
        %add3A_96 = arith.addi %add3A_95, %add3A_94 : i32
        %dma_start3A_97 = tpu.memref_slice %arg4[%add3A_96] : memref<320000xi32, #tpu.memory_space<hbm>> -> memref<80xi32, #tpu.memory_space<hbm>>
        %dma_start3A_98 = tpu.memref_slice %arg4[%add3A_96] : memref<320000xi32, #tpu.memory_space<hbm>> -> memref<80xi32, #tpu.memory_space<hbm>>
        tpu.enqueue_dma source(%dma_start3A_98 : memref<80xi32, #tpu.memory_space<hbm>>) target(%arg8 : memref<80xi32, #tpu.memory_space<vmem>>) target_semaphore(%arg13 : memref<!tpu.dma_semaphore, #tpu.memory_space<semaphore_mem>>)
        %dma_start3A_99 = arith.constant 0 : i32
        %dma_start3A_100 = tpu.memref_slice %arg3[%add3A_94, %dma_start3A_99] : memref<153600x128xf32, #tpu.memory_space<hbm>> -> memref<80x128xf32, #tpu.memory_space<hbm>>
        %dma_start3A_101 = arith.constant 0 : i32
        %dma_start3A_102 = tpu.memref_slice %arg3[%add3A_94, %dma_start3A_101] : memref<153600x128xf32, #tpu.memory_space<hbm>> -> memref<80x128xf32, #tpu.memory_space<hbm>>
        tpu.enqueue_dma source(%dma_start3A_102 : memref<80x128xf32, #tpu.memory_space<hbm>>) target(%arg10 : memref<80x128xf32, #tpu.memory_space<vmem>>) target_semaphore(%arg13 : memref<!tpu.dma_semaphore, #tpu.memory_space<semaphore_mem>>)
        %mul3A_103 = arith.constant 2 : i32
        %mul3A_104 = arith.muli %mul3A_103, %scan3A_68 : i32
        %add3A_105 = arith.constant 1 : i32
        %add3A_106 = arith.addi %mul3A_104, %add3A_105 : i32
        %dma_wait3A_107 = arith.constant 0 : i32
        %dma_wait3A_108 = tpu.memref_slice %arg4[%dma_wait3A_107] : memref<320000xi32, #tpu.memory_space<hbm>> -> memref<80xi32, #tpu.memory_space<hbm>>
        %dma_wait3A_109 = arith.constant 0 : i32
        %dma_wait3A_110 = tpu.memref_slice %arg4[%dma_wait3A_109] : memref<320000xi32, #tpu.memory_space<hbm>> -> memref<80xi32, #tpu.memory_space<hbm>>
        tpu.wait_dma2 semaphore(%arg14 : memref<!tpu.dma_semaphore, #tpu.memory_space<semaphore_mem>>) src(%dma_wait3A_110 : memref<80xi32, #tpu.memory_space<hbm>>) dst(%arg9 : memref<80xi32, #tpu.memory_space<vmem>>)
        %dma_wait3A_111 = arith.constant 0 : i32
        %dma_wait3A_112 = arith.constant 0 : i32
        %dma_wait3A_113 = tpu.memref_slice %arg3[%dma_wait3A_111, %dma_wait3A_112] : memref<153600x128xf32, #tpu.memory_space<hbm>> -> memref<80x128xf32, #tpu.memory_space<hbm>>
        %dma_wait3A_114 = arith.constant 0 : i32
        %dma_wait3A_115 = arith.constant 0 : i32
        %dma_wait3A_116 = tpu.memref_slice %arg3[%dma_wait3A_114, %dma_wait3A_115] : memref<153600x128xf32, #tpu.memory_space<hbm>> -> memref<80x128xf32, #tpu.memory_space<hbm>>
        tpu.wait_dma2 semaphore(%arg14 : memref<!tpu.dma_semaphore, #tpu.memory_space<semaphore_mem>>) src(%dma_wait3A_116 : memref<80x128xf32, #tpu.memory_space<hbm>>) dst(%arg11 : memref<80x128xf32, #tpu.memory_space<vmem>>)
        %dma_start3A_117 = arith.constant 0 : i32
        %dma_start3A_118 = arith.constant 0 : i32
        %dma_start3A_119 = tpu.memref_slice %arg12[%dma_start3A_117, %dma_start3A_118] : memref<10000x128xf32, #tpu.memory_space<vmem_shared>> -> memref<10000x128xf32, #tpu.memory_space<vmem_shared>>
        tpu.enqueue_indirect_dma source(%arg11 : memref<80x128xf32, #tpu.memory_space<vmem>>) target(%dma_start3A_119 : memref<10000x128xf32, #tpu.memory_space<vmem_shared>>) offsets(%arg9 : memref<80xi32, #tpu.memory_space<vmem>>) semaphore(%arg16 : memref<!tpu.dma_semaphore, #tpu.memory_space<semaphore_mem>>) {add = true}
        %dma_wait3A_120 = arith.constant 0 : i32
        %dma_wait3A_121 = arith.constant 0 : i32
        %dma_wait3A_122 = tpu.memref_slice %arg12[%dma_wait3A_120, %dma_wait3A_121] : memref<10000x128xf32, #tpu.memory_space<vmem_shared>> -> memref<10000x128xf32, #tpu.memory_space<vmem_shared>>
        tpu.wait_indirect_dma semaphore(%arg16 : memref<!tpu.dma_semaphore, #tpu.memory_space<semaphore_mem>>) src(%arg11 : memref<80x128xf32, #tpu.memory_space<vmem>>) dst(%dma_wait3A_122 : memref<10000x128xf32, #tpu.memory_space<vmem_shared>>)
        %add3A_123 = arith.constant 2 : i32
        %add3A_124 = arith.addi %add3A_106, %add3A_123 : i32
        %min3A_125 = arith.constant 119 : i32
        %min3A_126 = arith.minsi %add3A_124, %min3A_125 : i32
        %mul3A_127 = arith.constant 80 : i32
        %mul3A_128 = arith.muli %min3A_126, %mul3A_127 : i32
        %add3A_129 = arith.addi %mul3A_25, %mul3A_128 : i32
        %add3A_130 = arith.constant 0 : i32
        %add3A_131 = arith.addi %add3A_130, %add3A_129 : i32
        %dma_start3A_132 = tpu.memref_slice %arg4[%add3A_131] : memref<320000xi32, #tpu.memory_space<hbm>> -> memref<80xi32, #tpu.memory_space<hbm>>
        %dma_start3A_133 = tpu.memref_slice %arg4[%add3A_131] : memref<320000xi32, #tpu.memory_space<hbm>> -> memref<80xi32, #tpu.memory_space<hbm>>
        tpu.enqueue_dma source(%dma_start3A_133 : memref<80xi32, #tpu.memory_space<hbm>>) target(%arg9 : memref<80xi32, #tpu.memory_space<vmem>>) target_semaphore(%arg14 : memref<!tpu.dma_semaphore, #tpu.memory_space<semaphore_mem>>)
        %dma_start3A_134 = arith.constant 0 : i32
        %dma_start3A_135 = tpu.memref_slice %arg3[%add3A_129, %dma_start3A_134] : memref<153600x128xf32, #tpu.memory_space<hbm>> -> memref<80x128xf32, #tpu.memory_space<hbm>>
        %dma_start3A_136 = arith.constant 0 : i32
        %dma_start3A_137 = tpu.memref_slice %arg3[%add3A_129, %dma_start3A_136] : memref<153600x128xf32, #tpu.memory_space<hbm>> -> memref<80x128xf32, #tpu.memory_space<hbm>>
        tpu.enqueue_dma source(%dma_start3A_137 : memref<80x128xf32, #tpu.memory_space<hbm>>) target(%arg11 : memref<80x128xf32, #tpu.memory_space<vmem>>) target_semaphore(%arg14 : memref<!tpu.dma_semaphore, #tpu.memory_space<semaphore_mem>>)
      }
      %scan3A_48 = arith.constant 60 : i32
      %dma_wait3A = arith.constant 0 : i32
      %dma_wait3A_49 = tpu.memref_slice %arg4[%dma_wait3A] : memref<320000xi32, #tpu.memory_space<hbm>> -> memref<80xi32, #tpu.memory_space<hbm>>
      %dma_wait3A_50 = arith.constant 0 : i32
      %dma_wait3A_51 = tpu.memref_slice %arg4[%dma_wait3A_50] : memref<320000xi32, #tpu.memory_space<hbm>> -> memref<80xi32, #tpu.memory_space<hbm>>
      tpu.wait_dma2 semaphore(%arg13 : memref<!tpu.dma_semaphore, #tpu.memory_space<semaphore_mem>>) src(%dma_wait3A_51 : memref<80xi32, #tpu.memory_space<hbm>>) dst(%arg8 : memref<80xi32, #tpu.memory_space<vmem>>)
      %dma_wait3A_52 = arith.constant 0 : i32
      %dma_wait3A_53 = arith.constant 0 : i32
      %dma_wait3A_54 = tpu.memref_slice %arg3[%dma_wait3A_52, %dma_wait3A_53] : memref<153600x128xf32, #tpu.memory_space<hbm>> -> memref<80x128xf32, #tpu.memory_space<hbm>>
      %dma_wait3A_55 = arith.constant 0 : i32
      %dma_wait3A_56 = arith.constant 0 : i32
      %dma_wait3A_57 = tpu.memref_slice %arg3[%dma_wait3A_55, %dma_wait3A_56] : memref<153600x128xf32, #tpu.memory_space<hbm>> -> memref<80x128xf32, #tpu.memory_space<hbm>>
      tpu.wait_dma2 semaphore(%arg13 : memref<!tpu.dma_semaphore, #tpu.memory_space<semaphore_mem>>) src(%dma_wait3A_57 : memref<80x128xf32, #tpu.memory_space<hbm>>) dst(%arg10 : memref<80x128xf32, #tpu.memory_space<vmem>>)
      %dma_wait3A_58 = arith.constant 0 : i32
      %dma_wait3A_59 = tpu.memref_slice %arg4[%dma_wait3A_58] : memref<320000xi32, #tpu.memory_space<hbm>> -> memref<80xi32, #tpu.memory_space<hbm>>
      %dma_wait3A_60 = arith.constant 0 : i32
      %dma_wait3A_61 = tpu.memref_slice %arg4[%dma_wait3A_60] : memref<320000xi32, #tpu.memory_space<hbm>> -> memref<80xi32, #tpu.memory_space<hbm>>
      tpu.wait_dma2 semaphore(%arg14 : memref<!tpu.dma_semaphore, #tpu.memory_space<semaphore_mem>>) src(%dma_wait3A_61 : memref<80xi32, #tpu.memory_space<hbm>>) dst(%arg9 : memref<80xi32, #tpu.memory_space<vmem>>)
      %dma_wait3A_62 = arith.constant 0 : i32
      %dma_wait3A_63 = arith.constant 0 : i32
      %dma_wait3A_64 = tpu.memref_slice %arg3[%dma_wait3A_62, %dma_wait3A_63] : memref<153600x128xf32, #tpu.memory_space<hbm>> -> memref<80x128xf32, #tpu.memory_space<hbm>>
      %dma_wait3A_65 = arith.constant 0 : i32
      %dma_wait3A_66 = arith.constant 0 : i32
      %dma_wait3A_67 = tpu.memref_slice %arg3[%dma_wait3A_65, %dma_wait3A_66] : memref<153600x128xf32, #tpu.memory_space<hbm>> -> memref<80x128xf32, #tpu.memory_space<hbm>>
      tpu.wait_dma2 semaphore(%arg14 : memref<!tpu.dma_semaphore, #tpu.memory_space<semaphore_mem>>) src(%dma_wait3A_67 : memref<80x128xf32, #tpu.memory_space<hbm>>) dst(%arg11 : memref<80x128xf32, #tpu.memory_space<vmem>>)
    } else {
    }
    %barrier3A_13 = arith.constant 0 : index
    tpu.barrier barrier_id(%barrier3A_13)
    %eq3A_14 = arith.constant 0 : i32
    %eq3A_15 = arith.cmpi eq, %arg0, %eq3A_14 : i32
    %convert_element_type3A_16 = arith.extui %eq3A_15 : i1 to i32
    %cond3A_17 = arith.constant 0 : i32
    %cond3A_18 = arith.cmpi ne, %convert_element_type3A_16, %cond3A_17 : i32
    scf.if %cond3A_18 {
      "tpu.region"() ({
        %run_scoped3A = tpu.sem_alloc : memref<!tpu.dma_semaphore, #tpu.memory_space<semaphore_mem>>
        %dma_start3A = arith.constant 0 : i32
        %dma_start3A_29 = tpu.memref_slice %arg6[%mul3A_0, %dma_start3A] : memref<10000x128xf32, #tpu.memory_space<hbm>> -> memref<624x128xf32, #tpu.memory_space<hbm>>
        %dma_start3A_30 = arith.constant 0 : i32
        %dma_start3A_31 = tpu.memref_slice %arg12[%mul3A_0, %dma_start3A_30] : memref<10000x128xf32, #tpu.memory_space<vmem_shared>> -> memref<624x128xf32, #tpu.memory_space<vmem_shared>>
        tpu.enqueue_dma source(%dma_start3A_31 : memref<624x128xf32, #tpu.memory_space<vmem_shared>>) target(%dma_start3A_29 : memref<624x128xf32, #tpu.memory_space<hbm>>) target_semaphore(%run_scoped3A : memref<!tpu.dma_semaphore, #tpu.memory_space<semaphore_mem>>)
        %dma_wait3A = arith.constant 0 : i32
        %dma_wait3A_32 = tpu.memref_slice %arg6[%mul3A_0, %dma_wait3A] : memref<10000x128xf32, #tpu.memory_space<hbm>> -> memref<624x128xf32, #tpu.memory_space<hbm>>
        %dma_wait3A_33 = arith.constant 0 : i32
        %dma_wait3A_34 = tpu.memref_slice %arg12[%mul3A_0, %dma_wait3A_33] : memref<10000x128xf32, #tpu.memory_space<vmem_shared>> -> memref<624x128xf32, #tpu.memory_space<vmem_shared>>
        tpu.wait_dma2 semaphore(%run_scoped3A : memref<!tpu.dma_semaphore, #tpu.memory_space<semaphore_mem>>) src(%dma_wait3A_34 : memref<624x128xf32, #tpu.memory_space<vmem_shared>>) dst(%dma_wait3A_32 : memref<624x128xf32, #tpu.memory_space<hbm>>)
        tpu.yield
      }) : () -> ()
      %eq3A_24 = arith.constant 15 : i32
      %eq3A_25 = arith.cmpi eq, %arg1, %eq3A_24 : i32
      %convert_element_type3A_26 = arith.extui %eq3A_25 : i1 to i32
      %cond3A_27 = arith.constant 0 : i32
      %cond3A_28 = arith.cmpi ne, %convert_element_type3A_26, %cond3A_27 : i32
      scf.if %cond3A_28 {
        "tpu.region"() ({
          %run_scoped3A = tpu.sem_alloc : memref<!tpu.dma_semaphore, #tpu.memory_space<semaphore_mem>>
          %dma_start3A = arith.constant 9984 : i32
          %dma_start3A_29 = arith.constant 0 : i32
          %dma_start3A_30 = tpu.memref_slice %arg6[%dma_start3A, %dma_start3A_29] : memref<10000x128xf32, #tpu.memory_space<hbm>> -> memref<16x128xf32, #tpu.memory_space<hbm>>
          %dma_start3A_31 = arith.constant 9984 : i32
          %dma_start3A_32 = arith.constant 0 : i32
          %dma_start3A_33 = tpu.memref_slice %arg12[%dma_start3A_31, %dma_start3A_32] : memref<10000x128xf32, #tpu.memory_space<vmem_shared>> -> memref<16x128xf32, #tpu.memory_space<vmem_shared>>
          tpu.enqueue_dma source(%dma_start3A_33 : memref<16x128xf32, #tpu.memory_space<vmem_shared>>) target(%dma_start3A_30 : memref<16x128xf32, #tpu.memory_space<hbm>>) target_semaphore(%run_scoped3A : memref<!tpu.dma_semaphore, #tpu.memory_space<semaphore_mem>>)
          %dma_wait3A = arith.constant 9984 : i32
          %dma_wait3A_34 = arith.constant 0 : i32
          %dma_wait3A_35 = tpu.memref_slice %arg6[%dma_wait3A, %dma_wait3A_34] : memref<10000x128xf32, #tpu.memory_space<hbm>> -> memref<16x128xf32, #tpu.memory_space<hbm>>
          %dma_wait3A_36 = arith.constant 9984 : i32
          %dma_wait3A_37 = arith.constant 0 : i32
          %dma_wait3A_38 = tpu.memref_slice %arg12[%dma_wait3A_36, %dma_wait3A_37] : memref<10000x128xf32, #tpu.memory_space<vmem_shared>> -> memref<16x128xf32, #tpu.memory_space<vmem_shared>>
          tpu.wait_dma2 semaphore(%run_scoped3A : memref<!tpu.dma_semaphore, #tpu.memory_space<semaphore_mem>>) src(%dma_wait3A_38 : memref<16x128xf32, #tpu.memory_space<vmem_shared>>) dst(%dma_wait3A_35 : memref<16x128xf32, #tpu.memory_space<hbm>>)
          tpu.yield
        }) : () -> ()
      } else {
      }
    } else {
    }
    %eq3A_19 = arith.constant 1 : i32
    %eq3A_20 = arith.cmpi eq, %arg0, %eq3A_19 : i32
    %convert_element_type3A_21 = arith.extui %eq3A_20 : i1 to i32
    %cond3A_22 = arith.constant 0 : i32
    %cond3A_23 = arith.cmpi ne, %convert_element_type3A_21, %cond3A_22 : i32
    scf.if %cond3A_23 {
      "tpu.region"() ({
        %run_scoped3A = tpu.sem_alloc : memref<!tpu.dma_semaphore, #tpu.memory_space<semaphore_mem>>
        %dma_start3A = arith.constant 0 : i32
        %dma_start3A_29 = tpu.memref_slice %arg7[%mul3A_0, %dma_start3A] : memref<10000x128xf32, #tpu.memory_space<hbm>> -> memref<624x128xf32, #tpu.memory_space<hbm>>
        %dma_start3A_30 = arith.constant 0 : i32
        %dma_start3A_31 = tpu.memref_slice %arg12[%mul3A_0, %dma_start3A_30] : memref<10000x128xf32, #tpu.memory_space<vmem_shared>> -> memref<624x128xf32, #tpu.memory_space<vmem_shared>>
        tpu.enqueue_dma source(%dma_start3A_31 : memref<624x128xf32, #tpu.memory_space<vmem_shared>>) target(%dma_start3A_29 : memref<624x128xf32, #tpu.memory_space<hbm>>) target_semaphore(%run_scoped3A : memref<!tpu.dma_semaphore, #tpu.memory_space<semaphore_mem>>)
        %dma_wait3A = arith.constant 0 : i32
        %dma_wait3A_32 = tpu.memref_slice %arg7[%mul3A_0, %dma_wait3A] : memref<10000x128xf32, #tpu.memory_space<hbm>> -> memref<624x128xf32, #tpu.memory_space<hbm>>
        %dma_wait3A_33 = arith.constant 0 : i32
        %dma_wait3A_34 = tpu.memref_slice %arg12[%mul3A_0, %dma_wait3A_33] : memref<10000x128xf32, #tpu.memory_space<vmem_shared>> -> memref<624x128xf32, #tpu.memory_space<vmem_shared>>
        tpu.wait_dma2 semaphore(%run_scoped3A : memref<!tpu.dma_semaphore, #tpu.memory_space<semaphore_mem>>) src(%dma_wait3A_34 : memref<624x128xf32, #tpu.memory_space<vmem_shared>>) dst(%dma_wait3A_32 : memref<624x128xf32, #tpu.memory_space<hbm>>)
        tpu.yield
      }) : () -> ()
      %eq3A_24 = arith.constant 15 : i32
      %eq3A_25 = arith.cmpi eq, %arg1, %eq3A_24 : i32
      %convert_element_type3A_26 = arith.extui %eq3A_25 : i1 to i32
      %cond3A_27 = arith.constant 0 : i32
      %cond3A_28 = arith.cmpi ne, %convert_element_type3A_26, %cond3A_27 : i32
      scf.if %cond3A_28 {
        "tpu.region"() ({
          %run_scoped3A = tpu.sem_alloc : memref<!tpu.dma_semaphore, #tpu.memory_space<semaphore_mem>>
          %dma_start3A = arith.constant 9984 : i32
          %dma_start3A_29 = arith.constant 0 : i32
          %dma_start3A_30 = tpu.memref_slice %arg7[%dma_start3A, %dma_start3A_29] : memref<10000x128xf32, #tpu.memory_space<hbm>> -> memref<16x128xf32, #tpu.memory_space<hbm>>
          %dma_start3A_31 = arith.constant 9984 : i32
          %dma_start3A_32 = arith.constant 0 : i32
          %dma_start3A_33 = tpu.memref_slice %arg12[%dma_start3A_31, %dma_start3A_32] : memref<10000x128xf32, #tpu.memory_space<vmem_shared>> -> memref<16x128xf32, #tpu.memory_space<vmem_shared>>
          tpu.enqueue_dma source(%dma_start3A_33 : memref<16x128xf32, #tpu.memory_space<vmem_shared>>) target(%dma_start3A_30 : memref<16x128xf32, #tpu.memory_space<hbm>>) target_semaphore(%run_scoped3A : memref<!tpu.dma_semaphore, #tpu.memory_space<semaphore_mem>>)
          %dma_wait3A = arith.constant 9984 : i32
          %dma_wait3A_34 = arith.constant 0 : i32
          %dma_wait3A_35 = tpu.memref_slice %arg7[%dma_wait3A, %dma_wait3A_34] : memref<10000x128xf32, #tpu.memory_space<hbm>> -> memref<16x128xf32, #tpu.memory_space<hbm>>
          %dma_wait3A_36 = arith.constant 9984 : i32
          %dma_wait3A_37 = arith.constant 0 : i32
          %dma_wait3A_38 = tpu.memref_slice %arg12[%dma_wait3A_36, %dma_wait3A_37] : memref<10000x128xf32, #tpu.memory_space<vmem_shared>> -> memref<16x128xf32, #tpu.memory_space<vmem_shared>>
          tpu.wait_dma2 semaphore(%run_scoped3A : memref<!tpu.dma_semaphore, #tpu.memory_space<semaphore_mem>>) src(%dma_wait3A_38 : memref<16x128xf32, #tpu.memory_space<vmem_shared>>) dst(%dma_wait3A_35 : memref<16x128xf32, #tpu.memory_space<hbm>>)
          tpu.yield
        }) : () -> ()
      } else {
      }
    } else {
    }
    return
  }
}

#map = affine_map<(d0, d1) -> (0, 0)>
#map1 = affine_map<(d0, d1) -> (0)>
module attributes {stable_mosaic.version = 14 : i64} {
  func.func @scatter_k(%arg0: i32, %arg1: i32, %arg2: memref<166400x128xf32, #tpu.memory_space<hbm>>, %arg3: memref<166400x128xf32, #tpu.memory_space<hbm>>, %arg4: memref<320000xi32, #tpu.memory_space<hbm>>, %arg5: memref<10000x128xf32, #tpu.memory_space<hbm>>, %arg6: memref<10000x128xf32, #tpu.memory_space<hbm>>, %arg7: memref<10000x128xf32, #tpu.memory_space<hbm>>, %arg8: memref<80xi32, #tpu.memory_space<vmem>>, %arg9: memref<80xi32, #tpu.memory_space<vmem>>, %arg10: memref<80x128xf32, #tpu.memory_space<vmem>>, %arg11: memref<80x128xf32, #tpu.memory_space<vmem>>, %arg12: memref<10000x128xf32, #tpu.memory_space<vmem_shared>>, %arg13: memref<!tpu.dma_semaphore, #tpu.memory_space<semaphore_mem>>, %arg14: memref<!tpu.dma_semaphore, #tpu.memory_space<semaphore_mem>>, %arg15: memref<!tpu.dma_semaphore, #tpu.memory_space<semaphore_mem>>, %arg16: memref<!tpu.dma_semaphore, #tpu.memory_space<semaphore_mem>>) attributes {dimension_semantics = [#tpu.dimension_semantics<core_parallel>, #tpu.dimension_semantics<subcore_parallel>], iteration_bounds = array<i64: 2, 16>, scalar_prefetch = 0 : i64, scratch_operands = 9 : i64, tpu.core_type = #tpu.core_type<sc_vector_subcore>, window_params = [{transform_indices = #map}, {transform_indices = #map}, {transform_indices = #map1}, {transform_indices = #map}, {transform_indices = #map}, {transform_indices = #map}]} {
    %mul3A = arith.constant 624 : i32
    %mul3A_0 = arith.muli %arg1, %mul3A : i32
    "tpu.region"() ({
      %run_scoped3A = tpu.sem_alloc : memref<!tpu.dma_semaphore, #tpu.memory_space<semaphore_mem>>
      %dma_start3A = arith.constant 0 : i32
      %dma_start3A_24 = tpu.memref_slice %arg12[%mul3A_0, %dma_start3A] : memref<10000x128xf32, #tpu.memory_space<vmem_shared>> -> memref<624x128xf32, #tpu.memory_space<vmem_shared>>
      %dma_start3A_25 = arith.constant 0 : i32
      %dma_start3A_26 = tpu.memref_slice %arg5[%mul3A_0, %dma_start3A_25] : memref<10000x128xf32, #tpu.memory_space<hbm>> -> memref<624x128xf32, #tpu.memory_space<hbm>>
      tpu.enqueue_dma source(%dma_start3A_26 : memref<624x128xf32, #tpu.memory_space<hbm>>) target(%dma_start3A_24 : memref<624x128xf32, #tpu.memory_space<vmem_shared>>) target_semaphore(%run_scoped3A : memref<!tpu.dma_semaphore, #tpu.memory_space<semaphore_mem>>)
      %dma_wait3A = arith.constant 0 : i32
      %dma_wait3A_27 = tpu.memref_slice %arg12[%mul3A_0, %dma_wait3A] : memref<10000x128xf32, #tpu.memory_space<vmem_shared>> -> memref<624x128xf32, #tpu.memory_space<vmem_shared>>
      %dma_wait3A_28 = arith.constant 0 : i32
      %dma_wait3A_29 = tpu.memref_slice %arg5[%mul3A_0, %dma_wait3A_28] : memref<10000x128xf32, #tpu.memory_space<hbm>> -> memref<624x128xf32, #tpu.memory_space<hbm>>
      tpu.wait_dma2 semaphore(%run_scoped3A : memref<!tpu.dma_semaphore, #tpu.memory_space<semaphore_mem>>) src(%dma_wait3A_29 : memref<624x128xf32, #tpu.memory_space<hbm>>) dst(%dma_wait3A_27 : memref<624x128xf32, #tpu.memory_space<vmem_shared>>)
      tpu.yield
    }) : () -> ()
    %eq3A = arith.constant 15 : i32
    %eq3A_1 = arith.cmpi eq, %arg1, %eq3A : i32
    %convert_element_type3A = arith.extui %eq3A_1 : i1 to i32
    %cond3A = arith.constant 0 : i32
    %cond3A_2 = arith.cmpi ne, %convert_element_type3A, %cond3A : i32
    scf.if %cond3A_2 {
      "tpu.region"() ({
        %run_scoped3A = tpu.sem_alloc : memref<!tpu.dma_semaphore, #tpu.memory_space<semaphore_mem>>
        %dma_start3A = arith.constant 9984 : i32
        %dma_start3A_24 = arith.constant 0 : i32
        %dma_start3A_25 = tpu.memref_slice %arg12[%dma_start3A, %dma_start3A_24] : memref<10000x128xf32, #tpu.memory_space<vmem_shared>> -> memref<16x128xf32, #tpu.memory_space<vmem_shared>>
        %dma_start3A_26 = arith.constant 9984 : i32
        %dma_start3A_27 = arith.constant 0 : i32
        %dma_start3A_28 = tpu.memref_slice %arg5[%dma_start3A_26, %dma_start3A_27] : memref<10000x128xf32, #tpu.memory_space<hbm>> -> memref<16x128xf32, #tpu.memory_space<hbm>>
        tpu.enqueue_dma source(%dma_start3A_28 : memref<16x128xf32, #tpu.memory_space<hbm>>) target(%dma_start3A_25 : memref<16x128xf32, #tpu.memory_space<vmem_shared>>) target_semaphore(%run_scoped3A : memref<!tpu.dma_semaphore, #tpu.memory_space<semaphore_mem>>)
        %dma_wait3A = arith.constant 9984 : i32
        %dma_wait3A_29 = arith.constant 0 : i32
        %dma_wait3A_30 = tpu.memref_slice %arg12[%dma_wait3A, %dma_wait3A_29] : memref<10000x128xf32, #tpu.memory_space<vmem_shared>> -> memref<16x128xf32, #tpu.memory_space<vmem_shared>>
        %dma_wait3A_31 = arith.constant 9984 : i32
        %dma_wait3A_32 = arith.constant 0 : i32
        %dma_wait3A_33 = tpu.memref_slice %arg5[%dma_wait3A_31, %dma_wait3A_32] : memref<10000x128xf32, #tpu.memory_space<hbm>> -> memref<16x128xf32, #tpu.memory_space<hbm>>
        tpu.wait_dma2 semaphore(%run_scoped3A : memref<!tpu.dma_semaphore, #tpu.memory_space<semaphore_mem>>) src(%dma_wait3A_33 : memref<16x128xf32, #tpu.memory_space<hbm>>) dst(%dma_wait3A_30 : memref<16x128xf32, #tpu.memory_space<vmem_shared>>)
        tpu.yield
      }) : () -> ()
    } else {
    }
    %barrier3A = arith.constant 0 : index
    tpu.barrier barrier_id(%barrier3A)
    %eq3A_3 = arith.constant 0 : i32
    %eq3A_4 = arith.cmpi eq, %arg0, %eq3A_3 : i32
    %convert_element_type3A_5 = arith.extui %eq3A_4 : i1 to i32
    %cond3A_6 = arith.constant 0 : i32
    %cond3A_7 = arith.cmpi ne, %convert_element_type3A_5, %cond3A_6 : i32
    scf.if %cond3A_7 {
      %mul3A_24 = arith.constant 10400 : i32
      %mul3A_25 = arith.muli %arg1, %mul3A_24 : i32
      %add3A = arith.constant 0 : i32
      %add3A_26 = arith.addi %mul3A_25, %add3A : i32
      %add3A_27 = arith.constant 153600 : i32
      %add3A_28 = arith.addi %add3A_27, %add3A_26 : i32
      %dma_start3A = tpu.memref_slice %arg4[%add3A_28] : memref<320000xi32, #tpu.memory_space<hbm>> -> memref<80xi32, #tpu.memory_space<hbm>>
      %dma_start3A_29 = tpu.memref_slice %arg4[%add3A_28] : memref<320000xi32, #tpu.memory_space<hbm>> -> memref<80xi32, #tpu.memory_space<hbm>>
      tpu.enqueue_dma source(%dma_start3A_29 : memref<80xi32, #tpu.memory_space<hbm>>) target(%arg8 : memref<80xi32, #tpu.memory_space<vmem>>) target_semaphore(%arg13 : memref<!tpu.dma_semaphore, #tpu.memory_space<semaphore_mem>>)
      %dma_start3A_30 = arith.constant 0 : i32
      %dma_start3A_31 = tpu.memref_slice %arg2[%add3A_26, %dma_start3A_30] : memref<166400x128xf32, #tpu.memory_space<hbm>> -> memref<80x128xf32, #tpu.memory_space<hbm>>
      %dma_start3A_32 = arith.constant 0 : i32
      %dma_start3A_33 = tpu.memref_slice %arg2[%add3A_26, %dma_start3A_32] : memref<166400x128xf32, #tpu.memory_space<hbm>> -> memref<80x128xf32, #tpu.memory_space<hbm>>
      tpu.enqueue_dma source(%dma_start3A_33 : memref<80x128xf32, #tpu.memory_space<hbm>>) target(%arg10 : memref<80x128xf32, #tpu.memory_space<vmem>>) target_semaphore(%arg13 : memref<!tpu.dma_semaphore, #tpu.memory_space<semaphore_mem>>)
      %add3A_34 = arith.constant 80 : i32
      %add3A_35 = arith.addi %mul3A_25, %add3A_34 : i32
      %add3A_36 = arith.constant 153600 : i32
      %add3A_37 = arith.addi %add3A_36, %add3A_35 : i32
      %dma_start3A_38 = tpu.memref_slice %arg4[%add3A_37] : memref<320000xi32, #tpu.memory_space<hbm>> -> memref<80xi32, #tpu.memory_space<hbm>>
      %dma_start3A_39 = tpu.memref_slice %arg4[%add3A_37] : memref<320000xi32, #tpu.memory_space<hbm>> -> memref<80xi32, #tpu.memory_space<hbm>>
      tpu.enqueue_dma source(%dma_start3A_39 : memref<80xi32, #tpu.memory_space<hbm>>) target(%arg9 : memref<80xi32, #tpu.memory_space<vmem>>) target_semaphore(%arg14 : memref<!tpu.dma_semaphore, #tpu.memory_space<semaphore_mem>>)
      %dma_start3A_40 = arith.constant 0 : i32
      %dma_start3A_41 = tpu.memref_slice %arg2[%add3A_35, %dma_start3A_40] : memref<166400x128xf32, #tpu.memory_space<hbm>> -> memref<80x128xf32, #tpu.memory_space<hbm>>
      %dma_start3A_42 = arith.constant 0 : i32
      %dma_start3A_43 = tpu.memref_slice %arg2[%add3A_35, %dma_start3A_42] : memref<166400x128xf32, #tpu.memory_space<hbm>> -> memref<80x128xf32, #tpu.memory_space<hbm>>
      tpu.enqueue_dma source(%dma_start3A_43 : memref<80x128xf32, #tpu.memory_space<hbm>>) target(%arg11 : memref<80x128xf32, #tpu.memory_space<vmem>>) target_semaphore(%arg14 : memref<!tpu.dma_semaphore, #tpu.memory_space<semaphore_mem>>)
      %scan3A = arith.constant 0 : i32
      %scan3A_44 = arith.constant 0 : i32
      %scan3A_45 = arith.constant 65 : i32
      %scan3A_46 = arith.addi %scan3A_44, %scan3A_45 : i32
      %scan3A_47 = arith.constant 1 : i32
      scf.for %scan3A_68 = %scan3A_44 to %scan3A_46 step %scan3A_47  : i32 {
        %mul3A_69 = arith.constant 2 : i32
        %mul3A_70 = arith.muli %mul3A_69, %scan3A_68 : i32
        %add3A_71 = arith.constant 0 : i32
        %add3A_72 = arith.addi %mul3A_70, %add3A_71 : i32
        %dma_wait3A_73 = arith.constant 0 : i32
        %dma_wait3A_74 = tpu.memref_slice %arg4[%dma_wait3A_73] : memref<320000xi32, #tpu.memory_space<hbm>> -> memref<80xi32, #tpu.memory_space<hbm>>
        %dma_wait3A_75 = arith.constant 0 : i32
        %dma_wait3A_76 = tpu.memref_slice %arg4[%dma_wait3A_75] : memref<320000xi32, #tpu.memory_space<hbm>> -> memref<80xi32, #tpu.memory_space<hbm>>
        tpu.wait_dma2 semaphore(%arg13 : memref<!tpu.dma_semaphore, #tpu.memory_space<semaphore_mem>>) src(%dma_wait3A_76 : memref<80xi32, #tpu.memory_space<hbm>>) dst(%arg8 : memref<80xi32, #tpu.memory_space<vmem>>)
        %dma_wait3A_77 = arith.constant 0 : i32
        %dma_wait3A_78 = arith.constant 0 : i32
        %dma_wait3A_79 = tpu.memref_slice %arg2[%dma_wait3A_77, %dma_wait3A_78] : memref<166400x128xf32, #tpu.memory_space<hbm>> -> memref<80x128xf32, #tpu.memory_space<hbm>>
        %dma_wait3A_80 = arith.constant 0 : i32
        %dma_wait3A_81 = arith.constant 0 : i32
        %dma_wait3A_82 = tpu.memref_slice %arg2[%dma_wait3A_80, %dma_wait3A_81] : memref<166400x128xf32, #tpu.memory_space<hbm>> -> memref<80x128xf32, #tpu.memory_space<hbm>>
        tpu.wait_dma2 semaphore(%arg13 : memref<!tpu.dma_semaphore, #tpu.memory_space<semaphore_mem>>) src(%dma_wait3A_82 : memref<80x128xf32, #tpu.memory_space<hbm>>) dst(%arg10 : memref<80x128xf32, #tpu.memory_space<vmem>>)
        %dma_start3A_83 = arith.constant 0 : i32
        %dma_start3A_84 = arith.constant 0 : i32
        %dma_start3A_85 = tpu.memref_slice %arg12[%dma_start3A_83, %dma_start3A_84] : memref<10000x128xf32, #tpu.memory_space<vmem_shared>> -> memref<10000x128xf32, #tpu.memory_space<vmem_shared>>
        tpu.enqueue_indirect_dma source(%arg10 : memref<80x128xf32, #tpu.memory_space<vmem>>) target(%dma_start3A_85 : memref<10000x128xf32, #tpu.memory_space<vmem_shared>>) offsets(%arg8 : memref<80xi32, #tpu.memory_space<vmem>>) semaphore(%arg15 : memref<!tpu.dma_semaphore, #tpu.memory_space<semaphore_mem>>) {add = true}
        %dma_wait3A_86 = arith.constant 0 : i32
        %dma_wait3A_87 = arith.constant 0 : i32
        %dma_wait3A_88 = tpu.memref_slice %arg12[%dma_wait3A_86, %dma_wait3A_87] : memref<10000x128xf32, #tpu.memory_space<vmem_shared>> -> memref<10000x128xf32, #tpu.memory_space<vmem_shared>>
        tpu.wait_indirect_dma semaphore(%arg15 : memref<!tpu.dma_semaphore, #tpu.memory_space<semaphore_mem>>) src(%arg10 : memref<80x128xf32, #tpu.memory_space<vmem>>) dst(%dma_wait3A_88 : memref<10000x128xf32, #tpu.memory_space<vmem_shared>>)
        %add3A_89 = arith.constant 2 : i32
        %add3A_90 = arith.addi %add3A_72, %add3A_89 : i32
        %min3A = arith.constant 129 : i32
        %min3A_91 = arith.minsi %add3A_90, %min3A : i32
        %mul3A_92 = arith.constant 80 : i32
        %mul3A_93 = arith.muli %min3A_91, %mul3A_92 : i32
        %add3A_94 = arith.addi %mul3A_25, %mul3A_93 : i32
        %add3A_95 = arith.constant 153600 : i32
        %add3A_96 = arith.addi %add3A_95, %add3A_94 : i32
        %dma_start3A_97 = tpu.memref_slice %arg4[%add3A_96] : memref<320000xi32, #tpu.memory_space<hbm>> -> memref<80xi32, #tpu.memory_space<hbm>>
        %dma_start3A_98 = tpu.memref_slice %arg4[%add3A_96] : memref<320000xi32, #tpu.memory_space<hbm>> -> memref<80xi32, #tpu.memory_space<hbm>>
        tpu.enqueue_dma source(%dma_start3A_98 : memref<80xi32, #tpu.memory_space<hbm>>) target(%arg8 : memref<80xi32, #tpu.memory_space<vmem>>) target_semaphore(%arg13 : memref<!tpu.dma_semaphore, #tpu.memory_space<semaphore_mem>>)
        %dma_start3A_99 = arith.constant 0 : i32
        %dma_start3A_100 = tpu.memref_slice %arg2[%add3A_94, %dma_start3A_99] : memref<166400x128xf32, #tpu.memory_space<hbm>> -> memref<80x128xf32, #tpu.memory_space<hbm>>
        %dma_start3A_101 = arith.constant 0 : i32
        %dma_start3A_102 = tpu.memref_slice %arg2[%add3A_94, %dma_start3A_101] : memref<166400x128xf32, #tpu.memory_space<hbm>> -> memref<80x128xf32, #tpu.memory_space<hbm>>
        tpu.enqueue_dma source(%dma_start3A_102 : memref<80x128xf32, #tpu.memory_space<hbm>>) target(%arg10 : memref<80x128xf32, #tpu.memory_space<vmem>>) target_semaphore(%arg13 : memref<!tpu.dma_semaphore, #tpu.memory_space<semaphore_mem>>)
        %mul3A_103 = arith.constant 2 : i32
        %mul3A_104 = arith.muli %mul3A_103, %scan3A_68 : i32
        %add3A_105 = arith.constant 1 : i32
        %add3A_106 = arith.addi %mul3A_104, %add3A_105 : i32
        %dma_wait3A_107 = arith.constant 0 : i32
        %dma_wait3A_108 = tpu.memref_slice %arg4[%dma_wait3A_107] : memref<320000xi32, #tpu.memory_space<hbm>> -> memref<80xi32, #tpu.memory_space<hbm>>
        %dma_wait3A_109 = arith.constant 0 : i32
        %dma_wait3A_110 = tpu.memref_slice %arg4[%dma_wait3A_109] : memref<320000xi32, #tpu.memory_space<hbm>> -> memref<80xi32, #tpu.memory_space<hbm>>
        tpu.wait_dma2 semaphore(%arg14 : memref<!tpu.dma_semaphore, #tpu.memory_space<semaphore_mem>>) src(%dma_wait3A_110 : memref<80xi32, #tpu.memory_space<hbm>>) dst(%arg9 : memref<80xi32, #tpu.memory_space<vmem>>)
        %dma_wait3A_111 = arith.constant 0 : i32
        %dma_wait3A_112 = arith.constant 0 : i32
        %dma_wait3A_113 = tpu.memref_slice %arg2[%dma_wait3A_111, %dma_wait3A_112] : memref<166400x128xf32, #tpu.memory_space<hbm>> -> memref<80x128xf32, #tpu.memory_space<hbm>>
        %dma_wait3A_114 = arith.constant 0 : i32
        %dma_wait3A_115 = arith.constant 0 : i32
        %dma_wait3A_116 = tpu.memref_slice %arg2[%dma_wait3A_114, %dma_wait3A_115] : memref<166400x128xf32, #tpu.memory_space<hbm>> -> memref<80x128xf32, #tpu.memory_space<hbm>>
        tpu.wait_dma2 semaphore(%arg14 : memref<!tpu.dma_semaphore, #tpu.memory_space<semaphore_mem>>) src(%dma_wait3A_116 : memref<80x128xf32, #tpu.memory_space<hbm>>) dst(%arg11 : memref<80x128xf32, #tpu.memory_space<vmem>>)
        %dma_start3A_117 = arith.constant 0 : i32
        %dma_start3A_118 = arith.constant 0 : i32
        %dma_start3A_119 = tpu.memref_slice %arg12[%dma_start3A_117, %dma_start3A_118] : memref<10000x128xf32, #tpu.memory_space<vmem_shared>> -> memref<10000x128xf32, #tpu.memory_space<vmem_shared>>
        tpu.enqueue_indirect_dma source(%arg11 : memref<80x128xf32, #tpu.memory_space<vmem>>) target(%dma_start3A_119 : memref<10000x128xf32, #tpu.memory_space<vmem_shared>>) offsets(%arg9 : memref<80xi32, #tpu.memory_space<vmem>>) semaphore(%arg16 : memref<!tpu.dma_semaphore, #tpu.memory_space<semaphore_mem>>) {add = true}
        %dma_wait3A_120 = arith.constant 0 : i32
        %dma_wait3A_121 = arith.constant 0 : i32
        %dma_wait3A_122 = tpu.memref_slice %arg12[%dma_wait3A_120, %dma_wait3A_121] : memref<10000x128xf32, #tpu.memory_space<vmem_shared>> -> memref<10000x128xf32, #tpu.memory_space<vmem_shared>>
        tpu.wait_indirect_dma semaphore(%arg16 : memref<!tpu.dma_semaphore, #tpu.memory_space<semaphore_mem>>) src(%arg11 : memref<80x128xf32, #tpu.memory_space<vmem>>) dst(%dma_wait3A_122 : memref<10000x128xf32, #tpu.memory_space<vmem_shared>>)
        %add3A_123 = arith.constant 2 : i32
        %add3A_124 = arith.addi %add3A_106, %add3A_123 : i32
        %min3A_125 = arith.constant 129 : i32
        %min3A_126 = arith.minsi %add3A_124, %min3A_125 : i32
        %mul3A_127 = arith.constant 80 : i32
        %mul3A_128 = arith.muli %min3A_126, %mul3A_127 : i32
        %add3A_129 = arith.addi %mul3A_25, %mul3A_128 : i32
        %add3A_130 = arith.constant 153600 : i32
        %add3A_131 = arith.addi %add3A_130, %add3A_129 : i32
        %dma_start3A_132 = tpu.memref_slice %arg4[%add3A_131] : memref<320000xi32, #tpu.memory_space<hbm>> -> memref<80xi32, #tpu.memory_space<hbm>>
        %dma_start3A_133 = tpu.memref_slice %arg4[%add3A_131] : memref<320000xi32, #tpu.memory_space<hbm>> -> memref<80xi32, #tpu.memory_space<hbm>>
        tpu.enqueue_dma source(%dma_start3A_133 : memref<80xi32, #tpu.memory_space<hbm>>) target(%arg9 : memref<80xi32, #tpu.memory_space<vmem>>) target_semaphore(%arg14 : memref<!tpu.dma_semaphore, #tpu.memory_space<semaphore_mem>>)
        %dma_start3A_134 = arith.constant 0 : i32
        %dma_start3A_135 = tpu.memref_slice %arg2[%add3A_129, %dma_start3A_134] : memref<166400x128xf32, #tpu.memory_space<hbm>> -> memref<80x128xf32, #tpu.memory_space<hbm>>
        %dma_start3A_136 = arith.constant 0 : i32
        %dma_start3A_137 = tpu.memref_slice %arg2[%add3A_129, %dma_start3A_136] : memref<166400x128xf32, #tpu.memory_space<hbm>> -> memref<80x128xf32, #tpu.memory_space<hbm>>
        tpu.enqueue_dma source(%dma_start3A_137 : memref<80x128xf32, #tpu.memory_space<hbm>>) target(%arg11 : memref<80x128xf32, #tpu.memory_space<vmem>>) target_semaphore(%arg14 : memref<!tpu.dma_semaphore, #tpu.memory_space<semaphore_mem>>)
      }
      %scan3A_48 = arith.constant 65 : i32
      %dma_wait3A = arith.constant 0 : i32
      %dma_wait3A_49 = tpu.memref_slice %arg4[%dma_wait3A] : memref<320000xi32, #tpu.memory_space<hbm>> -> memref<80xi32, #tpu.memory_space<hbm>>
      %dma_wait3A_50 = arith.constant 0 : i32
      %dma_wait3A_51 = tpu.memref_slice %arg4[%dma_wait3A_50] : memref<320000xi32, #tpu.memory_space<hbm>> -> memref<80xi32, #tpu.memory_space<hbm>>
      tpu.wait_dma2 semaphore(%arg13 : memref<!tpu.dma_semaphore, #tpu.memory_space<semaphore_mem>>) src(%dma_wait3A_51 : memref<80xi32, #tpu.memory_space<hbm>>) dst(%arg8 : memref<80xi32, #tpu.memory_space<vmem>>)
      %dma_wait3A_52 = arith.constant 0 : i32
      %dma_wait3A_53 = arith.constant 0 : i32
      %dma_wait3A_54 = tpu.memref_slice %arg2[%dma_wait3A_52, %dma_wait3A_53] : memref<166400x128xf32, #tpu.memory_space<hbm>> -> memref<80x128xf32, #tpu.memory_space<hbm>>
      %dma_wait3A_55 = arith.constant 0 : i32
      %dma_wait3A_56 = arith.constant 0 : i32
      %dma_wait3A_57 = tpu.memref_slice %arg2[%dma_wait3A_55, %dma_wait3A_56] : memref<166400x128xf32, #tpu.memory_space<hbm>> -> memref<80x128xf32, #tpu.memory_space<hbm>>
      tpu.wait_dma2 semaphore(%arg13 : memref<!tpu.dma_semaphore, #tpu.memory_space<semaphore_mem>>) src(%dma_wait3A_57 : memref<80x128xf32, #tpu.memory_space<hbm>>) dst(%arg10 : memref<80x128xf32, #tpu.memory_space<vmem>>)
      %dma_wait3A_58 = arith.constant 0 : i32
      %dma_wait3A_59 = tpu.memref_slice %arg4[%dma_wait3A_58] : memref<320000xi32, #tpu.memory_space<hbm>> -> memref<80xi32, #tpu.memory_space<hbm>>
      %dma_wait3A_60 = arith.constant 0 : i32
      %dma_wait3A_61 = tpu.memref_slice %arg4[%dma_wait3A_60] : memref<320000xi32, #tpu.memory_space<hbm>> -> memref<80xi32, #tpu.memory_space<hbm>>
      tpu.wait_dma2 semaphore(%arg14 : memref<!tpu.dma_semaphore, #tpu.memory_space<semaphore_mem>>) src(%dma_wait3A_61 : memref<80xi32, #tpu.memory_space<hbm>>) dst(%arg9 : memref<80xi32, #tpu.memory_space<vmem>>)
      %dma_wait3A_62 = arith.constant 0 : i32
      %dma_wait3A_63 = arith.constant 0 : i32
      %dma_wait3A_64 = tpu.memref_slice %arg2[%dma_wait3A_62, %dma_wait3A_63] : memref<166400x128xf32, #tpu.memory_space<hbm>> -> memref<80x128xf32, #tpu.memory_space<hbm>>
      %dma_wait3A_65 = arith.constant 0 : i32
      %dma_wait3A_66 = arith.constant 0 : i32
      %dma_wait3A_67 = tpu.memref_slice %arg2[%dma_wait3A_65, %dma_wait3A_66] : memref<166400x128xf32, #tpu.memory_space<hbm>> -> memref<80x128xf32, #tpu.memory_space<hbm>>
      tpu.wait_dma2 semaphore(%arg14 : memref<!tpu.dma_semaphore, #tpu.memory_space<semaphore_mem>>) src(%dma_wait3A_67 : memref<80x128xf32, #tpu.memory_space<hbm>>) dst(%arg11 : memref<80x128xf32, #tpu.memory_space<vmem>>)
    } else {
    }
    %eq3A_8 = arith.constant 1 : i32
    %eq3A_9 = arith.cmpi eq, %arg0, %eq3A_8 : i32
    %convert_element_type3A_10 = arith.extui %eq3A_9 : i1 to i32
    %cond3A_11 = arith.constant 0 : i32
    %cond3A_12 = arith.cmpi ne, %convert_element_type3A_10, %cond3A_11 : i32
    scf.if %cond3A_12 {
      %mul3A_24 = arith.constant 10400 : i32
      %mul3A_25 = arith.muli %arg1, %mul3A_24 : i32
      %add3A = arith.constant 0 : i32
      %add3A_26 = arith.addi %mul3A_25, %add3A : i32
      %add3A_27 = arith.constant 153600 : i32
      %add3A_28 = arith.addi %add3A_27, %add3A_26 : i32
      %dma_start3A = tpu.memref_slice %arg4[%add3A_28] : memref<320000xi32, #tpu.memory_space<hbm>> -> memref<80xi32, #tpu.memory_space<hbm>>
      %dma_start3A_29 = tpu.memref_slice %arg4[%add3A_28] : memref<320000xi32, #tpu.memory_space<hbm>> -> memref<80xi32, #tpu.memory_space<hbm>>
      tpu.enqueue_dma source(%dma_start3A_29 : memref<80xi32, #tpu.memory_space<hbm>>) target(%arg8 : memref<80xi32, #tpu.memory_space<vmem>>) target_semaphore(%arg13 : memref<!tpu.dma_semaphore, #tpu.memory_space<semaphore_mem>>)
      %dma_start3A_30 = arith.constant 0 : i32
      %dma_start3A_31 = tpu.memref_slice %arg3[%add3A_26, %dma_start3A_30] : memref<166400x128xf32, #tpu.memory_space<hbm>> -> memref<80x128xf32, #tpu.memory_space<hbm>>
      %dma_start3A_32 = arith.constant 0 : i32
      %dma_start3A_33 = tpu.memref_slice %arg3[%add3A_26, %dma_start3A_32] : memref<166400x128xf32, #tpu.memory_space<hbm>> -> memref<80x128xf32, #tpu.memory_space<hbm>>
      tpu.enqueue_dma source(%dma_start3A_33 : memref<80x128xf32, #tpu.memory_space<hbm>>) target(%arg10 : memref<80x128xf32, #tpu.memory_space<vmem>>) target_semaphore(%arg13 : memref<!tpu.dma_semaphore, #tpu.memory_space<semaphore_mem>>)
      %add3A_34 = arith.constant 80 : i32
      %add3A_35 = arith.addi %mul3A_25, %add3A_34 : i32
      %add3A_36 = arith.constant 153600 : i32
      %add3A_37 = arith.addi %add3A_36, %add3A_35 : i32
      %dma_start3A_38 = tpu.memref_slice %arg4[%add3A_37] : memref<320000xi32, #tpu.memory_space<hbm>> -> memref<80xi32, #tpu.memory_space<hbm>>
      %dma_start3A_39 = tpu.memref_slice %arg4[%add3A_37] : memref<320000xi32, #tpu.memory_space<hbm>> -> memref<80xi32, #tpu.memory_space<hbm>>
      tpu.enqueue_dma source(%dma_start3A_39 : memref<80xi32, #tpu.memory_space<hbm>>) target(%arg9 : memref<80xi32, #tpu.memory_space<vmem>>) target_semaphore(%arg14 : memref<!tpu.dma_semaphore, #tpu.memory_space<semaphore_mem>>)
      %dma_start3A_40 = arith.constant 0 : i32
      %dma_start3A_41 = tpu.memref_slice %arg3[%add3A_35, %dma_start3A_40] : memref<166400x128xf32, #tpu.memory_space<hbm>> -> memref<80x128xf32, #tpu.memory_space<hbm>>
      %dma_start3A_42 = arith.constant 0 : i32
      %dma_start3A_43 = tpu.memref_slice %arg3[%add3A_35, %dma_start3A_42] : memref<166400x128xf32, #tpu.memory_space<hbm>> -> memref<80x128xf32, #tpu.memory_space<hbm>>
      tpu.enqueue_dma source(%dma_start3A_43 : memref<80x128xf32, #tpu.memory_space<hbm>>) target(%arg11 : memref<80x128xf32, #tpu.memory_space<vmem>>) target_semaphore(%arg14 : memref<!tpu.dma_semaphore, #tpu.memory_space<semaphore_mem>>)
      %scan3A = arith.constant 0 : i32
      %scan3A_44 = arith.constant 0 : i32
      %scan3A_45 = arith.constant 65 : i32
      %scan3A_46 = arith.addi %scan3A_44, %scan3A_45 : i32
      %scan3A_47 = arith.constant 1 : i32
      scf.for %scan3A_68 = %scan3A_44 to %scan3A_46 step %scan3A_47  : i32 {
        %mul3A_69 = arith.constant 2 : i32
        %mul3A_70 = arith.muli %mul3A_69, %scan3A_68 : i32
        %add3A_71 = arith.constant 0 : i32
        %add3A_72 = arith.addi %mul3A_70, %add3A_71 : i32
        %dma_wait3A_73 = arith.constant 0 : i32
        %dma_wait3A_74 = tpu.memref_slice %arg4[%dma_wait3A_73] : memref<320000xi32, #tpu.memory_space<hbm>> -> memref<80xi32, #tpu.memory_space<hbm>>
        %dma_wait3A_75 = arith.constant 0 : i32
        %dma_wait3A_76 = tpu.memref_slice %arg4[%dma_wait3A_75] : memref<320000xi32, #tpu.memory_space<hbm>> -> memref<80xi32, #tpu.memory_space<hbm>>
        tpu.wait_dma2 semaphore(%arg13 : memref<!tpu.dma_semaphore, #tpu.memory_space<semaphore_mem>>) src(%dma_wait3A_76 : memref<80xi32, #tpu.memory_space<hbm>>) dst(%arg8 : memref<80xi32, #tpu.memory_space<vmem>>)
        %dma_wait3A_77 = arith.constant 0 : i32
        %dma_wait3A_78 = arith.constant 0 : i32
        %dma_wait3A_79 = tpu.memref_slice %arg3[%dma_wait3A_77, %dma_wait3A_78] : memref<166400x128xf32, #tpu.memory_space<hbm>> -> memref<80x128xf32, #tpu.memory_space<hbm>>
        %dma_wait3A_80 = arith.constant 0 : i32
        %dma_wait3A_81 = arith.constant 0 : i32
        %dma_wait3A_82 = tpu.memref_slice %arg3[%dma_wait3A_80, %dma_wait3A_81] : memref<166400x128xf32, #tpu.memory_space<hbm>> -> memref<80x128xf32, #tpu.memory_space<hbm>>
        tpu.wait_dma2 semaphore(%arg13 : memref<!tpu.dma_semaphore, #tpu.memory_space<semaphore_mem>>) src(%dma_wait3A_82 : memref<80x128xf32, #tpu.memory_space<hbm>>) dst(%arg10 : memref<80x128xf32, #tpu.memory_space<vmem>>)
        %dma_start3A_83 = arith.constant 0 : i32
        %dma_start3A_84 = arith.constant 0 : i32
        %dma_start3A_85 = tpu.memref_slice %arg12[%dma_start3A_83, %dma_start3A_84] : memref<10000x128xf32, #tpu.memory_space<vmem_shared>> -> memref<10000x128xf32, #tpu.memory_space<vmem_shared>>
        tpu.enqueue_indirect_dma source(%arg10 : memref<80x128xf32, #tpu.memory_space<vmem>>) target(%dma_start3A_85 : memref<10000x128xf32, #tpu.memory_space<vmem_shared>>) offsets(%arg8 : memref<80xi32, #tpu.memory_space<vmem>>) semaphore(%arg15 : memref<!tpu.dma_semaphore, #tpu.memory_space<semaphore_mem>>) {add = true}
        %dma_wait3A_86 = arith.constant 0 : i32
        %dma_wait3A_87 = arith.constant 0 : i32
        %dma_wait3A_88 = tpu.memref_slice %arg12[%dma_wait3A_86, %dma_wait3A_87] : memref<10000x128xf32, #tpu.memory_space<vmem_shared>> -> memref<10000x128xf32, #tpu.memory_space<vmem_shared>>
        tpu.wait_indirect_dma semaphore(%arg15 : memref<!tpu.dma_semaphore, #tpu.memory_space<semaphore_mem>>) src(%arg10 : memref<80x128xf32, #tpu.memory_space<vmem>>) dst(%dma_wait3A_88 : memref<10000x128xf32, #tpu.memory_space<vmem_shared>>)
        %add3A_89 = arith.constant 2 : i32
        %add3A_90 = arith.addi %add3A_72, %add3A_89 : i32
        %min3A = arith.constant 129 : i32
        %min3A_91 = arith.minsi %add3A_90, %min3A : i32
        %mul3A_92 = arith.constant 80 : i32
        %mul3A_93 = arith.muli %min3A_91, %mul3A_92 : i32
        %add3A_94 = arith.addi %mul3A_25, %mul3A_93 : i32
        %add3A_95 = arith.constant 153600 : i32
        %add3A_96 = arith.addi %add3A_95, %add3A_94 : i32
        %dma_start3A_97 = tpu.memref_slice %arg4[%add3A_96] : memref<320000xi32, #tpu.memory_space<hbm>> -> memref<80xi32, #tpu.memory_space<hbm>>
        %dma_start3A_98 = tpu.memref_slice %arg4[%add3A_96] : memref<320000xi32, #tpu.memory_space<hbm>> -> memref<80xi32, #tpu.memory_space<hbm>>
        tpu.enqueue_dma source(%dma_start3A_98 : memref<80xi32, #tpu.memory_space<hbm>>) target(%arg8 : memref<80xi32, #tpu.memory_space<vmem>>) target_semaphore(%arg13 : memref<!tpu.dma_semaphore, #tpu.memory_space<semaphore_mem>>)
        %dma_start3A_99 = arith.constant 0 : i32
        %dma_start3A_100 = tpu.memref_slice %arg3[%add3A_94, %dma_start3A_99] : memref<166400x128xf32, #tpu.memory_space<hbm>> -> memref<80x128xf32, #tpu.memory_space<hbm>>
        %dma_start3A_101 = arith.constant 0 : i32
        %dma_start3A_102 = tpu.memref_slice %arg3[%add3A_94, %dma_start3A_101] : memref<166400x128xf32, #tpu.memory_space<hbm>> -> memref<80x128xf32, #tpu.memory_space<hbm>>
        tpu.enqueue_dma source(%dma_start3A_102 : memref<80x128xf32, #tpu.memory_space<hbm>>) target(%arg10 : memref<80x128xf32, #tpu.memory_space<vmem>>) target_semaphore(%arg13 : memref<!tpu.dma_semaphore, #tpu.memory_space<semaphore_mem>>)
        %mul3A_103 = arith.constant 2 : i32
        %mul3A_104 = arith.muli %mul3A_103, %scan3A_68 : i32
        %add3A_105 = arith.constant 1 : i32
        %add3A_106 = arith.addi %mul3A_104, %add3A_105 : i32
        %dma_wait3A_107 = arith.constant 0 : i32
        %dma_wait3A_108 = tpu.memref_slice %arg4[%dma_wait3A_107] : memref<320000xi32, #tpu.memory_space<hbm>> -> memref<80xi32, #tpu.memory_space<hbm>>
        %dma_wait3A_109 = arith.constant 0 : i32
        %dma_wait3A_110 = tpu.memref_slice %arg4[%dma_wait3A_109] : memref<320000xi32, #tpu.memory_space<hbm>> -> memref<80xi32, #tpu.memory_space<hbm>>
        tpu.wait_dma2 semaphore(%arg14 : memref<!tpu.dma_semaphore, #tpu.memory_space<semaphore_mem>>) src(%dma_wait3A_110 : memref<80xi32, #tpu.memory_space<hbm>>) dst(%arg9 : memref<80xi32, #tpu.memory_space<vmem>>)
        %dma_wait3A_111 = arith.constant 0 : i32
        %dma_wait3A_112 = arith.constant 0 : i32
        %dma_wait3A_113 = tpu.memref_slice %arg3[%dma_wait3A_111, %dma_wait3A_112] : memref<166400x128xf32, #tpu.memory_space<hbm>> -> memref<80x128xf32, #tpu.memory_space<hbm>>
        %dma_wait3A_114 = arith.constant 0 : i32
        %dma_wait3A_115 = arith.constant 0 : i32
        %dma_wait3A_116 = tpu.memref_slice %arg3[%dma_wait3A_114, %dma_wait3A_115] : memref<166400x128xf32, #tpu.memory_space<hbm>> -> memref<80x128xf32, #tpu.memory_space<hbm>>
        tpu.wait_dma2 semaphore(%arg14 : memref<!tpu.dma_semaphore, #tpu.memory_space<semaphore_mem>>) src(%dma_wait3A_116 : memref<80x128xf32, #tpu.memory_space<hbm>>) dst(%arg11 : memref<80x128xf32, #tpu.memory_space<vmem>>)
        %dma_start3A_117 = arith.constant 0 : i32
        %dma_start3A_118 = arith.constant 0 : i32
        %dma_start3A_119 = tpu.memref_slice %arg12[%dma_start3A_117, %dma_start3A_118] : memref<10000x128xf32, #tpu.memory_space<vmem_shared>> -> memref<10000x128xf32, #tpu.memory_space<vmem_shared>>
        tpu.enqueue_indirect_dma source(%arg11 : memref<80x128xf32, #tpu.memory_space<vmem>>) target(%dma_start3A_119 : memref<10000x128xf32, #tpu.memory_space<vmem_shared>>) offsets(%arg9 : memref<80xi32, #tpu.memory_space<vmem>>) semaphore(%arg16 : memref<!tpu.dma_semaphore, #tpu.memory_space<semaphore_mem>>) {add = true}
        %dma_wait3A_120 = arith.constant 0 : i32
        %dma_wait3A_121 = arith.constant 0 : i32
        %dma_wait3A_122 = tpu.memref_slice %arg12[%dma_wait3A_120, %dma_wait3A_121] : memref<10000x128xf32, #tpu.memory_space<vmem_shared>> -> memref<10000x128xf32, #tpu.memory_space<vmem_shared>>
        tpu.wait_indirect_dma semaphore(%arg16 : memref<!tpu.dma_semaphore, #tpu.memory_space<semaphore_mem>>) src(%arg11 : memref<80x128xf32, #tpu.memory_space<vmem>>) dst(%dma_wait3A_122 : memref<10000x128xf32, #tpu.memory_space<vmem_shared>>)
        %add3A_123 = arith.constant 2 : i32
        %add3A_124 = arith.addi %add3A_106, %add3A_123 : i32
        %min3A_125 = arith.constant 129 : i32
        %min3A_126 = arith.minsi %add3A_124, %min3A_125 : i32
        %mul3A_127 = arith.constant 80 : i32
        %mul3A_128 = arith.muli %min3A_126, %mul3A_127 : i32
        %add3A_129 = arith.addi %mul3A_25, %mul3A_128 : i32
        %add3A_130 = arith.constant 153600 : i32
        %add3A_131 = arith.addi %add3A_130, %add3A_129 : i32
        %dma_start3A_132 = tpu.memref_slice %arg4[%add3A_131] : memref<320000xi32, #tpu.memory_space<hbm>> -> memref<80xi32, #tpu.memory_space<hbm>>
        %dma_start3A_133 = tpu.memref_slice %arg4[%add3A_131] : memref<320000xi32, #tpu.memory_space<hbm>> -> memref<80xi32, #tpu.memory_space<hbm>>
        tpu.enqueue_dma source(%dma_start3A_133 : memref<80xi32, #tpu.memory_space<hbm>>) target(%arg9 : memref<80xi32, #tpu.memory_space<vmem>>) target_semaphore(%arg14 : memref<!tpu.dma_semaphore, #tpu.memory_space<semaphore_mem>>)
        %dma_start3A_134 = arith.constant 0 : i32
        %dma_start3A_135 = tpu.memref_slice %arg3[%add3A_129, %dma_start3A_134] : memref<166400x128xf32, #tpu.memory_space<hbm>> -> memref<80x128xf32, #tpu.memory_space<hbm>>
        %dma_start3A_136 = arith.constant 0 : i32
        %dma_start3A_137 = tpu.memref_slice %arg3[%add3A_129, %dma_start3A_136] : memref<166400x128xf32, #tpu.memory_space<hbm>> -> memref<80x128xf32, #tpu.memory_space<hbm>>
        tpu.enqueue_dma source(%dma_start3A_137 : memref<80x128xf32, #tpu.memory_space<hbm>>) target(%arg11 : memref<80x128xf32, #tpu.memory_space<vmem>>) target_semaphore(%arg14 : memref<!tpu.dma_semaphore, #tpu.memory_space<semaphore_mem>>)
      }
      %scan3A_48 = arith.constant 65 : i32
      %dma_wait3A = arith.constant 0 : i32
      %dma_wait3A_49 = tpu.memref_slice %arg4[%dma_wait3A] : memref<320000xi32, #tpu.memory_space<hbm>> -> memref<80xi32, #tpu.memory_space<hbm>>
      %dma_wait3A_50 = arith.constant 0 : i32
      %dma_wait3A_51 = tpu.memref_slice %arg4[%dma_wait3A_50] : memref<320000xi32, #tpu.memory_space<hbm>> -> memref<80xi32, #tpu.memory_space<hbm>>
      tpu.wait_dma2 semaphore(%arg13 : memref<!tpu.dma_semaphore, #tpu.memory_space<semaphore_mem>>) src(%dma_wait3A_51 : memref<80xi32, #tpu.memory_space<hbm>>) dst(%arg8 : memref<80xi32, #tpu.memory_space<vmem>>)
      %dma_wait3A_52 = arith.constant 0 : i32
      %dma_wait3A_53 = arith.constant 0 : i32
      %dma_wait3A_54 = tpu.memref_slice %arg3[%dma_wait3A_52, %dma_wait3A_53] : memref<166400x128xf32, #tpu.memory_space<hbm>> -> memref<80x128xf32, #tpu.memory_space<hbm>>
      %dma_wait3A_55 = arith.constant 0 : i32
      %dma_wait3A_56 = arith.constant 0 : i32
      %dma_wait3A_57 = tpu.memref_slice %arg3[%dma_wait3A_55, %dma_wait3A_56] : memref<166400x128xf32, #tpu.memory_space<hbm>> -> memref<80x128xf32, #tpu.memory_space<hbm>>
      tpu.wait_dma2 semaphore(%arg13 : memref<!tpu.dma_semaphore, #tpu.memory_space<semaphore_mem>>) src(%dma_wait3A_57 : memref<80x128xf32, #tpu.memory_space<hbm>>) dst(%arg10 : memref<80x128xf32, #tpu.memory_space<vmem>>)
      %dma_wait3A_58 = arith.constant 0 : i32
      %dma_wait3A_59 = tpu.memref_slice %arg4[%dma_wait3A_58] : memref<320000xi32, #tpu.memory_space<hbm>> -> memref<80xi32, #tpu.memory_space<hbm>>
      %dma_wait3A_60 = arith.constant 0 : i32
      %dma_wait3A_61 = tpu.memref_slice %arg4[%dma_wait3A_60] : memref<320000xi32, #tpu.memory_space<hbm>> -> memref<80xi32, #tpu.memory_space<hbm>>
      tpu.wait_dma2 semaphore(%arg14 : memref<!tpu.dma_semaphore, #tpu.memory_space<semaphore_mem>>) src(%dma_wait3A_61 : memref<80xi32, #tpu.memory_space<hbm>>) dst(%arg9 : memref<80xi32, #tpu.memory_space<vmem>>)
      %dma_wait3A_62 = arith.constant 0 : i32
      %dma_wait3A_63 = arith.constant 0 : i32
      %dma_wait3A_64 = tpu.memref_slice %arg3[%dma_wait3A_62, %dma_wait3A_63] : memref<166400x128xf32, #tpu.memory_space<hbm>> -> memref<80x128xf32, #tpu.memory_space<hbm>>
      %dma_wait3A_65 = arith.constant 0 : i32
      %dma_wait3A_66 = arith.constant 0 : i32
      %dma_wait3A_67 = tpu.memref_slice %arg3[%dma_wait3A_65, %dma_wait3A_66] : memref<166400x128xf32, #tpu.memory_space<hbm>> -> memref<80x128xf32, #tpu.memory_space<hbm>>
      tpu.wait_dma2 semaphore(%arg14 : memref<!tpu.dma_semaphore, #tpu.memory_space<semaphore_mem>>) src(%dma_wait3A_67 : memref<80x128xf32, #tpu.memory_space<hbm>>) dst(%arg11 : memref<80x128xf32, #tpu.memory_space<vmem>>)
    } else {
    }
    %barrier3A_13 = arith.constant 0 : index
    tpu.barrier barrier_id(%barrier3A_13)
    %eq3A_14 = arith.constant 0 : i32
    %eq3A_15 = arith.cmpi eq, %arg0, %eq3A_14 : i32
    %convert_element_type3A_16 = arith.extui %eq3A_15 : i1 to i32
    %cond3A_17 = arith.constant 0 : i32
    %cond3A_18 = arith.cmpi ne, %convert_element_type3A_16, %cond3A_17 : i32
    scf.if %cond3A_18 {
      "tpu.region"() ({
        %run_scoped3A = tpu.sem_alloc : memref<!tpu.dma_semaphore, #tpu.memory_space<semaphore_mem>>
        %dma_start3A = arith.constant 0 : i32
        %dma_start3A_29 = tpu.memref_slice %arg6[%mul3A_0, %dma_start3A] : memref<10000x128xf32, #tpu.memory_space<hbm>> -> memref<624x128xf32, #tpu.memory_space<hbm>>
        %dma_start3A_30 = arith.constant 0 : i32
        %dma_start3A_31 = tpu.memref_slice %arg12[%mul3A_0, %dma_start3A_30] : memref<10000x128xf32, #tpu.memory_space<vmem_shared>> -> memref<624x128xf32, #tpu.memory_space<vmem_shared>>
        tpu.enqueue_dma source(%dma_start3A_31 : memref<624x128xf32, #tpu.memory_space<vmem_shared>>) target(%dma_start3A_29 : memref<624x128xf32, #tpu.memory_space<hbm>>) target_semaphore(%run_scoped3A : memref<!tpu.dma_semaphore, #tpu.memory_space<semaphore_mem>>)
        %dma_wait3A = arith.constant 0 : i32
        %dma_wait3A_32 = tpu.memref_slice %arg6[%mul3A_0, %dma_wait3A] : memref<10000x128xf32, #tpu.memory_space<hbm>> -> memref<624x128xf32, #tpu.memory_space<hbm>>
        %dma_wait3A_33 = arith.constant 0 : i32
        %dma_wait3A_34 = tpu.memref_slice %arg12[%mul3A_0, %dma_wait3A_33] : memref<10000x128xf32, #tpu.memory_space<vmem_shared>> -> memref<624x128xf32, #tpu.memory_space<vmem_shared>>
        tpu.wait_dma2 semaphore(%run_scoped3A : memref<!tpu.dma_semaphore, #tpu.memory_space<semaphore_mem>>) src(%dma_wait3A_34 : memref<624x128xf32, #tpu.memory_space<vmem_shared>>) dst(%dma_wait3A_32 : memref<624x128xf32, #tpu.memory_space<hbm>>)
        tpu.yield
      }) : () -> ()
      %eq3A_24 = arith.constant 15 : i32
      %eq3A_25 = arith.cmpi eq, %arg1, %eq3A_24 : i32
      %convert_element_type3A_26 = arith.extui %eq3A_25 : i1 to i32
      %cond3A_27 = arith.constant 0 : i32
      %cond3A_28 = arith.cmpi ne, %convert_element_type3A_26, %cond3A_27 : i32
      scf.if %cond3A_28 {
        "tpu.region"() ({
          %run_scoped3A = tpu.sem_alloc : memref<!tpu.dma_semaphore, #tpu.memory_space<semaphore_mem>>
          %dma_start3A = arith.constant 9984 : i32
          %dma_start3A_29 = arith.constant 0 : i32
          %dma_start3A_30 = tpu.memref_slice %arg6[%dma_start3A, %dma_start3A_29] : memref<10000x128xf32, #tpu.memory_space<hbm>> -> memref<16x128xf32, #tpu.memory_space<hbm>>
          %dma_start3A_31 = arith.constant 9984 : i32
          %dma_start3A_32 = arith.constant 0 : i32
          %dma_start3A_33 = tpu.memref_slice %arg12[%dma_start3A_31, %dma_start3A_32] : memref<10000x128xf32, #tpu.memory_space<vmem_shared>> -> memref<16x128xf32, #tpu.memory_space<vmem_shared>>
          tpu.enqueue_dma source(%dma_start3A_33 : memref<16x128xf32, #tpu.memory_space<vmem_shared>>) target(%dma_start3A_30 : memref<16x128xf32, #tpu.memory_space<hbm>>) target_semaphore(%run_scoped3A : memref<!tpu.dma_semaphore, #tpu.memory_space<semaphore_mem>>)
          %dma_wait3A = arith.constant 9984 : i32
          %dma_wait3A_34 = arith.constant 0 : i32
          %dma_wait3A_35 = tpu.memref_slice %arg6[%dma_wait3A, %dma_wait3A_34] : memref<10000x128xf32, #tpu.memory_space<hbm>> -> memref<16x128xf32, #tpu.memory_space<hbm>>
          %dma_wait3A_36 = arith.constant 9984 : i32
          %dma_wait3A_37 = arith.constant 0 : i32
          %dma_wait3A_38 = tpu.memref_slice %arg12[%dma_wait3A_36, %dma_wait3A_37] : memref<10000x128xf32, #tpu.memory_space<vmem_shared>> -> memref<16x128xf32, #tpu.memory_space<vmem_shared>>
          tpu.wait_dma2 semaphore(%run_scoped3A : memref<!tpu.dma_semaphore, #tpu.memory_space<semaphore_mem>>) src(%dma_wait3A_38 : memref<16x128xf32, #tpu.memory_space<vmem_shared>>) dst(%dma_wait3A_35 : memref<16x128xf32, #tpu.memory_space<hbm>>)
          tpu.yield
        }) : () -> ()
      } else {
      }
    } else {
    }
    %eq3A_19 = arith.constant 1 : i32
    %eq3A_20 = arith.cmpi eq, %arg0, %eq3A_19 : i32
    %convert_element_type3A_21 = arith.extui %eq3A_20 : i1 to i32
    %cond3A_22 = arith.constant 0 : i32
    %cond3A_23 = arith.cmpi ne, %convert_element_type3A_21, %cond3A_22 : i32
    scf.if %cond3A_23 {
      "tpu.region"() ({
        %run_scoped3A = tpu.sem_alloc : memref<!tpu.dma_semaphore, #tpu.memory_space<semaphore_mem>>
        %dma_start3A = arith.constant 0 : i32
        %dma_start3A_29 = tpu.memref_slice %arg7[%mul3A_0, %dma_start3A] : memref<10000x128xf32, #tpu.memory_space<hbm>> -> memref<624x128xf32, #tpu.memory_space<hbm>>
        %dma_start3A_30 = arith.constant 0 : i32
        %dma_start3A_31 = tpu.memref_slice %arg12[%mul3A_0, %dma_start3A_30] : memref<10000x128xf32, #tpu.memory_space<vmem_shared>> -> memref<624x128xf32, #tpu.memory_space<vmem_shared>>
        tpu.enqueue_dma source(%dma_start3A_31 : memref<624x128xf32, #tpu.memory_space<vmem_shared>>) target(%dma_start3A_29 : memref<624x128xf32, #tpu.memory_space<hbm>>) target_semaphore(%run_scoped3A : memref<!tpu.dma_semaphore, #tpu.memory_space<semaphore_mem>>)
        %dma_wait3A = arith.constant 0 : i32
        %dma_wait3A_32 = tpu.memref_slice %arg7[%mul3A_0, %dma_wait3A] : memref<10000x128xf32, #tpu.memory_space<hbm>> -> memref<624x128xf32, #tpu.memory_space<hbm>>
        %dma_wait3A_33 = arith.constant 0 : i32
        %dma_wait3A_34 = tpu.memref_slice %arg12[%mul3A_0, %dma_wait3A_33] : memref<10000x128xf32, #tpu.memory_space<vmem_shared>> -> memref<624x128xf32, #tpu.memory_space<vmem_shared>>
        tpu.wait_dma2 semaphore(%run_scoped3A : memref<!tpu.dma_semaphore, #tpu.memory_space<semaphore_mem>>) src(%dma_wait3A_34 : memref<624x128xf32, #tpu.memory_space<vmem_shared>>) dst(%dma_wait3A_32 : memref<624x128xf32, #tpu.memory_space<hbm>>)
        tpu.yield
      }) : () -> ()
      %eq3A_24 = arith.constant 15 : i32
      %eq3A_25 = arith.cmpi eq, %arg1, %eq3A_24 : i32
      %convert_element_type3A_26 = arith.extui %eq3A_25 : i1 to i32
      %cond3A_27 = arith.constant 0 : i32
      %cond3A_28 = arith.cmpi ne, %convert_element_type3A_26, %cond3A_27 : i32
      scf.if %cond3A_28 {
        "tpu.region"() ({
          %run_scoped3A = tpu.sem_alloc : memref<!tpu.dma_semaphore, #tpu.memory_space<semaphore_mem>>
          %dma_start3A = arith.constant 9984 : i32
          %dma_start3A_29 = arith.constant 0 : i32
          %dma_start3A_30 = tpu.memref_slice %arg7[%dma_start3A, %dma_start3A_29] : memref<10000x128xf32, #tpu.memory_space<hbm>> -> memref<16x128xf32, #tpu.memory_space<hbm>>
          %dma_start3A_31 = arith.constant 9984 : i32
          %dma_start3A_32 = arith.constant 0 : i32
          %dma_start3A_33 = tpu.memref_slice %arg12[%dma_start3A_31, %dma_start3A_32] : memref<10000x128xf32, #tpu.memory_space<vmem_shared>> -> memref<16x128xf32, #tpu.memory_space<vmem_shared>>
          tpu.enqueue_dma source(%dma_start3A_33 : memref<16x128xf32, #tpu.memory_space<vmem_shared>>) target(%dma_start3A_30 : memref<16x128xf32, #tpu.memory_space<hbm>>) target_semaphore(%run_scoped3A : memref<!tpu.dma_semaphore, #tpu.memory_space<semaphore_mem>>)
          %dma_wait3A = arith.constant 9984 : i32
          %dma_wait3A_34 = arith.constant 0 : i32
          %dma_wait3A_35 = tpu.memref_slice %arg7[%dma_wait3A, %dma_wait3A_34] : memref<10000x128xf32, #tpu.memory_space<hbm>> -> memref<16x128xf32, #tpu.memory_space<hbm>>
          %dma_wait3A_36 = arith.constant 9984 : i32
          %dma_wait3A_37 = arith.constant 0 : i32
          %dma_wait3A_38 = tpu.memref_slice %arg12[%dma_wait3A_36, %dma_wait3A_37] : memref<10000x128xf32, #tpu.memory_space<vmem_shared>> -> memref<16x128xf32, #tpu.memory_space<vmem_shared>>
          tpu.wait_dma2 semaphore(%run_scoped3A : memref<!tpu.dma_semaphore, #tpu.memory_space<semaphore_mem>>) src(%dma_wait3A_38 : memref<16x128xf32, #tpu.memory_space<vmem_shared>>) dst(%dma_wait3A_35 : memref<16x128xf32, #tpu.memory_space<hbm>>)
          tpu.yield
        }) : () -> ()
      } else {
      }
    } else {
    }
    return
  }
}

module attributes {stable_mosaic.version = 14 : i64} {
  func.func @_edge_block_kernel(%arg0: i32, %arg1: memref<3200x128xf32, #tpu.memory_space<vmem>>, %arg2: memref<3200x128xf32, #tpu.memory_space<vmem>>, %arg3: memref<3200x128xf32, #tpu.memory_space<vmem>>, %arg4: memref<3200x16xbf16, #tpu.memory_space<vmem>>, %arg5: memref<128x256xbf16, #tpu.memory_space<vmem>>, %arg6: memref<128x256xbf16, #tpu.memory_space<vmem>>, %arg7: memref<16x256xbf16, #tpu.memory_space<vmem>>, %arg8: memref<1x256xf32, #tpu.memory_space<vmem>>, %arg9: memref<1x256xf32, #tpu.memory_space<vmem>>, %arg10: memref<128x128xbf16, #tpu.memory_space<vmem>>, %arg11: memref<1x128xf32, #tpu.memory_space<vmem>>, %arg12: memref<1x128xf32, #tpu.memory_space<vmem>>, %arg13: memref<1x1xf32, #tpu.memory_space<vmem>>, %arg14: memref<128x128xbf16, #tpu.memory_space<vmem>>, %arg15: memref<1x128xf32, #tpu.memory_space<vmem>>, %arg16: memref<1x128xf32, #tpu.memory_space<vmem>>, %arg17: memref<3200x128xf32, #tpu.memory_space<vmem>>, %arg18: memref<3200x128xf32, #tpu.memory_space<vmem>>) attributes {dimension_semantics = [#tpu.dimension_semantics<arbitrary>], iteration_bounds = array<i64: 48>, scalar_prefetch = 0 : i64, scratch_operands = 0 : i64, tpu.core_type = #tpu.core_type<tc>, window_params = [{transform_indices = @transform_0, window_bounds = array<i64: 3200, 128>}, {transform_indices = @transform_1, window_bounds = array<i64: 3200, 128>}, {transform_indices = @transform_2, window_bounds = array<i64: 3200, 128>}, {transform_indices = @transform_3, window_bounds = array<i64: 3200, 16>}, {pipeline_mode = #tpu.pipeline_mode<synchronous>, transform_indices = @transform_4, window_bounds = array<i64: 128, 256>}, {pipeline_mode = #tpu.pipeline_mode<synchronous>, transform_indices = @transform_5, window_bounds = array<i64: 128, 256>}, {pipeline_mode = #tpu.pipeline_mode<synchronous>, transform_indices = @transform_6, window_bounds = array<i64: 16, 256>}, {pipeline_mode = #tpu.pipeline_mode<synchronous>, transform_indices = @transform_7, window_bounds = array<i64: 1, 256>}, {pipeline_mode = #tpu.pipeline_mode<synchronous>, transform_indices = @transform_8, window_bounds = array<i64: 1, 256>}, {pipeline_mode = #tpu.pipeline_mode<synchronous>, transform_indices = @transform_9, window_bounds = array<i64: 128, 128>}, {pipeline_mode = #tpu.pipeline_mode<synchronous>, transform_indices = @transform_10, window_bounds = array<i64: 1, 128>}, {pipeline_mode = #tpu.pipeline_mode<synchronous>, transform_indices = @transform_11, window_bounds = array<i64: 1, 128>}, {pipeline_mode = #tpu.pipeline_mode<synchronous>, transform_indices = @transform_12, window_bounds = array<i64: 1, 1>}, {pipeline_mode = #tpu.pipeline_mode<synchronous>, transform_indices = @transform_13, window_bounds = array<i64: 128, 128>}, {pipeline_mode = #tpu.pipeline_mode<synchronous>, transform_indices = @transform_14, window_bounds = array<i64: 1, 128>}, {pipeline_mode = #tpu.pipeline_mode<synchronous>, transform_indices = @transform_15, window_bounds = array<i64: 1, 128>}, {transform_indices = @transform_16, window_bounds = array<i64: 3200, 128>}, {transform_indices = @transform_17, window_bounds = array<i64: 3200, 128>}]} {
    %get3A = arith.constant 0 : index
    %get3A_0 = arith.constant 0 : index
    %get3A_1 = vector.load %arg1[%get3A, %get3A_0] : memref<3200x128xf32, #tpu.memory_space<vmem>>, vector<3200x128xf32>
    %convert_element_type3A = arith.truncf %get3A_1 : vector<3200x128xf32> to vector<3200x128xbf16>
    %get3A_2 = arith.constant 0 : index
    %get3A_3 = arith.constant 0 : index
    %get3A_4 = vector.load %arg2[%get3A_2, %get3A_3] : memref<3200x128xf32, #tpu.memory_space<vmem>>, vector<3200x128xf32>
    %convert_element_type3A_5 = arith.truncf %get3A_4 : vector<3200x128xf32> to vector<3200x128xbf16>
    %get3A_6 = arith.constant 0 : index
    %get3A_7 = arith.constant 0 : index
    %get3A_8 = vector.load %arg3[%get3A_6, %get3A_7] : memref<3200x128xf32, #tpu.memory_space<vmem>>, vector<3200x128xf32>
    %mul3A = arith.mulf %get3A_8, %get3A_8 : vector<3200x128xf32>
    %reduce_sum3A = arith.constant dense<0.000000e+00> : vector<3200xf32>
    %reduce_sum3A_9 = vector.multi_reduction <add>, %mul3A, %reduce_sum3A [1] : vector<3200x128xf32> to vector<3200xf32>
    %broadcast_in_dim3A = vector.shape_cast %reduce_sum3A_9 : vector<3200xf32> to vector<3200x1xf32>
    %sqrt3A = math.sqrt %broadcast_in_dim3A : vector<3200x1xf32>
    %get3A_10 = arith.constant 0 : index
    %get3A_11 = arith.constant 0 : index
    %get3A_12 = vector.load %arg5[%get3A_10, %get3A_11] : memref<128x256xbf16, #tpu.memory_space<vmem>>, vector<128x256xbf16>
    %dot_general3A = arith.constant dense<0.000000e+00> : vector<3200x256xf32>
    %dot_general3A_13 = tpu.matmul %convert_element_type3A, %get3A_12, %dot_general3A {dimension_numbers = #tpu.dot_dimension_numbers<[1], [0], [0], [1], [0, 0, 1, 1], [], []>, transpose_lhs_hint = false} : vector<3200x128xbf16>, vector<128x256xbf16>, vector<3200x256xf32> -> vector<3200x256xf32>
    %get3A_14 = arith.constant 0 : index
    %get3A_15 = arith.constant 0 : index
    %get3A_16 = vector.load %arg6[%get3A_14, %get3A_15] : memref<128x256xbf16, #tpu.memory_space<vmem>>, vector<128x256xbf16>
    %dot_general3A_17 = arith.constant dense<0.000000e+00> : vector<3200x256xf32>
    %dot_general3A_18 = tpu.matmul %convert_element_type3A_5, %get3A_16, %dot_general3A_17 {dimension_numbers = #tpu.dot_dimension_numbers<[1], [0], [0], [1], [0, 0, 1, 1], [], []>, transpose_lhs_hint = false} : vector<3200x128xbf16>, vector<128x256xbf16>, vector<3200x256xf32> -> vector<3200x256xf32>
    %add3A = arith.addf %dot_general3A_13, %dot_general3A_18 : vector<3200x256xf32>
    %get3A_19 = arith.constant 0 : index
    %get3A_20 = arith.constant 0 : index
    %get3A_21 = vector.load %arg4[%get3A_19, %get3A_20] : memref<3200x16xbf16, #tpu.memory_space<vmem>>, vector<3200x16xbf16>
    %get3A_22 = arith.constant 0 : index
    %get3A_23 = arith.constant 0 : index
    %get3A_24 = vector.load %arg7[%get3A_22, %get3A_23] : memref<16x256xbf16, #tpu.memory_space<vmem>>, vector<16x256xbf16>
    %dot_general3A_25 = arith.constant dense<0.000000e+00> : vector<3200x256xf32>
    %dot_general3A_26 = tpu.matmul %get3A_21, %get3A_24, %dot_general3A_25 {dimension_numbers = #tpu.dot_dimension_numbers<[1], [0], [0], [1], [0, 0, 1, 1], [], []>, transpose_lhs_hint = false} : vector<3200x16xbf16>, vector<16x256xbf16>, vector<3200x256xf32> -> vector<3200x256xf32>
    %add3A_27 = arith.addf %add3A, %dot_general3A_26 : vector<3200x256xf32>
    %get3A_28 = arith.constant 0 : index
    %get3A_29 = arith.constant 0 : index
    %get3A_30 = vector.load %arg8[%get3A_28, %get3A_29] : memref<1x256xf32, #tpu.memory_space<vmem>>, vector<1x256xf32>
    %mul3A_31 = vector.broadcast %sqrt3A : vector<3200x1xf32> to vector<3200x256xf32>
    %mul3A_32 = vector.broadcast %get3A_30 : vector<1x256xf32> to vector<3200x256xf32>
    %mul3A_33 = arith.mulf %mul3A_31, %mul3A_32 : vector<3200x256xf32>
    %add3A_34 = arith.addf %add3A_27, %mul3A_33 : vector<3200x256xf32>
    %get3A_35 = arith.constant 0 : index
    %get3A_36 = arith.constant 0 : index
    %get3A_37 = vector.load %arg9[%get3A_35, %get3A_36] : memref<1x256xf32, #tpu.memory_space<vmem>>, vector<1x256xf32>
    %add3A_38 = vector.broadcast %get3A_37 : vector<1x256xf32> to vector<3200x256xf32>
    %add3A_39 = arith.addf %add3A_34, %add3A_38 : vector<3200x256xf32>
    %slice3A = vector.extract_strided_slice %add3A_39 {offsets = [0, 0], sizes = [3200, 128], strides = [1, 1]} : vector<3200x256xf32> to vector<3200x128xf32>
    %tanh3A = math.tanh %slice3A : vector<3200x128xf32>
    %add3A_40 = arith.constant 1.000000e+00 : f32
    %add3A_41 = vector.broadcast %add3A_40 : f32 to vector<3200x128xf32>
    %add3A_42 = arith.addf %tanh3A, %add3A_41 : vector<3200x128xf32>
    %mul3A_43 = arith.mulf %slice3A, %add3A_42 : vector<3200x128xf32>
    %convert_element_type3A_44 = arith.truncf %mul3A_43 : vector<3200x128xf32> to vector<3200x128xbf16>
    %get3A_45 = arith.constant 0 : index
    %get3A_46 = arith.constant 0 : index
    %get3A_47 = vector.load %arg10[%get3A_45, %get3A_46] : memref<128x128xbf16, #tpu.memory_space<vmem>>, vector<128x128xbf16>
    %dot_general3A_48 = arith.constant dense<0.000000e+00> : vector<3200x128xf32>
    %dot_general3A_49 = tpu.matmul %convert_element_type3A_44, %get3A_47, %dot_general3A_48 {dimension_numbers = #tpu.dot_dimension_numbers<[1], [0], [0], [1], [0, 0, 1, 1], [], []>, transpose_lhs_hint = false} : vector<3200x128xbf16>, vector<128x128xbf16>, vector<3200x128xf32> -> vector<3200x128xf32>
    %get3A_50 = arith.constant 0 : index
    %get3A_51 = arith.constant 0 : index
    %get3A_52 = vector.load %arg11[%get3A_50, %get3A_51] : memref<1x128xf32, #tpu.memory_space<vmem>>, vector<1x128xf32>
    %add3A_53 = vector.broadcast %get3A_52 : vector<1x128xf32> to vector<3200x128xf32>
    %add3A_54 = arith.addf %dot_general3A_49, %add3A_53 : vector<3200x128xf32>
    %tanh3A_55 = math.tanh %add3A_54 : vector<3200x128xf32>
    %add3A_56 = arith.constant 1.000000e+00 : f32
    %add3A_57 = vector.broadcast %add3A_56 : f32 to vector<3200x128xf32>
    %add3A_58 = arith.addf %tanh3A_55, %add3A_57 : vector<3200x128xf32>
    %mul3A_59 = arith.mulf %add3A_54, %add3A_58 : vector<3200x128xf32>
    %get3A_60 = arith.constant 0 : index
    %get3A_61 = arith.constant 0 : index
    %get3A_62 = vector.load %arg12[%get3A_60, %get3A_61] : memref<1x128xf32, #tpu.memory_space<vmem>>, vector<1x128xf32>
    %mul3A_63 = vector.broadcast %get3A_62 : vector<1x128xf32> to vector<3200x128xf32>
    %mul3A_64 = arith.mulf %mul3A_59, %mul3A_63 : vector<3200x128xf32>
    %reduce_sum3A_65 = arith.constant dense<0.000000e+00> : vector<3200xf32>
    %reduce_sum3A_66 = vector.multi_reduction <add>, %mul3A_64, %reduce_sum3A_65 [1] : vector<3200x128xf32> to vector<3200xf32>
    %broadcast_in_dim3A_67 = vector.shape_cast %reduce_sum3A_66 : vector<3200xf32> to vector<3200x1xf32>
    %get3A_68 = arith.constant 0 : index
    %get3A_69 = arith.constant 0 : index
    %get3A_70 = vector.load %arg13[%get3A_68, %get3A_69] : memref<1x1xf32, #tpu.memory_space<vmem>>, vector<1x1xf32>
    %get3A_71 = vector.extract %get3A_70[0, 0] : f32 from vector<1x1xf32>
    %add3A_72 = vector.broadcast %get3A_71 : f32 to vector<3200x1xf32>
    %add3A_73 = arith.addf %broadcast_in_dim3A_67, %add3A_72 : vector<3200x1xf32>
    %tanh3A_74 = math.tanh %add3A_73 : vector<3200x1xf32>
    %add3A_75 = arith.constant 1.000000e+00 : f32
    %add3A_76 = vector.broadcast %add3A_75 : f32 to vector<3200x1xf32>
    %add3A_77 = arith.addf %tanh3A_74, %add3A_76 : vector<3200x1xf32>
    %mul3A_78 = vector.broadcast %add3A_77 : vector<3200x1xf32> to vector<3200x128xf32>
    %mul3A_79 = arith.mulf %mul3A_78, %mul3A_59 : vector<3200x128xf32>
    %swap3A = arith.constant 0 : index
    %swap3A_80 = arith.constant 0 : index
    %swap3A_81 = vector.load %arg17[%swap3A, %swap3A_80] : memref<3200x128xf32, #tpu.memory_space<vmem>>, vector<3200x128xf32>
    tpu.vector_store %arg17[%swap3A, %swap3A_80], %mul3A_79 {strides = array<i32>} : memref<3200x128xf32, #tpu.memory_space<vmem>>, vector<3200x128xf32>,
    %slice3A_82 = vector.extract_strided_slice %add3A_39 {offsets = [0, 128], sizes = [3200, 128], strides = [1, 1]} : vector<3200x256xf32> to vector<3200x128xf32>
    %tanh3A_83 = math.tanh %slice3A_82 : vector<3200x128xf32>
    %add3A_84 = arith.constant 1.000000e+00 : f32
    %add3A_85 = vector.broadcast %add3A_84 : f32 to vector<3200x128xf32>
    %add3A_86 = arith.addf %tanh3A_83, %add3A_85 : vector<3200x128xf32>
    %mul3A_87 = arith.mulf %slice3A_82, %add3A_86 : vector<3200x128xf32>
    %convert_element_type3A_88 = arith.truncf %mul3A_87 : vector<3200x128xf32> to vector<3200x128xbf16>
    %get3A_89 = arith.constant 0 : index
    %get3A_90 = arith.constant 0 : index
    %get3A_91 = vector.load %arg14[%get3A_89, %get3A_90] : memref<128x128xbf16, #tpu.memory_space<vmem>>, vector<128x128xbf16>
    %dot_general3A_92 = arith.constant dense<0.000000e+00> : vector<3200x128xf32>
    %dot_general3A_93 = tpu.matmul %convert_element_type3A_88, %get3A_91, %dot_general3A_92 {dimension_numbers = #tpu.dot_dimension_numbers<[1], [0], [0], [1], [0, 0, 1, 1], [], []>, transpose_lhs_hint = false} : vector<3200x128xbf16>, vector<128x128xbf16>, vector<3200x128xf32> -> vector<3200x128xf32>
    %get3A_94 = arith.constant 0 : index
    %get3A_95 = arith.constant 0 : index
    %get3A_96 = vector.load %arg15[%get3A_94, %get3A_95] : memref<1x128xf32, #tpu.memory_space<vmem>>, vector<1x128xf32>
    %add3A_97 = vector.broadcast %get3A_96 : vector<1x128xf32> to vector<3200x128xf32>
    %add3A_98 = arith.addf %dot_general3A_93, %add3A_97 : vector<3200x128xf32>
    %tanh3A_99 = math.tanh %add3A_98 : vector<3200x128xf32>
    %add3A_100 = arith.constant 1.000000e+00 : f32
    %add3A_101 = vector.broadcast %add3A_100 : f32 to vector<3200x128xf32>
    %add3A_102 = arith.addf %tanh3A_99, %add3A_101 : vector<3200x128xf32>
    %mul3A_103 = arith.mulf %add3A_98, %add3A_102 : vector<3200x128xf32>
    %get3A_104 = arith.constant 0 : index
    %get3A_105 = arith.constant 0 : index
    %get3A_106 = vector.load %arg16[%get3A_104, %get3A_105] : memref<1x128xf32, #tpu.memory_space<vmem>>, vector<1x128xf32>
    %mul3A_107 = vector.broadcast %get3A_106 : vector<1x128xf32> to vector<3200x128xf32>
    %mul3A_108 = arith.mulf %mul3A_103, %mul3A_107 : vector<3200x128xf32>
    %reduce_sum3A_109 = arith.constant dense<0.000000e+00> : vector<3200xf32>
    %reduce_sum3A_110 = vector.multi_reduction <add>, %mul3A_108, %reduce_sum3A_109 [1] : vector<3200x128xf32> to vector<3200xf32>
    %broadcast_in_dim3A_111 = vector.shape_cast %reduce_sum3A_110 : vector<3200xf32> to vector<3200x1xf32>
    %mul3A_112 = vector.broadcast %broadcast_in_dim3A_111 : vector<3200x1xf32> to vector<3200x128xf32>
    %mul3A_113 = arith.mulf %mul3A_112, %get3A_8 : vector<3200x128xf32>
    %add3A_114 = arith.constant 1.000000e+00 : f32
    %add3A_115 = vector.broadcast %add3A_114 : f32 to vector<3200x1xf32>
    %add3A_116 = arith.addf %sqrt3A, %add3A_115 : vector<3200x1xf32>
    %div3A = vector.broadcast %add3A_116 : vector<3200x1xf32> to vector<3200x128xf32>
    %div3A_117 = arith.divf %mul3A_113, %div3A : vector<3200x128xf32>
    %swap3A_118 = arith.constant 0 : index
    %swap3A_119 = arith.constant 0 : index
    %swap3A_120 = vector.load %arg18[%swap3A_118, %swap3A_119] : memref<3200x128xf32, #tpu.memory_space<vmem>>, vector<3200x128xf32>
    tpu.vector_store %arg18[%swap3A_118, %swap3A_119], %div3A_117 {strides = array<i32>} : memref<3200x128xf32, #tpu.memory_space<vmem>>, vector<3200x128xf32>,
    return
  }
  func.func @transform_0(%arg0: i32) -> (i32, i32) {
    %c0_i32 = arith.constant 0 : i32
    %c0_i32_0 = arith.constant 0 : i32
    return %arg0, %c0_i32 : i32, i32
  }
  func.func @transform_1(%arg0: i32) -> (i32, i32) {
    %c0_i32 = arith.constant 0 : i32
    %c0_i32_0 = arith.constant 0 : i32
    return %arg0, %c0_i32 : i32, i32
  }
  func.func @transform_2(%arg0: i32) -> (i32, i32) {
    %c0_i32 = arith.constant 0 : i32
    %c0_i32_0 = arith.constant 0 : i32
    return %arg0, %c0_i32 : i32, i32
  }
  func.func @transform_3(%arg0: i32) -> (i32, i32) {
    %c0_i32 = arith.constant 0 : i32
    %c0_i32_0 = arith.constant 0 : i32
    return %arg0, %c0_i32 : i32, i32
  }
  func.func @transform_4(%arg0: i32) -> (i32, i32) {
    %c0_i32 = arith.constant 0 : i32
    %c0_i32_0 = arith.constant 0 : i32
    %c0_i32_1 = arith.constant 0 : i32
    return %c0_i32, %c0_i32_0 : i32, i32
  }
  func.func @transform_5(%arg0: i32) -> (i32, i32) {
    %c0_i32 = arith.constant 0 : i32
    %c0_i32_0 = arith.constant 0 : i32
    %c0_i32_1 = arith.constant 0 : i32
    return %c0_i32, %c0_i32_0 : i32, i32
  }
  func.func @transform_6(%arg0: i32) -> (i32, i32) {
    %c0_i32 = arith.constant 0 : i32
    %c0_i32_0 = arith.constant 0 : i32
    %c0_i32_1 = arith.constant 0 : i32
    return %c0_i32, %c0_i32_0 : i32, i32
  }
  func.func @transform_7(%arg0: i32) -> (i32, i32) {
    %c0_i32 = arith.constant 0 : i32
    %c0_i32_0 = arith.constant 0 : i32
    %c0_i32_1 = arith.constant 0 : i32
    return %c0_i32, %c0_i32_0 : i32, i32
  }
  func.func @transform_8(%arg0: i32) -> (i32, i32) {
    %c0_i32 = arith.constant 0 : i32
    %c0_i32_0 = arith.constant 0 : i32
    %c0_i32_1 = arith.constant 0 : i32
    return %c0_i32, %c0_i32_0 : i32, i32
  }
  func.func @transform_9(%arg0: i32) -> (i32, i32) {
    %c0_i32 = arith.constant 0 : i32
    %c0_i32_0 = arith.constant 0 : i32
    %c0_i32_1 = arith.constant 0 : i32
    return %c0_i32, %c0_i32_0 : i32, i32
  }
  func.func @transform_10(%arg0: i32) -> (i32, i32) {
    %c0_i32 = arith.constant 0 : i32
    %c0_i32_0 = arith.constant 0 : i32
    %c0_i32_1 = arith.constant 0 : i32
    return %c0_i32, %c0_i32_0 : i32, i32
  }
  func.func @transform_11(%arg0: i32) -> (i32, i32) {
    %c0_i32 = arith.constant 0 : i32
    %c0_i32_0 = arith.constant 0 : i32
    %c0_i32_1 = arith.constant 0 : i32
    return %c0_i32, %c0_i32_0 : i32, i32
  }
  func.func @transform_12(%arg0: i32) -> (i32, i32) {
    %c0_i32 = arith.constant 0 : i32
    %c0_i32_0 = arith.constant 0 : i32
    %c0_i32_1 = arith.constant 0 : i32
    return %c0_i32, %c0_i32_0 : i32, i32
  }
  func.func @transform_13(%arg0: i32) -> (i32, i32) {
    %c0_i32 = arith.constant 0 : i32
    %c0_i32_0 = arith.constant 0 : i32
    %c0_i32_1 = arith.constant 0 : i32
    return %c0_i32, %c0_i32_0 : i32, i32
  }
  func.func @transform_14(%arg0: i32) -> (i32, i32) {
    %c0_i32 = arith.constant 0 : i32
    %c0_i32_0 = arith.constant 0 : i32
    %c0_i32_1 = arith.constant 0 : i32
    return %c0_i32, %c0_i32_0 : i32, i32
  }
  func.func @transform_15(%arg0: i32) -> (i32, i32) {
    %c0_i32 = arith.constant 0 : i32
    %c0_i32_0 = arith.constant 0 : i32
    %c0_i32_1 = arith.constant 0 : i32
    return %c0_i32, %c0_i32_0 : i32, i32
  }
  func.func @transform_16(%arg0: i32) -> (i32, i32) {
    %c0_i32 = arith.constant 0 : i32
    %c0_i32_0 = arith.constant 0 : i32
    return %arg0, %c0_i32 : i32, i32
  }
  func.func @transform_17(%arg0: i32) -> (i32, i32) {
    %c0_i32 = arith.constant 0 : i32
    %c0_i32_0 = arith.constant 0 : i32
    return %arg0, %c0_i32 : i32, i32
  }
}

module attributes {stable_mosaic.version = 14 : i64} {
  func.func @_edge_block_kernel(%arg0: i32, %arg1: memref<3200x128xf32, #tpu.memory_space<vmem>>, %arg2: memref<3200x128xf32, #tpu.memory_space<vmem>>, %arg3: memref<3200x128xf32, #tpu.memory_space<vmem>>, %arg4: memref<3200x16xbf16, #tpu.memory_space<vmem>>, %arg5: memref<128x256xbf16, #tpu.memory_space<vmem>>, %arg6: memref<128x256xbf16, #tpu.memory_space<vmem>>, %arg7: memref<16x256xbf16, #tpu.memory_space<vmem>>, %arg8: memref<1x256xf32, #tpu.memory_space<vmem>>, %arg9: memref<1x256xf32, #tpu.memory_space<vmem>>, %arg10: memref<128x128xbf16, #tpu.memory_space<vmem>>, %arg11: memref<1x128xf32, #tpu.memory_space<vmem>>, %arg12: memref<1x128xf32, #tpu.memory_space<vmem>>, %arg13: memref<1x1xf32, #tpu.memory_space<vmem>>, %arg14: memref<128x128xbf16, #tpu.memory_space<vmem>>, %arg15: memref<1x128xf32, #tpu.memory_space<vmem>>, %arg16: memref<1x128xf32, #tpu.memory_space<vmem>>, %arg17: memref<3200x128xf32, #tpu.memory_space<vmem>>, %arg18: memref<3200x128xf32, #tpu.memory_space<vmem>>) attributes {dimension_semantics = [#tpu.dimension_semantics<arbitrary>], iteration_bounds = array<i64: 52>, scalar_prefetch = 0 : i64, scratch_operands = 0 : i64, tpu.core_type = #tpu.core_type<tc>, window_params = [{transform_indices = @transform_0, window_bounds = array<i64: 3200, 128>}, {transform_indices = @transform_1, window_bounds = array<i64: 3200, 128>}, {transform_indices = @transform_2, window_bounds = array<i64: 3200, 128>}, {transform_indices = @transform_3, window_bounds = array<i64: 3200, 16>}, {pipeline_mode = #tpu.pipeline_mode<synchronous>, transform_indices = @transform_4, window_bounds = array<i64: 128, 256>}, {pipeline_mode = #tpu.pipeline_mode<synchronous>, transform_indices = @transform_5, window_bounds = array<i64: 128, 256>}, {pipeline_mode = #tpu.pipeline_mode<synchronous>, transform_indices = @transform_6, window_bounds = array<i64: 16, 256>}, {pipeline_mode = #tpu.pipeline_mode<synchronous>, transform_indices = @transform_7, window_bounds = array<i64: 1, 256>}, {pipeline_mode = #tpu.pipeline_mode<synchronous>, transform_indices = @transform_8, window_bounds = array<i64: 1, 256>}, {pipeline_mode = #tpu.pipeline_mode<synchronous>, transform_indices = @transform_9, window_bounds = array<i64: 128, 128>}, {pipeline_mode = #tpu.pipeline_mode<synchronous>, transform_indices = @transform_10, window_bounds = array<i64: 1, 128>}, {pipeline_mode = #tpu.pipeline_mode<synchronous>, transform_indices = @transform_11, window_bounds = array<i64: 1, 128>}, {pipeline_mode = #tpu.pipeline_mode<synchronous>, transform_indices = @transform_12, window_bounds = array<i64: 1, 1>}, {pipeline_mode = #tpu.pipeline_mode<synchronous>, transform_indices = @transform_13, window_bounds = array<i64: 128, 128>}, {pipeline_mode = #tpu.pipeline_mode<synchronous>, transform_indices = @transform_14, window_bounds = array<i64: 1, 128>}, {pipeline_mode = #tpu.pipeline_mode<synchronous>, transform_indices = @transform_15, window_bounds = array<i64: 1, 128>}, {transform_indices = @transform_16, window_bounds = array<i64: 3200, 128>}, {transform_indices = @transform_17, window_bounds = array<i64: 3200, 128>}]} {
    %get3A = arith.constant 0 : index
    %get3A_0 = arith.constant 0 : index
    %get3A_1 = vector.load %arg1[%get3A, %get3A_0] : memref<3200x128xf32, #tpu.memory_space<vmem>>, vector<3200x128xf32>
    %convert_element_type3A = arith.truncf %get3A_1 : vector<3200x128xf32> to vector<3200x128xbf16>
    %get3A_2 = arith.constant 0 : index
    %get3A_3 = arith.constant 0 : index
    %get3A_4 = vector.load %arg2[%get3A_2, %get3A_3] : memref<3200x128xf32, #tpu.memory_space<vmem>>, vector<3200x128xf32>
    %convert_element_type3A_5 = arith.truncf %get3A_4 : vector<3200x128xf32> to vector<3200x128xbf16>
    %get3A_6 = arith.constant 0 : index
    %get3A_7 = arith.constant 0 : index
    %get3A_8 = vector.load %arg3[%get3A_6, %get3A_7] : memref<3200x128xf32, #tpu.memory_space<vmem>>, vector<3200x128xf32>
    %mul3A = arith.mulf %get3A_8, %get3A_8 : vector<3200x128xf32>
    %reduce_sum3A = arith.constant dense<0.000000e+00> : vector<3200xf32>
    %reduce_sum3A_9 = vector.multi_reduction <add>, %mul3A, %reduce_sum3A [1] : vector<3200x128xf32> to vector<3200xf32>
    %broadcast_in_dim3A = vector.shape_cast %reduce_sum3A_9 : vector<3200xf32> to vector<3200x1xf32>
    %sqrt3A = math.sqrt %broadcast_in_dim3A : vector<3200x1xf32>
    %get3A_10 = arith.constant 0 : index
    %get3A_11 = arith.constant 0 : index
    %get3A_12 = vector.load %arg5[%get3A_10, %get3A_11] : memref<128x256xbf16, #tpu.memory_space<vmem>>, vector<128x256xbf16>
    %dot_general3A = arith.constant dense<0.000000e+00> : vector<3200x256xf32>
    %dot_general3A_13 = tpu.matmul %convert_element_type3A, %get3A_12, %dot_general3A {dimension_numbers = #tpu.dot_dimension_numbers<[1], [0], [0], [1], [0, 0, 1, 1], [], []>, transpose_lhs_hint = false} : vector<3200x128xbf16>, vector<128x256xbf16>, vector<3200x256xf32> -> vector<3200x256xf32>
    %get3A_14 = arith.constant 0 : index
    %get3A_15 = arith.constant 0 : index
    %get3A_16 = vector.load %arg6[%get3A_14, %get3A_15] : memref<128x256xbf16, #tpu.memory_space<vmem>>, vector<128x256xbf16>
    %dot_general3A_17 = arith.constant dense<0.000000e+00> : vector<3200x256xf32>
    %dot_general3A_18 = tpu.matmul %convert_element_type3A_5, %get3A_16, %dot_general3A_17 {dimension_numbers = #tpu.dot_dimension_numbers<[1], [0], [0], [1], [0, 0, 1, 1], [], []>, transpose_lhs_hint = false} : vector<3200x128xbf16>, vector<128x256xbf16>, vector<3200x256xf32> -> vector<3200x256xf32>
    %add3A = arith.addf %dot_general3A_13, %dot_general3A_18 : vector<3200x256xf32>
    %get3A_19 = arith.constant 0 : index
    %get3A_20 = arith.constant 0 : index
    %get3A_21 = vector.load %arg4[%get3A_19, %get3A_20] : memref<3200x16xbf16, #tpu.memory_space<vmem>>, vector<3200x16xbf16>
    %get3A_22 = arith.constant 0 : index
    %get3A_23 = arith.constant 0 : index
    %get3A_24 = vector.load %arg7[%get3A_22, %get3A_23] : memref<16x256xbf16, #tpu.memory_space<vmem>>, vector<16x256xbf16>
    %dot_general3A_25 = arith.constant dense<0.000000e+00> : vector<3200x256xf32>
    %dot_general3A_26 = tpu.matmul %get3A_21, %get3A_24, %dot_general3A_25 {dimension_numbers = #tpu.dot_dimension_numbers<[1], [0], [0], [1], [0, 0, 1, 1], [], []>, transpose_lhs_hint = false} : vector<3200x16xbf16>, vector<16x256xbf16>, vector<3200x256xf32> -> vector<3200x256xf32>
    %add3A_27 = arith.addf %add3A, %dot_general3A_26 : vector<3200x256xf32>
    %get3A_28 = arith.constant 0 : index
    %get3A_29 = arith.constant 0 : index
    %get3A_30 = vector.load %arg8[%get3A_28, %get3A_29] : memref<1x256xf32, #tpu.memory_space<vmem>>, vector<1x256xf32>
    %mul3A_31 = vector.broadcast %sqrt3A : vector<3200x1xf32> to vector<3200x256xf32>
    %mul3A_32 = vector.broadcast %get3A_30 : vector<1x256xf32> to vector<3200x256xf32>
    %mul3A_33 = arith.mulf %mul3A_31, %mul3A_32 : vector<3200x256xf32>
    %add3A_34 = arith.addf %add3A_27, %mul3A_33 : vector<3200x256xf32>
    %get3A_35 = arith.constant 0 : index
    %get3A_36 = arith.constant 0 : index
    %get3A_37 = vector.load %arg9[%get3A_35, %get3A_36] : memref<1x256xf32, #tpu.memory_space<vmem>>, vector<1x256xf32>
    %add3A_38 = vector.broadcast %get3A_37 : vector<1x256xf32> to vector<3200x256xf32>
    %add3A_39 = arith.addf %add3A_34, %add3A_38 : vector<3200x256xf32>
    %slice3A = vector.extract_strided_slice %add3A_39 {offsets = [0, 0], sizes = [3200, 128], strides = [1, 1]} : vector<3200x256xf32> to vector<3200x128xf32>
    %tanh3A = math.tanh %slice3A : vector<3200x128xf32>
    %add3A_40 = arith.constant 1.000000e+00 : f32
    %add3A_41 = vector.broadcast %add3A_40 : f32 to vector<3200x128xf32>
    %add3A_42 = arith.addf %tanh3A, %add3A_41 : vector<3200x128xf32>
    %mul3A_43 = arith.mulf %slice3A, %add3A_42 : vector<3200x128xf32>
    %convert_element_type3A_44 = arith.truncf %mul3A_43 : vector<3200x128xf32> to vector<3200x128xbf16>
    %get3A_45 = arith.constant 0 : index
    %get3A_46 = arith.constant 0 : index
    %get3A_47 = vector.load %arg10[%get3A_45, %get3A_46] : memref<128x128xbf16, #tpu.memory_space<vmem>>, vector<128x128xbf16>
    %dot_general3A_48 = arith.constant dense<0.000000e+00> : vector<3200x128xf32>
    %dot_general3A_49 = tpu.matmul %convert_element_type3A_44, %get3A_47, %dot_general3A_48 {dimension_numbers = #tpu.dot_dimension_numbers<[1], [0], [0], [1], [0, 0, 1, 1], [], []>, transpose_lhs_hint = false} : vector<3200x128xbf16>, vector<128x128xbf16>, vector<3200x128xf32> -> vector<3200x128xf32>
    %get3A_50 = arith.constant 0 : index
    %get3A_51 = arith.constant 0 : index
    %get3A_52 = vector.load %arg11[%get3A_50, %get3A_51] : memref<1x128xf32, #tpu.memory_space<vmem>>, vector<1x128xf32>
    %add3A_53 = vector.broadcast %get3A_52 : vector<1x128xf32> to vector<3200x128xf32>
    %add3A_54 = arith.addf %dot_general3A_49, %add3A_53 : vector<3200x128xf32>
    %tanh3A_55 = math.tanh %add3A_54 : vector<3200x128xf32>
    %add3A_56 = arith.constant 1.000000e+00 : f32
    %add3A_57 = vector.broadcast %add3A_56 : f32 to vector<3200x128xf32>
    %add3A_58 = arith.addf %tanh3A_55, %add3A_57 : vector<3200x128xf32>
    %mul3A_59 = arith.mulf %add3A_54, %add3A_58 : vector<3200x128xf32>
    %get3A_60 = arith.constant 0 : index
    %get3A_61 = arith.constant 0 : index
    %get3A_62 = vector.load %arg12[%get3A_60, %get3A_61] : memref<1x128xf32, #tpu.memory_space<vmem>>, vector<1x128xf32>
    %mul3A_63 = vector.broadcast %get3A_62 : vector<1x128xf32> to vector<3200x128xf32>
    %mul3A_64 = arith.mulf %mul3A_59, %mul3A_63 : vector<3200x128xf32>
    %reduce_sum3A_65 = arith.constant dense<0.000000e+00> : vector<3200xf32>
    %reduce_sum3A_66 = vector.multi_reduction <add>, %mul3A_64, %reduce_sum3A_65 [1] : vector<3200x128xf32> to vector<3200xf32>
    %broadcast_in_dim3A_67 = vector.shape_cast %reduce_sum3A_66 : vector<3200xf32> to vector<3200x1xf32>
    %get3A_68 = arith.constant 0 : index
    %get3A_69 = arith.constant 0 : index
    %get3A_70 = vector.load %arg13[%get3A_68, %get3A_69] : memref<1x1xf32, #tpu.memory_space<vmem>>, vector<1x1xf32>
    %get3A_71 = vector.extract %get3A_70[0, 0] : f32 from vector<1x1xf32>
    %add3A_72 = vector.broadcast %get3A_71 : f32 to vector<3200x1xf32>
    %add3A_73 = arith.addf %broadcast_in_dim3A_67, %add3A_72 : vector<3200x1xf32>
    %tanh3A_74 = math.tanh %add3A_73 : vector<3200x1xf32>
    %add3A_75 = arith.constant 1.000000e+00 : f32
    %add3A_76 = vector.broadcast %add3A_75 : f32 to vector<3200x1xf32>
    %add3A_77 = arith.addf %tanh3A_74, %add3A_76 : vector<3200x1xf32>
    %mul3A_78 = vector.broadcast %add3A_77 : vector<3200x1xf32> to vector<3200x128xf32>
    %mul3A_79 = arith.mulf %mul3A_78, %mul3A_59 : vector<3200x128xf32>
    %swap3A = arith.constant 0 : index
    %swap3A_80 = arith.constant 0 : index
    %swap3A_81 = vector.load %arg17[%swap3A, %swap3A_80] : memref<3200x128xf32, #tpu.memory_space<vmem>>, vector<3200x128xf32>
    tpu.vector_store %arg17[%swap3A, %swap3A_80], %mul3A_79 {strides = array<i32>} : memref<3200x128xf32, #tpu.memory_space<vmem>>, vector<3200x128xf32>,
    %slice3A_82 = vector.extract_strided_slice %add3A_39 {offsets = [0, 128], sizes = [3200, 128], strides = [1, 1]} : vector<3200x256xf32> to vector<3200x128xf32>
    %tanh3A_83 = math.tanh %slice3A_82 : vector<3200x128xf32>
    %add3A_84 = arith.constant 1.000000e+00 : f32
    %add3A_85 = vector.broadcast %add3A_84 : f32 to vector<3200x128xf32>
    %add3A_86 = arith.addf %tanh3A_83, %add3A_85 : vector<3200x128xf32>
    %mul3A_87 = arith.mulf %slice3A_82, %add3A_86 : vector<3200x128xf32>
    %convert_element_type3A_88 = arith.truncf %mul3A_87 : vector<3200x128xf32> to vector<3200x128xbf16>
    %get3A_89 = arith.constant 0 : index
    %get3A_90 = arith.constant 0 : index
    %get3A_91 = vector.load %arg14[%get3A_89, %get3A_90] : memref<128x128xbf16, #tpu.memory_space<vmem>>, vector<128x128xbf16>
    %dot_general3A_92 = arith.constant dense<0.000000e+00> : vector<3200x128xf32>
    %dot_general3A_93 = tpu.matmul %convert_element_type3A_88, %get3A_91, %dot_general3A_92 {dimension_numbers = #tpu.dot_dimension_numbers<[1], [0], [0], [1], [0, 0, 1, 1], [], []>, transpose_lhs_hint = false} : vector<3200x128xbf16>, vector<128x128xbf16>, vector<3200x128xf32> -> vector<3200x128xf32>
    %get3A_94 = arith.constant 0 : index
    %get3A_95 = arith.constant 0 : index
    %get3A_96 = vector.load %arg15[%get3A_94, %get3A_95] : memref<1x128xf32, #tpu.memory_space<vmem>>, vector<1x128xf32>
    %add3A_97 = vector.broadcast %get3A_96 : vector<1x128xf32> to vector<3200x128xf32>
    %add3A_98 = arith.addf %dot_general3A_93, %add3A_97 : vector<3200x128xf32>
    %tanh3A_99 = math.tanh %add3A_98 : vector<3200x128xf32>
    %add3A_100 = arith.constant 1.000000e+00 : f32
    %add3A_101 = vector.broadcast %add3A_100 : f32 to vector<3200x128xf32>
    %add3A_102 = arith.addf %tanh3A_99, %add3A_101 : vector<3200x128xf32>
    %mul3A_103 = arith.mulf %add3A_98, %add3A_102 : vector<3200x128xf32>
    %get3A_104 = arith.constant 0 : index
    %get3A_105 = arith.constant 0 : index
    %get3A_106 = vector.load %arg16[%get3A_104, %get3A_105] : memref<1x128xf32, #tpu.memory_space<vmem>>, vector<1x128xf32>
    %mul3A_107 = vector.broadcast %get3A_106 : vector<1x128xf32> to vector<3200x128xf32>
    %mul3A_108 = arith.mulf %mul3A_103, %mul3A_107 : vector<3200x128xf32>
    %reduce_sum3A_109 = arith.constant dense<0.000000e+00> : vector<3200xf32>
    %reduce_sum3A_110 = vector.multi_reduction <add>, %mul3A_108, %reduce_sum3A_109 [1] : vector<3200x128xf32> to vector<3200xf32>
    %broadcast_in_dim3A_111 = vector.shape_cast %reduce_sum3A_110 : vector<3200xf32> to vector<3200x1xf32>
    %mul3A_112 = vector.broadcast %broadcast_in_dim3A_111 : vector<3200x1xf32> to vector<3200x128xf32>
    %mul3A_113 = arith.mulf %mul3A_112, %get3A_8 : vector<3200x128xf32>
    %add3A_114 = arith.constant 1.000000e+00 : f32
    %add3A_115 = vector.broadcast %add3A_114 : f32 to vector<3200x1xf32>
    %add3A_116 = arith.addf %sqrt3A, %add3A_115 : vector<3200x1xf32>
    %div3A = vector.broadcast %add3A_116 : vector<3200x1xf32> to vector<3200x128xf32>
    %div3A_117 = arith.divf %mul3A_113, %div3A : vector<3200x128xf32>
    %swap3A_118 = arith.constant 0 : index
    %swap3A_119 = arith.constant 0 : index
    %swap3A_120 = vector.load %arg18[%swap3A_118, %swap3A_119] : memref<3200x128xf32, #tpu.memory_space<vmem>>, vector<3200x128xf32>
    tpu.vector_store %arg18[%swap3A_118, %swap3A_119], %div3A_117 {strides = array<i32>} : memref<3200x128xf32, #tpu.memory_space<vmem>>, vector<3200x128xf32>,
    return
  }
  func.func @transform_0(%arg0: i32) -> (i32, i32) {
    %c0_i32 = arith.constant 0 : i32
    %c0_i32_0 = arith.constant 0 : i32
    return %arg0, %c0_i32 : i32, i32
  }
  func.func @transform_1(%arg0: i32) -> (i32, i32) {
    %c0_i32 = arith.constant 0 : i32
    %c0_i32_0 = arith.constant 0 : i32
    return %arg0, %c0_i32 : i32, i32
  }
  func.func @transform_2(%arg0: i32) -> (i32, i32) {
    %c0_i32 = arith.constant 0 : i32
    %c0_i32_0 = arith.constant 0 : i32
    return %arg0, %c0_i32 : i32, i32
  }
  func.func @transform_3(%arg0: i32) -> (i32, i32) {
    %c0_i32 = arith.constant 0 : i32
    %c0_i32_0 = arith.constant 0 : i32
    return %arg0, %c0_i32 : i32, i32
  }
  func.func @transform_4(%arg0: i32) -> (i32, i32) {
    %c0_i32 = arith.constant 0 : i32
    %c0_i32_0 = arith.constant 0 : i32
    %c0_i32_1 = arith.constant 0 : i32
    return %c0_i32, %c0_i32_0 : i32, i32
  }
  func.func @transform_5(%arg0: i32) -> (i32, i32) {
    %c0_i32 = arith.constant 0 : i32
    %c0_i32_0 = arith.constant 0 : i32
    %c0_i32_1 = arith.constant 0 : i32
    return %c0_i32, %c0_i32_0 : i32, i32
  }
  func.func @transform_6(%arg0: i32) -> (i32, i32) {
    %c0_i32 = arith.constant 0 : i32
    %c0_i32_0 = arith.constant 0 : i32
    %c0_i32_1 = arith.constant 0 : i32
    return %c0_i32, %c0_i32_0 : i32, i32
  }
  func.func @transform_7(%arg0: i32) -> (i32, i32) {
    %c0_i32 = arith.constant 0 : i32
    %c0_i32_0 = arith.constant 0 : i32
    %c0_i32_1 = arith.constant 0 : i32
    return %c0_i32, %c0_i32_0 : i32, i32
  }
  func.func @transform_8(%arg0: i32) -> (i32, i32) {
    %c0_i32 = arith.constant 0 : i32
    %c0_i32_0 = arith.constant 0 : i32
    %c0_i32_1 = arith.constant 0 : i32
    return %c0_i32, %c0_i32_0 : i32, i32
  }
  func.func @transform_9(%arg0: i32) -> (i32, i32) {
    %c0_i32 = arith.constant 0 : i32
    %c0_i32_0 = arith.constant 0 : i32
    %c0_i32_1 = arith.constant 0 : i32
    return %c0_i32, %c0_i32_0 : i32, i32
  }
  func.func @transform_10(%arg0: i32) -> (i32, i32) {
    %c0_i32 = arith.constant 0 : i32
    %c0_i32_0 = arith.constant 0 : i32
    %c0_i32_1 = arith.constant 0 : i32
    return %c0_i32, %c0_i32_0 : i32, i32
  }
  func.func @transform_11(%arg0: i32) -> (i32, i32) {
    %c0_i32 = arith.constant 0 : i32
    %c0_i32_0 = arith.constant 0 : i32
    %c0_i32_1 = arith.constant 0 : i32
    return %c0_i32, %c0_i32_0 : i32, i32
  }
  func.func @transform_12(%arg0: i32) -> (i32, i32) {
    %c0_i32 = arith.constant 0 : i32
    %c0_i32_0 = arith.constant 0 : i32
    %c0_i32_1 = arith.constant 0 : i32
    return %c0_i32, %c0_i32_0 : i32, i32
  }
  func.func @transform_13(%arg0: i32) -> (i32, i32) {
    %c0_i32 = arith.constant 0 : i32
    %c0_i32_0 = arith.constant 0 : i32
    %c0_i32_1 = arith.constant 0 : i32
    return %c0_i32, %c0_i32_0 : i32, i32
  }
  func.func @transform_14(%arg0: i32) -> (i32, i32) {
    %c0_i32 = arith.constant 0 : i32
    %c0_i32_0 = arith.constant 0 : i32
    %c0_i32_1 = arith.constant 0 : i32
    return %c0_i32, %c0_i32_0 : i32, i32
  }
  func.func @transform_15(%arg0: i32) -> (i32, i32) {
    %c0_i32 = arith.constant 0 : i32
    %c0_i32_0 = arith.constant 0 : i32
    %c0_i32_1 = arith.constant 0 : i32
    return %c0_i32, %c0_i32_0 : i32, i32
  }
  func.func @transform_16(%arg0: i32) -> (i32, i32) {
    %c0_i32 = arith.constant 0 : i32
    %c0_i32_0 = arith.constant 0 : i32
    return %arg0, %c0_i32 : i32, i32
  }
  func.func @transform_17(%arg0: i32) -> (i32, i32) {
    %c0_i32 = arith.constant 0 : i32
    %c0_i32_0 = arith.constant 0 : i32
    return %arg0, %c0_i32 : i32, i32
  }
}

module attributes {stable_mosaic.version = 14 : i64} {
  func.func @_node_block_kernel(%arg0: i32, %arg1: memref<2000x128xf32, #tpu.memory_space<vmem>>, %arg2: memref<2000x128xf32, #tpu.memory_space<vmem>>, %arg3: memref<2000x128xf32, #tpu.memory_space<vmem>>, %arg4: memref<2000x128xf32, #tpu.memory_space<vmem>>, %arg5: memref<2000x128xf32, #tpu.memory_space<vmem>>, %arg6: memref<2000x128xf32, #tpu.memory_space<vmem>>, %arg7: memref<128x128xf32, #tpu.memory_space<vmem>>, %arg8: memref<128x128xf32, #tpu.memory_space<vmem>>, %arg9: memref<1x128xf32, #tpu.memory_space<vmem>>, %arg10: memref<128x128xf32, #tpu.memory_space<vmem>>, %arg11: memref<1x128xf32, #tpu.memory_space<vmem>>, %arg12: memref<2000x128xf32, #tpu.memory_space<vmem>>, %arg13: memref<2000x128xf32, #tpu.memory_space<vmem>>) attributes {dimension_semantics = [#tpu.dimension_semantics<arbitrary>], iteration_bounds = array<i64: 5>, scalar_prefetch = 0 : i64, scratch_operands = 0 : i64, tpu.core_type = #tpu.core_type<tc>, window_params = [{transform_indices = @transform_0, window_bounds = array<i64: 2000, 128>}, {transform_indices = @transform_1, window_bounds = array<i64: 2000, 128>}, {transform_indices = @transform_2, window_bounds = array<i64: 2000, 128>}, {transform_indices = @transform_3, window_bounds = array<i64: 2000, 128>}, {transform_indices = @transform_4, window_bounds = array<i64: 2000, 128>}, {transform_indices = @transform_5, window_bounds = array<i64: 2000, 128>}, {pipeline_mode = #tpu.pipeline_mode<synchronous>, transform_indices = @transform_6, window_bounds = array<i64: 128, 128>}, {pipeline_mode = #tpu.pipeline_mode<synchronous>, transform_indices = @transform_7, window_bounds = array<i64: 128, 128>}, {pipeline_mode = #tpu.pipeline_mode<synchronous>, transform_indices = @transform_8, window_bounds = array<i64: 1, 128>}, {pipeline_mode = #tpu.pipeline_mode<synchronous>, transform_indices = @transform_9, window_bounds = array<i64: 128, 128>}, {pipeline_mode = #tpu.pipeline_mode<synchronous>, transform_indices = @transform_10, window_bounds = array<i64: 1, 128>}, {transform_indices = @transform_11, window_bounds = array<i64: 2000, 128>}, {transform_indices = @transform_12, window_bounds = array<i64: 2000, 128>}]} {
    %get3A = arith.constant 0 : index
    %get3A_0 = arith.constant 0 : index
    %get3A_1 = vector.load %arg1[%get3A, %get3A_0] : memref<2000x128xf32, #tpu.memory_space<vmem>>, vector<2000x128xf32>
    %get3A_2 = arith.constant 0 : index
    %get3A_3 = arith.constant 0 : index
    %get3A_4 = vector.load %arg3[%get3A_2, %get3A_3] : memref<2000x128xf32, #tpu.memory_space<vmem>>, vector<2000x128xf32>
    %get3A_5 = arith.constant 0 : index
    %get3A_6 = arith.constant 0 : index
    %get3A_7 = vector.load %arg4[%get3A_5, %get3A_6] : memref<2000x128xf32, #tpu.memory_space<vmem>>, vector<2000x128xf32>
    %add3A = arith.addf %get3A_4, %get3A_7 : vector<2000x128xf32>
    %get3A_8 = arith.constant 0 : index
    %get3A_9 = arith.constant 0 : index
    %get3A_10 = vector.load %arg7[%get3A_8, %get3A_9] : memref<128x128xf32, #tpu.memory_space<vmem>>, vector<128x128xf32>
    %dot_general3A = arith.constant dense<0.000000e+00> : vector<2000x128xf32>
    %dot_general3A_11 = tpu.matmul %get3A_1, %get3A_10, %dot_general3A {dimension_numbers = #tpu.dot_dimension_numbers<[1], [0], [0], [1], [0, 0, 1, 1], [], []>, transpose_lhs_hint = false} : vector<2000x128xf32>, vector<128x128xf32>, vector<2000x128xf32> -> vector<2000x128xf32>
    %get3A_12 = arith.constant 0 : index
    %get3A_13 = arith.constant 0 : index
    %get3A_14 = vector.load %arg8[%get3A_12, %get3A_13] : memref<128x128xf32, #tpu.memory_space<vmem>>, vector<128x128xf32>
    %dot_general3A_15 = arith.constant dense<0.000000e+00> : vector<2000x128xf32>
    %dot_general3A_16 = tpu.matmul %add3A, %get3A_14, %dot_general3A_15 {dimension_numbers = #tpu.dot_dimension_numbers<[1], [0], [0], [1], [0, 0, 1, 1], [], []>, transpose_lhs_hint = false} : vector<2000x128xf32>, vector<128x128xf32>, vector<2000x128xf32> -> vector<2000x128xf32>
    %add3A_17 = arith.addf %dot_general3A_11, %dot_general3A_16 : vector<2000x128xf32>
    %get3A_18 = arith.constant 0 : index
    %get3A_19 = arith.constant 0 : index
    %get3A_20 = vector.load %arg9[%get3A_18, %get3A_19] : memref<1x128xf32, #tpu.memory_space<vmem>>, vector<1x128xf32>
    %add3A_21 = vector.broadcast %get3A_20 : vector<1x128xf32> to vector<2000x128xf32>
    %add3A_22 = arith.addf %add3A_17, %add3A_21 : vector<2000x128xf32>
    %tanh3A = math.tanh %add3A_22 : vector<2000x128xf32>
    %add3A_23 = arith.constant 1.000000e+00 : f32
    %add3A_24 = vector.broadcast %add3A_23 : f32 to vector<2000x128xf32>
    %add3A_25 = arith.addf %tanh3A, %add3A_24 : vector<2000x128xf32>
    %mul3A = arith.mulf %add3A_22, %add3A_25 : vector<2000x128xf32>
    %get3A_26 = arith.constant 0 : index
    %get3A_27 = arith.constant 0 : index
    %get3A_28 = vector.load %arg10[%get3A_26, %get3A_27] : memref<128x128xf32, #tpu.memory_space<vmem>>, vector<128x128xf32>
    %dot_general3A_29 = arith.constant dense<0.000000e+00> : vector<2000x128xf32>
    %dot_general3A_30 = tpu.matmul %mul3A, %get3A_28, %dot_general3A_29 {dimension_numbers = #tpu.dot_dimension_numbers<[1], [0], [0], [1], [0, 0, 1, 1], [], []>, transpose_lhs_hint = false} : vector<2000x128xf32>, vector<128x128xf32>, vector<2000x128xf32> -> vector<2000x128xf32>
    %add3A_31 = arith.addf %get3A_1, %dot_general3A_30 : vector<2000x128xf32>
    %get3A_32 = arith.constant 0 : index
    %get3A_33 = arith.constant 0 : index
    %get3A_34 = vector.load %arg11[%get3A_32, %get3A_33] : memref<1x128xf32, #tpu.memory_space<vmem>>, vector<1x128xf32>
    %add3A_35 = vector.broadcast %get3A_34 : vector<1x128xf32> to vector<2000x128xf32>
    %add3A_36 = arith.addf %add3A_31, %add3A_35 : vector<2000x128xf32>
    %swap3A = arith.constant 0 : index
    %swap3A_37 = arith.constant 0 : index
    %swap3A_38 = vector.load %arg12[%swap3A, %swap3A_37] : memref<2000x128xf32, #tpu.memory_space<vmem>>, vector<2000x128xf32>
    tpu.vector_store %arg12[%swap3A, %swap3A_37], %add3A_36 {strides = array<i32>} : memref<2000x128xf32, #tpu.memory_space<vmem>>, vector<2000x128xf32>,
    %get3A_39 = arith.constant 0 : index
    %get3A_40 = arith.constant 0 : index
    %get3A_41 = vector.load %arg2[%get3A_39, %get3A_40] : memref<2000x128xf32, #tpu.memory_space<vmem>>, vector<2000x128xf32>
    %get3A_42 = arith.constant 0 : index
    %get3A_43 = arith.constant 0 : index
    %get3A_44 = vector.load %arg5[%get3A_42, %get3A_43] : memref<2000x128xf32, #tpu.memory_space<vmem>>, vector<2000x128xf32>
    %add3A_45 = arith.addf %get3A_41, %get3A_44 : vector<2000x128xf32>
    %get3A_46 = arith.constant 0 : index
    %get3A_47 = arith.constant 0 : index
    %get3A_48 = vector.load %arg6[%get3A_46, %get3A_47] : memref<2000x128xf32, #tpu.memory_space<vmem>>, vector<2000x128xf32>
    %add3A_49 = arith.addf %add3A_45, %get3A_48 : vector<2000x128xf32>
    %swap3A_50 = arith.constant 0 : index
    %swap3A_51 = arith.constant 0 : index
    %swap3A_52 = vector.load %arg13[%swap3A_50, %swap3A_51] : memref<2000x128xf32, #tpu.memory_space<vmem>>, vector<2000x128xf32>
    tpu.vector_store %arg13[%swap3A_50, %swap3A_51], %add3A_49 {strides = array<i32>} : memref<2000x128xf32, #tpu.memory_space<vmem>>, vector<2000x128xf32>,
    return
  }
  func.func @transform_0(%arg0: i32) -> (i32, i32) {
    %c0_i32 = arith.constant 0 : i32
    %c0_i32_0 = arith.constant 0 : i32
    return %arg0, %c0_i32 : i32, i32
  }
  func.func @transform_1(%arg0: i32) -> (i32, i32) {
    %c0_i32 = arith.constant 0 : i32
    %c0_i32_0 = arith.constant 0 : i32
    return %arg0, %c0_i32 : i32, i32
  }
  func.func @transform_2(%arg0: i32) -> (i32, i32) {
    %c0_i32 = arith.constant 0 : i32
    %c0_i32_0 = arith.constant 0 : i32
    return %arg0, %c0_i32 : i32, i32
  }
  func.func @transform_3(%arg0: i32) -> (i32, i32) {
    %c0_i32 = arith.constant 0 : i32
    %c0_i32_0 = arith.constant 0 : i32
    return %arg0, %c0_i32 : i32, i32
  }
  func.func @transform_4(%arg0: i32) -> (i32, i32) {
    %c0_i32 = arith.constant 0 : i32
    %c0_i32_0 = arith.constant 0 : i32
    return %arg0, %c0_i32 : i32, i32
  }
  func.func @transform_5(%arg0: i32) -> (i32, i32) {
    %c0_i32 = arith.constant 0 : i32
    %c0_i32_0 = arith.constant 0 : i32
    return %arg0, %c0_i32 : i32, i32
  }
  func.func @transform_6(%arg0: i32) -> (i32, i32) {
    %c0_i32 = arith.constant 0 : i32
    %c0_i32_0 = arith.constant 0 : i32
    %c0_i32_1 = arith.constant 0 : i32
    return %c0_i32, %c0_i32_0 : i32, i32
  }
  func.func @transform_7(%arg0: i32) -> (i32, i32) {
    %c0_i32 = arith.constant 0 : i32
    %c0_i32_0 = arith.constant 0 : i32
    %c0_i32_1 = arith.constant 0 : i32
    return %c0_i32, %c0_i32_0 : i32, i32
  }
  func.func @transform_8(%arg0: i32) -> (i32, i32) {
    %c0_i32 = arith.constant 0 : i32
    %c0_i32_0 = arith.constant 0 : i32
    %c0_i32_1 = arith.constant 0 : i32
    return %c0_i32, %c0_i32_0 : i32, i32
  }
  func.func @transform_9(%arg0: i32) -> (i32, i32) {
    %c0_i32 = arith.constant 0 : i32
    %c0_i32_0 = arith.constant 0 : i32
    %c0_i32_1 = arith.constant 0 : i32
    return %c0_i32, %c0_i32_0 : i32, i32
  }
  func.func @transform_10(%arg0: i32) -> (i32, i32) {
    %c0_i32 = arith.constant 0 : i32
    %c0_i32_0 = arith.constant 0 : i32
    %c0_i32_1 = arith.constant 0 : i32
    return %c0_i32, %c0_i32_0 : i32, i32
  }
  func.func @transform_11(%arg0: i32) -> (i32, i32) {
    %c0_i32 = arith.constant 0 : i32
    %c0_i32_0 = arith.constant 0 : i32
    return %arg0, %c0_i32 : i32, i32
  }
  func.func @transform_12(%arg0: i32) -> (i32, i32) {
    %c0_i32 = arith.constant 0 : i32
    %c0_i32_0 = arith.constant 0 : i32
    return %arg0, %c0_i32 : i32, i32
  }
}

</mosaic_0001>

<sc_bundles>
// kernel: kernel.12.cloned.1.call-start
scs
__scs_entry_jumppad:
0x0: {  	(pc) =	sbr.rel $0x88, $3  }
0x1: {  	(tag) =	ssettag $0x0;
	lr =	simm.s32 $0x1  }
0x2: {  	[smem:$0x3F8E] =	sst lr;
	_ =	strace $0xD0000000  }
0x3: {  	_ = 	snop  }
0x4: {  	_ = 	snop  }
0x5: {  	_ = 	snop  }
0x6: {  	_ = 	snop  }
0x7: {  	_ = 	snop  }
__scs_overlays_trampoline_lowered:
0x8: {  	[smem:$0x3F9D] =	sst s0  }
0x9: {  	[smem:$0x3F9E] =	sst s1  }
0xa: {  	[smem:$0x3F9F] =	sst s2  }
0xb: {  	[smem:$0x3FA0] =	sst s3  }
0xc: {  	[smem:$0x3FA1] =	sst s4  }
0xd: {  	[smem:$0x3FA2] =	sst s5  }
0xe: {  	[smem:$0x3FA3] =	sst s6  }
0xf: {  	[smem:$0x3FA4] =	sst s7  }
0x10: {  	[smem:$0x3FA5] =	sst s8  }
0x11: {  	[smem:$0x3FA6] =	sst s9;
	s0 =	simm.s32 @!p0 $0x0  }
0x12: {  	s1 =	sld [smem:$0x3F8C];
	s0 =	simm.s32 @p0 $0x1  }
0x13: {  	[smem:$0x3FA7] =	sst s0;
	s0 =	simm.s32 @!p1 $0x0  }
0x14: {  	s2 =	sld [smem:$0x3F8B];
	s0 =	simm.s32 @p1 $0x1  }
0x15: {  	[smem:$0x3FA8] =	sst s0;
	s0 =	simm.s32 @!p2 $0x0  }
0x16: {  	s3 =	sld [smem:$0x3FDB];
	s0 =	simm.s32 @p2 $0x1  }
0x17: {  	s4 =	simm.s32 $0x1BF5;
	[smem:$0x3FAA] =	sst s0  }
0x18: {  	s0 =	sld [smem:$0x3F8D];
	_ =	swait.ge [sflag:s4], $0x0  }
0x19: {  	s7 =	sld [smem:$0x3F8E]  }
0x1a: {  	s8 =	sadd.s32 $0xFFFFE003, lr  }
0x1b: {  	s9 =	sadd.s32 $0xFFFFFEF7, lr;
	s5 =	simm.s32 $0xFFFFFFFF;
	p2 =	slt.u32 s8, $0xFFFFF086  }
0x1c: {  	p1 =	slt.u32 s9, $0xF7A;
	s5 =	simm.s32 @!p2 $0x0  }
0x1d: {  	s5 =	simm.s32 @p1 $0x1;
	p0 =	seq.s32 s7, s2  }
0x1e: {  	s7 =	smul.u32 @!p0 $0xF7A, s2;
	p2 =	seq.s32 @!p0 s5, $0x0  }
0x1f: {  	s9 =	smul.u32 $0xF7A, s1;
	s8 =	simm.s32 @!p0 $0x1BF5;
	p2 =	por !p2, p0  }
0x20: {  	[sflag:s8] =	ssyncset.s32 @!p0 $0xFFFFF086;
	s6 =	sadd.s32 @!p0 s3, s7;
	s7 =	simm.s32 @!p0 $0x108  }
0x21: {  	s3 =	sadd.s32 s3, s9;
	s6 =	sadd.s32 @!p0 $0x88, s6;
	s7 =	simm.s32 @p2 $0x1082  }
0x22: {  	[simem:s7], [sflag:s8] =	dma.local @!p0 [hbm:s6], $0xF7A  }
0x23: {  	s9 =	sor.u32 $0xD0000000, s2;
	s6 =	simm.s32 $0x108;
	_ =	swait.ge @!p0 [sflag:s8], $0x0  }
0x24: {  	s3 =	sadd.s32 $0x88, s3;
	s6 =	simm.s32 @!p1 $0x1082;
	[sflag:s4] =	ssyncset.s32 $0xFFFFF086  }
0x25: {  	[simem:s6], [sflag:s4] =	dma.local [hbm:s3], $0xF7A  }
0x26: {  	[smem:$0x3F8E] =	sst s1;
	(tag) =	ssettag s2;
	_ =	strace s9  }
0x27: {  	s1 =	sld [smem:$0x3F9E]  }
0x28: {  	s2 =	sld [smem:$0x3F9F]  }
0x29: {  	s4 =	sld [smem:$0x3FA1]  }
0x2a: {  	p0 =	seq.s32 s5, $0x0;
	s5 =	sld [smem:$0x3FA2]  }
0x2b: {  	s6 =	sld [smem:$0x3FA3]  }
0x2c: {  	s7 =	sld [smem:$0x3FA4]  }
0x2d: {  	s3 =	simm.s32 $0x108;
	s8 =	sld [smem:$0x3FA5]  }
0x2e: {  	s3 =	simm.s32 @!p0 $0x1082;
	s9 =	sld [smem:$0x3FA6]  }
0x2f: {  	lr =	sadd.s32 s0, s3;
	s0 =	sld [smem:$0x3F9D]  }
0x30: {  	s3 =	sld [smem:$0x3FA0]  }
0x31: {  	[smem:$0x3FA9] =	sst s10  }
0x32: {  	s10 =	sld [smem:$0x3FA7];
	_ =	sdelay $0x3  }
0x33: {  	p0 =	seq.s32 s10, $0x1;
	s10 =	sld [smem:$0x3FA9];
	_ =	sdelay $0x3  }
0x34: {  	[smem:$0x3FA9] =	sst s10  }
0x35: {  	s10 =	sld [smem:$0x3FA8];
	_ =	sdelay $0x3  }
0x36: {  	p1 =	seq.s32 s10, $0x1;
	s10 =	sld [smem:$0x3FA9];
	_ =	sdelay $0x3  }
0x37: {  	[smem:$0x3FA9] =	sst s10  }
0x38: {  	s10 =	sld [smem:$0x3FAA]  }
0x39: {  	_ = 	snop;
	(pc) =	sbr.ind lr, $3  }
0x3a: {  	_ = 	snop  }
0x3b: {  	_ = 	snop  }
0x3c: {  	p2 =	seq.s32 s10, $0x1;
	s10 =	sld [smem:$0x3FA9]  }
0x3d: {  	_ =	shalt  }
0x3e: {  	_ =	shalt  }
0x3f: {  	_ =	shalt  }
0x40: {  	_ =	shalt  }
0x41: {  	_ =	shalt  }
0x42: {  	_ =	shalt  }
0x43: {  	_ =	shalt  }
0x44: {  	_ =	shalt  }
0x45: {  	_ =	shalt  }
0x46: {  	_ =	shalt  }
0x47: {  	_ =	shalt  }
0x48: {  	_ =	shalt  }
0x49: {  	_ =	shalt  }
0x4a: {  	_ =	shalt  }
0x4b: {  	_ =	shalt  }
0x4c: {  	_ =	shalt  }
0x4d: {  	_ =	shalt  }
0x4e: {  	_ =	shalt  }
0x4f: {  	_ =	shalt  }
0x50: {  	_ =	shalt  }
0x51: {  	_ =	shalt  }
0x52: {  	_ =	shalt  }
0x53: {  	_ =	shalt  }
0x54: {  	_ =	shalt  }
0x55: {  	_ =	shalt  }
0x56: {  	_ =	shalt  }
0x57: {  	_ =	shalt  }
0x58: {  	_ =	shalt  }
0x59: {  	_ =	shalt  }
0x5a: {  	_ =	shalt  }
0x5b: {  	_ =	shalt  }
0x5c: {  	_ =	shalt  }
0x5d: {  	_ =	shalt  }
0x5e: {  	_ =	shalt  }
0x5f: {  	_ =	shalt  }
0x60: {  	_ =	shalt  }
0x61: {  	_ =	shalt  }
0x62: {  	_ =	shalt  }
0x63: {  	_ =	shalt  }
0x64: {  	_ =	shalt  }
0x65: {  	_ =	shalt  }
0x66: {  	_ =	shalt  }
0x67: {  	_ =	shalt  }
0x68: {  	_ =	shalt  }
0x69: {  	_ =	shalt  }
0x6a: {  	_ =	shalt  }
0x6b: {  	_ =	shalt  }
0x6c: {  	_ =	shalt  }
0x6d: {  	_ =	shalt  }
0x6e: {  	_ =	shalt  }
0x6f: {  	_ =	shalt  }
0x70: {  	_ =	shalt  }
0x71: {  	_ =	shalt  }
0x72: {  	_ =	shalt  }
0x73: {  	_ =	shalt  }
0x74: {  	_ =	shalt  }
0x75: {  	_ =	shalt  }
0x76: {  	_ =	shalt  }
0x77: {  	_ =	shalt  }
0x78: {  	_ =	shalt  }
0x79: {  	_ =	shalt  }
0x7a: {  	_ =	shalt  }
0x7b: {  	_ =	shalt  }
0x7c: {  	_ =	shalt  }
0x7d: {  	_ =	shalt  }
0x7e: {  	_ =	shalt  }
0x7f: {  	_ =	shalt  }
0x80: {  	_ =	shalt  }
0x81: {  	_ =	shalt  }
0x82: {  	_ =	shalt  }
0x83: {  	_ =	shalt  }
0x84: {  	_ =	shalt  }
0x85: {  	_ =	shalt  }
0x86: {  	_ =	shalt  }
0x87: {  	_ =	shalt  }
.Lfunc_end0:
.L_simem_size_0:
called_computation.1_lowered:
.L_overlay_start_0:
0x88: {  	s2 =	sld [smem:$0x3FD9]  }
0x89: {  	s3 =	sld [smem:$0x3FFE];
	_ =	sdelay $0x1  }
0x8a: {  	s1 =	srdreg.scid  }
0x8b: {  	s0 =	sand.u32 $0x1, s1  }
0x8c: {  	s14 =	sshll.u32 s0, $0xA;
	s2 =	sadd.s32 s3, s2  }
0x8d: {  	s2 =	sadd.s32 s2, s14  }
0x8e: {  	[smem:$0x3FB5] =	sst s2  }
0x8f: {  	_ = 	snop  }
0x90: {  	s2 =	sld [smem:$0x3FD0];
	_ =	sdelay $0x2  }
0x91: {  	s4 =	simm.s32 $0xB;
	s5 =	simm.s32 $0x10;
	s15 =	sld [smem:$0x3FC9]  }
0x92: {  	[smem:s5], [sflag:s4] =	dma.local [hbm:s2], $0x1  }
0x93: {  	_ =	swait.eq [sflag:s4], $0x1  }
0x94: {  	[sflag:s4] =	ssyncset.done $0x0  }
0x95: {  	[sflag:s4] =	ssyncadd.s32 $0xFFFFFFFF  }
0x96: {  	s16 =	sld [smem:$0x10];
	(tm) =	ssettm $0x1  }
0x97: {  	s17 =	sld [smem:$0x3FFB];
	_ =	sdelay $0x3  }
0x98: {  	_ =	strace s17  }
0x99: {  	s4 =	sld [smem:$0x3FFC];
	_ =	sdelay $0x3  }
0x9a: {  	_ =	strace s4  }
0x9b: {  	s4 =	sld [smem:$0x3FFD];
	_ =	sdelay $0x3  }
0x9c: {  	_ =	strace s4  }
0x9d: {  	_ =	strace $0x8FFFFFFF  }
0x9e: {  	s18 =	sld [smem:$0x3FDB];
	_ =	sdelay $0x1  }
0x9f: {  	s19 =	simm.s32 $_scs_section_size  }
0xa0: {  	s6 =	simm.s32 $_size__tile_overlayer_lowered;
	s7 =	simm.s32 $_tile_overlayer_lowered  }
0xa1: {  	s22 =	simm.s32 $0x1BFF;
	s21 =	sshll.u32 s7, $0x1;
	s4 =	sadd.s32 s19, s18  }
0xa2: {  	s8 =	simm.s32 $0x0;
	s20 =	sshll.u32 s6, $0x1;
	s6 =	sadd.s32 s21, s4  }
0xa3: {  	[timem:s8], [sflag:s22] =	dma.local [hbm:s6], s20  }
0xa4: {  	_ =	swait.ge [sflag:s22], s20  }
0xa5: {  	s5 =	ssub.s32 $0x0, s20;
	[sflag:s22] =	ssyncset.done $0x0  }
0xa6: {  	[sflag:s22] =	ssyncadd.s32 s5;
	_ =	sdelay $0x1  }
0xa7: {  	s23 =	simm.s32 $0x1B8B  }
0xa8: {  	_ =	swait.ge [sflag:s23], $0x1  }
0xa9: {  	[sflag:s23] =	ssyncset.done $0x0  }
0xaa: {  	s25 =	simm.s32 $0x1B8E;
	s24 =	sld [smem:$0x3FFE];
	[sflag:s23] =	ssyncadd.s32 $0xFFFFFFFF  }
0xab: {  	s26 =	simm.s32 $execute0_lowered;
	[smem:$0x3FD2] =	sst s25  }
0xac: {  	s6 =	sshll.u32 s26, $0x1;
	_ =	strace $0x80000046;
	[dreg:$0x1] =	wrdreg $0xFFFFFFFF  }
0xad: {  	s28 =	simm.s32 $_size_execute0_lowered;
	s4 =	sadd.s32 s4, s6;
	[dreg:$0x0] =	wrdreg $0x0  }
0xae: {  	s6 =	sshll.u32 s28, $0x1;
	[dreg:$0x2] =	wrdreg s4  }
0xaf: {  	[dreg:$0x3] =	wrdreg s6  }
0xb0: {  	[dreg:$0x4] =	wrdreg $0xC0  }
0xb1: {  	_ =	task [dreg:s8], $0x5FFFF  }
0xb2: {  	[dreg:$0x1] =	wrdreg $0xFFFFFFFF  }
0xb3: {  	[dreg:$0x0] =	wrdreg $0x60  }
0xb4: {  	[dreg:$0x2] =	wrdreg s15  }
0xb5: {  	[dreg:$0x3] =	wrdreg s16  }
0xb6: {  	[dreg:$0x4] =	wrdreg s24  }
0xb7: {  	[dreg:$0x5] =	wrdreg $0xA  }
0xb8: {  	_ =	task.clear_ibuf [dreg:s8], $0x6FFFF;
	_ =	strace $0x90000046  }
0xb9: {  	s29 =	simm.s32 $0xA;
	_ =	strace $0x80000048  }
0xba: {  	_ =	swait.ge [sflag:s29], $0x1  }
0xbb: {  	[sflag:s29] =	ssyncadd.s32 $0xFFFFFFFF  }
0xbc: {  	_ =	strace $0x90000048  }
0xbd: {  	_ =	sfence  }
0xbe: {  	s30 =	sld [smem:$0x0];
	_ =	sdelay $0x2  }
0xbf: {  	s31 =	sshll.u32 s1, $0xD;
	s1 =	sshrl.u32 s1, $0x2  }
0xc0: {  	s3 =	sand.u32 $0x4000, s31;
	s1 =	sadd.s32 s1, s30  }
0xc1: {  	s0 =	sor.u32 s3, s0;
	s1 =	sshll.u32 s1, $0x11  }
0xc2: {  	s0 =	sor.u32 s1, s0  }
0xc3: {  	s0 =	sadd.s32 $0x8F2B, s0  }
0xc4: {  	[sflag:s0] =	ssyncadd.remote.s32 $0x1  }
0xc5: {  	_ =	sfence.sel $0xFFFF  }
0xc6: {  	[dreg:$0x0] =	wrdreg $0xFFFFFFFF;
	(pc) =	sbr.abs _section_cstart, $3  }
0xc7: {  	[dreg:$0x1] =	wrdreg $0xFFFFFFFF  }
0xc8: {  	_ =	task.clear_ibuf [dreg:s8], $0x2FFFF;
	_ =	strace $0x9FFFFFFF  }
0xc9: {  	(tm) =	ssettm $0x7FFFFFFF  }
tec
execute0_lowered:
.L_overlay_start_1:
0x0: {  	(tag) =	ssettag $0x1  }
0x1: {  	s1 =	rddreg [dreg:$0x0]  }
0x2: {  	s3 =	rddreg [dreg:$0x1]  }
0x3: {  	s0 =	rddreg [dreg:$0x2]  }
0x4: {  	s2 =	srdreg.scid;
	s5 =	stileid.u32  }
0x5: {  	s4 =	simm.s32 $0x0;
	s28 =	simm.s32 $0x4;
	s29 =	simm.s32 $0x5  }
0x6: {  	s30 =	simm.s32 $0x6;
	s2 =	sand.u32 $0x1, s2;
	s5 =	sshll.u32 s5, $0x1  }
0x7: {  	[smem:$0x7FF] =	sst s4;
	s7 =	sadd.s32 $0x11A00, s0;
	s8 =	sadd.s32 $0x1B800, s0  }
0x8: {  	s9 =	sadd.s32 $0x2A5800, s0;
	s10 =	sadd.s32 $0x52F800, s0;
	s6 =	sor.u32 s2, s5  }
0x9: {  	_ =	strace $0x80000047;
	s2 =	ssub.s32 $0x2, s2;
	s13 =	smul.u32 $0x1450, s6  }
0xa: {  	s5 =	sadd.s32 $0x7C00, s0;
	s11 =	sshrl.u32 s2, $0x1;
	s14 =	smul.u32 $0x14500, s6  }
0xb: {  	s6 =	smul.u32 $0xA2800, s6;
	s0 =	ssub.s32 s2, s11;
	s12 =	sshrl.u32 s13, $0x3  }
0xc: {  	s11 =	sadd.s32 $0x258A0, s13;
	s16 =	sadd.s32 s8, s14;
	s17 =	sadd.s32 s9, s14  }
0xd: {  	s18 =	sadd.s32 $0x258F0, s13;
	s19 =	sshrl.u32 s6, $0x3;
	[dreg:$0x7] =	wrdreg s11  }
0xe: {  	s20 =	sadd.s32 s10, s14;
	s0 =	smax.u32 s0, $0x1;
	[dreg:$0xb] =	wrdreg s16  }
0xf: {  	s14 =	simm.s32 $0x0;
	s24 =	sadd.s32 $0x4B00, s12;
	[dreg:$0xc] =	wrdreg s17  }
0x10: {  	s26 =	sadd.s32 $0x4B0A, s12;
	s15 =	sshrl.u32 s11, $0x3;
	[dreg:$0xe] =	wrdreg s20  }
0x11: {  	[dreg:$0xd] =	wrdreg s18;
	s21 =	sshrl.u32 s18, $0x3;
	s22 =	sadd.s32 $0x500, s19  }
0x12: {  	[dreg:$0x17] =	wrdreg s0;
	s20 =	smov.u32 s13;
	s25 =	sadd.s32 s5, s24  }
0x13: {  	s0 =	sadd.s32 $0x50, s13;
	s2 =	sadd.s32 s7, s24;
	[dreg:$0x4] =	wrdreg s25  }
0x14: {  	s11 =	simm.s32 $0x1;
	s31 =	sadd.s32 s5, s26;
	[dreg:$0x5] =	wrdreg s2  }
0x15: {  	s13 =	simm.s32 $0x200;
	s12 =	sadd.s32 s5, s15;
	[dreg:$0x6] =	wrdreg s31  }
0x16: {  	s16 =	simm.s32 $0xA200;
	s6 =	sadd.s32 s7, s21;
	[dreg:$0x9] =	wrdreg s12  }
0x17: {  	s18 =	simm.s32 $0x80;
	s23 =	sadd.s32 s8, s22;
	[dreg:$0x10] =	wrdreg s6  }
0x18: {  	s24 =	sadd.s32 s9, s22;
	s2 =	sadd.s32 s7, s26;
	[dreg:$0x11] =	wrdreg s23  }
0x19: {  	s12 =	sadd.s32 s5, s21;
	[dreg:$0x12] =	wrdreg s24;
	s25 =	sadd.s32 s10, s22  }
0x1a: {  	s21 =	simm.s32 $0x3;
	s22 =	simm.s32 $0x2;
	[dreg:$0x8] =	wrdreg s2  }
0x1b: {  	s23 =	simm.s32 $0x2A00;
	s2 =	sadd.s32 s7, s15;
	[dreg:$0xf] =	wrdreg s12  }
0x1c: {  	s24 =	simm.s32 $0x7A00;
	[dreg:$0xa] =	wrdreg s2;
	s2 =	sadd.s32 $0x14000, s19  }
0x1d: {  	[dreg:$0x13] =	wrdreg s25;
	s12 =	simm.s32 $0x50;
	s26 =	sadd.s32 s8, s2  }
0x1e: {  	s15 =	simm.s32 $0x5200;
	s31 =	sadd.s32 s9, s2;
	[dreg:$0x14] =	wrdreg s26  }
0x1f: {  	s25 =	simm.s32 $0xCA00;
	s2 =	sadd.s32 s10, s2;
	[dreg:$0x15] =	wrdreg s31  }
0x20: {  	s19 =	simm.s32 $0x180;
	[dreg:$0x16] =	wrdreg s2;
	s2 =	simm.s32 $0x100  }
.LBB2_1:
0x21: {  	[dreg:$0x18] =	wrdreg s14  }
0x22: {  	s6 =	rddreg [dreg:$0x4]  }
0x23: {  	[tilespmem:s4], [sflag:$0x1] =	stream.linear.gather [hbm4b:s6+s4], $0x50, $0x38;
	[tilespmem:$0x14200] =	vst v63  }
0x24: {  	s26 =	rddreg [dreg:$0x5]  }
0x25: {  	[tilespmem:s2], [sflag:$0x1] =	stream.linear.gather [hbm4b:s26+s4], $0x50, $0x38;
	[tilespmem:$0x14200] =	vst v63  }
0x26: {  	_ =	swait.ge [sflag:s11], $0x50  }
0x27: {  	[sflag:s11] =	ssyncset.done $0x0  }
0x28: {  	[sflag:s11] =	ssyncadd.s32 $0xFFFFFFB0  }
0x29: {  	_ =	swait.ge [sflag:s11], $0x50  }
0x2a: {  	[sflag:s11] =	ssyncset.done $0x0  }
0x2b: {  	[sflag:s11] =	ssyncadd.s32 $0xFFFFFFB0  }
0x2c: {  	[tilespmem:s13], [sflag:$0x3] =	stream.indirect.gather [hbm4b:s1+s12], $0x80, s4, s12, $0xb8;
	[tilespmem:$0x14200] =	vst v63  }
0x2d: {  	_ = 	snop  }
0x2e: {  	[tilespmem:s15], [sflag:$0x3] =	stream.indirect.gather [hbm4b:s1+s12], $0x80, s2, s12, $0xb8;
	[tilespmem:$0x14200] =	vst v63  }
0x2f: {  	_ = 	snop  }
0x30: {  	[tilespmem:s16], [sflag:$0x3] =	stream.indirect.gather [hbm4b:s3+s12], $0x80, s4, s12, $0xb8;
	[tilespmem:$0x14200] =	vst v63  }
0x31: {  	s31 =	simm.s32 $0xF200  }
0x32: {  	[tilespmem:s31], [sflag:$0x3] =	stream.indirect.gather [hbm4b:s3+s12], $0x80, s2, s12, $0xb8;
	[tilespmem:$0x14200] =	vst v63  }
0x33: {  	s14 =	rddreg [dreg:$0x6]  }
0x34: {  	[tilespmem:s18], [sflag:$0x2] =	stream.linear.gather [hbm4b:s14+s4], $0x50, $0x38;
	[tilespmem:$0x14200] =	vst v63  }
0x35: {  	s17 =	rddreg [dreg:$0x8]  }
0x36: {  	[tilespmem:s19], [sflag:$0x2] =	stream.linear.gather [hbm4b:s17+s4], $0x50, $0x38;
	[tilespmem:$0x14200] =	vst v63  }
0x37: {  	_ =	swait.ge [sflag:s21], $0x2800  }
0x38: {  	[sflag:s21] =	ssyncset.done $0x0  }
0x39: {  	[sflag:s21] =	ssyncadd.s32 $0xFFFFD800  }
0x3a: {  	_ =	swait.ge [sflag:s21], $0x2800  }
0x3b: {  	[sflag:s21] =	ssyncset.done $0x0  }
0x3c: {  	[sflag:s21] =	ssyncadd.s32 $0xFFFFD800  }
0x3d: {  	_ =	swait.ge [sflag:s21], $0x2800  }
0x3e: {  	[sflag:s21] =	ssyncset.done $0x0  }
0x3f: {  	[sflag:s21] =	ssyncadd.s32 $0xFFFFD800  }
0x40: {  	_ =	swait.ge [sflag:s21], $0x2800  }
0x41: {  	[sflag:s21] =	ssyncset.done $0x0  }
0x42: {  	s26 =	rddreg [dreg:$0x9];
	[sflag:s21] =	ssyncadd.s32 $0xFFFFD800  }
0x43: {  	[tilespmem:s4], [sflag:$0x1] =	stream.linear.gather [hbm4b:s26+s4], $0x50, $0x38;
	[tilespmem:$0x14200] =	vst v63  }
0x44: {  	s17 =	simm.s32 $0x0;
	s31 =	rddreg [dreg:$0xa]  }
0x45: {  	[tilespmem:s2], [sflag:$0x1] =	stream.linear.gather [hbm4b:s31+s4], $0x50, $0x38;
	[tilespmem:$0x14200] =	vst v63  }
0x46: {  	s26 =	simm.s32 $0x200;
	v0 =	vld [tilespmem:s17+$0xF200]  }
.LBB2_2:
0x47: {  	p0 =	sne.s32 s26, $0x9E00;
	v1 =	vld [tilespmem:s17+$0xA200];
	_ =	sdelay $0x2  }
.Ltmp0:
0x48: {  	(pc) =	sbr.rel @p0 .LBB2_2-.Ltmp0, $4  }
0x49: {  	_ = 	snop  }
0x4a: {  	v1 =	vsub.f32 v1, v0  }
0x4b: {  	s6 =	sshra.s32 s26, $0x2  }
0x4c: {  	s26 =	sadd.s32 $0x200, s26;
	v0 =	vld [tilespmem:s6+$0xF200];
	[tilespmem:s17+$0xA200] =	vst v1;
	s17 =	smov.u32 s6  }
0x4d: {  	v1 =	vld [tilespmem:s17+$0xA200];
	_ =	sdelay $0x4  }
0x4e: {  	v0 =	vsub.f32 v1, v0;
	_ =	sdelay $0x1  }
0x4f: {  	s6 =	simm.s32 $0x0;
	s14 =	rddreg [dreg:$0xb];
	[tilespmem:s17+$0xA200] =	vst v0  }
0x50: {  	[hbm4b:s14+s6] =	stream.linear.scatter [tilespmem:s13], [sflag:$0x5], $0x2800, $0x38;
	[tilespmem:$0x14200] =	vst v63  }
0x51: {  	s26 =	rddreg [dreg:$0xc]  }
0x52: {  	[hbm4b:s26+s6] =	stream.linear.scatter [tilespmem:s15], [sflag:$0x5], $0x2800, $0x38;
	[tilespmem:$0x14200] =	vst v63  }
0x53: {  	s31 =	rddreg [dreg:$0xe]  }
0x54: {  	[hbm4b:s31+s6] =	stream.linear.scatter [tilespmem:s16], [sflag:$0x5], $0x2800, $0x38;
	[tilespmem:$0x14200] =	vst v63  }
0x55: {  	_ =	swait.ge [sflag:s22], $0x50  }
0x56: {  	[sflag:s22] =	ssyncset.done $0x0  }
0x57: {  	[sflag:s22] =	ssyncadd.s32 $0xFFFFFFB0  }
0x58: {  	_ =	swait.ge [sflag:s22], $0x50  }
0x59: {  	[sflag:s22] =	ssyncset.done $0x0  }
0x5a: {  	[sflag:s22] =	ssyncadd.s32 $0xFFFFFFB0  }
0x5b: {  	[tilespmem:s23], [sflag:$0x4] =	stream.indirect.gather [hbm4b:s1+s12], $0x80, s18, s12, $0xb8;
	[tilespmem:$0x14200] =	vst v63  }
0x5c: {  	_ = 	snop  }
0x5d: {  	[tilespmem:s24], [sflag:$0x4] =	stream.indirect.gather [hbm4b:s1+s12], $0x80, s19, s12, $0xb8;
	[tilespmem:$0x14200] =	vst v63  }
0x5e: {  	_ = 	snop  }
0x5f: {  	[tilespmem:s25], [sflag:$0x4] =	stream.indirect.gather [hbm4b:s3+s12], $0x80, s18, s12, $0xb8;
	[tilespmem:$0x14200] =	vst v63  }
0x60: {  	s17 =	simm.s32 $0x11A00  }
0x61: {  	[tilespmem:s17], [sflag:$0x4] =	stream.indirect.gather [hbm4b:s3+s12], $0x80, s19, s12, $0xb8;
	[tilespmem:$0x14200] =	vst v63  }
0x62: {  	_ =	swait.ge [sflag:s28], $0x2800  }
0x63: {  	[sflag:s28] =	ssyncset.done $0x0  }
0x64: {  	[sflag:s28] =	ssyncadd.s32 $0xFFFFD800  }
0x65: {  	_ =	swait.ge [sflag:s28], $0x2800  }
0x66: {  	[sflag:s28] =	ssyncset.done $0x0  }
0x67: {  	[sflag:s28] =	ssyncadd.s32 $0xFFFFD800  }
0x68: {  	_ =	swait.ge [sflag:s28], $0x2800  }
0x69: {  	[sflag:s28] =	ssyncset.done $0x0  }
0x6a: {  	[sflag:s28] =	ssyncadd.s32 $0xFFFFD800  }
0x6b: {  	_ =	swait.ge [sflag:s28], $0x2800  }
0x6c: {  	[sflag:s28] =	ssyncset.done $0x0  }
0x6d: {  	s26 =	rddreg [dreg:$0xf];
	[sflag:s28] =	ssyncadd.s32 $0xFFFFD800  }
0x6e: {  	[tilespmem:s18], [sflag:$0x2] =	stream.linear.gather [hbm4b:s26+s6], $0x50, $0x38;
	[tilespmem:$0x14200] =	vst v63  }
0x6f: {  	s17 =	simm.s32 $0x0;
	s31 =	rddreg [dreg:$0x10]  }
0x70: {  	[tilespmem:s19], [sflag:$0x2] =	stream.linear.gather [hbm4b:s31+s6], $0x50, $0x38;
	[tilespmem:$0x14200] =	vst v63  }
0x71: {  	s26 =	simm.s32 $0x200;
	v0 =	vld [tilespmem:s17+$0x11A00]  }
.LBB2_4:
0x72: {  	p0 =	sne.s32 s26, $0x9E00;
	v1 =	vld [tilespmem:s17+$0xCA00];
	_ =	sdelay $0x2  }
.Ltmp1:
0x73: {  	(pc) =	sbr.rel @p0 .LBB2_4-.Ltmp1, $4  }
0x74: {  	_ = 	snop  }
0x75: {  	v1 =	vsub.f32 v1, v0  }
0x76: {  	s6 =	sshra.s32 s26, $0x2  }
0x77: {  	s26 =	sadd.s32 $0x200, s26;
	v0 =	vld [tilespmem:s6+$0x11A00];
	[tilespmem:s17+$0xCA00] =	vst v1;
	s17 =	smov.u32 s6  }
0x78: {  	v1 =	vld [tilespmem:s17+$0xCA00];
	_ =	sdelay $0x4  }
0x79: {  	v0 =	vsub.f32 v1, v0;
	_ =	sdelay $0x1  }
0x7a: {  	s6 =	rddreg [dreg:$0x11];
	[tilespmem:s17+$0xCA00] =	vst v0  }
0x7b: {  	[hbm4b:s6+s4] =	stream.linear.scatter [tilespmem:s23], [sflag:$0x6], $0x2800, $0x38;
	[tilespmem:$0x14200] =	vst v63  }
0x7c: {  	s17 =	rddreg [dreg:$0x12]  }
0x7d: {  	[hbm4b:s17+s4] =	stream.linear.scatter [tilespmem:s24], [sflag:$0x6], $0x2800, $0x38;
	[tilespmem:$0x14200] =	vst v63  }
0x7e: {  	s26 =	rddreg [dreg:$0x13];
	s31 =	simm.s32 $0x1  }
0x7f: {  	[hbm4b:s26+s4] =	stream.linear.scatter [tilespmem:s25], [sflag:$0x6], $0x2800, $0x38;
	[tilespmem:$0x14200] =	vst v63  }
.LBB2_6:
0x80: {  	_ =	swait.ge [sflag:s11], $0x50  }
0x81: {  	[sflag:s11] =	ssyncset.done $0x0  }
0x82: {  	[sflag:s11] =	ssyncadd.s32 $0xFFFFFFB0  }
0x83: {  	_ =	swait.ge [sflag:s11], $0x50  }
0x84: {  	[sflag:s11] =	ssyncset.done $0x0  }
0x85: {  	[sflag:s11] =	ssyncadd.s32 $0xFFFFFFB0  }
0x86: {  	_ =	swait.ge [sflag:s29], $0x2800  }
0x87: {  	[sflag:s29] =	ssyncset.done $0x0  }
0x88: {  	[sflag:s29] =	ssyncadd.s32 $0xFFFFD800  }
0x89: {  	_ =	swait.ge [sflag:s29], $0x2800  }
0x8a: {  	[sflag:s29] =	ssyncset.done $0x0  }
0x8b: {  	[sflag:s29] =	ssyncadd.s32 $0xFFFFD800  }
0x8c: {  	_ =	swait.ge [sflag:s29], $0x2800  }
0x8d: {  	[sflag:s29] =	ssyncset.done $0x0  }
0x8e: {  	s6 =	simm.s32 $0x0;
	[sflag:s29] =	ssyncadd.s32 $0xFFFFD800  }
0x8f: {  	[tilespmem:s13], [sflag:$0x3] =	stream.indirect.gather [hbm4b:s1+s12], $0x80, s6, s12, $0xb8;
	[tilespmem:$0x14200] =	vst v63  }
0x90: {  	_ = 	snop  }
0x91: {  	[tilespmem:s15], [sflag:$0x3] =	stream.indirect.gather [hbm4b:s1+s12], $0x80, s2, s12, $0xb8;
	[tilespmem:$0x14200] =	vst v63  }
0x92: {  	_ = 	snop  }
0x93: {  	[tilespmem:s16], [sflag:$0x3] =	stream.indirect.gather [hbm4b:s3+s12], $0x80, s6, s12, $0xb8;
	[tilespmem:$0x14200] =	vst v63  }
0x94: {  	s14 =	simm.s32 $0xF200  }
0x95: {  	[tilespmem:s14], [sflag:$0x3] =	stream.indirect.gather [hbm4b:s3+s12], $0x80, s2, s12, $0xb8;
	[tilespmem:$0x14200] =	vst v63  }
0x96: {  	_ =	swait.ge [sflag:s21], $0x2800  }
0x97: {  	[sflag:s21] =	ssyncset.done $0x0  }
0x98: {  	[sflag:s21] =	ssyncadd.s32 $0xFFFFD800  }
0x99: {  	_ =	swait.ge [sflag:s21], $0x2800  }
0x9a: {  	[sflag:s21] =	ssyncset.done $0x0  }
0x9b: {  	[sflag:s21] =	ssyncadd.s32 $0xFFFFD800  }
0x9c: {  	_ =	swait.ge [sflag:s21], $0x2800  }
0x9d: {  	[sflag:s21] =	ssyncset.done $0x0  }
0x9e: {  	[sflag:s21] =	ssyncadd.s32 $0xFFFFD800  }
0x9f: {  	s26 =	smul.u32 $0xA0, s31;
	_ =	swait.ge [sflag:s21], $0x2800  }
0xa0: {  	s17 =	rddreg [dreg:$0x7]  }
0xa1: {  	s17 =	sadd.s32 s26, s17  }
0xa2: {  	[sflag:s21] =	ssyncset.done $0x0;
	s17 =	sshrl.u32 s17, $0x3  }
0xa3: {  	[sflag:s21] =	ssyncadd.s32 $0xFFFFD800;
	s14 =	sadd.s32 s5, s17  }
0xa4: {  	[tilespmem:s6], [sflag:$0x1] =	stream.linear.gather [hbm4b:s14+s6], $0x50, $0x38;
	[tilespmem:$0x14200] =	vst v63  }
0xa5: {  	s17 =	sadd.s32 s7, s17  }
0xa6: {  	[tilespmem:s2], [sflag:$0x1] =	stream.linear.gather [hbm4b:s17+s6], $0x50, $0x38;
	[tilespmem:$0x14200] =	vst v63  }
0xa7: {  	s17 =	simm.s32 $0x0  }
0xa8: {  	s6 =	simm.s32 $0x200;
	v0 =	vld [tilespmem:s17+$0xF200]  }
.LBB2_7:
0xa9: {  	p0 =	sne.s32 s6, $0x9E00;
	v1 =	vld [tilespmem:s17+$0xA200];
	_ =	sdelay $0x2  }
.Ltmp2:
0xaa: {  	(pc) =	sbr.rel @p0 .LBB2_7-.Ltmp2, $4  }
0xab: {  	_ = 	snop  }
0xac: {  	v1 =	vsub.f32 v1, v0  }
0xad: {  	s14 =	sshra.s32 s6, $0x2  }
0xae: {  	s6 =	sadd.s32 $0x200, s6;
	v0 =	vld [tilespmem:s14+$0xF200];
	[tilespmem:s17+$0xA200] =	vst v1;
	s17 =	smov.u32 s14  }
0xaf: {  	v1 =	vld [tilespmem:s17+$0xA200];
	_ =	sdelay $0x4  }
0xb0: {  	s6 =	sadd.s32 s20, s26;
	v0 =	vsub.f32 v1, v0  }
0xb1: {  	s6 =	sshll.u32 s6, $0x4  }
0xb2: {  	s14 =	sadd.s32 s8, s6;
	[tilespmem:s17+$0xA200] =	vst v0;
	s17 =	simm.s32 $0x0  }
0xb3: {  	[hbm4b:s14+s17] =	stream.linear.scatter [tilespmem:s13], [sflag:$0x5], $0x2800, $0x38;
	[tilespmem:$0x14200] =	vst v63  }
0xb4: {  	s14 =	sadd.s32 s9, s6  }
0xb5: {  	[hbm4b:s14+s17] =	stream.linear.scatter [tilespmem:s15], [sflag:$0x5], $0x2800, $0x38;
	[tilespmem:$0x14200] =	vst v63  }
0xb6: {  	s6 =	sadd.s32 s10, s6  }
0xb7: {  	[hbm4b:s6+s17] =	stream.linear.scatter [tilespmem:s16], [sflag:$0x5], $0x2800, $0x38;
	[tilespmem:$0x14200] =	vst v63  }
0xb8: {  	_ =	swait.ge [sflag:s22], $0x50  }
0xb9: {  	[sflag:s22] =	ssyncset.done $0x0  }
0xba: {  	[sflag:s22] =	ssyncadd.s32 $0xFFFFFFB0  }
0xbb: {  	_ =	swait.ge [sflag:s22], $0x50  }
0xbc: {  	[sflag:s22] =	ssyncset.done $0x0  }
0xbd: {  	[sflag:s22] =	ssyncadd.s32 $0xFFFFFFB0  }
0xbe: {  	_ =	swait.ge [sflag:s30], $0x2800  }
0xbf: {  	[sflag:s30] =	ssyncset.done $0x0  }
0xc0: {  	[sflag:s30] =	ssyncadd.s32 $0xFFFFD800  }
0xc1: {  	_ =	swait.ge [sflag:s30], $0x2800  }
0xc2: {  	[sflag:s30] =	ssyncset.done $0x0  }
0xc3: {  	[sflag:s30] =	ssyncadd.s32 $0xFFFFD800  }
0xc4: {  	_ =	swait.ge [sflag:s30], $0x2800  }
0xc5: {  	[sflag:s30] =	ssyncset.done $0x0  }
0xc6: {  	[sflag:s30] =	ssyncadd.s32 $0xFFFFD800  }
0xc7: {  	[tilespmem:s23], [sflag:$0x4] =	stream.indirect.gather [hbm4b:s1+s12], $0x80, s18, s12, $0xb8;
	[tilespmem:$0x14200] =	vst v63  }
0xc8: {  	_ = 	snop  }
0xc9: {  	[tilespmem:s24], [sflag:$0x4] =	stream.indirect.gather [hbm4b:s1+s12], $0x80, s19, s12, $0xb8;
	[tilespmem:$0x14200] =	vst v63  }
0xca: {  	_ = 	snop  }
0xcb: {  	[tilespmem:s25], [sflag:$0x4] =	stream.indirect.gather [hbm4b:s3+s12], $0x80, s18, s12, $0xb8;
	[tilespmem:$0x14200] =	vst v63  }
0xcc: {  	s14 =	simm.s32 $0x11A00  }
0xcd: {  	[tilespmem:s14], [sflag:$0x4] =	stream.indirect.gather [hbm4b:s3+s12], $0x80, s19, s12, $0xb8;
	[tilespmem:$0x14200] =	vst v63  }
0xce: {  	_ =	swait.ge [sflag:s28], $0x2800  }
0xcf: {  	[sflag:s28] =	ssyncset.done $0x0  }
0xd0: {  	[sflag:s28] =	ssyncadd.s32 $0xFFFFD800  }
0xd1: {  	_ =	swait.ge [sflag:s28], $0x2800  }
0xd2: {  	[sflag:s28] =	ssyncset.done $0x0  }
0xd3: {  	[sflag:s28] =	ssyncadd.s32 $0xFFFFD800  }
0xd4: {  	_ =	swait.ge [sflag:s28], $0x2800  }
0xd5: {  	s14 =	sshll.u32 s31, $0x1;
	[sflag:s28] =	ssyncset.done $0x0  }
0xd6: {  	s6 =	smin.u32 s14, $0x3D;
	[sflag:s28] =	ssyncadd.s32 $0xFFFFD800  }
0xd7: {  	s6 =	smul.u32 $0x50, s6;
	_ =	swait.ge [sflag:s28], $0x2800  }
0xd8: {  	s14 =	rddreg [dreg:$0xd]  }
0xd9: {  	s6 =	sadd.s32 s6, s14  }
0xda: {  	[sflag:s28] =	ssyncset.done $0x0;
	s6 =	sshrl.u32 s6, $0x3  }
0xdb: {  	[sflag:s28] =	ssyncadd.s32 $0xFFFFD800;
	s14 =	sadd.s32 s5, s6  }
0xdc: {  	[tilespmem:s18], [sflag:$0x2] =	stream.linear.gather [hbm4b:s14+s17], $0x50, $0x38;
	[tilespmem:$0x14200] =	vst v63  }
0xdd: {  	s6 =	sadd.s32 s7, s6  }
0xde: {  	[tilespmem:s19], [sflag:$0x2] =	stream.linear.gather [hbm4b:s6+s17], $0x50, $0x38;
	[tilespmem:$0x14200] =	vst v63  }
0xdf: {  	s17 =	simm.s32 $0x0  }
0xe0: {  	s6 =	simm.s32 $0x200;
	v0 =	vld [tilespmem:s17+$0x11A00]  }
.LBB2_9:
0xe1: {  	p0 =	sne.s32 s6, $0x9E00;
	v1 =	vld [tilespmem:s17+$0xCA00];
	_ =	sdelay $0x2  }
.Ltmp3:
0xe2: {  	(pc) =	sbr.rel @p0 .LBB2_9-.Ltmp3, $4  }
0xe3: {  	_ = 	snop  }
0xe4: {  	v1 =	vsub.f32 v1, v0  }
0xe5: {  	s14 =	sshra.s32 s6, $0x2  }
0xe6: {  	s6 =	sadd.s32 $0x200, s6;
	v0 =	vld [tilespmem:s14+$0x11A00];
	[tilespmem:s17+$0xCA00] =	vst v1;
	s17 =	smov.u32 s14  }
0xe7: {  	v1 =	vld [tilespmem:s17+$0xCA00];
	_ =	sdelay $0x4  }
0xe8: {  	s6 =	sadd.s32 s26, s0;
	v0 =	vsub.f32 v1, v0  }
0xe9: {  	s31 =	sadd.s32 $0x1, s31;
	s6 =	sshll.u32 s6, $0x4  }
0xea: {  	p0 =	sne.s32 s31, $0x20;
	s14 =	sadd.s32 s8, s6;
	[tilespmem:s17+$0xCA00] =	vst v0  }
0xeb: {  	[hbm4b:s14+s4] =	stream.linear.scatter [tilespmem:s23], [sflag:$0x6], $0x2800, $0x38;
	[tilespmem:$0x14200] =	vst v63  }
.Ltmp4:
0xec: {  	_ = 	snop;
	(pc) =	sbr.rel @p0 .LBB2_6-.Ltmp4, $4  }
0xed: {  	s26 =	sadd.s32 s9, s6  }
0xee: {  	[hbm4b:s26+s4] =	stream.linear.scatter [tilespmem:s24], [sflag:$0x6], $0x2800, $0x38;
	[tilespmem:$0x14200] =	vst v63  }
0xef: {  	s6 =	sadd.s32 s10, s6  }
0xf0: {  	[hbm4b:s6+s4] =	stream.linear.scatter [tilespmem:s25], [sflag:$0x6], $0x2800, $0x38;
	[tilespmem:$0x14200] =	vst v63  }
0xf1: {  	_ =	swait.ge [sflag:s11], $0x50  }
0xf2: {  	[sflag:s11] =	ssyncset.done $0x0  }
0xf3: {  	[sflag:s11] =	ssyncadd.s32 $0xFFFFFFB0  }
0xf4: {  	_ =	swait.ge [sflag:s11], $0x50  }
0xf5: {  	[sflag:s11] =	ssyncset.done $0x0  }
0xf6: {  	[sflag:s11] =	ssyncadd.s32 $0xFFFFFFB0  }
0xf7: {  	_ =	swait.ge [sflag:s29], $0x2800  }
0xf8: {  	[sflag:s29] =	ssyncset.done $0x0  }
0xf9: {  	[sflag:s29] =	ssyncadd.s32 $0xFFFFD800  }
0xfa: {  	_ =	swait.ge [sflag:s29], $0x2800  }
0xfb: {  	[sflag:s29] =	ssyncset.done $0x0  }
0xfc: {  	[sflag:s29] =	ssyncadd.s32 $0xFFFFD800  }
0xfd: {  	_ =	swait.ge [sflag:s29], $0x2800  }
0xfe: {  	[sflag:s29] =	ssyncset.done $0x0  }
0xff: {  	s6 =	simm.s32 $0x0;
	[sflag:s29] =	ssyncadd.s32 $0xFFFFD800  }
0x100: {  	[tilespmem:s13], [sflag:$0x3] =	stream.indirect.gather [hbm4b:s1+s12], $0x80, s6, s12, $0xb8;
	[tilespmem:$0x14200] =	vst v63  }
0x101: {  	_ = 	snop  }
0x102: {  	[tilespmem:s15], [sflag:$0x3] =	stream.indirect.gather [hbm4b:s1+s12], $0x80, s2, s12, $0xb8;
	[tilespmem:$0x14200] =	vst v63  }
0x103: {  	_ = 	snop  }
0x104: {  	[tilespmem:s16], [sflag:$0x3] =	stream.indirect.gather [hbm4b:s3+s12], $0x80, s6, s12, $0xb8;
	[tilespmem:$0x14200] =	vst v63  }
0x105: {  	s31 =	simm.s32 $0xF200  }
0x106: {  	[tilespmem:s31], [sflag:$0x3] =	stream.indirect.gather [hbm4b:s3+s12], $0x80, s2, s12, $0xb8;
	[tilespmem:$0x14200] =	vst v63  }
0x107: {  	_ =	swait.ge [sflag:s21], $0x2800  }
0x108: {  	[sflag:s21] =	ssyncset.done $0x0  }
0x109: {  	[sflag:s21] =	ssyncadd.s32 $0xFFFFD800  }
0x10a: {  	_ =	swait.ge [sflag:s21], $0x2800  }
0x10b: {  	[sflag:s21] =	ssyncset.done $0x0  }
0x10c: {  	[sflag:s21] =	ssyncadd.s32 $0xFFFFD800  }
0x10d: {  	_ =	swait.ge [sflag:s21], $0x2800  }
0x10e: {  	[sflag:s21] =	ssyncset.done $0x0  }
0x10f: {  	[sflag:s21] =	ssyncadd.s32 $0xFFFFD800  }
0x110: {  	_ =	swait.ge [sflag:s21], $0x2800  }
0x111: {  	[sflag:s21] =	ssyncset.done $0x0  }
0x112: {  	s17 =	simm.s32 $0x0;
	[sflag:s21] =	ssyncadd.s32 $0xFFFFD800  }
0x113: {  	s6 =	simm.s32 $0x200;
	v0 =	vld [tilespmem:s17+$0xF200]  }
.LBB2_12:
0x114: {  	p0 =	sne.s32 s6, $0x9E00;
	v1 =	vld [tilespmem:s17+$0xA200];
	_ =	sdelay $0x2  }
.Ltmp5:
0x115: {  	(pc) =	sbr.rel @p0 .LBB2_12-.Ltmp5, $4  }
0x116: {  	_ = 	snop  }
0x117: {  	v1 =	vsub.f32 v1, v0  }
0x118: {  	s14 =	sshra.s32 s6, $0x2  }
0x119: {  	s6 =	sadd.s32 $0x200, s6;
	v0 =	vld [tilespmem:s14+$0xF200];
	[tilespmem:s17+$0xA200] =	vst v1;
	s17 =	smov.u32 s14  }
0x11a: {  	v1 =	vld [tilespmem:s17+$0xA200];
	_ =	sdelay $0x4  }
0x11b: {  	v0 =	vsub.f32 v1, v0;
	_ =	sdelay $0x1  }
0x11c: {  	s6 =	rddreg [dreg:$0x14];
	[tilespmem:s17+$0xA200] =	vst v0  }
0x11d: {  	[hbm4b:s6+s4] =	stream.linear.scatter [tilespmem:s13], [sflag:$0x5], $0x2800, $0x38;
	[tilespmem:$0x14200] =	vst v63  }
0x11e: {  	s17 =	rddreg [dreg:$0x15]  }
0x11f: {  	[hbm4b:s17+s4] =	stream.linear.scatter [tilespmem:s15], [sflag:$0x5], $0x2800, $0x38;
	[tilespmem:$0x14200] =	vst v63  }
0x120: {  	s26 =	rddreg [dreg:$0x16]  }
0x121: {  	[hbm4b:s26+s4] =	stream.linear.scatter [tilespmem:s16], [sflag:$0x5], $0x2800, $0x38;
	[tilespmem:$0x14200] =	vst v63  }
0x122: {  	_ =	swait.ge [sflag:s22], $0x50  }
0x123: {  	[sflag:s22] =	ssyncset.done $0x0  }
0x124: {  	[sflag:s22] =	ssyncadd.s32 $0xFFFFFFB0  }
0x125: {  	_ =	swait.ge [sflag:s22], $0x50  }
0x126: {  	[sflag:s22] =	ssyncset.done $0x0  }
0x127: {  	[sflag:s22] =	ssyncadd.s32 $0xFFFFFFB0  }
0x128: {  	_ =	swait.ge [sflag:s30], $0x2800  }
0x129: {  	[sflag:s30] =	ssyncset.done $0x0  }
0x12a: {  	[sflag:s30] =	ssyncadd.s32 $0xFFFFD800  }
0x12b: {  	_ =	swait.ge [sflag:s30], $0x2800  }
0x12c: {  	[sflag:s30] =	ssyncset.done $0x0  }
0x12d: {  	[sflag:s30] =	ssyncadd.s32 $0xFFFFD800  }
0x12e: {  	_ =	swait.ge [sflag:s30], $0x2800  }
0x12f: {  	[sflag:s30] =	ssyncset.done $0x0  }
0x130: {  	[sflag:s30] =	ssyncadd.s32 $0xFFFFD800  }
0x131: {  	_ =	swait.ge [sflag:s29], $0x2800  }
0x132: {  	[sflag:s29] =	ssyncset.done $0x0  }
0x133: {  	[sflag:s29] =	ssyncadd.s32 $0xFFFFD800  }
0x134: {  	_ =	swait.ge [sflag:s29], $0x2800  }
0x135: {  	[sflag:s29] =	ssyncset.done $0x0  }
0x136: {  	[sflag:s29] =	ssyncadd.s32 $0xFFFFD800  }
0x137: {  	_ =	swait.ge [sflag:s29], $0x2800  }
0x138: {  	s14 =	rddreg [dreg:$0x18]  }
0x139: {  	s31 =	rddreg [dreg:$0x17];
	s14 =	sadd.s32 $0x1, s14  }
0x13a: {  	p0 =	sne.s32 s14, s31  }
.Ltmp6:
0x13b: {  	_ = 	snop;
	(pc) =	sbr.rel @p0 .LBB2_1-.Ltmp6, $3  }
0x13c: {  	_ =	sdelay $0x1  }
0x13d: {  	[sflag:s29] =	ssyncset.done $0x0  }
0x13e: {  	[sflag:s29] =	ssyncadd.s32 $0xFFFFD800  }
0x13f: {  	_ =	sfence.sel $0x180000  }
0x140: {  	[bflag:$0x0] =	sbarrier.arrive $0xFFFF  }
0x141: {  	_ =	strace $0x90000047  }
0x142: {  	s0 =	stileid.u32;
	[bflag:$0x2] =	sbarrier.arrive $0xFFFF  }
0x143: {  	p0 =	sne.s32 s0, $0x0;
	s0 =	rddreg [dreg:$0x3]  }
0x144: {  	s0 =	sadd.s32 @!p0 $0x100000, s0  }
0x145: {  	[sflag:s0] =	ssyncadd.tile.s32 @!p0 $0x1;
	_ =	shalt  }
.Lfunc_end2:
_tile_overlayer_lowered:
.L_overlay_start_2:
0x146: {  	(tag) =	ssettag $0x2  }
0x147: {  	s0 =	rddreg [dreg:$0x0];
	s2 =	stileid.u32  }
0x148: {  	s1 =	rddreg [dreg:$0x1];
	p0 =	sne.s32 s2, $0x0  }
0x149: {  	s3 =	rddreg [dreg:$0x2];
	[bflag:$0x3] =	sbarrier.arrive $0xFFFF;
	s2 =	simm.s32 @!p0 $0x1C07  }
0x14a: {  	[timem:s3], [sflag:s2] =	dma.local @!p0 [hbm:s0], s1  }
0x14b: {  	s0 =	simm.s32 @!p0 $0x7  }
0x14c: {  	_ =	swait.ge @!p0 [sflag:s0], s1  }
0x14d: {  	s1 =	ssub.s32 @!p0 $0x0, s1;
	[sflag:s0] =	ssyncset.done @!p0 $0x0  }
0x14e: {  	[sflag:s0] =	ssyncadd.s32 @!p0 s1  }
0x14f: {  	[bflag:$0x3] =	sbarrier.arrive $0xFFFF  }
0x150: {  	_ =	shalt  }

// kernel: kernel.15.cloned.1.call-start
scs
__scs_entry_jumppad:
0x0: {  	(pc) =	sbr.rel $0x88, $3  }
0x1: {  	(tag) =	ssettag $0x0;
	lr =	simm.s32 $0x1  }
0x2: {  	[smem:$0x3F8E] =	sst lr;
	_ =	strace $0xD0000000  }
0x3: {  	_ = 	snop  }
0x4: {  	_ = 	snop  }
0x5: {  	_ = 	snop  }
0x6: {  	_ = 	snop  }
0x7: {  	_ = 	snop  }
__scs_overlays_trampoline_lowered:
0x8: {  	[smem:$0x3F9D] =	sst s0  }
0x9: {  	[smem:$0x3F9E] =	sst s1  }
0xa: {  	[smem:$0x3F9F] =	sst s2  }
0xb: {  	[smem:$0x3FA0] =	sst s3  }
0xc: {  	[smem:$0x3FA1] =	sst s4  }
0xd: {  	[smem:$0x3FA2] =	sst s5  }
0xe: {  	[smem:$0x3FA3] =	sst s6  }
0xf: {  	[smem:$0x3FA4] =	sst s7  }
0x10: {  	[smem:$0x3FA5] =	sst s8  }
0x11: {  	[smem:$0x3FA6] =	sst s9;
	s0 =	simm.s32 @!p0 $0x0  }
0x12: {  	s1 =	sld [smem:$0x3F8C];
	s0 =	simm.s32 @p0 $0x1  }
0x13: {  	[smem:$0x3FA7] =	sst s0;
	s0 =	simm.s32 @!p1 $0x0  }
0x14: {  	s2 =	sld [smem:$0x3F8B];
	s0 =	simm.s32 @p1 $0x1  }
0x15: {  	[smem:$0x3FA8] =	sst s0;
	s0 =	simm.s32 @!p2 $0x0  }
0x16: {  	s3 =	sld [smem:$0x3FDB];
	s0 =	simm.s32 @p2 $0x1  }
0x17: {  	s4 =	simm.s32 $0x1BF5;
	[smem:$0x3FAA] =	sst s0  }
0x18: {  	s0 =	sld [smem:$0x3F8D];
	_ =	swait.ge [sflag:s4], $0x0  }
0x19: {  	s7 =	sld [smem:$0x3F8E]  }
0x1a: {  	s8 =	sadd.s32 $0xFFFFE003, lr  }
0x1b: {  	s9 =	sadd.s32 $0xFFFFFEF7, lr;
	s5 =	simm.s32 $0xFFFFFFFF;
	p2 =	slt.u32 s8, $0xFFFFF086  }
0x1c: {  	p1 =	slt.u32 s9, $0xF7A;
	s5 =	simm.s32 @!p2 $0x0  }
0x1d: {  	s5 =	simm.s32 @p1 $0x1;
	p0 =	seq.s32 s7, s2  }
0x1e: {  	s7 =	smul.u32 @!p0 $0xF7A, s2;
	p2 =	seq.s32 @!p0 s5, $0x0  }
0x1f: {  	s9 =	smul.u32 $0xF7A, s1;
	s8 =	simm.s32 @!p0 $0x1BF5;
	p2 =	por !p2, p0  }
0x20: {  	[sflag:s8] =	ssyncset.s32 @!p0 $0xFFFFF086;
	s6 =	sadd.s32 @!p0 s3, s7;
	s7 =	simm.s32 @!p0 $0x108  }
0x21: {  	s3 =	sadd.s32 s3, s9;
	s6 =	sadd.s32 @!p0 $0x88, s6;
	s7 =	simm.s32 @p2 $0x1082  }
0x22: {  	[simem:s7], [sflag:s8] =	dma.local @!p0 [hbm:s6], $0xF7A  }
0x23: {  	s9 =	sor.u32 $0xD0000000, s2;
	s6 =	simm.s32 $0x108;
	_ =	swait.ge @!p0 [sflag:s8], $0x0  }
0x24: {  	s3 =	sadd.s32 $0x88, s3;
	s6 =	simm.s32 @!p1 $0x1082;
	[sflag:s4] =	ssyncset.s32 $0xFFFFF086  }
0x25: {  	[simem:s6], [sflag:s4] =	dma.local [hbm:s3], $0xF7A  }
0x26: {  	[smem:$0x3F8E] =	sst s1;
	(tag) =	ssettag s2;
	_ =	strace s9  }
0x27: {  	s1 =	sld [smem:$0x3F9E]  }
0x28: {  	s2 =	sld [smem:$0x3F9F]  }
0x29: {  	s4 =	sld [smem:$0x3FA1]  }
0x2a: {  	p0 =	seq.s32 s5, $0x0;
	s5 =	sld [smem:$0x3FA2]  }
0x2b: {  	s6 =	sld [smem:$0x3FA3]  }
0x2c: {  	s7 =	sld [smem:$0x3FA4]  }
0x2d: {  	s3 =	simm.s32 $0x108;
	s8 =	sld [smem:$0x3FA5]  }
0x2e: {  	s3 =	simm.s32 @!p0 $0x1082;
	s9 =	sld [smem:$0x3FA6]  }
0x2f: {  	lr =	sadd.s32 s0, s3;
	s0 =	sld [smem:$0x3F9D]  }
0x30: {  	s3 =	sld [smem:$0x3FA0]  }
0x31: {  	[smem:$0x3FA9] =	sst s10  }
0x32: {  	s10 =	sld [smem:$0x3FA7];
	_ =	sdelay $0x3  }
0x33: {  	p0 =	seq.s32 s10, $0x1;
	s10 =	sld [smem:$0x3FA9];
	_ =	sdelay $0x3  }
0x34: {  	[smem:$0x3FA9] =	sst s10  }
0x35: {  	s10 =	sld [smem:$0x3FA8];
	_ =	sdelay $0x3  }
0x36: {  	p1 =	seq.s32 s10, $0x1;
	s10 =	sld [smem:$0x3FA9];
	_ =	sdelay $0x3  }
0x37: {  	[smem:$0x3FA9] =	sst s10  }
0x38: {  	s10 =	sld [smem:$0x3FAA]  }
0x39: {  	_ = 	snop;
	(pc) =	sbr.ind lr, $3  }
0x3a: {  	_ = 	snop  }
0x3b: {  	_ = 	snop  }
0x3c: {  	p2 =	seq.s32 s10, $0x1;
	s10 =	sld [smem:$0x3FA9]  }
0x3d: {  	_ =	shalt  }
0x3e: {  	_ =	shalt  }
0x3f: {  	_ =	shalt  }
0x40: {  	_ =	shalt  }
0x41: {  	_ =	shalt  }
0x42: {  	_ =	shalt  }
0x43: {  	_ =	shalt  }
0x44: {  	_ =	shalt  }
0x45: {  	_ =	shalt  }
0x46: {  	_ =	shalt  }
0x47: {  	_ =	shalt  }
0x48: {  	_ =	shalt  }
0x49: {  	_ =	shalt  }
0x4a: {  	_ =	shalt  }
0x4b: {  	_ =	shalt  }
0x4c: {  	_ =	shalt  }
0x4d: {  	_ =	shalt  }
0x4e: {  	_ =	shalt  }
0x4f: {  	_ =	shalt  }
0x50: {  	_ =	shalt  }
0x51: {  	_ =	shalt  }
0x52: {  	_ =	shalt  }
0x53: {  	_ =	shalt  }
0x54: {  	_ =	shalt  }
0x55: {  	_ =	shalt  }
0x56: {  	_ =	shalt  }
0x57: {  	_ =	shalt  }
0x58: {  	_ =	shalt  }
0x59: {  	_ =	shalt  }
0x5a: {  	_ =	shalt  }
0x5b: {  	_ =	shalt  }
0x5c: {  	_ =	shalt  }
0x5d: {  	_ =	shalt  }
0x5e: {  	_ =	shalt  }
0x5f: {  	_ =	shalt  }
0x60: {  	_ =	shalt  }
0x61: {  	_ =	shalt  }
0x62: {  	_ =	shalt  }
0x63: {  	_ =	shalt  }
0x64: {  	_ =	shalt  }
0x65: {  	_ =	shalt  }
0x66: {  	_ =	shalt  }
0x67: {  	_ =	shalt  }
0x68: {  	_ =	shalt  }
0x69: {  	_ =	shalt  }
0x6a: {  	_ =	shalt  }
0x6b: {  	_ =	shalt  }
0x6c: {  	_ =	shalt  }
0x6d: {  	_ =	shalt  }
0x6e: {  	_ =	shalt  }
0x6f: {  	_ =	shalt  }
0x70: {  	_ =	shalt  }
0x71: {  	_ =	shalt  }
0x72: {  	_ =	shalt  }
0x73: {  	_ =	shalt  }
0x74: {  	_ =	shalt  }
0x75: {  	_ =	shalt  }
0x76: {  	_ =	shalt  }
0x77: {  	_ =	shalt  }
0x78: {  	_ =	shalt  }
0x79: {  	_ =	shalt  }
0x7a: {  	_ =	shalt  }
0x7b: {  	_ =	shalt  }
0x7c: {  	_ =	shalt  }
0x7d: {  	_ =	shalt  }
0x7e: {  	_ =	shalt  }
0x7f: {  	_ =	shalt  }
0x80: {  	_ =	shalt  }
0x81: {  	_ =	shalt  }
0x82: {  	_ =	shalt  }
0x83: {  	_ =	shalt  }
0x84: {  	_ =	shalt  }
0x85: {  	_ =	shalt  }
0x86: {  	_ =	shalt  }
0x87: {  	_ =	shalt  }
.Lfunc_end0:
.L_simem_size_0:
called_computation.2_lowered:
.L_overlay_start_0:
0x88: {  	s2 =	sld [smem:$0x3FD9]  }
0x89: {  	s3 =	sld [smem:$0x3FFE];
	_ =	sdelay $0x1  }
0x8a: {  	s1 =	srdreg.scid  }
0x8b: {  	s0 =	sand.u32 $0x1, s1  }
0x8c: {  	s17 =	sshll.u32 s0, $0xA;
	s2 =	sadd.s32 s3, s2  }
0x8d: {  	s2 =	sadd.s32 s2, s17  }
0x8e: {  	[smem:$0x3FB5] =	sst s2  }
0x8f: {  	_ = 	snop  }
0x90: {  	(tm) =	ssettm $0x1  }
0x91: {  	s18 =	sld [smem:$0x3FFB];
	_ =	sdelay $0x3  }
0x92: {  	_ =	strace s18  }
0x93: {  	s2 =	sld [smem:$0x3FFC];
	_ =	sdelay $0x3  }
0x94: {  	_ =	strace s2  }
0x95: {  	s2 =	sld [smem:$0x3FFD];
	_ =	sdelay $0x3  }
0x96: {  	_ =	strace s2  }
0x97: {  	_ =	strace $0x8FFFFFFF  }
0x98: {  	s19 =	sld [smem:$0x3FDB];
	_ =	sdelay $0x1  }
0x99: {  	s20 =	simm.s32 $_scs_section_size  }
0x9a: {  	s4 =	simm.s32 $_size__tile_overlayer_lowered;
	s5 =	simm.s32 $_tile_overlayer_lowered  }
0x9b: {  	s6 =	simm.s32 $0x1BFF;
	s21 =	sshll.u32 s5, $0x1;
	s3 =	sadd.s32 s20, s19  }
0x9c: {  	s22 =	simm.s32 $0x0;
	s4 =	sshll.u32 s4, $0x1;
	s5 =	sadd.s32 s21, s3  }
0x9d: {  	[timem:s22], [sflag:s6] =	dma.local [hbm:s5], s4  }
0x9e: {  	_ =	swait.ge [sflag:s6], s4  }
0x9f: {  	s4 =	ssub.s32 $0x0, s4;
	[sflag:s6] =	ssyncset.done $0x0  }
0xa0: {  	[sflag:s6] =	ssyncadd.s32 s4;
	_ =	sdelay $0x1  }
0xa1: {  	s23 =	simm.s32 $0x1B8B  }
0xa2: {  	_ =	swait.ge [sflag:s23], $0x1  }
0xa3: {  	[sflag:s23] =	ssyncset.done $0x0  }
0xa4: {  	[sflag:s23] =	ssyncadd.s32 $0xFFFFFFFF  }
0xa5: {  	s4 =	sld [smem:$0x0]  }
0xa6: {  	s5 =	sand.u32 $0xFFFFFFFE, s1  }
0xa7: {  	p0 =	sne.s32 s1, s5  }
0xa8: {  	s5 =	sshll.u32 @p0 s5, $0xE  }
0xa9: {  	s5 =	sadd.s32 @p0 $0x11B8D, s5;
	s6 =	sshll.u32 @p0 s4, $0x11  }
0xaa: {  	s5 =	sor.u32 @p0 s6, s5  }
0xab: {  	[sflag:s5] =	ssyncadd.remote.s32 @p0 $0x1;
	_ =	sdelay $0x1  }
0xac: {  	s5 =	simm.s32 @p0 $0x1B8D  }
0xad: {  	_ =	swait.eq @p0 [sflag:s5], $0x1  }
0xae: {  	[sflag:s5] =	ssyncadd.s32 @p0 $0xFFFFFFFF  }
0xaf: {  	s6 =	sshll.u32 @!p0 s1, $0xE  }
0xb0: {  	s6 =	sor.u32 @!p0 $0x4000, s6;
	s5 =	simm.s32 @!p0 $0x1B8D  }
0xb1: {  	s4 =	sshll.u32 @!p0 s4, $0x11;
	s6 =	sadd.s32 @!p0 $0x11B8D, s6;
	_ =	swait.eq @!p0 [sflag:s5], $0x1  }
0xb2: {  	s4 =	sor.u32 @!p0 s4, s6;
	[sflag:s5] =	ssyncadd.s32 @!p0 $0xFFFFFFFF  }
0xb3: {  	s25 =	simm.s32 $0x1B8E;
	s24 =	sld [smem:$0x3FFE];
	[sflag:s4] =	ssyncadd.remote.s32 @!p0 $0x1  }
0xb4: {  	s26 =	simm.s32 $execute0_lowered;
	[smem:$0x3FD2] =	sst s25  }
0xb5: {  	s5 =	sshll.u32 s26, $0x1;
	_ =	strace $0x8000004F;
	[dreg:$0x1] =	wrdreg $0xFFFFFFFF  }
0xb6: {  	s28 =	simm.s32 $_size_execute0_lowered;
	s3 =	sadd.s32 s3, s5;
	[dreg:$0x0] =	wrdreg $0x0  }
0xb7: {  	s5 =	sshll.u32 s28, $0x1;
	[dreg:$0x2] =	wrdreg s3  }
0xb8: {  	[dreg:$0x3] =	wrdreg s5  }
0xb9: {  	[dreg:$0x4] =	wrdreg $0xC0  }
0xba: {  	_ =	task [dreg:s22], $0x5FFFF  }
0xbb: {  	[dreg:$0x1] =	wrdreg $0xFFFFFFFF  }
0xbc: {  	[dreg:$0x0] =	wrdreg $0x60  }
0xbd: {  	[dreg:$0x2] =	wrdreg s24  }
0xbe: {  	[dreg:$0x3] =	wrdreg $0x51000  }
0xbf: {  	[dreg:$0x4] =	wrdreg $0x9  }
0xc0: {  	_ =	task.clear_ibuf [dreg:s22], $0x5FFFF;
	_ =	strace $0x9000004F  }
0xc1: {  	s29 =	simm.s32 $0x9;
	_ =	strace $0x80000051  }
0xc2: {  	_ =	swait.ge [sflag:s29], $0x1  }
0xc3: {  	[sflag:s29] =	ssyncadd.s32 $0xFFFFFFFF  }
0xc4: {  	_ =	strace $0x90000051  }
0xc5: {  	_ =	sfence  }
0xc6: {  	s30 =	sld [smem:$0x0];
	_ =	sdelay $0x2  }
0xc7: {  	s31 =	sshll.u32 s1, $0xD;
	s1 =	sshrl.u32 s1, $0x2  }
0xc8: {  	s4 =	sand.u32 $0x4000, s31;
	s1 =	sadd.s32 s1, s30  }
0xc9: {  	s0 =	sor.u32 s4, s0;
	s1 =	sshll.u32 s1, $0x11  }
0xca: {  	s0 =	sor.u32 s1, s0  }
0xcb: {  	s0 =	sadd.s32 $0x8F2B, s0  }
0xcc: {  	[sflag:s0] =	ssyncadd.remote.s32 $0x1  }
0xcd: {  	_ =	sfence.sel $0xFFFF  }
0xce: {  	[dreg:$0x0] =	wrdreg $0xFFFFFFFF;
	(pc) =	sbr.abs _section_cstart, $3  }
0xcf: {  	[dreg:$0x1] =	wrdreg $0xFFFFFFFF  }
0xd0: {  	_ =	task.clear_ibuf [dreg:s22], $0x2FFFF;
	_ =	strace $0x9FFFFFFF  }
0xd1: {  	(tm) =	ssettm $0x7FFFFFFF  }
tec
execute0_lowered:
.L_overlay_start_1:
0x0: {  	(tag) =	ssettag $0x1  }
0x1: {  	s0 =	rddreg [dreg:$0x0]  }
0x2: {  	s1 =	rddreg [dreg:$0x1];
	s3 =	simm.s32 $0x0;
	s22 =	stileid.u32  }
0x3: {  	s5 =	srdreg.scid;
	s28 =	simm.s32 $0x5;
	s29 =	simm.s32 $0x100  }
0x4: {  	s30 =	simm.s32 $0x80;
	s31 =	simm.s32 $0x2900;
	s2 =	sadd.s32 $0x147800, s0  }
0x5: {  	[smem:$0x7FF] =	sst s3;
	s4 =	smul.u32 $0x2700, s22;
	s9 =	sadd.s32 $0x39F800, s0  }
0x6: {  	s11 =	sadd.s32 $0x11A00, s0;
	s5 =	sand.u32 $0x1, s5;
	s8 =	smul.u32 $0x4E000, s22  }
0x7: {  	s23 =	sadd.s32 $0xF36E00, s0;
	s12 =	smul.u32 $0x2580, s22;
	s24 =	sadd.s32 $0xF5E000, s0  }
0x8: {  	s18 =	smul.u32 $0x25800, s22;
	p1 =	sne.s32 s22, $0xF;
	p2 =	seq.s32 s22, $0xF  }
0x9: {  	_ =	strace $0x80000050;
	s7 =	ssub.s32 $0x2, s5;
	[dreg:$0x4] =	wrdreg s24  }
0xa: {  	p0 =	sne.s32 s5, $0x0;
	[dreg:$0x3] =	wrdreg s23;
	s6 =	sadd.s32 s4, s0  }
0xb: {  	s10 =	sshrl.u32 s7, $0x1;
	s15 =	sshrl.u32 s8, $0x2;
	s17 =	sshrl.u32 s12, $0x3  }
0xc: {  	s13 =	sor.u32 $0x50, s12;
	s8 =	sadd.s32 s9, s18;
	s21 =	sadd.s32 $0x2530, s12  }
0xd: {  	s14 =	ssub.s32 s7, s10;
	s6 =	sadd.s32 $0xEC1800, s6;
	s7 =	sadd.s32 s11, s17  }
0xe: {  	s16 =	sshll.u32 s13, $0x4;
	s17 =	sshrl.u32 s13, $0x3;
	s10 =	sadd.s32 s2, s18  }
0xf: {  	s18 =	sshrl.u32 s21, $0x3;
	s13 =	sshll.u32 s21, $0x4;
	s21 =	sshll.u32 s22, $0x6  }
0x10: {  	[dreg:$0x5] =	wrdreg s6;
	s19 =	sadd.s32 s9, s16;
	s20 =	sadd.s32 s2, s16  }
0x11: {  	s6 =	smul.u32 $0x4B0, s22;
	s16 =	sadd.s32 s11, s17;
	[dreg:$0x6] =	wrdreg s19  }
0x12: {  	s17 =	sadd.s32 s11, s18;
	[dreg:$0x7] =	wrdreg s20;
	s19 =	sadd.s32 $0x24E0, s12  }
0x13: {  	s12 =	sadd.s32 s9, s13;
	s13 =	sadd.s32 s2, s13;
	s25 =	sshll.u32 s19, $0x4  }
0x14: {  	s20 =	sshrl.u32 s19, $0x3;
	s19 =	sadd.s32 s15, s1;
	s15 =	simm.s32 $0x0  }
0x15: {  	s26 =	sadd.s32 s9, s25;
	s2 =	sadd.s32 s2, s25;
	s18 =	sadd.s32 s11, s20  }
0x16: {  	s20 =	sor.u32 $0x1C05, s21;
	s21 =	sadd.s32 $0xEE8800, s0;
	s25 =	sadd.s32 s24, s4  }
.Ltmp0:
0x17: {  	s24 =	smax.u32 s14, $0x1;
	[dreg:$0x8] =	wrdreg s26;
	(pc) =	sbr.rel .LBB2_1-.Ltmp0, $4  }
0x18: {  	s0 =	simm.s32 $0x1;
	s9 =	simm.s32 $0x3;
	[dreg:$0x9] =	wrdreg s2  }
0x19: {  	s14 =	simm.s32 $0x4;
	[dreg:$0xa] =	wrdreg s25;
	s26 =	sadd.s32 s23, s4  }
0x1a: {  	s2 =	sadd.s32 s6, s11;
	s11 =	simm.s32 $0x2;
	[dreg:$0xb] =	wrdreg s26  }
0x1b: {  	s25 =	sadd.s32 $0x1E, s2;
	s26 =	sadd.s32 $0x138000, s1;
	s2 =	simm.s32 $0x50  }
.LBB2_8:
0x1c: {  	s4 =	sadd.s32 $0x27000, s4;
	s5 =	sshrl.u32 s26, $0x3  }
0x1d: {  	[hbm:s4], [sflag:s20] =	dma.local [spmem:s5], $0x100  }
0x1e: {  	_ =	swait.ge [sflag:s28], $0x100  }
0x1f: {  	[sflag:s28] =	ssyncset.done $0x0  }
0x20: {  	[sflag:s28] =	ssyncadd.s32 $0xFFFFFF00  }
.LBB2_9:
0x21: {  	s15 =	sadd.s32 $0x1, s15  }
0x22: {  	p3 =	sne.s32 s15, s24  }
.Ltmp1:
0x23: {  	_ = 	snop;
	(pc) =	sbr.rel @!p3 .LBB2_10-.Ltmp1, $1  }
0x24: {  	_ =	sdelay $0x3  }
.LBB2_1:
0x25: {  	s4 =	sshrl.u32 s19, $0x3;
	s5 =	rddreg [dreg:$0x5]  }
0x26: {  	[spmem:s4], [sflag:s20] =	dma.local [hbm:s5], $0x2700  }
0x27: {  	_ =	swait.ge [sflag:s28], $0x2700  }
0x28: {  	[sflag:s28] =	ssyncset.done $0x0  }
0x29: {  	s5 =	sshrl.u32 @!p1 s26, $0x3;
	[sflag:s28] =	ssyncadd.s32 $0xFFFFD900  }
0x2a: {  	[spmem:s5], [sflag:s20] =	dma.local @!p1 [hbm:s21], $0x100  }
0x2b: {  	s5 =	simm.s32 @!p1 $0x5  }
.Ltmp2:
0x2c: {  	_ =	swait.ge @!p1 [sflag:s5], $0x100;
	(pc) =	sbr.rel @p0 .LBB2_5-.Ltmp2, $4  }
0x2d: {  	[sflag:s5] =	ssyncset.done @!p1 $0x0  }
0x2e: {  	[sflag:s5] =	ssyncadd.s32 @!p1 $0xFFFFFF00  }
0x2f: {  	s5 =	simm.s32 $0x0;
	[bflag:$0x0] =	sbarrier.arrive $0xFFFF  }
0x30: {  	[tilespmem:s3], [sflag:$0x1] =	stream.linear.gather [hbm4b:s7+s3], $0x50, $0x38;
	[tilespmem:$0x18980] =	vst v63  }
0x31: {  	[tilespmem:s29], [sflag:$0x1] =	stream.linear.gather [hbm4b:s10+s5], $0x2800, $0x38;
	[tilespmem:$0x18980] =	vst v63  }
0x32: {  	_ = 	snop  }
0x33: {  	[tilespmem:s30], [sflag:$0x2] =	stream.linear.gather [hbm4b:s16+s5], $0x50, $0x38;
	[tilespmem:$0x18980] =	vst v63  }
0x34: {  	s6 =	rddreg [dreg:$0x7]  }
0x35: {  	[tilespmem:s31], [sflag:$0x2] =	stream.linear.gather [hbm4b:s6+s5], $0x2800, $0x38;
	[tilespmem:$0x18980] =	vst v63  }
0x36: {  	_ =	swait.ge [sflag:s0], $0x50  }
0x37: {  	[sflag:s0] =	ssyncset.done $0x0  }
0x38: {  	[sflag:s0] =	ssyncadd.s32 $0xFFFFFFB0  }
0x39: {  	_ =	swait.ge [sflag:s0], $0x2800  }
0x3a: {  	[sflag:s0] =	ssyncset.done $0x0  }
0x3b: {  	[sflag:s0] =	ssyncadd.s32 $0xFFFFD800  }
0x3c: {  	[spmem:s1] =	stream.indirect.scatter.add.f32 [tilespmem:s29], [sflag:$0x3], $0x80, s3, s2, $0xb8;
	[tilespmem:$0x18980] =	vst v63  }
0x3d: {  	_ =	swait.ge [sflag:s9], $0x2800  }
0x3e: {  	[sflag:s9] =	ssyncset.done $0x0  }
0x3f: {  	s22 =	sadd.s32 $0x0, s10;
	s6 =	sadd.s32 $0xFFFFFFF6, s25;
	[sflag:s9] =	ssyncadd.s32 $0xFFFFD800  }
0x40: {  	[tilespmem:s3], [sflag:$0x1] =	stream.linear.gather [hbm4b:s6+s3], $0x50, $0x38;
	[tilespmem:$0x18980] =	vst v63  }
0x41: {  	s23 =	sadd.s32 $0xA00, s22  }
0x42: {  	[tilespmem:s29], [sflag:$0x1] =	stream.linear.gather [hbm4b:s23+s3], $0x2800, $0x38;
	[tilespmem:$0x18980] =	vst v63  }
0x43: {  	_ =	swait.ge [sflag:s11], $0x50  }
0x44: {  	[sflag:s11] =	ssyncset.done $0x0  }
0x45: {  	[sflag:s11] =	ssyncadd.s32 $0xFFFFFFB0  }
0x46: {  	_ =	swait.ge [sflag:s11], $0x2800  }
0x47: {  	[sflag:s11] =	ssyncset.done $0x0  }
0x48: {  	[sflag:s11] =	ssyncadd.s32 $0xFFFFD800  }
0x49: {  	[spmem:s1] =	stream.indirect.scatter.add.f32 [tilespmem:s31], [sflag:$0x4], $0x80, s30, s2, $0xb8;
	[tilespmem:$0x18980] =	vst v63  }
0x4a: {  	_ =	swait.ge [sflag:s14], $0x2800  }
0x4b: {  	s5 =	simm.s32 $0xA00;
	[sflag:s14] =	ssyncset.done $0x0  }
0x4c: {  	s23 =	sadd.s32 $0xF00, s22;
	s22 =	sadd.s32 $0x14, s25;
	[sflag:s14] =	ssyncadd.s32 $0xFFFFD800  }
0x4d: {  	[tilespmem:s30], [sflag:$0x2] =	stream.linear.gather [hbm4b:s25+s3], $0x50, $0x38;
	[tilespmem:$0x18980] =	vst v63  }
.LBB2_3:
0x4e: {  	[tilespmem:s31], [sflag:$0x2] =	stream.linear.gather [hbm4b:s23+s3], $0x2800, $0x38;
	[tilespmem:$0x18980] =	vst v63  }
0x4f: {  	s23 =	smov.u32 s5  }
0x50: {  	p3 =	sne.s32 s5, $0x23A00;
	s5 =	sadd.s32 $0xA00, s5;
	_ =	swait.ge [sflag:s0], $0x50  }
0x51: {  	[sflag:s0] =	ssyncset.done $0x0  }
0x52: {  	[sflag:s0] =	ssyncadd.s32 $0xFFFFFFB0  }
0x53: {  	_ =	swait.ge [sflag:s0], $0x2800  }
0x54: {  	[sflag:s0] =	ssyncset.done $0x0  }
0x55: {  	[sflag:s0] =	ssyncadd.s32 $0xFFFFD800  }
0x56: {  	[spmem:s1] =	stream.indirect.scatter.add.f32 [tilespmem:s29], [sflag:$0x3], $0x80, s3, s2, $0xb8;
	[tilespmem:$0x18980] =	vst v63  }
0x57: {  	_ =	swait.ge [sflag:s9], $0x2800  }
0x58: {  	[sflag:s9] =	ssyncset.done $0x0  }
0x59: {  	s6 =	sadd.s32 $0xFFFFFFF6, s22;
	s23 =	sadd.s32 s23, s10;
	[sflag:s9] =	ssyncadd.s32 $0xFFFFD800  }
0x5a: {  	[tilespmem:s3], [sflag:$0x1] =	stream.linear.gather [hbm4b:s6+s3], $0x50, $0x38;
	[tilespmem:$0x18980] =	vst v63  }
0x5b: {  	s6 =	sadd.s32 $0xA00, s23  }
0x5c: {  	[tilespmem:s29], [sflag:$0x1] =	stream.linear.gather [hbm4b:s6+s3], $0x2800, $0x38;
	[tilespmem:$0x18980] =	vst v63  }
0x5d: {  	_ =	swait.ge [sflag:s11], $0x50  }
0x5e: {  	[sflag:s11] =	ssyncset.done $0x0  }
0x5f: {  	[sflag:s11] =	ssyncadd.s32 $0xFFFFFFB0  }
0x60: {  	_ =	swait.ge [sflag:s11], $0x2800  }
0x61: {  	[sflag:s11] =	ssyncset.done $0x0  }
0x62: {  	[sflag:s11] =	ssyncadd.s32 $0xFFFFD800  }
0x63: {  	[spmem:s1] =	stream.indirect.scatter.add.f32 [tilespmem:s31], [sflag:$0x4], $0x80, s30, s2, $0xb8;
	[tilespmem:$0x18980] =	vst v63  }
.Ltmp3:
0x64: {  	_ =	swait.ge [sflag:s14], $0x2800;
	(pc) =	sbr.rel @p3 .LBB2_3-.Ltmp3, $4  }
0x65: {  	[sflag:s14] =	ssyncset.done $0x0  }
0x66: {  	[sflag:s14] =	ssyncadd.s32 $0xFFFFD800  }
0x67: {  	[tilespmem:s30], [sflag:$0x2] =	stream.linear.gather [hbm4b:s22+s3], $0x50, $0x38;
	[tilespmem:$0x18980] =	vst v63  }
0x68: {  	s23 =	sadd.s32 $0xF00, s23;
	s22 =	sadd.s32 $0x14, s22  }
0x69: {  	[tilespmem:s31], [sflag:$0x2] =	stream.linear.gather [hbm4b:s23+s3], $0x2800, $0x38;
	[tilespmem:$0x18980] =	vst v63  }
0x6a: {  	_ =	swait.ge [sflag:s0], $0x50  }
0x6b: {  	[sflag:s0] =	ssyncset.done $0x0  }
0x6c: {  	[sflag:s0] =	ssyncadd.s32 $0xFFFFFFB0  }
0x6d: {  	_ =	swait.ge [sflag:s0], $0x2800  }
0x6e: {  	[sflag:s0] =	ssyncset.done $0x0  }
0x6f: {  	[sflag:s0] =	ssyncadd.s32 $0xFFFFD800  }
0x70: {  	[spmem:s1] =	stream.indirect.scatter.add.f32 [tilespmem:s29], [sflag:$0x3], $0x80, s3, s2, $0xb8;
	[tilespmem:$0x18980] =	vst v63  }
0x71: {  	_ =	swait.ge [sflag:s9], $0x2800  }
0x72: {  	[sflag:s9] =	ssyncset.done $0x0  }
0x73: {  	[sflag:s9] =	ssyncadd.s32 $0xFFFFD800  }
0x74: {  	[tilespmem:s3], [sflag:$0x1] =	stream.linear.gather [hbm4b:s18+s3], $0x50, $0x38;
	[tilespmem:$0x18980] =	vst v63  }
0x75: {  	s5 =	rddreg [dreg:$0x9]  }
0x76: {  	[tilespmem:s29], [sflag:$0x1] =	stream.linear.gather [hbm4b:s5+s3], $0x2800, $0x38;
	[tilespmem:$0x18980] =	vst v63  }
0x77: {  	_ =	swait.ge [sflag:s11], $0x50  }
0x78: {  	[sflag:s11] =	ssyncset.done $0x0  }
0x79: {  	[sflag:s11] =	ssyncadd.s32 $0xFFFFFFB0  }
0x7a: {  	_ =	swait.ge [sflag:s11], $0x2800  }
0x7b: {  	[sflag:s11] =	ssyncset.done $0x0  }
0x7c: {  	[sflag:s11] =	ssyncadd.s32 $0xFFFFD800  }
0x7d: {  	[spmem:s1] =	stream.indirect.scatter.add.f32 [tilespmem:s31], [sflag:$0x4], $0x80, s30, s2, $0xb8;
	[tilespmem:$0x18980] =	vst v63  }
0x7e: {  	_ =	swait.ge [sflag:s14], $0x2800  }
0x7f: {  	[sflag:s14] =	ssyncset.done $0x0  }
0x80: {  	[sflag:s14] =	ssyncadd.s32 $0xFFFFD800  }
0x81: {  	[tilespmem:s30], [sflag:$0x2] =	stream.linear.gather [hbm4b:s17+s3], $0x50, $0x38;
	[tilespmem:$0x18980] =	vst v63  }
0x82: {  	_ = 	snop  }
0x83: {  	[tilespmem:s31], [sflag:$0x2] =	stream.linear.gather [hbm4b:s13+s3], $0x2800, $0x38;
	[tilespmem:$0x18980] =	vst v63  }
0x84: {  	_ =	swait.ge [sflag:s0], $0x50  }
0x85: {  	[sflag:s0] =	ssyncset.done $0x0  }
0x86: {  	[sflag:s0] =	ssyncadd.s32 $0xFFFFFFB0  }
0x87: {  	_ =	swait.ge [sflag:s0], $0x2800  }
0x88: {  	[sflag:s0] =	ssyncset.done $0x0  }
0x89: {  	[sflag:s0] =	ssyncadd.s32 $0xFFFFD800  }
0x8a: {  	[spmem:s1] =	stream.indirect.scatter.add.f32 [tilespmem:s29], [sflag:$0x3], $0x80, s3, s2, $0xb8;
	[tilespmem:$0x18980] =	vst v63  }
0x8b: {  	_ =	swait.ge [sflag:s9], $0x2800  }
0x8c: {  	[sflag:s9] =	ssyncset.done $0x0  }
0x8d: {  	[sflag:s9] =	ssyncadd.s32 $0xFFFFD800  }
0x8e: {  	[tilespmem:s3], [sflag:$0x1] =	stream.linear.gather [hbm4b:s17+s3], $0x50, $0x38;
	[tilespmem:$0x18980] =	vst v63  }
0x8f: {  	_ = 	snop  }
0x90: {  	[tilespmem:s29], [sflag:$0x1] =	stream.linear.gather [hbm4b:s13+s3], $0x2800, $0x38;
	[tilespmem:$0x18980] =	vst v63  }
0x91: {  	_ =	swait.ge [sflag:s11], $0x50  }
0x92: {  	[sflag:s11] =	ssyncset.done $0x0  }
0x93: {  	[sflag:s11] =	ssyncadd.s32 $0xFFFFFFB0  }
0x94: {  	_ =	swait.ge [sflag:s11], $0x2800  }
0x95: {  	[sflag:s11] =	ssyncset.done $0x0  }
0x96: {  	[sflag:s11] =	ssyncadd.s32 $0xFFFFD800  }
0x97: {  	[spmem:s1] =	stream.indirect.scatter.add.f32 [tilespmem:s31], [sflag:$0x4], $0x80, s30, s2, $0xb8;
	[tilespmem:$0x18980] =	vst v63  }
0x98: {  	_ =	swait.ge [sflag:s14], $0x2800  }
0x99: {  	[sflag:s14] =	ssyncset.done $0x0  }
0x9a: {  	[sflag:s14] =	ssyncadd.s32 $0xFFFFD800  }
0x9b: {  	[tilespmem:s30], [sflag:$0x2] =	stream.linear.gather [hbm4b:s17+s3], $0x50, $0x38;
	[tilespmem:$0x18980] =	vst v63  }
0x9c: {  	_ = 	snop  }
0x9d: {  	[tilespmem:s31], [sflag:$0x2] =	stream.linear.gather [hbm4b:s13+s3], $0x2800, $0x38;
	[tilespmem:$0x18980] =	vst v63  }
0x9e: {  	_ =	swait.ge [sflag:s0], $0x50  }
0x9f: {  	[sflag:s0] =	ssyncset.done $0x0  }
0xa0: {  	[sflag:s0] =	ssyncadd.s32 $0xFFFFFFB0  }
0xa1: {  	_ =	swait.ge [sflag:s0], $0x2800  }
0xa2: {  	[sflag:s0] =	ssyncset.done $0x0  }
0xa3: {  	[sflag:s0] =	ssyncadd.s32 $0xFFFFD800  }
0xa4: {  	_ =	swait.ge [sflag:s11], $0x50  }
0xa5: {  	[sflag:s11] =	ssyncset.done $0x0  }
0xa6: {  	[sflag:s11] =	ssyncadd.s32 $0xFFFFFFB0  }
0xa7: {  	_ =	swait.ge [sflag:s11], $0x2800  }
0xa8: {  	[sflag:s11] =	ssyncset.done $0x0  }
0xa9: {  	[sflag:s11] =	ssyncadd.s32 $0xFFFFD800  }
0xaa: {  	[bflag:$0x0] =	sbarrier.arrive $0xFFFF  }
0xab: {  	s23 =	rddreg [dreg:$0xb]  }
0xac: {  	[hbm:s23], [sflag:s20] =	dma.local [spmem:s4], $0x2700  }
.Ltmp4:
0xad: {  	_ = 	snop;
	(pc) =	sbr.rel @p2 .LBB2_8-.Ltmp4, $4  }
.Ltmp5:
0xae: {  	_ = 	snop;
	(pc) =	sbr.rel @!p2 .LBB2_9-.Ltmp5, $4  }
0xaf: {  	_ =	swait.ge [sflag:s28], $0x2700  }
0xb0: {  	[sflag:s28] =	ssyncset.done $0x0  }
0xb1: {  	s4 =	rddreg [dreg:$0x3];
	[sflag:s28] =	ssyncadd.s32 $0xFFFFD900  }
0xb2: {  	_ = 	snop  }
.LBB2_5:
0xb3: {  	[tilespmem:s29], [sflag:$0x1] =	stream.linear.gather [hbm4b:s8+s5], $0x2800, $0x38;
	[tilespmem:$0x18980] =	vst v63  }
0xb4: {  	_ = 	snop  }
0xb5: {  	[tilespmem:s30], [sflag:$0x2] =	stream.linear.gather [hbm4b:s16+s5], $0x50, $0x38;
	[tilespmem:$0x18980] =	vst v63  }
0xb6: {  	s6 =	rddreg [dreg:$0x6]  }
0xb7: {  	[tilespmem:s31], [sflag:$0x2] =	stream.linear.gather [hbm4b:s6+s5], $0x2800, $0x38;
	[tilespmem:$0x18980] =	vst v63  }
0xb8: {  	_ =	swait.ge [sflag:s0], $0x50  }
0xb9: {  	[sflag:s0] =	ssyncset.done $0x0  }
0xba: {  	[sflag:s0] =	ssyncadd.s32 $0xFFFFFFB0  }
0xbb: {  	_ =	swait.ge [sflag:s0], $0x2800  }
0xbc: {  	[sflag:s0] =	ssyncset.done $0x0  }
0xbd: {  	[sflag:s0] =	ssyncadd.s32 $0xFFFFD800  }
0xbe: {  	[spmem:s1] =	stream.indirect.scatter.add.f32 [tilespmem:s29], [sflag:$0x3], $0x80, s3, s2, $0xb8;
	[tilespmem:$0x18980] =	vst v63  }
0xbf: {  	_ =	swait.ge [sflag:s9], $0x2800  }
0xc0: {  	[sflag:s9] =	ssyncset.done $0x0  }
0xc1: {  	s22 =	sadd.s32 $0x0, s8;
	s6 =	sadd.s32 $0xFFFFFFF6, s25;
	[sflag:s9] =	ssyncadd.s32 $0xFFFFD800  }
0xc2: {  	[tilespmem:s3], [sflag:$0x1] =	stream.linear.gather [hbm4b:s6+s3], $0x50, $0x38;
	[tilespmem:$0x18980] =	vst v63  }
0xc3: {  	s23 =	sadd.s32 $0xA00, s22  }
0xc4: {  	[tilespmem:s29], [sflag:$0x1] =	stream.linear.gather [hbm4b:s23+s3], $0x2800, $0x38;
	[tilespmem:$0x18980] =	vst v63  }
0xc5: {  	_ =	swait.ge [sflag:s11], $0x50  }
0xc6: {  	[sflag:s11] =	ssyncset.done $0x0  }
0xc7: {  	[sflag:s11] =	ssyncadd.s32 $0xFFFFFFB0  }
0xc8: {  	_ =	swait.ge [sflag:s11], $0x2800  }
0xc9: {  	[sflag:s11] =	ssyncset.done $0x0  }
0xca: {  	[sflag:s11] =	ssyncadd.s32 $0xFFFFD800  }
0xcb: {  	[spmem:s1] =	stream.indirect.scatter.add.f32 [tilespmem:s31], [sflag:$0x4], $0x80, s30, s2, $0xb8;
	[tilespmem:$0x18980] =	vst v63  }
0xcc: {  	_ =	swait.ge [sflag:s14], $0x2800  }
0xcd: {  	s5 =	simm.s32 $0xA00;
	[sflag:s14] =	ssyncset.done $0x0  }
0xce: {  	s23 =	sadd.s32 $0xF00, s22;
	s22 =	sadd.s32 $0x14, s25;
	[sflag:s14] =	ssyncadd.s32 $0xFFFFD800  }
0xcf: {  	[tilespmem:s30], [sflag:$0x2] =	stream.linear.gather [hbm4b:s25+s3], $0x50, $0x38;
	[tilespmem:$0x18980] =	vst v63  }
.LBB2_6:
0xd0: {  	[tilespmem:s31], [sflag:$0x2] =	stream.linear.gather [hbm4b:s23+s3], $0x2800, $0x38;
	[tilespmem:$0x18980] =	vst v63  }
0xd1: {  	s6 =	smov.u32 s5  }
0xd2: {  	p3 =	sne.s32 s5, $0x23A00;
	s5 =	sadd.s32 $0xA00, s5;
	_ =	swait.ge [sflag:s0], $0x50  }
0xd3: {  	[sflag:s0] =	ssyncset.done $0x0  }
0xd4: {  	[sflag:s0] =	ssyncadd.s32 $0xFFFFFFB0  }
0xd5: {  	_ =	swait.ge [sflag:s0], $0x2800  }
0xd6: {  	[sflag:s0] =	ssyncset.done $0x0  }
0xd7: {  	[sflag:s0] =	ssyncadd.s32 $0xFFFFD800  }
0xd8: {  	[spmem:s1] =	stream.indirect.scatter.add.f32 [tilespmem:s29], [sflag:$0x3], $0x80, s3, s2, $0xb8;
	[tilespmem:$0x18980] =	vst v63  }
0xd9: {  	_ =	swait.ge [sflag:s9], $0x2800  }
0xda: {  	[sflag:s9] =	ssyncset.done $0x0  }
0xdb: {  	s23 =	sadd.s32 $0xFFFFFFF6, s22;
	s6 =	sadd.s32 s6, s8;
	[sflag:s9] =	ssyncadd.s32 $0xFFFFD800  }
0xdc: {  	[tilespmem:s3], [sflag:$0x1] =	stream.linear.gather [hbm4b:s23+s3], $0x50, $0x38;
	[tilespmem:$0x18980] =	vst v63  }
0xdd: {  	s23 =	sadd.s32 $0xA00, s6  }
0xde: {  	[tilespmem:s29], [sflag:$0x1] =	stream.linear.gather [hbm4b:s23+s3], $0x2800, $0x38;
	[tilespmem:$0x18980] =	vst v63  }
0xdf: {  	_ =	swait.ge [sflag:s11], $0x50  }
0xe0: {  	[sflag:s11] =	ssyncset.done $0x0  }
0xe1: {  	[sflag:s11] =	ssyncadd.s32 $0xFFFFFFB0  }
0xe2: {  	_ =	swait.ge [sflag:s11], $0x2800  }
0xe3: {  	[sflag:s11] =	ssyncset.done $0x0  }
0xe4: {  	[sflag:s11] =	ssyncadd.s32 $0xFFFFD800  }
0xe5: {  	[spmem:s1] =	stream.indirect.scatter.add.f32 [tilespmem:s31], [sflag:$0x4], $0x80, s30, s2, $0xb8;
	[tilespmem:$0x18980] =	vst v63  }
.Ltmp6:
0xe6: {  	_ =	swait.ge [sflag:s14], $0x2800;
	(pc) =	sbr.rel @p3 .LBB2_6-.Ltmp6, $4  }
0xe7: {  	[sflag:s14] =	ssyncset.done $0x0  }
0xe8: {  	[sflag:s14] =	ssyncadd.s32 $0xFFFFD800  }
0xe9: {  	[tilespmem:s30], [sflag:$0x2] =	stream.linear.gather [hbm4b:s22+s3], $0x50, $0x38;
	[tilespmem:$0x18980] =	vst v63  }
0xea: {  	s23 =	sadd.s32 $0xF00, s6;
	s22 =	sadd.s32 $0x14, s22  }
0xeb: {  	[tilespmem:s31], [sflag:$0x2] =	stream.linear.gather [hbm4b:s23+s3], $0x2800, $0x38;
	[tilespmem:$0x18980] =	vst v63  }
0xec: {  	_ =	swait.ge [sflag:s0], $0x50  }
0xed: {  	[sflag:s0] =	ssyncset.done $0x0  }
0xee: {  	[sflag:s0] =	ssyncadd.s32 $0xFFFFFFB0  }
0xef: {  	_ =	swait.ge [sflag:s0], $0x2800  }
0xf0: {  	[sflag:s0] =	ssyncset.done $0x0  }
0xf1: {  	[sflag:s0] =	ssyncadd.s32 $0xFFFFD800  }
0xf2: {  	[spmem:s1] =	stream.indirect.scatter.add.f32 [tilespmem:s29], [sflag:$0x3], $0x80, s3, s2, $0xb8;
	[tilespmem:$0x18980] =	vst v63  }
0xf3: {  	_ =	swait.ge [sflag:s9], $0x2800  }
0xf4: {  	[sflag:s9] =	ssyncset.done $0x0  }
0xf5: {  	[sflag:s9] =	ssyncadd.s32 $0xFFFFD800  }
0xf6: {  	[tilespmem:s3], [sflag:$0x1] =	stream.linear.gather [hbm4b:s18+s3], $0x50, $0x38;
	[tilespmem:$0x18980] =	vst v63  }
0xf7: {  	s5 =	rddreg [dreg:$0x8]  }
0xf8: {  	[tilespmem:s29], [sflag:$0x1] =	stream.linear.gather [hbm4b:s5+s3], $0x2800, $0x38;
	[tilespmem:$0x18980] =	vst v63  }
0xf9: {  	_ =	swait.ge [sflag:s11], $0x50  }
0xfa: {  	[sflag:s11] =	ssyncset.done $0x0  }
0xfb: {  	[sflag:s11] =	ssyncadd.s32 $0xFFFFFFB0  }
0xfc: {  	_ =	swait.ge [sflag:s11], $0x2800  }
0xfd: {  	[sflag:s11] =	ssyncset.done $0x0  }
0xfe: {  	[sflag:s11] =	ssyncadd.s32 $0xFFFFD800  }
0xff: {  	[spmem:s1] =	stream.indirect.scatter.add.f32 [tilespmem:s31], [sflag:$0x4], $0x80, s30, s2, $0xb8;
	[tilespmem:$0x18980] =	vst v63  }
0x100: {  	_ =	swait.ge [sflag:s14], $0x2800  }
0x101: {  	[sflag:s14] =	ssyncset.done $0x0  }
0x102: {  	[sflag:s14] =	ssyncadd.s32 $0xFFFFD800  }
0x103: {  	[tilespmem:s30], [sflag:$0x2] =	stream.linear.gather [hbm4b:s17+s3], $0x50, $0x38;
	[tilespmem:$0x18980] =	vst v63  }
0x104: {  	_ = 	snop  }
0x105: {  	[tilespmem:s31], [sflag:$0x2] =	stream.linear.gather [hbm4b:s12+s3], $0x2800, $0x38;
	[tilespmem:$0x18980] =	vst v63  }
0x106: {  	_ =	swait.ge [sflag:s0], $0x50  }
0x107: {  	[sflag:s0] =	ssyncset.done $0x0  }
0x108: {  	[sflag:s0] =	ssyncadd.s32 $0xFFFFFFB0  }
0x109: {  	_ =	swait.ge [sflag:s0], $0x2800  }
0x10a: {  	[sflag:s0] =	ssyncset.done $0x0  }
0x10b: {  	[sflag:s0] =	ssyncadd.s32 $0xFFFFD800  }
0x10c: {  	[spmem:s1] =	stream.indirect.scatter.add.f32 [tilespmem:s29], [sflag:$0x3], $0x80, s3, s2, $0xb8;
	[tilespmem:$0x18980] =	vst v63  }
0x10d: {  	_ =	swait.ge [sflag:s9], $0x2800  }
0x10e: {  	[sflag:s9] =	ssyncset.done $0x0  }
0x10f: {  	[sflag:s9] =	ssyncadd.s32 $0xFFFFD800  }
0x110: {  	[tilespmem:s3], [sflag:$0x1] =	stream.linear.gather [hbm4b:s17+s3], $0x50, $0x38;
	[tilespmem:$0x18980] =	vst v63  }
0x111: {  	_ = 	snop  }
0x112: {  	[tilespmem:s29], [sflag:$0x1] =	stream.linear.gather [hbm4b:s12+s3], $0x2800, $0x38;
	[tilespmem:$0x18980] =	vst v63  }
0x113: {  	_ =	swait.ge [sflag:s11], $0x50  }
0x114: {  	[sflag:s11] =	ssyncset.done $0x0  }
0x115: {  	[sflag:s11] =	ssyncadd.s32 $0xFFFFFFB0  }
0x116: {  	_ =	swait.ge [sflag:s11], $0x2800  }
0x117: {  	[sflag:s11] =	ssyncset.done $0x0  }
0x118: {  	[sflag:s11] =	ssyncadd.s32 $0xFFFFD800  }
0x119: {  	[spmem:s1] =	stream.indirect.scatter.add.f32 [tilespmem:s31], [sflag:$0x4], $0x80, s30, s2, $0xb8;
	[tilespmem:$0x18980] =	vst v63  }
0x11a: {  	_ =	swait.ge [sflag:s14], $0x2800  }
0x11b: {  	[sflag:s14] =	ssyncset.done $0x0  }
0x11c: {  	[sflag:s14] =	ssyncadd.s32 $0xFFFFD800  }
0x11d: {  	[tilespmem:s30], [sflag:$0x2] =	stream.linear.gather [hbm4b:s17+s3], $0x50, $0x38;
	[tilespmem:$0x18980] =	vst v63  }
0x11e: {  	_ = 	snop  }
0x11f: {  	[tilespmem:s31], [sflag:$0x2] =	stream.linear.gather [hbm4b:s12+s3], $0x2800, $0x38;
	[tilespmem:$0x18980] =	vst v63  }
0x120: {  	_ =	swait.ge [sflag:s0], $0x50  }
0x121: {  	[sflag:s0] =	ssyncset.done $0x0  }
0x122: {  	[sflag:s0] =	ssyncadd.s32 $0xFFFFFFB0  }
0x123: {  	_ =	swait.ge [sflag:s0], $0x2800  }
0x124: {  	[sflag:s0] =	ssyncset.done $0x0  }
0x125: {  	[sflag:s0] =	ssyncadd.s32 $0xFFFFD800  }
0x126: {  	_ =	swait.ge [sflag:s11], $0x50  }
0x127: {  	[sflag:s11] =	ssyncset.done $0x0  }
0x128: {  	[sflag:s11] =	ssyncadd.s32 $0xFFFFFFB0  }
0x129: {  	_ =	swait.ge [sflag:s11], $0x2800  }
0x12a: {  	[sflag:s11] =	ssyncset.done $0x0  }
0x12b: {  	[sflag:s11] =	ssyncadd.s32 $0xFFFFD800  }
0x12c: {  	[bflag:$0x0] =	sbarrier.arrive $0xFFFF  }
0x12d: {  	s23 =	rddreg [dreg:$0xa]  }
0x12e: {  	[hbm:s23], [sflag:s20] =	dma.local [spmem:s4], $0x2700  }
.Ltmp7:
0x12f: {  	_ = 	snop;
	(pc) =	sbr.rel @p1 .LBB2_9-.Ltmp7, $4  }
.Ltmp8:
0x130: {  	_ = 	snop;
	(pc) =	sbr.rel @!p1 .LBB2_8-.Ltmp8, $4  }
0x131: {  	_ =	swait.ge [sflag:s28], $0x2700  }
0x132: {  	[sflag:s28] =	ssyncset.done $0x0  }
0x133: {  	s4 =	rddreg [dreg:$0x4];
	[sflag:s28] =	ssyncadd.s32 $0xFFFFD900  }
0x134: {  	_ = 	snop  }
.LBB2_10:
0x135: {  	_ =	sfence.sel $0x180000  }
0x136: {  	[bflag:$0x0] =	sbarrier.arrive $0xFFFF  }
0x137: {  	_ =	strace $0x90000050  }
0x138: {  	s0 =	stileid.u32;
	[bflag:$0x2] =	sbarrier.arrive $0xFFFF  }
0x139: {  	p0 =	sne.s32 s0, $0x0;
	s0 =	rddreg [dreg:$0x2]  }
0x13a: {  	s0 =	sadd.s32 @!p0 $0x100000, s0  }
0x13b: {  	[sflag:s0] =	ssyncadd.tile.s32 @!p0 $0x1;
	_ =	shalt  }
.Lfunc_end2:
_tile_overlayer_lowered:
.L_overlay_start_2:
0x13c: {  	(tag) =	ssettag $0x2  }
0x13d: {  	s0 =	rddreg [dreg:$0x0];
	s2 =	stileid.u32  }
0x13e: {  	s1 =	rddreg [dreg:$0x1];
	p0 =	sne.s32 s2, $0x0  }
0x13f: {  	s3 =	rddreg [dreg:$0x2];
	[bflag:$0x3] =	sbarrier.arrive $0xFFFF;
	s2 =	simm.s32 @!p0 $0x1C05  }
0x140: {  	[timem:s3], [sflag:s2] =	dma.local @!p0 [hbm:s0], s1  }
0x141: {  	s0 =	simm.s32 @!p0 $0x5  }
0x142: {  	_ =	swait.ge @!p0 [sflag:s0], s1  }
0x143: {  	s1 =	ssub.s32 @!p0 $0x0, s1;
	[sflag:s0] =	ssyncset.done @!p0 $0x0  }
0x144: {  	[sflag:s0] =	ssyncadd.s32 @!p0 s1  }
0x145: {  	[bflag:$0x3] =	sbarrier.arrive $0xFFFF  }
0x146: {  	_ =	shalt  }

// kernel: kernel.18.cloned.1.call-start
scs
__scs_entry_jumppad:
0x0: {  	(pc) =	sbr.rel $0x88, $3  }
0x1: {  	(tag) =	ssettag $0x0;
	lr =	simm.s32 $0x1  }
0x2: {  	[smem:$0x3F8E] =	sst lr;
	_ =	strace $0xD0000000  }
0x3: {  	_ = 	snop  }
0x4: {  	_ = 	snop  }
0x5: {  	_ = 	snop  }
0x6: {  	_ = 	snop  }
0x7: {  	_ = 	snop  }
__scs_overlays_trampoline_lowered:
0x8: {  	[smem:$0x3F9D] =	sst s0  }
0x9: {  	[smem:$0x3F9E] =	sst s1  }
0xa: {  	[smem:$0x3F9F] =	sst s2  }
0xb: {  	[smem:$0x3FA0] =	sst s3  }
0xc: {  	[smem:$0x3FA1] =	sst s4  }
0xd: {  	[smem:$0x3FA2] =	sst s5  }
0xe: {  	[smem:$0x3FA3] =	sst s6  }
0xf: {  	[smem:$0x3FA4] =	sst s7  }
0x10: {  	[smem:$0x3FA5] =	sst s8  }
0x11: {  	[smem:$0x3FA6] =	sst s9;
	s0 =	simm.s32 @!p0 $0x0  }
0x12: {  	s1 =	sld [smem:$0x3F8C];
	s0 =	simm.s32 @p0 $0x1  }
0x13: {  	[smem:$0x3FA7] =	sst s0;
	s0 =	simm.s32 @!p1 $0x0  }
0x14: {  	s2 =	sld [smem:$0x3F8B];
	s0 =	simm.s32 @p1 $0x1  }
0x15: {  	[smem:$0x3FA8] =	sst s0;
	s0 =	simm.s32 @!p2 $0x0  }
0x16: {  	s3 =	sld [smem:$0x3FDB];
	s0 =	simm.s32 @p2 $0x1  }
0x17: {  	s4 =	simm.s32 $0x1BF5;
	[smem:$0x3FAA] =	sst s0  }
0x18: {  	s0 =	sld [smem:$0x3F8D];
	_ =	swait.ge [sflag:s4], $0x0  }
0x19: {  	s7 =	sld [smem:$0x3F8E]  }
0x1a: {  	s8 =	sadd.s32 $0xFFFFE003, lr  }
0x1b: {  	s9 =	sadd.s32 $0xFFFFFEF7, lr;
	s5 =	simm.s32 $0xFFFFFFFF;
	p2 =	slt.u32 s8, $0xFFFFF086  }
0x1c: {  	p1 =	slt.u32 s9, $0xF7A;
	s5 =	simm.s32 @!p2 $0x0  }
0x1d: {  	s5 =	simm.s32 @p1 $0x1;
	p0 =	seq.s32 s7, s2  }
0x1e: {  	s7 =	smul.u32 @!p0 $0xF7A, s2;
	p2 =	seq.s32 @!p0 s5, $0x0  }
0x1f: {  	s9 =	smul.u32 $0xF7A, s1;
	s8 =	simm.s32 @!p0 $0x1BF5;
	p2 =	por !p2, p0  }
0x20: {  	[sflag:s8] =	ssyncset.s32 @!p0 $0xFFFFF086;
	s6 =	sadd.s32 @!p0 s3, s7;
	s7 =	simm.s32 @!p0 $0x108  }
0x21: {  	s3 =	sadd.s32 s3, s9;
	s6 =	sadd.s32 @!p0 $0x88, s6;
	s7 =	simm.s32 @p2 $0x1082  }
0x22: {  	[simem:s7], [sflag:s8] =	dma.local @!p0 [hbm:s6], $0xF7A  }
0x23: {  	s9 =	sor.u32 $0xD0000000, s2;
	s6 =	simm.s32 $0x108;
	_ =	swait.ge @!p0 [sflag:s8], $0x0  }
0x24: {  	s3 =	sadd.s32 $0x88, s3;
	s6 =	simm.s32 @!p1 $0x1082;
	[sflag:s4] =	ssyncset.s32 $0xFFFFF086  }
0x25: {  	[simem:s6], [sflag:s4] =	dma.local [hbm:s3], $0xF7A  }
0x26: {  	[smem:$0x3F8E] =	sst s1;
	(tag) =	ssettag s2;
	_ =	strace s9  }
0x27: {  	s1 =	sld [smem:$0x3F9E]  }
0x28: {  	s2 =	sld [smem:$0x3F9F]  }
0x29: {  	s4 =	sld [smem:$0x3FA1]  }
0x2a: {  	p0 =	seq.s32 s5, $0x0;
	s5 =	sld [smem:$0x3FA2]  }
0x2b: {  	s6 =	sld [smem:$0x3FA3]  }
0x2c: {  	s7 =	sld [smem:$0x3FA4]  }
0x2d: {  	s3 =	simm.s32 $0x108;
	s8 =	sld [smem:$0x3FA5]  }
0x2e: {  	s3 =	simm.s32 @!p0 $0x1082;
	s9 =	sld [smem:$0x3FA6]  }
0x2f: {  	lr =	sadd.s32 s0, s3;
	s0 =	sld [smem:$0x3F9D]  }
0x30: {  	s3 =	sld [smem:$0x3FA0]  }
0x31: {  	[smem:$0x3FA9] =	sst s10  }
0x32: {  	s10 =	sld [smem:$0x3FA7];
	_ =	sdelay $0x3  }
0x33: {  	p0 =	seq.s32 s10, $0x1;
	s10 =	sld [smem:$0x3FA9];
	_ =	sdelay $0x3  }
0x34: {  	[smem:$0x3FA9] =	sst s10  }
0x35: {  	s10 =	sld [smem:$0x3FA8];
	_ =	sdelay $0x3  }
0x36: {  	p1 =	seq.s32 s10, $0x1;
	s10 =	sld [smem:$0x3FA9];
	_ =	sdelay $0x3  }
0x37: {  	[smem:$0x3FA9] =	sst s10  }
0x38: {  	s10 =	sld [smem:$0x3FAA]  }
0x39: {  	_ = 	snop;
	(pc) =	sbr.ind lr, $3  }
0x3a: {  	_ = 	snop  }
0x3b: {  	_ = 	snop  }
0x3c: {  	p2 =	seq.s32 s10, $0x1;
	s10 =	sld [smem:$0x3FA9]  }
0x3d: {  	_ =	shalt  }
0x3e: {  	_ =	shalt  }
0x3f: {  	_ =	shalt  }
0x40: {  	_ =	shalt  }
0x41: {  	_ =	shalt  }
0x42: {  	_ =	shalt  }
0x43: {  	_ =	shalt  }
0x44: {  	_ =	shalt  }
0x45: {  	_ =	shalt  }
0x46: {  	_ =	shalt  }
0x47: {  	_ =	shalt  }
0x48: {  	_ =	shalt  }
0x49: {  	_ =	shalt  }
0x4a: {  	_ =	shalt  }
0x4b: {  	_ =	shalt  }
0x4c: {  	_ =	shalt  }
0x4d: {  	_ =	shalt  }
0x4e: {  	_ =	shalt  }
0x4f: {  	_ =	shalt  }
0x50: {  	_ =	shalt  }
0x51: {  	_ =	shalt  }
0x52: {  	_ =	shalt  }
0x53: {  	_ =	shalt  }
0x54: {  	_ =	shalt  }
0x55: {  	_ =	shalt  }
0x56: {  	_ =	shalt  }
0x57: {  	_ =	shalt  }
0x58: {  	_ =	shalt  }
0x59: {  	_ =	shalt  }
0x5a: {  	_ =	shalt  }
0x5b: {  	_ =	shalt  }
0x5c: {  	_ =	shalt  }
0x5d: {  	_ =	shalt  }
0x5e: {  	_ =	shalt  }
0x5f: {  	_ =	shalt  }
0x60: {  	_ =	shalt  }
0x61: {  	_ =	shalt  }
0x62: {  	_ =	shalt  }
0x63: {  	_ =	shalt  }
0x64: {  	_ =	shalt  }
0x65: {  	_ =	shalt  }
0x66: {  	_ =	shalt  }
0x67: {  	_ =	shalt  }
0x68: {  	_ =	shalt  }
0x69: {  	_ =	shalt  }
0x6a: {  	_ =	shalt  }
0x6b: {  	_ =	shalt  }
0x6c: {  	_ =	shalt  }
0x6d: {  	_ =	shalt  }
0x6e: {  	_ =	shalt  }
0x6f: {  	_ =	shalt  }
0x70: {  	_ =	shalt  }
0x71: {  	_ =	shalt  }
0x72: {  	_ =	shalt  }
0x73: {  	_ =	shalt  }
0x74: {  	_ =	shalt  }
0x75: {  	_ =	shalt  }
0x76: {  	_ =	shalt  }
0x77: {  	_ =	shalt  }
0x78: {  	_ =	shalt  }
0x79: {  	_ =	shalt  }
0x7a: {  	_ =	shalt  }
0x7b: {  	_ =	shalt  }
0x7c: {  	_ =	shalt  }
0x7d: {  	_ =	shalt  }
0x7e: {  	_ =	shalt  }
0x7f: {  	_ =	shalt  }
0x80: {  	_ =	shalt  }
0x81: {  	_ =	shalt  }
0x82: {  	_ =	shalt  }
0x83: {  	_ =	shalt  }
0x84: {  	_ =	shalt  }
0x85: {  	_ =	shalt  }
0x86: {  	_ =	shalt  }
0x87: {  	_ =	shalt  }
.Lfunc_end0:
.L_simem_size_0:
called_computation.3_lowered:
.L_overlay_start_0:
0x88: {  	s2 =	sld [smem:$0x3FD9]  }
0x89: {  	s3 =	sld [smem:$0x3FFE];
	_ =	sdelay $0x1  }
0x8a: {  	s1 =	srdreg.scid  }
0x8b: {  	s0 =	sand.u32 $0x1, s1  }
0x8c: {  	s17 =	sshll.u32 s0, $0xA;
	s2 =	sadd.s32 s3, s2  }
0x8d: {  	s2 =	sadd.s32 s2, s17  }
0x8e: {  	[smem:$0x3FB5] =	sst s2  }
0x8f: {  	_ = 	snop  }
0x90: {  	(tm) =	ssettm $0x1  }
0x91: {  	s18 =	sld [smem:$0x3FFB];
	_ =	sdelay $0x3  }
0x92: {  	_ =	strace s18  }
0x93: {  	s2 =	sld [smem:$0x3FFC];
	_ =	sdelay $0x3  }
0x94: {  	_ =	strace s2  }
0x95: {  	s2 =	sld [smem:$0x3FFD];
	_ =	sdelay $0x3  }
0x96: {  	_ =	strace s2  }
0x97: {  	_ =	strace $0x8FFFFFFF  }
0x98: {  	s19 =	sld [smem:$0x3FDB];
	_ =	sdelay $0x1  }
0x99: {  	s20 =	simm.s32 $_scs_section_size  }
0x9a: {  	s4 =	simm.s32 $_size__tile_overlayer_lowered;
	s5 =	simm.s32 $_tile_overlayer_lowered  }
0x9b: {  	s6 =	simm.s32 $0x1BFF;
	s21 =	sshll.u32 s5, $0x1;
	s3 =	sadd.s32 s20, s19  }
0x9c: {  	s22 =	simm.s32 $0x0;
	s4 =	sshll.u32 s4, $0x1;
	s5 =	sadd.s32 s21, s3  }
0x9d: {  	[timem:s22], [sflag:s6] =	dma.local [hbm:s5], s4  }
0x9e: {  	_ =	swait.ge [sflag:s6], s4  }
0x9f: {  	s4 =	ssub.s32 $0x0, s4;
	[sflag:s6] =	ssyncset.done $0x0  }
0xa0: {  	[sflag:s6] =	ssyncadd.s32 s4;
	_ =	sdelay $0x1  }
0xa1: {  	s23 =	simm.s32 $0x1B8B  }
0xa2: {  	_ =	swait.ge [sflag:s23], $0x1  }
0xa3: {  	[sflag:s23] =	ssyncset.done $0x0  }
0xa4: {  	[sflag:s23] =	ssyncadd.s32 $0xFFFFFFFF  }
0xa5: {  	s4 =	sld [smem:$0x0]  }
0xa6: {  	s5 =	sand.u32 $0xFFFFFFFE, s1  }
0xa7: {  	p0 =	sne.s32 s1, s5  }
0xa8: {  	s5 =	sshll.u32 @p0 s5, $0xE  }
0xa9: {  	s5 =	sadd.s32 @p0 $0x11B8D, s5;
	s6 =	sshll.u32 @p0 s4, $0x11  }
0xaa: {  	s5 =	sor.u32 @p0 s6, s5  }
0xab: {  	[sflag:s5] =	ssyncadd.remote.s32 @p0 $0x1;
	_ =	sdelay $0x1  }
0xac: {  	s5 =	simm.s32 @p0 $0x1B8D  }
0xad: {  	_ =	swait.eq @p0 [sflag:s5], $0x1  }
0xae: {  	[sflag:s5] =	ssyncadd.s32 @p0 $0xFFFFFFFF  }
0xaf: {  	s6 =	sshll.u32 @!p0 s1, $0xE  }
0xb0: {  	s6 =	sor.u32 @!p0 $0x4000, s6;
	s5 =	simm.s32 @!p0 $0x1B8D  }
0xb1: {  	s4 =	sshll.u32 @!p0 s4, $0x11;
	s6 =	sadd.s32 @!p0 $0x11B8D, s6;
	_ =	swait.eq @!p0 [sflag:s5], $0x1  }
0xb2: {  	s4 =	sor.u32 @!p0 s4, s6;
	[sflag:s5] =	ssyncadd.s32 @!p0 $0xFFFFFFFF  }
0xb3: {  	s25 =	simm.s32 $0x1B8E;
	s24 =	sld [smem:$0x3FFE];
	[sflag:s4] =	ssyncadd.remote.s32 @!p0 $0x1  }
0xb4: {  	s26 =	simm.s32 $execute0_lowered;
	[smem:$0x3FD2] =	sst s25  }
0xb5: {  	s5 =	sshll.u32 s26, $0x1;
	_ =	strace $0x8000004C;
	[dreg:$0x1] =	wrdreg $0xFFFFFFFF  }
0xb6: {  	s28 =	simm.s32 $_size_execute0_lowered;
	s3 =	sadd.s32 s3, s5;
	[dreg:$0x0] =	wrdreg $0x0  }
0xb7: {  	s5 =	sshll.u32 s28, $0x1;
	[dreg:$0x2] =	wrdreg s3  }
0xb8: {  	[dreg:$0x3] =	wrdreg s5  }
0xb9: {  	[dreg:$0x4] =	wrdreg $0xC0  }
0xba: {  	_ =	task [dreg:s22], $0x5FFFF  }
0xbb: {  	[dreg:$0x1] =	wrdreg $0xFFFFFFFF  }
0xbc: {  	[dreg:$0x0] =	wrdreg $0x60  }
0xbd: {  	[dreg:$0x2] =	wrdreg s24  }
0xbe: {  	[dreg:$0x3] =	wrdreg $0x51000  }
0xbf: {  	[dreg:$0x4] =	wrdreg $0xA  }
0xc0: {  	_ =	task.clear_ibuf [dreg:s22], $0x5FFFF;
	_ =	strace $0x9000004C  }
0xc1: {  	s29 =	simm.s32 $0xA;
	_ =	strace $0x8000004E  }
0xc2: {  	_ =	swait.ge [sflag:s29], $0x1  }
0xc3: {  	[sflag:s29] =	ssyncadd.s32 $0xFFFFFFFF  }
0xc4: {  	_ =	strace $0x9000004E  }
0xc5: {  	_ =	sfence  }
0xc6: {  	s30 =	sld [smem:$0x0];
	_ =	sdelay $0x2  }
0xc7: {  	s31 =	sshll.u32 s1, $0xD;
	s1 =	sshrl.u32 s1, $0x2  }
0xc8: {  	s4 =	sand.u32 $0x4000, s31;
	s1 =	sadd.s32 s1, s30  }
0xc9: {  	s0 =	sor.u32 s4, s0;
	s1 =	sshll.u32 s1, $0x11  }
0xca: {  	s0 =	sor.u32 s1, s0  }
0xcb: {  	s0 =	sadd.s32 $0x8F2B, s0  }
0xcc: {  	[sflag:s0] =	ssyncadd.remote.s32 $0x1  }
0xcd: {  	_ =	sfence.sel $0xFFFF  }
0xce: {  	[dreg:$0x0] =	wrdreg $0xFFFFFFFF;
	(pc) =	sbr.abs _section_cstart, $3  }
0xcf: {  	[dreg:$0x1] =	wrdreg $0xFFFFFFFF  }
0xd0: {  	_ =	task.clear_ibuf [dreg:s22], $0x2FFFF;
	_ =	strace $0x9FFFFFFF  }
0xd1: {  	(tm) =	ssettm $0x7FFFFFFF  }
tec
execute0_lowered:
.L_overlay_start_1:
0x0: {  	(tag) =	ssettag $0x1  }
0x1: {  	s0 =	rddreg [dreg:$0x0]  }
0x2: {  	s1 =	rddreg [dreg:$0x1];
	s3 =	simm.s32 $0x0;
	s21 =	stileid.u32  }
0x3: {  	s5 =	srdreg.scid;
	s28 =	simm.s32 $0x5;
	s29 =	simm.s32 $0x100  }
0x4: {  	s30 =	simm.s32 $0x80;
	s31 =	simm.s32 $0x2900;
	s2 =	sadd.s32 $0x1008600, s0  }
0x5: {  	[smem:$0x7FF] =	sst s3;
	s4 =	smul.u32 $0x2700, s21;
	s12 =	sadd.s32 $0x1292600, s0  }
0x6: {  	s14 =	sadd.s32 $0x11A00, s0;
	s8 =	smul.u32 $0x4E000, s21;
	s22 =	sadd.s32 $0xEE8A00, s0  }
0x7: {  	s5 =	sand.u32 $0x1, s5;
	s23 =	sadd.s32 $0xF0FC00, s0;
	s19 =	smul.u32 $0x28A0, s21  }
0x8: {  	s20 =	sshll.u32 s21, $0x6;
	s10 =	smul.u32 $0x145000, s21;
	p1 =	sne.s32 s21, $0xF  }
0x9: {  	p2 =	seq.s32 s21, $0xF;
	_ =	strace $0x8000004D;
	[dreg:$0x4] =	wrdreg s23  }
0xa: {  	s6 =	ssub.s32 $0x2, s5;
	[dreg:$0x3] =	wrdreg s22;
	p0 =	sne.s32 s5, $0x0  }
0xb: {  	s7 =	sadd.s32 s4, s0;
	s9 =	sshrl.u32 s6, $0x1;
	s18 =	sshrl.u32 s8, $0x2  }
0xc: {  	s8 =	sor.u32 $0x1C05, s20;
	s11 =	sshrl.u32 s10, $0x3;
	s20 =	smul.u32 $0x514, s21  }
0xd: {  	s17 =	ssub.s32 s6, s9;
	s6 =	sadd.s32 s18, s1;
	s7 =	sadd.s32 $0xEC1800, s7  }
0xe: {  	s9 =	sshrl.u32 s19, $0x3;
	s19 =	smul.u32 $0x28A00, s21;
	s24 =	sadd.s32 $0x500, s11  }
0xf: {  	[dreg:$0x5] =	wrdreg s6;
	s18 =	sadd.s32 s14, s9;
	s9 =	sadd.s32 $0xEE8800, s0  }
0x10: {  	s25 =	sadd.s32 s12, s24;
	s0 =	sadd.s32 s2, s24;
	s20 =	sadd.s32 s20, s14  }
0x11: {  	s14 =	simm.s32 $0x2;
	s10 =	sadd.s32 $0x4B00, s18;
	s11 =	sadd.s32 s12, s19  }
0x12: {  	[dreg:$0x6] =	wrdreg s25;
	s16 =	sadd.s32 $0x28500, s19;
	s13 =	sadd.s32 s2, s19  }
0x13: {  	[dreg:$0x7] =	wrdreg s0;
	s26 =	sadd.s32 $0x28000, s19;
	s25 =	sadd.s32 s23, s4  }
0x14: {  	s23 =	sadd.s32 $0x500A, s18;
	s24 =	sadd.s32 $0x5000, s18;
	s15 =	sadd.s32 s12, s16  }
0x15: {  	s16 =	sadd.s32 s2, s16;
	s19 =	sadd.s32 s12, s26;
	s0 =	sadd.s32 s2, s26  }
.Ltmp0:
0x16: {  	[dreg:$0xa] =	wrdreg s25;
	s26 =	sadd.s32 s22, s4;
	(pc) =	sbr.rel .LBB2_1-.Ltmp0, $4  }
0x17: {  	s22 =	smax.u32 s17, $0x1;
	s25 =	sadd.s32 $0x4B1E, s20;
	[dreg:$0x8] =	wrdreg s19  }
0x18: {  	s2 =	simm.s32 $0x50;
	s12 =	simm.s32 $0x3;
	[dreg:$0x9] =	wrdreg s0  }
0x19: {  	s17 =	simm.s32 $0x4;
	s19 =	sadd.s32 $0x4B0A, s18;
	[dreg:$0xb] =	wrdreg s26  }
0x1a: {  	s26 =	sadd.s32 $0x138000, s1;
	s0 =	simm.s32 $0x1;
	s18 =	simm.s32 $0x0  }
.LBB2_8:
0x1b: {  	s4 =	sadd.s32 $0x27000, s4;
	s5 =	sshrl.u32 s26, $0x3  }
0x1c: {  	[hbm:s4], [sflag:s8] =	dma.local [spmem:s5], $0x100  }
0x1d: {  	_ =	swait.ge [sflag:s28], $0x100  }
0x1e: {  	[sflag:s28] =	ssyncset.done $0x0  }
0x1f: {  	[sflag:s28] =	ssyncadd.s32 $0xFFFFFF00  }
.LBB2_9:
0x20: {  	s18 =	sadd.s32 $0x1, s18  }
0x21: {  	p3 =	sne.s32 s18, s22  }
.Ltmp1:
0x22: {  	_ = 	snop;
	(pc) =	sbr.rel @!p3 .LBB2_10-.Ltmp1, $1  }
0x23: {  	_ =	sdelay $0x3  }
.LBB2_1:
0x24: {  	s4 =	rddreg [dreg:$0x5]  }
0x25: {  	s4 =	sshrl.u32 s4, $0x3  }
0x26: {  	[spmem:s4], [sflag:s8] =	dma.local [hbm:s7], $0x2700  }
0x27: {  	_ =	swait.ge [sflag:s28], $0x2700  }
0x28: {  	[sflag:s28] =	ssyncset.done $0x0  }
0x29: {  	s5 =	sshrl.u32 @!p1 s26, $0x3;
	[sflag:s28] =	ssyncadd.s32 $0xFFFFD900  }
0x2a: {  	[spmem:s5], [sflag:s8] =	dma.local @!p1 [hbm:s9], $0x100  }
0x2b: {  	s5 =	simm.s32 @!p1 $0x5  }
.Ltmp2:
0x2c: {  	_ =	swait.ge @!p1 [sflag:s5], $0x100;
	(pc) =	sbr.rel @p0 .LBB2_5-.Ltmp2, $4  }
0x2d: {  	[sflag:s5] =	ssyncset.done @!p1 $0x0  }
0x2e: {  	[sflag:s5] =	ssyncadd.s32 @!p1 $0xFFFFFF00  }
0x2f: {  	s5 =	simm.s32 $0x0;
	[bflag:$0x0] =	sbarrier.arrive $0xFFFF  }
0x30: {  	[tilespmem:s3], [sflag:$0x1] =	stream.linear.gather [hbm4b:s10+s3], $0x50, $0x38;
	[tilespmem:$0x18980] =	vst v63  }
0x31: {  	[tilespmem:s29], [sflag:$0x1] =	stream.linear.gather [hbm4b:s13+s5], $0x2800, $0x38;
	[tilespmem:$0x18980] =	vst v63  }
0x32: {  	_ = 	snop  }
0x33: {  	[tilespmem:s30], [sflag:$0x2] =	stream.linear.gather [hbm4b:s19+s5], $0x50, $0x38;
	[tilespmem:$0x18980] =	vst v63  }
0x34: {  	s6 =	rddreg [dreg:$0x7]  }
0x35: {  	[tilespmem:s31], [sflag:$0x2] =	stream.linear.gather [hbm4b:s6+s5], $0x2800, $0x38;
	[tilespmem:$0x18980] =	vst v63  }
0x36: {  	_ =	swait.ge [sflag:s0], $0x50  }
0x37: {  	[sflag:s0] =	ssyncset.done $0x0  }
0x38: {  	[sflag:s0] =	ssyncadd.s32 $0xFFFFFFB0  }
0x39: {  	_ =	swait.ge [sflag:s0], $0x2800  }
0x3a: {  	[sflag:s0] =	ssyncset.done $0x0  }
0x3b: {  	[sflag:s0] =	ssyncadd.s32 $0xFFFFD800  }
0x3c: {  	[spmem:s1] =	stream.indirect.scatter.add.f32 [tilespmem:s29], [sflag:$0x3], $0x80, s3, s2, $0xb8;
	[tilespmem:$0x18980] =	vst v63  }
0x3d: {  	_ =	swait.ge [sflag:s12], $0x2800  }
0x3e: {  	[sflag:s12] =	ssyncset.done $0x0  }
0x3f: {  	s20 =	sadd.s32 $0x0, s13;
	s6 =	sadd.s32 $0xFFFFFFF6, s25;
	[sflag:s12] =	ssyncadd.s32 $0xFFFFD800  }
0x40: {  	[tilespmem:s3], [sflag:$0x1] =	stream.linear.gather [hbm4b:s6+s3], $0x50, $0x38;
	[tilespmem:$0x18980] =	vst v63  }
0x41: {  	s21 =	sadd.s32 $0xA00, s20  }
0x42: {  	[tilespmem:s29], [sflag:$0x1] =	stream.linear.gather [hbm4b:s21+s3], $0x2800, $0x38;
	[tilespmem:$0x18980] =	vst v63  }
0x43: {  	_ =	swait.ge [sflag:s14], $0x50  }
0x44: {  	[sflag:s14] =	ssyncset.done $0x0  }
0x45: {  	[sflag:s14] =	ssyncadd.s32 $0xFFFFFFB0  }
0x46: {  	_ =	swait.ge [sflag:s14], $0x2800  }
0x47: {  	[sflag:s14] =	ssyncset.done $0x0  }
0x48: {  	[sflag:s14] =	ssyncadd.s32 $0xFFFFD800  }
0x49: {  	[spmem:s1] =	stream.indirect.scatter.add.f32 [tilespmem:s31], [sflag:$0x4], $0x80, s30, s2, $0xb8;
	[tilespmem:$0x18980] =	vst v63  }
0x4a: {  	_ =	swait.ge [sflag:s17], $0x2800  }
0x4b: {  	s5 =	simm.s32 $0xA00;
	[sflag:s17] =	ssyncset.done $0x0  }
0x4c: {  	s21 =	sadd.s32 $0xF00, s20;
	s20 =	sadd.s32 $0x14, s25;
	[sflag:s17] =	ssyncadd.s32 $0xFFFFD800  }
0x4d: {  	[tilespmem:s30], [sflag:$0x2] =	stream.linear.gather [hbm4b:s25+s3], $0x50, $0x38;
	[tilespmem:$0x18980] =	vst v63  }
.LBB2_3:
0x4e: {  	[tilespmem:s31], [sflag:$0x2] =	stream.linear.gather [hbm4b:s21+s3], $0x2800, $0x38;
	[tilespmem:$0x18980] =	vst v63  }
0x4f: {  	s21 =	smov.u32 s5  }
0x50: {  	p3 =	sne.s32 s5, $0x26C00;
	s5 =	sadd.s32 $0xA00, s5;
	_ =	swait.ge [sflag:s0], $0x50  }
0x51: {  	[sflag:s0] =	ssyncset.done $0x0  }
0x52: {  	[sflag:s0] =	ssyncadd.s32 $0xFFFFFFB0  }
0x53: {  	_ =	swait.ge [sflag:s0], $0x2800  }
0x54: {  	[sflag:s0] =	ssyncset.done $0x0  }
0x55: {  	[sflag:s0] =	ssyncadd.s32 $0xFFFFD800  }
0x56: {  	[spmem:s1] =	stream.indirect.scatter.add.f32 [tilespmem:s29], [sflag:$0x3], $0x80, s3, s2, $0xb8;
	[tilespmem:$0x18980] =	vst v63  }
0x57: {  	_ =	swait.ge [sflag:s12], $0x2800  }
0x58: {  	[sflag:s12] =	ssyncset.done $0x0  }
0x59: {  	s6 =	sadd.s32 $0xFFFFFFF6, s20;
	s21 =	sadd.s32 s21, s13;
	[sflag:s12] =	ssyncadd.s32 $0xFFFFD800  }
0x5a: {  	[tilespmem:s3], [sflag:$0x1] =	stream.linear.gather [hbm4b:s6+s3], $0x50, $0x38;
	[tilespmem:$0x18980] =	vst v63  }
0x5b: {  	s6 =	sadd.s32 $0xA00, s21  }
0x5c: {  	[tilespmem:s29], [sflag:$0x1] =	stream.linear.gather [hbm4b:s6+s3], $0x2800, $0x38;
	[tilespmem:$0x18980] =	vst v63  }
0x5d: {  	_ =	swait.ge [sflag:s14], $0x50  }
0x5e: {  	[sflag:s14] =	ssyncset.done $0x0  }
0x5f: {  	[sflag:s14] =	ssyncadd.s32 $0xFFFFFFB0  }
0x60: {  	_ =	swait.ge [sflag:s14], $0x2800  }
0x61: {  	[sflag:s14] =	ssyncset.done $0x0  }
0x62: {  	[sflag:s14] =	ssyncadd.s32 $0xFFFFD800  }
0x63: {  	[spmem:s1] =	stream.indirect.scatter.add.f32 [tilespmem:s31], [sflag:$0x4], $0x80, s30, s2, $0xb8;
	[tilespmem:$0x18980] =	vst v63  }
.Ltmp3:
0x64: {  	_ =	swait.ge [sflag:s17], $0x2800;
	(pc) =	sbr.rel @p3 .LBB2_3-.Ltmp3, $4  }
0x65: {  	[sflag:s17] =	ssyncset.done $0x0  }
0x66: {  	[sflag:s17] =	ssyncadd.s32 $0xFFFFD800  }
0x67: {  	[tilespmem:s30], [sflag:$0x2] =	stream.linear.gather [hbm4b:s20+s3], $0x50, $0x38;
	[tilespmem:$0x18980] =	vst v63  }
0x68: {  	s21 =	sadd.s32 $0xF00, s21;
	s20 =	sadd.s32 $0x14, s20  }
0x69: {  	[tilespmem:s31], [sflag:$0x2] =	stream.linear.gather [hbm4b:s21+s3], $0x2800, $0x38;
	[tilespmem:$0x18980] =	vst v63  }
0x6a: {  	_ =	swait.ge [sflag:s0], $0x50  }
0x6b: {  	[sflag:s0] =	ssyncset.done $0x0  }
0x6c: {  	[sflag:s0] =	ssyncadd.s32 $0xFFFFFFB0  }
0x6d: {  	_ =	swait.ge [sflag:s0], $0x2800  }
0x6e: {  	[sflag:s0] =	ssyncset.done $0x0  }
0x6f: {  	[sflag:s0] =	ssyncadd.s32 $0xFFFFD800  }
0x70: {  	[spmem:s1] =	stream.indirect.scatter.add.f32 [tilespmem:s29], [sflag:$0x3], $0x80, s3, s2, $0xb8;
	[tilespmem:$0x18980] =	vst v63  }
0x71: {  	_ =	swait.ge [sflag:s12], $0x2800  }
0x72: {  	[sflag:s12] =	ssyncset.done $0x0  }
0x73: {  	[sflag:s12] =	ssyncadd.s32 $0xFFFFD800  }
0x74: {  	[tilespmem:s3], [sflag:$0x1] =	stream.linear.gather [hbm4b:s24+s3], $0x50, $0x38;
	[tilespmem:$0x18980] =	vst v63  }
0x75: {  	s5 =	rddreg [dreg:$0x9]  }
0x76: {  	[tilespmem:s29], [sflag:$0x1] =	stream.linear.gather [hbm4b:s5+s3], $0x2800, $0x38;
	[tilespmem:$0x18980] =	vst v63  }
0x77: {  	_ =	swait.ge [sflag:s14], $0x50  }
0x78: {  	[sflag:s14] =	ssyncset.done $0x0  }
0x79: {  	[sflag:s14] =	ssyncadd.s32 $0xFFFFFFB0  }
0x7a: {  	_ =	swait.ge [sflag:s14], $0x2800  }
0x7b: {  	[sflag:s14] =	ssyncset.done $0x0  }
0x7c: {  	[sflag:s14] =	ssyncadd.s32 $0xFFFFD800  }
0x7d: {  	[spmem:s1] =	stream.indirect.scatter.add.f32 [tilespmem:s31], [sflag:$0x4], $0x80, s30, s2, $0xb8;
	[tilespmem:$0x18980] =	vst v63  }
0x7e: {  	_ =	swait.ge [sflag:s17], $0x2800  }
0x7f: {  	[sflag:s17] =	ssyncset.done $0x0  }
0x80: {  	[sflag:s17] =	ssyncadd.s32 $0xFFFFD800  }
0x81: {  	[tilespmem:s30], [sflag:$0x2] =	stream.linear.gather [hbm4b:s23+s3], $0x50, $0x38;
	[tilespmem:$0x18980] =	vst v63  }
0x82: {  	_ = 	snop  }
0x83: {  	[tilespmem:s31], [sflag:$0x2] =	stream.linear.gather [hbm4b:s16+s3], $0x2800, $0x38;
	[tilespmem:$0x18980] =	vst v63  }
0x84: {  	_ =	swait.ge [sflag:s0], $0x50  }
0x85: {  	[sflag:s0] =	ssyncset.done $0x0  }
0x86: {  	[sflag:s0] =	ssyncadd.s32 $0xFFFFFFB0  }
0x87: {  	_ =	swait.ge [sflag:s0], $0x2800  }
0x88: {  	[sflag:s0] =	ssyncset.done $0x0  }
0x89: {  	[sflag:s0] =	ssyncadd.s32 $0xFFFFD800  }
0x8a: {  	[spmem:s1] =	stream.indirect.scatter.add.f32 [tilespmem:s29], [sflag:$0x3], $0x80, s3, s2, $0xb8;
	[tilespmem:$0x18980] =	vst v63  }
0x8b: {  	_ =	swait.ge [sflag:s12], $0x2800  }
0x8c: {  	[sflag:s12] =	ssyncset.done $0x0  }
0x8d: {  	[sflag:s12] =	ssyncadd.s32 $0xFFFFD800  }
0x8e: {  	[tilespmem:s3], [sflag:$0x1] =	stream.linear.gather [hbm4b:s23+s3], $0x50, $0x38;
	[tilespmem:$0x18980] =	vst v63  }
0x8f: {  	_ = 	snop  }
0x90: {  	[tilespmem:s29], [sflag:$0x1] =	stream.linear.gather [hbm4b:s16+s3], $0x2800, $0x38;
	[tilespmem:$0x18980] =	vst v63  }
0x91: {  	_ =	swait.ge [sflag:s14], $0x50  }
0x92: {  	[sflag:s14] =	ssyncset.done $0x0  }
0x93: {  	[sflag:s14] =	ssyncadd.s32 $0xFFFFFFB0  }
0x94: {  	_ =	swait.ge [sflag:s14], $0x2800  }
0x95: {  	[sflag:s14] =	ssyncset.done $0x0  }
0x96: {  	[sflag:s14] =	ssyncadd.s32 $0xFFFFD800  }
0x97: {  	[spmem:s1] =	stream.indirect.scatter.add.f32 [tilespmem:s31], [sflag:$0x4], $0x80, s30, s2, $0xb8;
	[tilespmem:$0x18980] =	vst v63  }
0x98: {  	_ =	swait.ge [sflag:s17], $0x2800  }
0x99: {  	[sflag:s17] =	ssyncset.done $0x0  }
0x9a: {  	[sflag:s17] =	ssyncadd.s32 $0xFFFFD800  }
0x9b: {  	[tilespmem:s30], [sflag:$0x2] =	stream.linear.gather [hbm4b:s23+s3], $0x50, $0x38;
	[tilespmem:$0x18980] =	vst v63  }
0x9c: {  	_ = 	snop  }
0x9d: {  	[tilespmem:s31], [sflag:$0x2] =	stream.linear.gather [hbm4b:s16+s3], $0x2800, $0x38;
	[tilespmem:$0x18980] =	vst v63  }
0x9e: {  	_ =	swait.ge [sflag:s0], $0x50  }
0x9f: {  	[sflag:s0] =	ssyncset.done $0x0  }
0xa0: {  	[sflag:s0] =	ssyncadd.s32 $0xFFFFFFB0  }
0xa1: {  	_ =	swait.ge [sflag:s0], $0x2800  }
0xa2: {  	[sflag:s0] =	ssyncset.done $0x0  }
0xa3: {  	[sflag:s0] =	ssyncadd.s32 $0xFFFFD800  }
0xa4: {  	_ =	swait.ge [sflag:s14], $0x50  }
0xa5: {  	[sflag:s14] =	ssyncset.done $0x0  }
0xa6: {  	[sflag:s14] =	ssyncadd.s32 $0xFFFFFFB0  }
0xa7: {  	_ =	swait.ge [sflag:s14], $0x2800  }
0xa8: {  	[sflag:s14] =	ssyncset.done $0x0  }
0xa9: {  	[sflag:s14] =	ssyncadd.s32 $0xFFFFD800  }
0xaa: {  	[bflag:$0x0] =	sbarrier.arrive $0xFFFF  }
0xab: {  	s21 =	rddreg [dreg:$0xb]  }
0xac: {  	[hbm:s21], [sflag:s8] =	dma.local [spmem:s4], $0x2700  }
.Ltmp4:
0xad: {  	_ = 	snop;
	(pc) =	sbr.rel @p2 .LBB2_8-.Ltmp4, $4  }
.Ltmp5:
0xae: {  	_ = 	snop;
	(pc) =	sbr.rel @!p2 .LBB2_9-.Ltmp5, $4  }
0xaf: {  	_ =	swait.ge [sflag:s28], $0x2700  }
0xb0: {  	[sflag:s28] =	ssyncset.done $0x0  }
0xb1: {  	s4 =	rddreg [dreg:$0x3];
	[sflag:s28] =	ssyncadd.s32 $0xFFFFD900  }
0xb2: {  	_ = 	snop  }
.LBB2_5:
0xb3: {  	[tilespmem:s29], [sflag:$0x1] =	stream.linear.gather [hbm4b:s11+s5], $0x2800, $0x38;
	[tilespmem:$0x18980] =	vst v63  }
0xb4: {  	_ = 	snop  }
0xb5: {  	[tilespmem:s30], [sflag:$0x2] =	stream.linear.gather [hbm4b:s19+s5], $0x50, $0x38;
	[tilespmem:$0x18980] =	vst v63  }
0xb6: {  	s6 =	rddreg [dreg:$0x6]  }
0xb7: {  	[tilespmem:s31], [sflag:$0x2] =	stream.linear.gather [hbm4b:s6+s5], $0x2800, $0x38;
	[tilespmem:$0x18980] =	vst v63  }
0xb8: {  	_ =	swait.ge [sflag:s0], $0x50  }
0xb9: {  	[sflag:s0] =	ssyncset.done $0x0  }
0xba: {  	[sflag:s0] =	ssyncadd.s32 $0xFFFFFFB0  }
0xbb: {  	_ =	swait.ge [sflag:s0], $0x2800  }
0xbc: {  	[sflag:s0] =	ssyncset.done $0x0  }
0xbd: {  	[sflag:s0] =	ssyncadd.s32 $0xFFFFD800  }
0xbe: {  	[spmem:s1] =	stream.indirect.scatter.add.f32 [tilespmem:s29], [sflag:$0x3], $0x80, s3, s2, $0xb8;
	[tilespmem:$0x18980] =	vst v63  }
0xbf: {  	_ =	swait.ge [sflag:s12], $0x2800  }
0xc0: {  	[sflag:s12] =	ssyncset.done $0x0  }
0xc1: {  	s20 =	sadd.s32 $0x0, s11;
	s6 =	sadd.s32 $0xFFFFFFF6, s25;
	[sflag:s12] =	ssyncadd.s32 $0xFFFFD800  }
0xc2: {  	[tilespmem:s3], [sflag:$0x1] =	stream.linear.gather [hbm4b:s6+s3], $0x50, $0x38;
	[tilespmem:$0x18980] =	vst v63  }
0xc3: {  	s21 =	sadd.s32 $0xA00, s20  }
0xc4: {  	[tilespmem:s29], [sflag:$0x1] =	stream.linear.gather [hbm4b:s21+s3], $0x2800, $0x38;
	[tilespmem:$0x18980] =	vst v63  }
0xc5: {  	_ =	swait.ge [sflag:s14], $0x50  }
0xc6: {  	[sflag:s14] =	ssyncset.done $0x0  }
0xc7: {  	[sflag:s14] =	ssyncadd.s32 $0xFFFFFFB0  }
0xc8: {  	_ =	swait.ge [sflag:s14], $0x2800  }
0xc9: {  	[sflag:s14] =	ssyncset.done $0x0  }
0xca: {  	[sflag:s14] =	ssyncadd.s32 $0xFFFFD800  }
0xcb: {  	[spmem:s1] =	stream.indirect.scatter.add.f32 [tilespmem:s31], [sflag:$0x4], $0x80, s30, s2, $0xb8;
	[tilespmem:$0x18980] =	vst v63  }
0xcc: {  	_ =	swait.ge [sflag:s17], $0x2800  }
0xcd: {  	s5 =	simm.s32 $0xA00;
	[sflag:s17] =	ssyncset.done $0x0  }
0xce: {  	s21 =	sadd.s32 $0xF00, s20;
	s20 =	sadd.s32 $0x14, s25;
	[sflag:s17] =	ssyncadd.s32 $0xFFFFD800  }
0xcf: {  	[tilespmem:s30], [sflag:$0x2] =	stream.linear.gather [hbm4b:s25+s3], $0x50, $0x38;
	[tilespmem:$0x18980] =	vst v63  }
.LBB2_6:
0xd0: {  	[tilespmem:s31], [sflag:$0x2] =	stream.linear.gather [hbm4b:s21+s3], $0x2800, $0x38;
	[tilespmem:$0x18980] =	vst v63  }
0xd1: {  	s6 =	smov.u32 s5  }
0xd2: {  	p3 =	sne.s32 s5, $0x26C00;
	s5 =	sadd.s32 $0xA00, s5;
	_ =	swait.ge [sflag:s0], $0x50  }
0xd3: {  	[sflag:s0] =	ssyncset.done $0x0  }
0xd4: {  	[sflag:s0] =	ssyncadd.s32 $0xFFFFFFB0  }
0xd5: {  	_ =	swait.ge [sflag:s0], $0x2800  }
0xd6: {  	[sflag:s0] =	ssyncset.done $0x0  }
0xd7: {  	[sflag:s0] =	ssyncadd.s32 $0xFFFFD800  }
0xd8: {  	[spmem:s1] =	stream.indirect.scatter.add.f32 [tilespmem:s29], [sflag:$0x3], $0x80, s3, s2, $0xb8;
	[tilespmem:$0x18980] =	vst v63  }
0xd9: {  	_ =	swait.ge [sflag:s12], $0x2800  }
0xda: {  	[sflag:s12] =	ssyncset.done $0x0  }
0xdb: {  	s21 =	sadd.s32 $0xFFFFFFF6, s20;
	s6 =	sadd.s32 s6, s11;
	[sflag:s12] =	ssyncadd.s32 $0xFFFFD800  }
0xdc: {  	[tilespmem:s3], [sflag:$0x1] =	stream.linear.gather [hbm4b:s21+s3], $0x50, $0x38;
	[tilespmem:$0x18980] =	vst v63  }
0xdd: {  	s21 =	sadd.s32 $0xA00, s6  }
0xde: {  	[tilespmem:s29], [sflag:$0x1] =	stream.linear.gather [hbm4b:s21+s3], $0x2800, $0x38;
	[tilespmem:$0x18980] =	vst v63  }
0xdf: {  	_ =	swait.ge [sflag:s14], $0x50  }
0xe0: {  	[sflag:s14] =	ssyncset.done $0x0  }
0xe1: {  	[sflag:s14] =	ssyncadd.s32 $0xFFFFFFB0  }
0xe2: {  	_ =	swait.ge [sflag:s14], $0x2800  }
0xe3: {  	[sflag:s14] =	ssyncset.done $0x0  }
0xe4: {  	[sflag:s14] =	ssyncadd.s32 $0xFFFFD800  }
0xe5: {  	[spmem:s1] =	stream.indirect.scatter.add.f32 [tilespmem:s31], [sflag:$0x4], $0x80, s30, s2, $0xb8;
	[tilespmem:$0x18980] =	vst v63  }
.Ltmp6:
0xe6: {  	_ =	swait.ge [sflag:s17], $0x2800;
	(pc) =	sbr.rel @p3 .LBB2_6-.Ltmp6, $4  }
0xe7: {  	[sflag:s17] =	ssyncset.done $0x0  }
0xe8: {  	[sflag:s17] =	ssyncadd.s32 $0xFFFFD800  }
0xe9: {  	[tilespmem:s30], [sflag:$0x2] =	stream.linear.gather [hbm4b:s20+s3], $0x50, $0x38;
	[tilespmem:$0x18980] =	vst v63  }
0xea: {  	s21 =	sadd.s32 $0xF00, s6;
	s20 =	sadd.s32 $0x14, s20  }
0xeb: {  	[tilespmem:s31], [sflag:$0x2] =	stream.linear.gather [hbm4b:s21+s3], $0x2800, $0x38;
	[tilespmem:$0x18980] =	vst v63  }
0xec: {  	_ =	swait.ge [sflag:s0], $0x50  }
0xed: {  	[sflag:s0] =	ssyncset.done $0x0  }
0xee: {  	[sflag:s0] =	ssyncadd.s32 $0xFFFFFFB0  }
0xef: {  	_ =	swait.ge [sflag:s0], $0x2800  }
0xf0: {  	[sflag:s0] =	ssyncset.done $0x0  }
0xf1: {  	[sflag:s0] =	ssyncadd.s32 $0xFFFFD800  }
0xf2: {  	[spmem:s1] =	stream.indirect.scatter.add.f32 [tilespmem:s29], [sflag:$0x3], $0x80, s3, s2, $0xb8;
	[tilespmem:$0x18980] =	vst v63  }
0xf3: {  	_ =	swait.ge [sflag:s12], $0x2800  }
0xf4: {  	[sflag:s12] =	ssyncset.done $0x0  }
0xf5: {  	[sflag:s12] =	ssyncadd.s32 $0xFFFFD800  }
0xf6: {  	[tilespmem:s3], [sflag:$0x1] =	stream.linear.gather [hbm4b:s24+s3], $0x50, $0x38;
	[tilespmem:$0x18980] =	vst v63  }
0xf7: {  	s5 =	rddreg [dreg:$0x8]  }
0xf8: {  	[tilespmem:s29], [sflag:$0x1] =	stream.linear.gather [hbm4b:s5+s3], $0x2800, $0x38;
	[tilespmem:$0x18980] =	vst v63  }
0xf9: {  	_ =	swait.ge [sflag:s14], $0x50  }
0xfa: {  	[sflag:s14] =	ssyncset.done $0x0  }
0xfb: {  	[sflag:s14] =	ssyncadd.s32 $0xFFFFFFB0  }
0xfc: {  	_ =	swait.ge [sflag:s14], $0x2800  }
0xfd: {  	[sflag:s14] =	ssyncset.done $0x0  }
0xfe: {  	[sflag:s14] =	ssyncadd.s32 $0xFFFFD800  }
0xff: {  	[spmem:s1] =	stream.indirect.scatter.add.f32 [tilespmem:s31], [sflag:$0x4], $0x80, s30, s2, $0xb8;
	[tilespmem:$0x18980] =	vst v63  }
0x100: {  	_ =	swait.ge [sflag:s17], $0x2800  }
0x101: {  	[sflag:s17] =	ssyncset.done $0x0  }
0x102: {  	[sflag:s17] =	ssyncadd.s32 $0xFFFFD800  }
0x103: {  	[tilespmem:s30], [sflag:$0x2] =	stream.linear.gather [hbm4b:s23+s3], $0x50, $0x38;
	[tilespmem:$0x18980] =	vst v63  }
0x104: {  	_ = 	snop  }
0x105: {  	[tilespmem:s31], [sflag:$0x2] =	stream.linear.gather [hbm4b:s15+s3], $0x2800, $0x38;
	[tilespmem:$0x18980] =	vst v63  }
0x106: {  	_ =	swait.ge [sflag:s0], $0x50  }
0x107: {  	[sflag:s0] =	ssyncset.done $0x0  }
0x108: {  	[sflag:s0] =	ssyncadd.s32 $0xFFFFFFB0  }
0x109: {  	_ =	swait.ge [sflag:s0], $0x2800  }
0x10a: {  	[sflag:s0] =	ssyncset.done $0x0  }
0x10b: {  	[sflag:s0] =	ssyncadd.s32 $0xFFFFD800  }
0x10c: {  	[spmem:s1] =	stream.indirect.scatter.add.f32 [tilespmem:s29], [sflag:$0x3], $0x80, s3, s2, $0xb8;
	[tilespmem:$0x18980] =	vst v63  }
0x10d: {  	_ =	swait.ge [sflag:s12], $0x2800  }
0x10e: {  	[sflag:s12] =	ssyncset.done $0x0  }
0x10f: {  	[sflag:s12] =	ssyncadd.s32 $0xFFFFD800  }
0x110: {  	[tilespmem:s3], [sflag:$0x1] =	stream.linear.gather [hbm4b:s23+s3], $0x50, $0x38;
	[tilespmem:$0x18980] =	vst v63  }
0x111: {  	_ = 	snop  }
0x112: {  	[tilespmem:s29], [sflag:$0x1] =	stream.linear.gather [hbm4b:s15+s3], $0x2800, $0x38;
	[tilespmem:$0x18980] =	vst v63  }
0x113: {  	_ =	swait.ge [sflag:s14], $0x50  }
0x114: {  	[sflag:s14] =	ssyncset.done $0x0  }
0x115: {  	[sflag:s14] =	ssyncadd.s32 $0xFFFFFFB0  }
0x116: {  	_ =	swait.ge [sflag:s14], $0x2800  }
0x117: {  	[sflag:s14] =	ssyncset.done $0x0  }
0x118: {  	[sflag:s14] =	ssyncadd.s32 $0xFFFFD800  }
0x119: {  	[spmem:s1] =	stream.indirect.scatter.add.f32 [tilespmem:s31], [sflag:$0x4], $0x80, s30, s2, $0xb8;
	[tilespmem:$0x18980] =	vst v63  }
0x11a: {  	_ =	swait.ge [sflag:s17], $0x2800  }
0x11b: {  	[sflag:s17] =	ssyncset.done $0x0  }
0x11c: {  	[sflag:s17] =	ssyncadd.s32 $0xFFFFD800  }
0x11d: {  	[tilespmem:s30], [sflag:$0x2] =	stream.linear.gather [hbm4b:s23+s3], $0x50, $0x38;
	[tilespmem:$0x18980] =	vst v63  }
0x11e: {  	_ = 	snop  }
0x11f: {  	[tilespmem:s31], [sflag:$0x2] =	stream.linear.gather [hbm4b:s15+s3], $0x2800, $0x38;
	[tilespmem:$0x18980] =	vst v63  }
0x120: {  	_ =	swait.ge [sflag:s0], $0x50  }
0x121: {  	[sflag:s0] =	ssyncset.done $0x0  }
0x122: {  	[sflag:s0] =	ssyncadd.s32 $0xFFFFFFB0  }
0x123: {  	_ =	swait.ge [sflag:s0], $0x2800  }
0x124: {  	[sflag:s0] =	ssyncset.done $0x0  }
0x125: {  	[sflag:s0] =	ssyncadd.s32 $0xFFFFD800  }
0x126: {  	_ =	swait.ge [sflag:s14], $0x50  }
0x127: {  	[sflag:s14] =	ssyncset.done $0x0  }
0x128: {  	[sflag:s14] =	ssyncadd.s32 $0xFFFFFFB0  }
0x129: {  	_ =	swait.ge [sflag:s14], $0x2800  }
0x12a: {  	[sflag:s14] =	ssyncset.done $0x0  }
0x12b: {  	[sflag:s14] =	ssyncadd.s32 $0xFFFFD800  }
0x12c: {  	[bflag:$0x0] =	sbarrier.arrive $0xFFFF  }
0x12d: {  	s21 =	rddreg [dreg:$0xa]  }
0x12e: {  	[hbm:s21], [sflag:s8] =	dma.local [spmem:s4], $0x2700  }
.Ltmp7:
0x12f: {  	_ = 	snop;
	(pc) =	sbr.rel @p1 .LBB2_9-.Ltmp7, $4  }
.Ltmp8:
0x130: {  	_ = 	snop;
	(pc) =	sbr.rel @!p1 .LBB2_8-.Ltmp8, $4  }
0x131: {  	_ =	swait.ge [sflag:s28], $0x2700  }
0x132: {  	[sflag:s28] =	ssyncset.done $0x0  }
0x133: {  	s4 =	rddreg [dreg:$0x4];
	[sflag:s28] =	ssyncadd.s32 $0xFFFFD900  }
0x134: {  	_ = 	snop  }
.LBB2_10:
0x135: {  	_ =	sfence.sel $0x180000  }
0x136: {  	[bflag:$0x0] =	sbarrier.arrive $0xFFFF  }
0x137: {  	_ =	strace $0x9000004D  }
0x138: {  	s0 =	stileid.u32;
	[bflag:$0x2] =	sbarrier.arrive $0xFFFF  }
0x139: {  	p0 =	sne.s32 s0, $0x0;
	s0 =	rddreg [dreg:$0x2]  }
0x13a: {  	s0 =	sadd.s32 @!p0 $0x100000, s0  }
0x13b: {  	[sflag:s0] =	ssyncadd.tile.s32 @!p0 $0x1;
	_ =	shalt  }
.Lfunc_end2:
_tile_overlayer_lowered:
.L_overlay_start_2:
0x13c: {  	(tag) =	ssettag $0x2  }
0x13d: {  	s0 =	rddreg [dreg:$0x0];
	s2 =	stileid.u32  }
0x13e: {  	s1 =	rddreg [dreg:$0x1];
	p0 =	sne.s32 s2, $0x0  }
0x13f: {  	s3 =	rddreg [dreg:$0x2];
	[bflag:$0x3] =	sbarrier.arrive $0xFFFF;
	s2 =	simm.s32 @!p0 $0x1C05  }
0x140: {  	[timem:s3], [sflag:s2] =	dma.local @!p0 [hbm:s0], s1  }
0x141: {  	s0 =	simm.s32 @!p0 $0x5  }
0x142: {  	_ =	swait.ge @!p0 [sflag:s0], s1  }
0x143: {  	s1 =	ssub.s32 @!p0 $0x0, s1;
	[sflag:s0] =	ssyncset.done @!p0 $0x0  }
0x144: {  	[sflag:s0] =	ssyncadd.s32 @!p0 s1  }
0x145: {  	[bflag:$0x3] =	sbarrier.arrive $0xFFFF  }
0x146: {  	_ =	shalt  }

// kernel: kernel.9.cloned.1.call-start
scs
__scs_entry_jumppad:
0x0: {  	(pc) =	sbr.rel $0x88, $3  }
0x1: {  	(tag) =	ssettag $0x0;
	lr =	simm.s32 $0x1  }
0x2: {  	[smem:$0x3F8E] =	sst lr;
	_ =	strace $0xD0000000  }
0x3: {  	_ = 	snop  }
0x4: {  	_ = 	snop  }
0x5: {  	_ = 	snop  }
0x6: {  	_ = 	snop  }
0x7: {  	_ = 	snop  }
__scs_overlays_trampoline_lowered:
0x8: {  	[smem:$0x3F9D] =	sst s0  }
0x9: {  	[smem:$0x3F9E] =	sst s1  }
0xa: {  	[smem:$0x3F9F] =	sst s2  }
0xb: {  	[smem:$0x3FA0] =	sst s3  }
0xc: {  	[smem:$0x3FA1] =	sst s4  }
0xd: {  	[smem:$0x3FA2] =	sst s5  }
0xe: {  	[smem:$0x3FA3] =	sst s6  }
0xf: {  	[smem:$0x3FA4] =	sst s7  }
0x10: {  	[smem:$0x3FA5] =	sst s8  }
0x11: {  	[smem:$0x3FA6] =	sst s9;
	s0 =	simm.s32 @!p0 $0x0  }
0x12: {  	s1 =	sld [smem:$0x3F8C];
	s0 =	simm.s32 @p0 $0x1  }
0x13: {  	[smem:$0x3FA7] =	sst s0;
	s0 =	simm.s32 @!p1 $0x0  }
0x14: {  	s2 =	sld [smem:$0x3F8B];
	s0 =	simm.s32 @p1 $0x1  }
0x15: {  	[smem:$0x3FA8] =	sst s0;
	s0 =	simm.s32 @!p2 $0x0  }
0x16: {  	s3 =	sld [smem:$0x3FDB];
	s0 =	simm.s32 @p2 $0x1  }
0x17: {  	s4 =	simm.s32 $0x1BF5;
	[smem:$0x3FAA] =	sst s0  }
0x18: {  	s0 =	sld [smem:$0x3F8D];
	_ =	swait.ge [sflag:s4], $0x0  }
0x19: {  	s7 =	sld [smem:$0x3F8E]  }
0x1a: {  	s8 =	sadd.s32 $0xFFFFE003, lr  }
0x1b: {  	s9 =	sadd.s32 $0xFFFFFEF7, lr;
	s5 =	simm.s32 $0xFFFFFFFF;
	p2 =	slt.u32 s8, $0xFFFFF086  }
0x1c: {  	p1 =	slt.u32 s9, $0xF7A;
	s5 =	simm.s32 @!p2 $0x0  }
0x1d: {  	s5 =	simm.s32 @p1 $0x1;
	p0 =	seq.s32 s7, s2  }
0x1e: {  	s7 =	smul.u32 @!p0 $0xF7A, s2;
	p2 =	seq.s32 @!p0 s5, $0x0  }
0x1f: {  	s9 =	smul.u32 $0xF7A, s1;
	s8 =	simm.s32 @!p0 $0x1BF5;
	p2 =	por !p2, p0  }
0x20: {  	[sflag:s8] =	ssyncset.s32 @!p0 $0xFFFFF086;
	s6 =	sadd.s32 @!p0 s3, s7;
	s7 =	simm.s32 @!p0 $0x108  }
0x21: {  	s3 =	sadd.s32 s3, s9;
	s6 =	sadd.s32 @!p0 $0x88, s6;
	s7 =	simm.s32 @p2 $0x1082  }
0x22: {  	[simem:s7], [sflag:s8] =	dma.local @!p0 [hbm:s6], $0xF7A  }
0x23: {  	s9 =	sor.u32 $0xD0000000, s2;
	s6 =	simm.s32 $0x108;
	_ =	swait.ge @!p0 [sflag:s8], $0x0  }
0x24: {  	s3 =	sadd.s32 $0x88, s3;
	s6 =	simm.s32 @!p1 $0x1082;
	[sflag:s4] =	ssyncset.s32 $0xFFFFF086  }
0x25: {  	[simem:s6], [sflag:s4] =	dma.local [hbm:s3], $0xF7A  }
0x26: {  	[smem:$0x3F8E] =	sst s1;
	(tag) =	ssettag s2;
	_ =	strace s9  }
0x27: {  	s1 =	sld [smem:$0x3F9E]  }
0x28: {  	s2 =	sld [smem:$0x3F9F]  }
0x29: {  	s4 =	sld [smem:$0x3FA1]  }
0x2a: {  	p0 =	seq.s32 s5, $0x0;
	s5 =	sld [smem:$0x3FA2]  }
0x2b: {  	s6 =	sld [smem:$0x3FA3]  }
0x2c: {  	s7 =	sld [smem:$0x3FA4]  }
0x2d: {  	s3 =	simm.s32 $0x108;
	s8 =	sld [smem:$0x3FA5]  }
0x2e: {  	s3 =	simm.s32 @!p0 $0x1082;
	s9 =	sld [smem:$0x3FA6]  }
0x2f: {  	lr =	sadd.s32 s0, s3;
	s0 =	sld [smem:$0x3F9D]  }
0x30: {  	s3 =	sld [smem:$0x3FA0]  }
0x31: {  	[smem:$0x3FA9] =	sst s10  }
0x32: {  	s10 =	sld [smem:$0x3FA7];
	_ =	sdelay $0x3  }
0x33: {  	p0 =	seq.s32 s10, $0x1;
	s10 =	sld [smem:$0x3FA9];
	_ =	sdelay $0x3  }
0x34: {  	[smem:$0x3FA9] =	sst s10  }
0x35: {  	s10 =	sld [smem:$0x3FA8];
	_ =	sdelay $0x3  }
0x36: {  	p1 =	seq.s32 s10, $0x1;
	s10 =	sld [smem:$0x3FA9];
	_ =	sdelay $0x3  }
0x37: {  	[smem:$0x3FA9] =	sst s10  }
0x38: {  	s10 =	sld [smem:$0x3FAA]  }
0x39: {  	_ = 	snop;
	(pc) =	sbr.ind lr, $3  }
0x3a: {  	_ = 	snop  }
0x3b: {  	_ = 	snop  }
0x3c: {  	p2 =	seq.s32 s10, $0x1;
	s10 =	sld [smem:$0x3FA9]  }
0x3d: {  	_ =	shalt  }
0x3e: {  	_ =	shalt  }
0x3f: {  	_ =	shalt  }
0x40: {  	_ =	shalt  }
0x41: {  	_ =	shalt  }
0x42: {  	_ =	shalt  }
0x43: {  	_ =	shalt  }
0x44: {  	_ =	shalt  }
0x45: {  	_ =	shalt  }
0x46: {  	_ =	shalt  }
0x47: {  	_ =	shalt  }
0x48: {  	_ =	shalt  }
0x49: {  	_ =	shalt  }
0x4a: {  	_ =	shalt  }
0x4b: {  	_ =	shalt  }
0x4c: {  	_ =	shalt  }
0x4d: {  	_ =	shalt  }
0x4e: {  	_ =	shalt  }
0x4f: {  	_ =	shalt  }
0x50: {  	_ =	shalt  }
0x51: {  	_ =	shalt  }
0x52: {  	_ =	shalt  }
0x53: {  	_ =	shalt  }
0x54: {  	_ =	shalt  }
0x55: {  	_ =	shalt  }
0x56: {  	_ =	shalt  }
0x57: {  	_ =	shalt  }
0x58: {  	_ =	shalt  }
0x59: {  	_ =	shalt  }
0x5a: {  	_ =	shalt  }
0x5b: {  	_ =	shalt  }
0x5c: {  	_ =	shalt  }
0x5d: {  	_ =	shalt  }
0x5e: {  	_ =	shalt  }
0x5f: {  	_ =	shalt  }
0x60: {  	_ =	shalt  }
0x61: {  	_ =	shalt  }
0x62: {  	_ =	shalt  }
0x63: {  	_ =	shalt  }
0x64: {  	_ =	shalt  }
0x65: {  	_ =	shalt  }
0x66: {  	_ =	shalt  }
0x67: {  	_ =	shalt  }
0x68: {  	_ =	shalt  }
0x69: {  	_ =	shalt  }
0x6a: {  	_ =	shalt  }
0x6b: {  	_ =	shalt  }
0x6c: {  	_ =	shalt  }
0x6d: {  	_ =	shalt  }
0x6e: {  	_ =	shalt  }
0x6f: {  	_ =	shalt  }
0x70: {  	_ =	shalt  }
0x71: {  	_ =	shalt  }
0x72: {  	_ =	shalt  }
0x73: {  	_ =	shalt  }
0x74: {  	_ =	shalt  }
0x75: {  	_ =	shalt  }
0x76: {  	_ =	shalt  }
0x77: {  	_ =	shalt  }
0x78: {  	_ =	shalt  }
0x79: {  	_ =	shalt  }
0x7a: {  	_ =	shalt  }
0x7b: {  	_ =	shalt  }
0x7c: {  	_ =	shalt  }
0x7d: {  	_ =	shalt  }
0x7e: {  	_ =	shalt  }
0x7f: {  	_ =	shalt  }
0x80: {  	_ =	shalt  }
0x81: {  	_ =	shalt  }
0x82: {  	_ =	shalt  }
0x83: {  	_ =	shalt  }
0x84: {  	_ =	shalt  }
0x85: {  	_ =	shalt  }
0x86: {  	_ =	shalt  }
0x87: {  	_ =	shalt  }
.Lfunc_end0:
.L_simem_size_0:
called_computation_lowered:
.L_overlay_start_0:
0x88: {  	s2 =	sld [smem:$0x3FD9]  }
0x89: {  	s3 =	sld [smem:$0x3FFE];
	_ =	sdelay $0x1  }
0x8a: {  	s1 =	srdreg.scid  }
0x8b: {  	s0 =	sand.u32 $0x1, s1  }
0x8c: {  	s15 =	sshll.u32 s0, $0xA;
	s2 =	sadd.s32 s3, s2  }
0x8d: {  	s2 =	sadd.s32 s2, s15  }
0x8e: {  	[smem:$0x3FB5] =	sst s2  }
0x8f: {  	_ = 	snop  }
0x90: {  	s16 =	sld [smem:$0x3FD0];
	_ =	sdelay $0x2  }
0x91: {  	s4 =	simm.s32 $0xB;
	s5 =	simm.s32 $0x10;
	s2 =	sld [smem:$0x3FC9]  }
0x92: {  	[smem:s5], [sflag:s4] =	dma.local [hbm:s16], $0x1  }
0x93: {  	_ =	swait.eq [sflag:s4], $0x1  }
0x94: {  	[sflag:s4] =	ssyncset.done $0x0  }
0x95: {  	[sflag:s4] =	ssyncadd.s32 $0xFFFFFFFF  }
0x96: {  	s17 =	sld [smem:$0x10];
	(tm) =	ssettm $0x1  }
0x97: {  	s18 =	sld [smem:$0x3FFB];
	_ =	sdelay $0x3  }
0x98: {  	_ =	strace s18  }
0x99: {  	s3 =	sld [smem:$0x3FFC];
	_ =	sdelay $0x3  }
0x9a: {  	_ =	strace s3  }
0x9b: {  	s3 =	sld [smem:$0x3FFD];
	_ =	sdelay $0x3  }
0x9c: {  	_ =	strace s3  }
0x9d: {  	_ =	strace $0x8FFFFFFF  }
0x9e: {  	s19 =	sld [smem:$0x3FDB];
	_ =	sdelay $0x1  }
0x9f: {  	s20 =	simm.s32 $_scs_section_size  }
0xa0: {  	s6 =	simm.s32 $_size__tile_overlayer_lowered;
	s7 =	simm.s32 $_tile_overlayer_lowered  }
0xa1: {  	s8 =	simm.s32 $0x1BFF;
	s21 =	sshll.u32 s7, $0x1;
	s5 =	sadd.s32 s20, s19  }
0xa2: {  	s22 =	simm.s32 $0x0;
	s6 =	sshll.u32 s6, $0x1;
	s7 =	sadd.s32 s21, s5  }
0xa3: {  	[timem:s22], [sflag:s8] =	dma.local [hbm:s7], s6  }
0xa4: {  	_ =	swait.ge [sflag:s8], s6  }
0xa5: {  	s6 =	ssub.s32 $0x0, s6;
	[sflag:s8] =	ssyncset.done $0x0  }
0xa6: {  	[sflag:s8] =	ssyncadd.s32 s6;
	_ =	sdelay $0x1  }
0xa7: {  	s23 =	simm.s32 $0x1B8B  }
0xa8: {  	_ =	swait.ge [sflag:s23], $0x1  }
0xa9: {  	[sflag:s23] =	ssyncset.done $0x0  }
0xaa: {  	[sflag:s23] =	ssyncadd.s32 $0xFFFFFFFF  }
0xab: {  	s6 =	sld [smem:$0x0]  }
0xac: {  	s7 =	sand.u32 $0xFFFFFFFE, s1  }
0xad: {  	p0 =	sne.s32 s1, s7  }
0xae: {  	s7 =	sshll.u32 @p0 s7, $0xE  }
0xaf: {  	s7 =	sadd.s32 @p0 $0x11B8D, s7;
	s8 =	sshll.u32 @p0 s6, $0x11  }
0xb0: {  	s7 =	sor.u32 @p0 s8, s7  }
0xb1: {  	[sflag:s7] =	ssyncadd.remote.s32 @p0 $0x1;
	_ =	sdelay $0x1  }
0xb2: {  	s7 =	simm.s32 @p0 $0x1B8D  }
0xb3: {  	_ =	swait.eq @p0 [sflag:s7], $0x1  }
0xb4: {  	[sflag:s7] =	ssyncadd.s32 @p0 $0xFFFFFFFF  }
0xb5: {  	s8 =	sshll.u32 @!p0 s1, $0xE  }
0xb6: {  	s8 =	sor.u32 @!p0 $0x4000, s8;
	s7 =	simm.s32 @!p0 $0x1B8D  }
0xb7: {  	s6 =	sshll.u32 @!p0 s6, $0x11;
	s8 =	sadd.s32 @!p0 $0x11B8D, s8;
	_ =	swait.eq @!p0 [sflag:s7], $0x1  }
0xb8: {  	s6 =	sor.u32 @!p0 s6, s8;
	[sflag:s7] =	ssyncadd.s32 @!p0 $0xFFFFFFFF  }
0xb9: {  	s25 =	simm.s32 $0x1B8E;
	s24 =	sld [smem:$0x3FFE];
	[sflag:s6] =	ssyncadd.remote.s32 @!p0 $0x1  }
0xba: {  	s26 =	simm.s32 $execute0_lowered;
	[smem:$0x3FD2] =	sst s25  }
0xbb: {  	s7 =	sshll.u32 s26, $0x1;
	_ =	strace $0x80000049;
	[dreg:$0x1] =	wrdreg $0xFFFFFFFF  }
0xbc: {  	s28 =	simm.s32 $_size_execute0_lowered;
	s5 =	sadd.s32 s5, s7;
	[dreg:$0x0] =	wrdreg $0x0  }
0xbd: {  	s7 =	sshll.u32 s28, $0x1;
	[dreg:$0x2] =	wrdreg s5  }
0xbe: {  	[dreg:$0x3] =	wrdreg s7  }
0xbf: {  	[dreg:$0x4] =	wrdreg $0xC0  }
0xc0: {  	_ =	task [dreg:s22], $0x5FFFF  }
0xc1: {  	[dreg:$0x1] =	wrdreg $0xFFFFFFFF  }
0xc2: {  	[dreg:$0x0] =	wrdreg $0x60  }
0xc3: {  	[dreg:$0x2] =	wrdreg s2  }
0xc4: {  	[dreg:$0x3] =	wrdreg s17  }
0xc5: {  	[dreg:$0x4] =	wrdreg s24  }
0xc6: {  	[dreg:$0x5] =	wrdreg $0x9  }
0xc7: {  	_ =	task.clear_ibuf [dreg:s22], $0x6FFFF;
	_ =	strace $0x90000049  }
0xc8: {  	s29 =	simm.s32 $0x9;
	_ =	strace $0x8000004B  }
0xc9: {  	_ =	swait.ge [sflag:s29], $0x1  }
0xca: {  	[sflag:s29] =	ssyncadd.s32 $0xFFFFFFFF  }
0xcb: {  	_ =	strace $0x9000004B  }
0xcc: {  	_ =	sfence  }
0xcd: {  	s30 =	sld [smem:$0x0];
	_ =	sdelay $0x2  }
0xce: {  	s31 =	sshll.u32 s1, $0xD;
	s1 =	sshrl.u32 s1, $0x2  }
0xcf: {  	s4 =	sand.u32 $0x4000, s31;
	s1 =	sadd.s32 s1, s30  }
0xd0: {  	s0 =	sor.u32 s4, s0;
	s1 =	sshll.u32 s1, $0x11  }
0xd1: {  	s0 =	sor.u32 s1, s0  }
0xd2: {  	s0 =	sadd.s32 $0x8F2B, s0  }
0xd3: {  	[sflag:s0] =	ssyncadd.remote.s32 $0x1  }
0xd4: {  	_ =	sfence.sel $0xFFFF  }
0xd5: {  	[dreg:$0x0] =	wrdreg $0xFFFFFFFF;
	(pc) =	sbr.abs _section_cstart, $3  }
0xd6: {  	[dreg:$0x1] =	wrdreg $0xFFFFFFFF  }
0xd7: {  	_ =	task.clear_ibuf [dreg:s22], $0x2FFFF;
	_ =	strace $0x9FFFFFFF  }
0xd8: {  	(tm) =	ssettm $0x7FFFFFFF  }
0xd9: {  	_ =	shalt  }
tec
execute0_lowered:
.L_overlay_start_1:
0x0: {  	(tag) =	ssettag $0x1  }
0x1: {  	s1 =	rddreg [dreg:$0x0]  }
0x2: {  	s2 =	rddreg [dreg:$0x1]  }
0x3: {  	s0 =	rddreg [dreg:$0x2]  }
0x4: {  	s4 =	simm.s32 $0x0;
	s3 =	srdreg.scid;
	s5 =	stileid.u32  }
0x5: {  	s30 =	simm.s32 $0x100;
	s31 =	simm.s32 $0x1;
	s28 =	simm.s32 $0x6  }
0x6: {  	[smem:$0x7FF] =	sst s4;
	s6 =	sshll.u32 s5, $0x1;
	s5 =	sadd.s32 $0x7C00, s0  }
0x7: {  	s3 =	sand.u32 $0x1, s3;
	s7 =	sadd.s32 $0x7B9800, s0;
	s9 =	sadd.s32 $0xA11800, s0  }
0x8: {  	s10 =	sadd.s32 $0xC69800, s0;
	s8 =	sor.u32 s3, s6;
	s14 =	ssub.s32 $0x2, s3  }
0x9: {  	_ =	strace $0x8000004A;
	s11 =	smul.u32 $0x12C0, s8;
	s3 =	sshrl.u32 s14, $0x1  }
0xa: {  	s6 =	sadd.s32 $0x11A00, s0;
	s8 =	smul.u32 $0x12C00, s8;
	s0 =	ssub.s32 s14, s3  }
0xb: {  	s12 =	sshrl.u32 s11, $0x3;
	s18 =	sadd.s32 $0xA0, s11;
	[dreg:$0x4] =	wrdreg s11  }
0xc: {  	s13 =	sadd.s32 $0x50, s11;
	s21 =	sadd.s32 s7, s8;
	[dreg:$0x8] =	wrdreg s18  }
0xd: {  	s20 =	sadd.s32 $0xF0, s11;
	s22 =	sadd.s32 s9, s8;
	[dreg:$0xd] =	wrdreg s21  }
0xe: {  	s8 =	sadd.s32 s10, s8;
	s0 =	smax.u32 s0, $0x1;
	[dreg:$0xe] =	wrdreg s22  }
0xf: {  	s11 =	simm.s32 $0x0;
	s15 =	sadd.s32 s5, s12;
	[dreg:$0xc] =	wrdreg s20  }
0x10: {  	s16 =	sshrl.u32 s13, $0x3;
	s12 =	sadd.s32 s6, s12;
	[dreg:$0xf] =	wrdreg s8  }
0x11: {  	s19 =	sshrl.u32 s18, $0x3;
	s24 =	sshll.u32 s13, $0x4;
	[dreg:$0x15] =	wrdreg s0  }
0x12: {  	s0 =	simm.s32 $0x50;
	s18 =	simm.s32 $0x3;
	[dreg:$0x5] =	wrdreg s15  }
0x13: {  	s21 =	simm.s32 $0x2A00;
	[dreg:$0x6] =	wrdreg s12;
	s17 =	sadd.s32 s5, s16  }
0x14: {  	s22 =	simm.s32 $0x7A00;
	s3 =	sadd.s32 s6, s16;
	[dreg:$0x7] =	wrdreg s17  }
0x15: {  	s12 =	sadd.s32 s5, s19;
	s25 =	sadd.s32 s7, s24;
	[dreg:$0x9] =	wrdreg s3  }
0x16: {  	s26 =	sadd.s32 s9, s24;
	s29 =	sadd.s32 s10, s24;
	[dreg:$0xa] =	wrdreg s12  }
0x17: {  	s16 =	simm.s32 $0x80;
	s15 =	simm.s32 $0x0;
	[dreg:$0x12] =	wrdreg s25  }
0x18: {  	s3 =	sadd.s32 s6, s19;
	s19 =	smov.u32 s13;
	[dreg:$0x13] =	wrdreg s26  }
0x19: {  	[dreg:$0x14] =	wrdreg s29;
	s12 =	simm.s32 $0x5200;
	s13 =	simm.s32 $0xA200  }
0x1a: {  	s17 =	simm.s32 $0x180;
	[dreg:$0xb] =	wrdreg s3;
	s3 =	sshrl.u32 s20, $0x3  }
0x1b: {  	s25 =	simm.s32 $0x4;
	s26 =	simm.s32 $0x5;
	s23 =	sadd.s32 s5, s3  }
0x1c: {  	s20 =	simm.s32 $0x2;
	s3 =	sadd.s32 s6, s3;
	[dreg:$0x10] =	wrdreg s23  }
0x1d: {  	[dreg:$0x11] =	wrdreg s3;
	s3 =	simm.s32 $0x200;
	s23 =	simm.s32 $0xCA00  }
.LBB2_1:
0x1e: {  	[dreg:$0x16] =	wrdreg s11  }
0x1f: {  	s8 =	rddreg [dreg:$0x5]  }
0x20: {  	[tilespmem:s4], [sflag:$0x1] =	stream.linear.gather [hbm4b:s8+s4], $0x50, $0x38;
	[tilespmem:$0x14200] =	vst v63  }
0x21: {  	s24 =	rddreg [dreg:$0x6]  }
0x22: {  	[tilespmem:s30], [sflag:$0x1] =	stream.linear.gather [hbm4b:s24+s4], $0x50, $0x38;
	[tilespmem:$0x14200] =	vst v63  }
0x23: {  	_ =	swait.ge [sflag:s31], $0x50  }
0x24: {  	[sflag:s31] =	ssyncset.done $0x0  }
0x25: {  	[sflag:s31] =	ssyncadd.s32 $0xFFFFFFB0  }
0x26: {  	_ =	swait.ge [sflag:s31], $0x50  }
0x27: {  	[sflag:s31] =	ssyncset.done $0x0  }
0x28: {  	[sflag:s31] =	ssyncadd.s32 $0xFFFFFFB0  }
0x29: {  	[tilespmem:s3], [sflag:$0x3] =	stream.indirect.gather [hbm4b:s1+s0], $0x80, s4, s0, $0xb8;
	[tilespmem:$0x14200] =	vst v63  }
0x2a: {  	_ = 	snop  }
0x2b: {  	[tilespmem:s12], [sflag:$0x3] =	stream.indirect.gather [hbm4b:s1+s0], $0x80, s30, s0, $0xb8;
	[tilespmem:$0x14200] =	vst v63  }
0x2c: {  	_ = 	snop  }
0x2d: {  	[tilespmem:s13], [sflag:$0x3] =	stream.indirect.gather [hbm4b:s2+s0], $0x80, s4, s0, $0xb8;
	[tilespmem:$0x14200] =	vst v63  }
0x2e: {  	s29 =	simm.s32 $0xF200  }
0x2f: {  	[tilespmem:s29], [sflag:$0x3] =	stream.indirect.gather [hbm4b:s2+s0], $0x80, s30, s0, $0xb8;
	[tilespmem:$0x14200] =	vst v63  }
0x30: {  	s11 =	rddreg [dreg:$0x7]  }
0x31: {  	[tilespmem:s16], [sflag:$0x2] =	stream.linear.gather [hbm4b:s11+s4], $0x50, $0x38;
	[tilespmem:$0x14200] =	vst v63  }
0x32: {  	s14 =	rddreg [dreg:$0x9]  }
0x33: {  	[tilespmem:s17], [sflag:$0x2] =	stream.linear.gather [hbm4b:s14+s4], $0x50, $0x38;
	[tilespmem:$0x14200] =	vst v63  }
0x34: {  	_ =	swait.ge [sflag:s18], $0x2800  }
0x35: {  	[sflag:s18] =	ssyncset.done $0x0  }
0x36: {  	[sflag:s18] =	ssyncadd.s32 $0xFFFFD800  }
0x37: {  	_ =	swait.ge [sflag:s18], $0x2800  }
0x38: {  	[sflag:s18] =	ssyncset.done $0x0  }
0x39: {  	[sflag:s18] =	ssyncadd.s32 $0xFFFFD800  }
0x3a: {  	_ =	swait.ge [sflag:s18], $0x2800  }
0x3b: {  	[sflag:s18] =	ssyncset.done $0x0  }
0x3c: {  	[sflag:s18] =	ssyncadd.s32 $0xFFFFD800  }
0x3d: {  	_ =	swait.ge [sflag:s18], $0x2800  }
0x3e: {  	[sflag:s18] =	ssyncset.done $0x0  }
0x3f: {  	s24 =	rddreg [dreg:$0xa];
	[sflag:s18] =	ssyncadd.s32 $0xFFFFD800  }
0x40: {  	[tilespmem:s4], [sflag:$0x1] =	stream.linear.gather [hbm4b:s24+s4], $0x50, $0x38;
	[tilespmem:$0x14200] =	vst v63  }
0x41: {  	s8 =	simm.s32 $0x0;
	s29 =	rddreg [dreg:$0xb]  }
0x42: {  	[tilespmem:s30], [sflag:$0x1] =	stream.linear.gather [hbm4b:s29+s4], $0x50, $0x38;
	[tilespmem:$0x14200] =	vst v63  }
0x43: {  	s14 =	simm.s32 $0x200;
	v0 =	vld [tilespmem:s8+$0xF200]  }
.LBB2_2:
0x44: {  	p0 =	sne.s32 s14, $0x9E00;
	v1 =	vld [tilespmem:s8+$0xA200];
	_ =	sdelay $0x2  }
.Ltmp0:
0x45: {  	(pc) =	sbr.rel @p0 .LBB2_2-.Ltmp0, $4  }
0x46: {  	_ = 	snop  }
0x47: {  	v1 =	vsub.f32 v1, v0  }
0x48: {  	s24 =	sshra.s32 s14, $0x2  }
0x49: {  	s14 =	sadd.s32 $0x200, s14;
	v0 =	vld [tilespmem:s24+$0xF200];
	[tilespmem:s8+$0xA200] =	vst v1;
	s8 =	smov.u32 s24  }
0x4a: {  	v1 =	vld [tilespmem:s8+$0xA200];
	_ =	sdelay $0x4  }
0x4b: {  	v0 =	vsub.f32 v1, v0;
	_ =	sdelay $0x1  }
0x4c: {  	s11 =	rddreg [dreg:$0xd];
	[tilespmem:s8+$0xA200] =	vst v0;
	s8 =	simm.s32 $0x0  }
0x4d: {  	[hbm4b:s11+s8] =	stream.linear.scatter [tilespmem:s3], [sflag:$0x5], $0x2800, $0x38;
	[tilespmem:$0x14200] =	vst v63  }
0x4e: {  	s24 =	rddreg [dreg:$0xe]  }
0x4f: {  	[hbm4b:s24+s8] =	stream.linear.scatter [tilespmem:s12], [sflag:$0x5], $0x2800, $0x38;
	[tilespmem:$0x14200] =	vst v63  }
0x50: {  	s29 =	rddreg [dreg:$0xf]  }
0x51: {  	[hbm4b:s29+s8] =	stream.linear.scatter [tilespmem:s13], [sflag:$0x5], $0x2800, $0x38;
	[tilespmem:$0x14200] =	vst v63  }
0x52: {  	_ =	swait.ge [sflag:s20], $0x50  }
0x53: {  	[sflag:s20] =	ssyncset.done $0x0  }
0x54: {  	[sflag:s20] =	ssyncadd.s32 $0xFFFFFFB0  }
0x55: {  	_ =	swait.ge [sflag:s20], $0x50  }
0x56: {  	[sflag:s20] =	ssyncset.done $0x0  }
0x57: {  	[sflag:s20] =	ssyncadd.s32 $0xFFFFFFB0  }
0x58: {  	[tilespmem:s21], [sflag:$0x4] =	stream.indirect.gather [hbm4b:s1+s0], $0x80, s16, s0, $0xb8;
	[tilespmem:$0x14200] =	vst v63  }
0x59: {  	_ = 	snop  }
0x5a: {  	[tilespmem:s22], [sflag:$0x4] =	stream.indirect.gather [hbm4b:s1+s0], $0x80, s17, s0, $0xb8;
	[tilespmem:$0x14200] =	vst v63  }
0x5b: {  	_ = 	snop  }
0x5c: {  	[tilespmem:s23], [sflag:$0x4] =	stream.indirect.gather [hbm4b:s2+s0], $0x80, s16, s0, $0xb8;
	[tilespmem:$0x14200] =	vst v63  }
0x5d: {  	s14 =	simm.s32 $0x11A00  }
0x5e: {  	[tilespmem:s14], [sflag:$0x4] =	stream.indirect.gather [hbm4b:s2+s0], $0x80, s17, s0, $0xb8;
	[tilespmem:$0x14200] =	vst v63  }
0x5f: {  	_ =	swait.ge [sflag:s25], $0x2800  }
0x60: {  	[sflag:s25] =	ssyncset.done $0x0  }
0x61: {  	[sflag:s25] =	ssyncadd.s32 $0xFFFFD800  }
0x62: {  	_ =	swait.ge [sflag:s25], $0x2800  }
0x63: {  	[sflag:s25] =	ssyncset.done $0x0  }
0x64: {  	[sflag:s25] =	ssyncadd.s32 $0xFFFFD800  }
0x65: {  	_ =	swait.ge [sflag:s25], $0x2800  }
0x66: {  	[sflag:s25] =	ssyncset.done $0x0  }
0x67: {  	[sflag:s25] =	ssyncadd.s32 $0xFFFFD800  }
0x68: {  	_ =	swait.ge [sflag:s25], $0x2800  }
0x69: {  	[sflag:s25] =	ssyncset.done $0x0  }
0x6a: {  	s24 =	rddreg [dreg:$0x10];
	[sflag:s25] =	ssyncadd.s32 $0xFFFFD800  }
0x6b: {  	[tilespmem:s16], [sflag:$0x2] =	stream.linear.gather [hbm4b:s24+s8], $0x50, $0x38;
	[tilespmem:$0x14200] =	vst v63  }
0x6c: {  	s29 =	rddreg [dreg:$0x11]  }
0x6d: {  	[tilespmem:s17], [sflag:$0x2] =	stream.linear.gather [hbm4b:s29+s8], $0x50, $0x38;
	[tilespmem:$0x14200] =	vst v63  }
0x6e: {  	s8 =	simm.s32 $0x0  }
0x6f: {  	s14 =	simm.s32 $0x200;
	v0 =	vld [tilespmem:s8+$0x11A00]  }
.LBB2_4:
0x70: {  	p0 =	sne.s32 s14, $0x9E00;
	v1 =	vld [tilespmem:s8+$0xCA00];
	_ =	sdelay $0x2  }
.Ltmp1:
0x71: {  	(pc) =	sbr.rel @p0 .LBB2_4-.Ltmp1, $4  }
0x72: {  	_ = 	snop  }
0x73: {  	v1 =	vsub.f32 v1, v0  }
0x74: {  	s24 =	sshra.s32 s14, $0x2  }
0x75: {  	s14 =	sadd.s32 $0x200, s14;
	v0 =	vld [tilespmem:s24+$0x11A00];
	[tilespmem:s8+$0xCA00] =	vst v1;
	s8 =	smov.u32 s24  }
0x76: {  	v1 =	vld [tilespmem:s8+$0xCA00];
	_ =	sdelay $0x4  }
0x77: {  	v0 =	vsub.f32 v1, v0;
	_ =	sdelay $0x1  }
0x78: {  	s11 =	rddreg [dreg:$0x12];
	[tilespmem:s8+$0xCA00] =	vst v0  }
0x79: {  	[hbm4b:s11+s4] =	stream.linear.scatter [tilespmem:s21], [sflag:$0x6], $0x2800, $0x38;
	[tilespmem:$0x14200] =	vst v63  }
0x7a: {  	s14 =	rddreg [dreg:$0x13]  }
0x7b: {  	[hbm4b:s14+s4] =	stream.linear.scatter [tilespmem:s22], [sflag:$0x6], $0x2800, $0x38;
	[tilespmem:$0x14200] =	vst v63  }
0x7c: {  	s24 =	rddreg [dreg:$0x14];
	s29 =	simm.s32 $0x1  }
0x7d: {  	[hbm4b:s24+s4] =	stream.linear.scatter [tilespmem:s23], [sflag:$0x6], $0x2800, $0x38;
	[tilespmem:$0x14200] =	vst v63  }
.LBB2_6:
0x7e: {  	_ =	swait.ge [sflag:s31], $0x50  }
0x7f: {  	[sflag:s31] =	ssyncset.done $0x0  }
0x80: {  	[sflag:s31] =	ssyncadd.s32 $0xFFFFFFB0  }
0x81: {  	_ =	swait.ge [sflag:s31], $0x50  }
0x82: {  	[sflag:s31] =	ssyncset.done $0x0  }
0x83: {  	[sflag:s31] =	ssyncadd.s32 $0xFFFFFFB0  }
0x84: {  	_ =	swait.ge [sflag:s26], $0x2800  }
0x85: {  	[sflag:s26] =	ssyncset.done $0x0  }
0x86: {  	[sflag:s26] =	ssyncadd.s32 $0xFFFFD800  }
0x87: {  	_ =	swait.ge [sflag:s26], $0x2800  }
0x88: {  	[sflag:s26] =	ssyncset.done $0x0  }
0x89: {  	[sflag:s26] =	ssyncadd.s32 $0xFFFFD800  }
0x8a: {  	_ =	swait.ge [sflag:s26], $0x2800  }
0x8b: {  	[sflag:s26] =	ssyncset.done $0x0  }
0x8c: {  	s8 =	simm.s32 $0x0;
	[sflag:s26] =	ssyncadd.s32 $0xFFFFD800  }
0x8d: {  	[tilespmem:s3], [sflag:$0x3] =	stream.indirect.gather [hbm4b:s1+s0], $0x80, s8, s0, $0xb8;
	[tilespmem:$0x14200] =	vst v63  }
0x8e: {  	_ = 	snop  }
0x8f: {  	[tilespmem:s12], [sflag:$0x3] =	stream.indirect.gather [hbm4b:s1+s0], $0x80, s30, s0, $0xb8;
	[tilespmem:$0x14200] =	vst v63  }
0x90: {  	_ = 	snop  }
0x91: {  	[tilespmem:s13], [sflag:$0x3] =	stream.indirect.gather [hbm4b:s2+s0], $0x80, s8, s0, $0xb8;
	[tilespmem:$0x14200] =	vst v63  }
0x92: {  	s11 =	simm.s32 $0xF200  }
0x93: {  	[tilespmem:s11], [sflag:$0x3] =	stream.indirect.gather [hbm4b:s2+s0], $0x80, s30, s0, $0xb8;
	[tilespmem:$0x14200] =	vst v63  }
0x94: {  	_ =	swait.ge [sflag:s18], $0x2800  }
0x95: {  	[sflag:s18] =	ssyncset.done $0x0  }
0x96: {  	[sflag:s18] =	ssyncadd.s32 $0xFFFFD800  }
0x97: {  	_ =	swait.ge [sflag:s18], $0x2800  }
0x98: {  	[sflag:s18] =	ssyncset.done $0x0  }
0x99: {  	[sflag:s18] =	ssyncadd.s32 $0xFFFFD800  }
0x9a: {  	_ =	swait.ge [sflag:s18], $0x2800  }
0x9b: {  	s14 =	sshll.u32 s29, $0x1;
	[sflag:s18] =	ssyncset.done $0x0  }
0x9c: {  	s24 =	smin.u32 s14, $0x39;
	[sflag:s18] =	ssyncadd.s32 $0xFFFFD800  }
0x9d: {  	s24 =	smul.u32 $0x50, s24;
	_ =	swait.ge [sflag:s18], $0x2800  }
0x9e: {  	s11 =	rddreg [dreg:$0x8]  }
0x9f: {  	s24 =	sadd.s32 s24, s11  }
0xa0: {  	[sflag:s18] =	ssyncset.done $0x0;
	s24 =	sshrl.u32 s24, $0x3  }
0xa1: {  	[sflag:s18] =	ssyncadd.s32 $0xFFFFD800;
	s11 =	sadd.s32 s5, s24  }
0xa2: {  	[tilespmem:s8], [sflag:$0x1] =	stream.linear.gather [hbm4b:s11+s8], $0x50, $0x38;
	[tilespmem:$0x14200] =	vst v63  }
0xa3: {  	s24 =	sadd.s32 s6, s24  }
0xa4: {  	[tilespmem:s30], [sflag:$0x1] =	stream.linear.gather [hbm4b:s24+s8], $0x50, $0x38;
	[tilespmem:$0x14200] =	vst v63  }
0xa5: {  	s8 =	simm.s32 $0x0  }
0xa6: {  	s24 =	simm.s32 $0x200;
	v0 =	vld [tilespmem:s8+$0xF200]  }
.LBB2_7:
0xa7: {  	p0 =	sne.s32 s24, $0x9E00;
	v1 =	vld [tilespmem:s8+$0xA200];
	_ =	sdelay $0x2  }
.Ltmp2:
0xa8: {  	(pc) =	sbr.rel @p0 .LBB2_7-.Ltmp2, $4  }
0xa9: {  	_ = 	snop  }
0xaa: {  	v1 =	vsub.f32 v1, v0  }
0xab: {  	s11 =	sshra.s32 s24, $0x2  }
0xac: {  	s24 =	sadd.s32 $0x200, s24;
	v0 =	vld [tilespmem:s11+$0xF200];
	[tilespmem:s8+$0xA200] =	vst v1;
	s8 =	smov.u32 s11  }
0xad: {  	v1 =	vld [tilespmem:s8+$0xA200];
	_ =	sdelay $0x2  }
0xae: {  	s24 =	smul.u32 $0xA0, s29  }
0xaf: {  	s11 =	rddreg [dreg:$0x4]  }
0xb0: {  	s11 =	sadd.s32 s11, s24;
	v0 =	vsub.f32 v1, v0  }
0xb1: {  	s11 =	sshll.u32 s11, $0x4  }
0xb2: {  	[tilespmem:s8+$0xA200] =	vst v0;
	s8 =	sadd.s32 s7, s11  }
0xb3: {  	[hbm4b:s8+s15] =	stream.linear.scatter [tilespmem:s3], [sflag:$0x5], $0x2800, $0x38;
	[tilespmem:$0x14200] =	vst v63  }
0xb4: {  	s8 =	sadd.s32 s9, s11  }
0xb5: {  	[hbm4b:s8+s15] =	stream.linear.scatter [tilespmem:s12], [sflag:$0x5], $0x2800, $0x38;
	[tilespmem:$0x14200] =	vst v63  }
0xb6: {  	s11 =	sadd.s32 s10, s11  }
0xb7: {  	[hbm4b:s11+s15] =	stream.linear.scatter [tilespmem:s13], [sflag:$0x5], $0x2800, $0x38;
	[tilespmem:$0x14200] =	vst v63  }
0xb8: {  	_ =	swait.ge [sflag:s20], $0x50  }
0xb9: {  	[sflag:s20] =	ssyncset.done $0x0  }
0xba: {  	[sflag:s20] =	ssyncadd.s32 $0xFFFFFFB0  }
0xbb: {  	_ =	swait.ge [sflag:s20], $0x50  }
0xbc: {  	[sflag:s20] =	ssyncset.done $0x0  }
0xbd: {  	[sflag:s20] =	ssyncadd.s32 $0xFFFFFFB0  }
0xbe: {  	_ =	swait.ge [sflag:s28], $0x2800  }
0xbf: {  	[sflag:s28] =	ssyncset.done $0x0  }
0xc0: {  	[sflag:s28] =	ssyncadd.s32 $0xFFFFD800  }
0xc1: {  	_ =	swait.ge [sflag:s28], $0x2800  }
0xc2: {  	[sflag:s28] =	ssyncset.done $0x0  }
0xc3: {  	[sflag:s28] =	ssyncadd.s32 $0xFFFFD800  }
0xc4: {  	_ =	swait.ge [sflag:s28], $0x2800  }
0xc5: {  	[sflag:s28] =	ssyncset.done $0x0  }
0xc6: {  	[sflag:s28] =	ssyncadd.s32 $0xFFFFD800  }
0xc7: {  	[tilespmem:s21], [sflag:$0x4] =	stream.indirect.gather [hbm4b:s1+s0], $0x80, s16, s0, $0xb8;
	[tilespmem:$0x14200] =	vst v63  }
0xc8: {  	_ = 	snop  }
0xc9: {  	[tilespmem:s22], [sflag:$0x4] =	stream.indirect.gather [hbm4b:s1+s0], $0x80, s17, s0, $0xb8;
	[tilespmem:$0x14200] =	vst v63  }
0xca: {  	_ = 	snop  }
0xcb: {  	[tilespmem:s23], [sflag:$0x4] =	stream.indirect.gather [hbm4b:s2+s0], $0x80, s16, s0, $0xb8;
	[tilespmem:$0x14200] =	vst v63  }
0xcc: {  	s11 =	simm.s32 $0x11A00  }
0xcd: {  	[tilespmem:s11], [sflag:$0x4] =	stream.indirect.gather [hbm4b:s2+s0], $0x80, s17, s0, $0xb8;
	[tilespmem:$0x14200] =	vst v63  }
0xce: {  	_ =	swait.ge [sflag:s25], $0x2800  }
0xcf: {  	[sflag:s25] =	ssyncset.done $0x0  }
0xd0: {  	[sflag:s25] =	ssyncadd.s32 $0xFFFFD800  }
0xd1: {  	_ =	swait.ge [sflag:s25], $0x2800  }
0xd2: {  	[sflag:s25] =	ssyncset.done $0x0  }
0xd3: {  	[sflag:s25] =	ssyncadd.s32 $0xFFFFD800  }
0xd4: {  	_ =	swait.ge [sflag:s25], $0x2800  }
0xd5: {  	[sflag:s25] =	ssyncset.done $0x0  }
0xd6: {  	s11 =	smin.u32 s14, $0x38;
	[sflag:s25] =	ssyncadd.s32 $0xFFFFD800  }
0xd7: {  	s8 =	smul.u32 $0x50, s11;
	_ =	swait.ge [sflag:s25], $0x2800  }
0xd8: {  	s14 =	rddreg [dreg:$0xc]  }
0xd9: {  	s8 =	sadd.s32 s8, s14  }
0xda: {  	[sflag:s25] =	ssyncset.done $0x0;
	s8 =	sshrl.u32 s8, $0x3  }
0xdb: {  	[sflag:s25] =	ssyncadd.s32 $0xFFFFD800;
	s14 =	sadd.s32 s5, s8  }
0xdc: {  	[tilespmem:s16], [sflag:$0x2] =	stream.linear.gather [hbm4b:s14+s15], $0x50, $0x38;
	[tilespmem:$0x14200] =	vst v63  }
0xdd: {  	s8 =	sadd.s32 s6, s8  }
0xde: {  	[tilespmem:s17], [sflag:$0x2] =	stream.linear.gather [hbm4b:s8+s15], $0x50, $0x38;
	[tilespmem:$0x14200] =	vst v63  }
0xdf: {  	s8 =	simm.s32 $0x0  }
0xe0: {  	s14 =	simm.s32 $0x200;
	v0 =	vld [tilespmem:s8+$0x11A00]  }
.LBB2_9:
0xe1: {  	p0 =	sne.s32 s14, $0x9E00;
	v1 =	vld [tilespmem:s8+$0xCA00];
	_ =	sdelay $0x2  }
.Ltmp3:
0xe2: {  	(pc) =	sbr.rel @p0 .LBB2_9-.Ltmp3, $4  }
0xe3: {  	_ = 	snop  }
0xe4: {  	v1 =	vsub.f32 v1, v0  }
0xe5: {  	s11 =	sshra.s32 s14, $0x2  }
0xe6: {  	s14 =	sadd.s32 $0x200, s14;
	v0 =	vld [tilespmem:s11+$0x11A00];
	[tilespmem:s8+$0xCA00] =	vst v1;
	s8 =	smov.u32 s11  }
0xe7: {  	v1 =	vld [tilespmem:s8+$0xCA00];
	_ =	sdelay $0x4  }
0xe8: {  	s11 =	sadd.s32 s24, s19;
	v0 =	vsub.f32 v1, v0  }
0xe9: {  	s29 =	sadd.s32 $0x1, s29;
	s11 =	sshll.u32 s11, $0x4  }
0xea: {  	p0 =	sne.s32 s29, $0x1E;
	s24 =	sadd.s32 s7, s11;
	[tilespmem:s8+$0xCA00] =	vst v0  }
0xeb: {  	[hbm4b:s24+s4] =	stream.linear.scatter [tilespmem:s21], [sflag:$0x6], $0x2800, $0x38;
	[tilespmem:$0x14200] =	vst v63  }
.Ltmp4:
0xec: {  	_ = 	snop;
	(pc) =	sbr.rel @p0 .LBB2_6-.Ltmp4, $4  }
0xed: {  	s14 =	sadd.s32 s9, s11  }
0xee: {  	[hbm4b:s14+s4] =	stream.linear.scatter [tilespmem:s22], [sflag:$0x6], $0x2800, $0x38;
	[tilespmem:$0x14200] =	vst v63  }
0xef: {  	s24 =	sadd.s32 s10, s11  }
0xf0: {  	[hbm4b:s24+s4] =	stream.linear.scatter [tilespmem:s23], [sflag:$0x6], $0x2800, $0x38;
	[tilespmem:$0x14200] =	vst v63  }
0xf1: {  	_ =	swait.ge [sflag:s31], $0x50  }
0xf2: {  	[sflag:s31] =	ssyncset.done $0x0  }
0xf3: {  	[sflag:s31] =	ssyncadd.s32 $0xFFFFFFB0  }
0xf4: {  	_ =	swait.ge [sflag:s31], $0x50  }
0xf5: {  	[sflag:s31] =	ssyncset.done $0x0  }
0xf6: {  	[sflag:s31] =	ssyncadd.s32 $0xFFFFFFB0  }
0xf7: {  	_ =	swait.ge [sflag:s20], $0x50  }
0xf8: {  	[sflag:s20] =	ssyncset.done $0x0  }
0xf9: {  	[sflag:s20] =	ssyncadd.s32 $0xFFFFFFB0  }
0xfa: {  	_ =	swait.ge [sflag:s20], $0x50  }
0xfb: {  	[sflag:s20] =	ssyncset.done $0x0  }
0xfc: {  	[sflag:s20] =	ssyncadd.s32 $0xFFFFFFB0  }
0xfd: {  	_ =	swait.ge [sflag:s26], $0x2800  }
0xfe: {  	[sflag:s26] =	ssyncset.done $0x0  }
0xff: {  	[sflag:s26] =	ssyncadd.s32 $0xFFFFD800  }
0x100: {  	_ =	swait.ge [sflag:s26], $0x2800  }
0x101: {  	[sflag:s26] =	ssyncset.done $0x0  }
0x102: {  	[sflag:s26] =	ssyncadd.s32 $0xFFFFD800  }
0x103: {  	_ =	swait.ge [sflag:s26], $0x2800  }
0x104: {  	[sflag:s26] =	ssyncset.done $0x0  }
0x105: {  	[sflag:s26] =	ssyncadd.s32 $0xFFFFD800  }
0x106: {  	_ =	swait.ge [sflag:s28], $0x2800  }
0x107: {  	[sflag:s28] =	ssyncset.done $0x0  }
0x108: {  	[sflag:s28] =	ssyncadd.s32 $0xFFFFD800  }
0x109: {  	_ =	swait.ge [sflag:s28], $0x2800  }
0x10a: {  	[sflag:s28] =	ssyncset.done $0x0  }
0x10b: {  	[sflag:s28] =	ssyncadd.s32 $0xFFFFD800  }
0x10c: {  	_ =	swait.ge [sflag:s28], $0x2800  }
0x10d: {  	s11 =	rddreg [dreg:$0x16]  }
0x10e: {  	s8 =	rddreg [dreg:$0x15];
	s11 =	sadd.s32 $0x1, s11  }
0x10f: {  	p0 =	sne.s32 s11, s8  }
.Ltmp5:
0x110: {  	_ = 	snop;
	(pc) =	sbr.rel @p0 .LBB2_1-.Ltmp5, $3  }
0x111: {  	_ =	sdelay $0x1  }
0x112: {  	[sflag:s28] =	ssyncset.done $0x0  }
0x113: {  	[sflag:s28] =	ssyncadd.s32 $0xFFFFD800  }
0x114: {  	_ =	sfence.sel $0x180000  }
0x115: {  	[bflag:$0x0] =	sbarrier.arrive $0xFFFF  }
0x116: {  	_ =	strace $0x9000004A  }
0x117: {  	s0 =	stileid.u32;
	[bflag:$0x2] =	sbarrier.arrive $0xFFFF  }
0x118: {  	p0 =	sne.s32 s0, $0x0;
	s0 =	rddreg [dreg:$0x3]  }
0x119: {  	s0 =	sadd.s32 @!p0 $0x100000, s0  }
0x11a: {  	[sflag:s0] =	ssyncadd.tile.s32 @!p0 $0x1;
	_ =	shalt  }
.Lfunc_end2:
_tile_overlayer_lowered:
.L_overlay_start_2:
0x11b: {  	(tag) =	ssettag $0x2  }
0x11c: {  	s0 =	rddreg [dreg:$0x0];
	s2 =	stileid.u32  }
0x11d: {  	s1 =	rddreg [dreg:$0x1];
	p0 =	sne.s32 s2, $0x0  }
0x11e: {  	s3 =	rddreg [dreg:$0x2];
	[bflag:$0x3] =	sbarrier.arrive $0xFFFF;
	s2 =	simm.s32 @!p0 $0x1C07  }
0x11f: {  	[timem:s3], [sflag:s2] =	dma.local @!p0 [hbm:s0], s1  }
0x120: {  	s0 =	simm.s32 @!p0 $0x7  }
0x121: {  	_ =	swait.ge @!p0 [sflag:s0], s1  }
0x122: {  	s1 =	ssub.s32 @!p0 $0x0, s1;
	[sflag:s0] =	ssyncset.done @!p0 $0x0  }
0x123: {  	[sflag:s0] =	ssyncadd.s32 @!p0 s1  }
0x124: {  	[bflag:$0x3] =	sbarrier.arrive $0xFFFF  }
0x125: {  	_ =	shalt  }

</sc_bundles>
